<compile_context>
chip_gen: v7x
topology: tpu7x:2x2x1
jax: 0.10.2.dev20260603
libtpu: 0.0.44.dev20260713+nightly
codegen_flags: <defaults>
</compile_context>

<pallas_src>
import functools

import numpy as np
import jax
import jax.numpy as jnp
from jax import lax
from jax.experimental import pallas as pl
from jax.experimental.pallas import tpu as pltpu
from jax.experimental.pallas import tpu_sc as plsc

_MAX_LEN = 200
_HIDDEN = 64
_LANES = 16
_NBUF = 4


def _pos_encoding_np():
    pos = np.arange(_MAX_LEN, dtype=np.float32).reshape(-1, 1)
    div = np.power(
        10000.0, np.arange(0, _HIDDEN, 2, dtype=np.float32) / _HIDDEN
    )
    ang = pos / div
    P = np.zeros((_MAX_LEN, _HIDDEN), dtype=np.float32)
    P[:, 0::2] = np.sin(ang)
    P[:, 1::2] = np.cos(ang)
    return P


@jax.jit
def _encoder_sc(idx, table, pe):
    NW, bpw, two, half = idx.shape
    L = two * half
    B = NW * bpw
    V, H = table.shape
    mesh = plsc.VectorSubcoreMesh(core_axis_name="c", subcore_axis_name="s")

    @functools.partial(
        pl.kernel,
        mesh=mesh,
        compiler_params=pltpu.CompilerParams(use_tc_tiling_on_sc=False),
        out_type=jax.ShapeDtypeStruct((B, L, H), jnp.float32),
        scratch_types=[
            pltpu.VMEM((bpw, two, half), jnp.int32),
            pltpu.VMEM((_MAX_LEN, _HIDDEN), jnp.float32),
        ]
        + [pltpu.VMEM((L, H), jnp.float32) for _ in range(_NBUF)]
        + [pltpu.SemaphoreType.DMA for _ in range(2 * _NBUF)],
    )
    def k(idx_hbm, table_hbm, pe_hbm, out_hbm, idx_v, pe_v, r0, r1, r2, r3,
          g0, g1, g2, g3, w0, w1, w2, w3):
        rows = [r0, r1, r2, r3]
        sem_g = [g0, g1, g2, g3]
        sem_w = [w0, w1, w2, w3]
        wid = lax.axis_index("s") * 2 + lax.axis_index("c")
        pltpu.sync_copy(pe_hbm, pe_v)
        pltpu.sync_copy(idx_hbm.at[wid], idx_v)

        def issue_gather(i, b):
            pltpu.async_copy(
                table_hbm.at[idx_v.at[i, 0]],
                rows[b].at[pl.ds(0, half)], sem_g[b]
            )
            pltpu.async_copy(
                table_hbm.at[idx_v.at[i, 1]],
                rows[b].at[pl.ds(half, half)], sem_g[b]
            )

        def drain(sem, b):
            pltpu.make_async_copy(
                table_hbm.at[pl.ds(0, L)], rows[b], sem
            ).wait()

        def add_pe(b):
            @pl.loop(0, L, step=4)
            def _(r):
                for rr in range(4):
                    for h in range(0, H, _LANES):
                        rows[b][r + rr, pl.ds(h, _LANES)] += (
                            pe_v[r + rr, pl.ds(h, _LANES)]
                        )

        def issue_write(i, b):
            pltpu.async_copy(rows[b], out_hbm.at[wid * bpw + i], sem_w[b])

        def step(i, b, do_issue, do_drain_w):
            b2 = (b + 2) % _NBUF
            if do_drain_w:
                drain(sem_w[b2], b2)
            if do_issue:
                issue_gather(i + 2, b2)
            drain(sem_g[b], b)
            add_pe(b)
            issue_write(i, b)

        issue_gather(0, 0)
        issue_gather(1, 1)
        step(0, 0, True, False)
        step(1, 1, True, False)
        step(2, 2, True, True)
        step(3, 3, True, True)

        @pl.loop(1, bpw // _NBUF - 1)
        def _(g):
            i = g * _NBUF
            for b in range(_NBUF):
                step(i + b, b, True, True)

        i_last = bpw - _NBUF
        step(i_last + 0, 0, True, True)
        step(i_last + 1, 1, True, True)
        step(i_last + 2, 2, False, False)
        step(i_last + 3, 3, False, False)
        for b in range(_NBUF):
            drain(sem_w[b], b)

    return k(idx, table, pe)


def kernel(x, table):
    B, L = x.shape
    idx = x.astype(jnp.int32).reshape(32, B // 32, 2, L // 2)
    pe = jnp.asarray(_pos_encoding_np())
    return _encoder_sc(idx, table, pe)

# --- scband reference (transcript-rebuilt; emitter-appended) ---
"""Pipeline reference for scband-encoder-51445118271907 (READ-ONLY COPY).

The authoritative reference and input builder live on the scoring server;
editing this copy changes nothing except your own understanding.
"""

import jax, jax.numpy as jnp
import numpy as np

MAX_LEN = 200
HIDDEN = 64
VOCAB = 200 * 5000

def _positional_encoding(max_length, hidden_dimension):
    pos = jnp.arange(max_length, dtype=jnp.float32).reshape(-1, 1)
    div = jnp.power(10000.0, jnp.arange(0, hidden_dimension, 2, dtype=jnp.float32) / hidden_dimension)
    ang = pos / div  # (max_length, hidden_dimension//2)
    P = jnp.zeros((1, max_length, hidden_dimension), dtype=jnp.float32)
    P = P.at[:, :, 0::2].set(jnp.sin(ang))
    P = P.at[:, :, 1::2].set(jnp.cos(ang))
    return P

def setup_inputs(seed: int = 0) -> dict:
    key = jax.random.key(seed)
    k1, k2 = jax.random.split(key)
    x = jax.random.randint(k1, (4096, 200), 0, VOCAB, dtype=jnp.int64)
    # torch.nn.Embedding default init: N(0, 1)
    table = jax.random.normal(k2, (VOCAB, HIDDEN), dtype=jnp.float32)
    return {"x": x, "table": table}

def reference(x, table):
    # embedding lookup (gather)
    e = jnp.take(table, x, axis=0)  # (B, L, H)
    # positional encoding add; dropout is identity in eval/inference
    P = _positional_encoding(MAX_LEN, HIDDEN)
    o = e + P[:, : e.shape[1], :]
    return o

if __name__ == "__main__":
    import jax
    _d = setup_inputs()
    print(jax.jit(kernel)(*tuple(_d.values())))

</pallas_src>

<mosaic_0001>
#map = affine_map<(d0, d1) -> (0, 0, 0, 0)>
#map1 = affine_map<(d0, d1) -> (0, 0)>
#map2 = affine_map<(d0, d1) -> (0, 0, 0)>
module attributes {stable_mosaic.version = 14 : i64} {
  func.func @k(%arg0: i32, %arg1: i32, %arg2: memref<32x128x2x100xi32, #tpu.memory_space<hbm>>, %arg3: memref<1000000x64xf32, #tpu.memory_space<hbm>>, %arg4: memref<200x64xf32, #tpu.memory_space<hbm>>, %arg5: memref<4096x200x64xf32, #tpu.memory_space<hbm>>, %arg6: memref<128x2x100xi32, #tpu.memory_space<vmem>>, %arg7: memref<200x64xf32, #tpu.memory_space<vmem>>, %arg8: memref<200x64xf32, #tpu.memory_space<vmem>>, %arg9: memref<200x64xf32, #tpu.memory_space<vmem>>, %arg10: memref<200x64xf32, #tpu.memory_space<vmem>>, %arg11: memref<200x64xf32, #tpu.memory_space<vmem>>, %arg12: memref<!tpu.dma_semaphore, #tpu.memory_space<semaphore_mem>>, %arg13: memref<!tpu.dma_semaphore, #tpu.memory_space<semaphore_mem>>, %arg14: memref<!tpu.dma_semaphore, #tpu.memory_space<semaphore_mem>>, %arg15: memref<!tpu.dma_semaphore, #tpu.memory_space<semaphore_mem>>, %arg16: memref<!tpu.dma_semaphore, #tpu.memory_space<semaphore_mem>>, %arg17: memref<!tpu.dma_semaphore, #tpu.memory_space<semaphore_mem>>, %arg18: memref<!tpu.dma_semaphore, #tpu.memory_space<semaphore_mem>>, %arg19: memref<!tpu.dma_semaphore, #tpu.memory_space<semaphore_mem>>) attributes {dimension_semantics = [#tpu.dimension_semantics<core_parallel>, #tpu.dimension_semantics<subcore_parallel>], iteration_bounds = array<i64: 2, 16>, scalar_prefetch = 0 : i64, scratch_operands = 14 : i64, tpu.core_type = #tpu.core_type<sc_vector_subcore>, window_params = [{transform_indices = #map}, {transform_indices = #map1}, {transform_indices = #map1}, {transform_indices = #map2}]} {
    %mul3A = arith.constant 2 : i32
    %mul3A_0 = arith.muli %arg1, %mul3A : i32
    %add3A = arith.addi %mul3A_0, %arg0 : i32
    "tpu.region"() ({
      %run_scoped3A = tpu.sem_alloc : memref<!tpu.dma_semaphore, #tpu.memory_space<semaphore_mem>>
      tpu.enqueue_dma source(%arg4 : memref<200x64xf32, #tpu.memory_space<hbm>>) target(%arg7 : memref<200x64xf32, #tpu.memory_space<vmem>>) target_semaphore(%run_scoped3A : memref<!tpu.dma_semaphore, #tpu.memory_space<semaphore_mem>>)
      tpu.wait_dma2 semaphore(%run_scoped3A : memref<!tpu.dma_semaphore, #tpu.memory_space<semaphore_mem>>) src(%arg4 : memref<200x64xf32, #tpu.memory_space<hbm>>) dst(%arg7 : memref<200x64xf32, #tpu.memory_space<vmem>>)
      tpu.yield
    }) : () -> ()
    "tpu.region"() ({
      %run_scoped3A = tpu.sem_alloc : memref<!tpu.dma_semaphore, #tpu.memory_space<semaphore_mem>>
      %dma_start3A_411 = arith.constant 0 : i32
      %dma_start3A_412 = arith.constant 0 : i32
      %dma_start3A_413 = arith.constant 0 : i32
      %dma_start3A_414 = tpu.memref_slice %arg2[%add3A, %dma_start3A_411, %dma_start3A_412, %dma_start3A_413] : memref<32x128x2x100xi32, #tpu.memory_space<hbm>> -> memref<1x128x2x100xi32, #tpu.memory_space<hbm>>
      %dma_start3A_415 = tpu.memref_squeeze %dma_start3A_414 : memref<1x128x2x100xi32, #tpu.memory_space<hbm>> -> memref<128x2x100xi32, #tpu.memory_space<hbm>>
      %dma_start3A_416 = arith.constant 0 : i32
      %dma_start3A_417 = arith.constant 0 : i32
      %dma_start3A_418 = arith.constant 0 : i32
      %dma_start3A_419 = tpu.memref_slice %arg2[%add3A, %dma_start3A_416, %dma_start3A_417, %dma_start3A_418] : memref<32x128x2x100xi32, #tpu.memory_space<hbm>> -> memref<1x128x2x100xi32, #tpu.memory_space<hbm>>
      %dma_start3A_420 = tpu.memref_squeeze %dma_start3A_419 : memref<1x128x2x100xi32, #tpu.memory_space<hbm>> -> memref<128x2x100xi32, #tpu.memory_space<hbm>>
      tpu.enqueue_dma source(%dma_start3A_420 : memref<128x2x100xi32, #tpu.memory_space<hbm>>) target(%arg6 : memref<128x2x100xi32, #tpu.memory_space<vmem>>) target_semaphore(%run_scoped3A : memref<!tpu.dma_semaphore, #tpu.memory_space<semaphore_mem>>)
      %dma_wait3A_421 = arith.constant 0 : i32
      %dma_wait3A_422 = arith.constant 0 : i32
      %dma_wait3A_423 = arith.constant 0 : i32
      %dma_wait3A_424 = tpu.memref_slice %arg2[%add3A, %dma_wait3A_421, %dma_wait3A_422, %dma_wait3A_423] : memref<32x128x2x100xi32, #tpu.memory_space<hbm>> -> memref<1x128x2x100xi32, #tpu.memory_space<hbm>>
      %dma_wait3A_425 = tpu.memref_squeeze %dma_wait3A_424 : memref<1x128x2x100xi32, #tpu.memory_space<hbm>> -> memref<128x2x100xi32, #tpu.memory_space<hbm>>
      %dma_wait3A_426 = arith.constant 0 : i32
      %dma_wait3A_427 = arith.constant 0 : i32
      %dma_wait3A_428 = arith.constant 0 : i32
      %dma_wait3A_429 = tpu.memref_slice %arg2[%add3A, %dma_wait3A_426, %dma_wait3A_427, %dma_wait3A_428] : memref<32x128x2x100xi32, #tpu.memory_space<hbm>> -> memref<1x128x2x100xi32, #tpu.memory_space<hbm>>
      %dma_wait3A_430 = tpu.memref_squeeze %dma_wait3A_429 : memref<1x128x2x100xi32, #tpu.memory_space<hbm>> -> memref<128x2x100xi32, #tpu.memory_space<hbm>>
      tpu.wait_dma2 semaphore(%run_scoped3A : memref<!tpu.dma_semaphore, #tpu.memory_space<semaphore_mem>>) src(%dma_wait3A_430 : memref<128x2x100xi32, #tpu.memory_space<hbm>>) dst(%arg6 : memref<128x2x100xi32, #tpu.memory_space<vmem>>)
      tpu.yield
    }) : () -> ()
    %dma_start3A = arith.constant 0 : i32
    %dma_start3A_1 = arith.constant 0 : i32
    %dma_start3A_2 = arith.constant 0 : i32
    %dma_start3A_3 = arith.constant 0 : i32
    %dma_start3A_4 = tpu.memref_slice %arg8[%dma_start3A_2, %dma_start3A_3] : memref<200x64xf32, #tpu.memory_space<vmem>> -> memref<100x64xf32, #tpu.memory_space<vmem>>
    %dma_start3A_5 = arith.constant 0 : i32
    %dma_start3A_6 = tpu.memref_slice %arg6[%dma_start3A, %dma_start3A_1, %dma_start3A_5] : memref<128x2x100xi32, #tpu.memory_space<vmem>> -> memref<1x1x100xi32, #tpu.memory_space<vmem>>
    %dma_start3A_7 = tpu.memref_squeeze %dma_start3A_6 : memref<1x1x100xi32, #tpu.memory_space<vmem>> -> memref<100xi32, #tpu.memory_space<vmem>>
    %dma_start3A_8 = arith.constant 0 : i32
    %dma_start3A_9 = arith.constant 0 : i32
    %dma_start3A_10 = tpu.memref_slice %arg3[%dma_start3A_8, %dma_start3A_9] : memref<1000000x64xf32, #tpu.memory_space<hbm>> -> memref<1000000x64xf32, #tpu.memory_space<hbm>>
    tpu.enqueue_indirect_dma source(%dma_start3A_10 : memref<1000000x64xf32, #tpu.memory_space<hbm>>) target(%dma_start3A_4 : memref<100x64xf32, #tpu.memory_space<vmem>>) offsets(%dma_start3A_7 : memref<100xi32, #tpu.memory_space<vmem>>) semaphore(%arg12 : memref<!tpu.dma_semaphore, #tpu.memory_space<semaphore_mem>>)
    %dma_start3A_11 = arith.constant 0 : i32
    %dma_start3A_12 = arith.constant 1 : i32
    %dma_start3A_13 = arith.constant 100 : i32
    %dma_start3A_14 = arith.constant 0 : i32
    %dma_start3A_15 = tpu.memref_slice %arg8[%dma_start3A_13, %dma_start3A_14] : memref<200x64xf32, #tpu.memory_space<vmem>> -> memref<100x64xf32, #tpu.memory_space<vmem>>
    %dma_start3A_16 = arith.constant 0 : i32
    %dma_start3A_17 = tpu.memref_slice %arg6[%dma_start3A_11, %dma_start3A_12, %dma_start3A_16] : memref<128x2x100xi32, #tpu.memory_space<vmem>> -> memref<1x1x100xi32, #tpu.memory_space<vmem>>
    %dma_start3A_18 = tpu.memref_squeeze %dma_start3A_17 : memref<1x1x100xi32, #tpu.memory_space<vmem>> -> memref<100xi32, #tpu.memory_space<vmem>>
    %dma_start3A_19 = arith.constant 0 : i32
    %dma_start3A_20 = arith.constant 0 : i32
    %dma_start3A_21 = tpu.memref_slice %arg3[%dma_start3A_19, %dma_start3A_20] : memref<1000000x64xf32, #tpu.memory_space<hbm>> -> memref<1000000x64xf32, #tpu.memory_space<hbm>>
    tpu.enqueue_indirect_dma source(%dma_start3A_21 : memref<1000000x64xf32, #tpu.memory_space<hbm>>) target(%dma_start3A_15 : memref<100x64xf32, #tpu.memory_space<vmem>>) offsets(%dma_start3A_18 : memref<100xi32, #tpu.memory_space<vmem>>) semaphore(%arg12 : memref<!tpu.dma_semaphore, #tpu.memory_space<semaphore_mem>>)
    %dma_start3A_22 = arith.constant 1 : i32
    %dma_start3A_23 = arith.constant 0 : i32
    %dma_start3A_24 = arith.constant 0 : i32
    %dma_start3A_25 = arith.constant 0 : i32
    %dma_start3A_26 = tpu.memref_slice %arg9[%dma_start3A_24, %dma_start3A_25] : memref<200x64xf32, #tpu.memory_space<vmem>> -> memref<100x64xf32, #tpu.memory_space<vmem>>
    %dma_start3A_27 = arith.constant 0 : i32
    %dma_start3A_28 = tpu.memref_slice %arg6[%dma_start3A_22, %dma_start3A_23, %dma_start3A_27] : memref<128x2x100xi32, #tpu.memory_space<vmem>> -> memref<1x1x100xi32, #tpu.memory_space<vmem>>
    %dma_start3A_29 = tpu.memref_squeeze %dma_start3A_28 : memref<1x1x100xi32, #tpu.memory_space<vmem>> -> memref<100xi32, #tpu.memory_space<vmem>>
    %dma_start3A_30 = arith.constant 0 : i32
    %dma_start3A_31 = arith.constant 0 : i32
    %dma_start3A_32 = tpu.memref_slice %arg3[%dma_start3A_30, %dma_start3A_31] : memref<1000000x64xf32, #tpu.memory_space<hbm>> -> memref<1000000x64xf32, #tpu.memory_space<hbm>>
    tpu.enqueue_indirect_dma source(%dma_start3A_32 : memref<1000000x64xf32, #tpu.memory_space<hbm>>) target(%dma_start3A_26 : memref<100x64xf32, #tpu.memory_space<vmem>>) offsets(%dma_start3A_29 : memref<100xi32, #tpu.memory_space<vmem>>) semaphore(%arg13 : memref<!tpu.dma_semaphore, #tpu.memory_space<semaphore_mem>>)
    %dma_start3A_33 = arith.constant 1 : i32
    %dma_start3A_34 = arith.constant 1 : i32
    %dma_start3A_35 = arith.constant 100 : i32
    %dma_start3A_36 = arith.constant 0 : i32
    %dma_start3A_37 = tpu.memref_slice %arg9[%dma_start3A_35, %dma_start3A_36] : memref<200x64xf32, #tpu.memory_space<vmem>> -> memref<100x64xf32, #tpu.memory_space<vmem>>
    %dma_start3A_38 = arith.constant 0 : i32
    %dma_start3A_39 = tpu.memref_slice %arg6[%dma_start3A_33, %dma_start3A_34, %dma_start3A_38] : memref<128x2x100xi32, #tpu.memory_space<vmem>> -> memref<1x1x100xi32, #tpu.memory_space<vmem>>
    %dma_start3A_40 = tpu.memref_squeeze %dma_start3A_39 : memref<1x1x100xi32, #tpu.memory_space<vmem>> -> memref<100xi32, #tpu.memory_space<vmem>>
    %dma_start3A_41 = arith.constant 0 : i32
    %dma_start3A_42 = arith.constant 0 : i32
    %dma_start3A_43 = tpu.memref_slice %arg3[%dma_start3A_41, %dma_start3A_42] : memref<1000000x64xf32, #tpu.memory_space<hbm>> -> memref<1000000x64xf32, #tpu.memory_space<hbm>>
    tpu.enqueue_indirect_dma source(%dma_start3A_43 : memref<1000000x64xf32, #tpu.memory_space<hbm>>) target(%dma_start3A_37 : memref<100x64xf32, #tpu.memory_space<vmem>>) offsets(%dma_start3A_40 : memref<100xi32, #tpu.memory_space<vmem>>) semaphore(%arg13 : memref<!tpu.dma_semaphore, #tpu.memory_space<semaphore_mem>>)
    %dma_start3A_44 = arith.constant 2 : i32
    %dma_start3A_45 = arith.constant 0 : i32
    %dma_start3A_46 = arith.constant 0 : i32
    %dma_start3A_47 = arith.constant 0 : i32
    %dma_start3A_48 = tpu.memref_slice %arg10[%dma_start3A_46, %dma_start3A_47] : memref<200x64xf32, #tpu.memory_space<vmem>> -> memref<100x64xf32, #tpu.memory_space<vmem>>
    %dma_start3A_49 = arith.constant 0 : i32
    %dma_start3A_50 = tpu.memref_slice %arg6[%dma_start3A_44, %dma_start3A_45, %dma_start3A_49] : memref<128x2x100xi32, #tpu.memory_space<vmem>> -> memref<1x1x100xi32, #tpu.memory_space<vmem>>
    %dma_start3A_51 = tpu.memref_squeeze %dma_start3A_50 : memref<1x1x100xi32, #tpu.memory_space<vmem>> -> memref<100xi32, #tpu.memory_space<vmem>>
    %dma_start3A_52 = arith.constant 0 : i32
    %dma_start3A_53 = arith.constant 0 : i32
    %dma_start3A_54 = tpu.memref_slice %arg3[%dma_start3A_52, %dma_start3A_53] : memref<1000000x64xf32, #tpu.memory_space<hbm>> -> memref<1000000x64xf32, #tpu.memory_space<hbm>>
    tpu.enqueue_indirect_dma source(%dma_start3A_54 : memref<1000000x64xf32, #tpu.memory_space<hbm>>) target(%dma_start3A_48 : memref<100x64xf32, #tpu.memory_space<vmem>>) offsets(%dma_start3A_51 : memref<100xi32, #tpu.memory_space<vmem>>) semaphore(%arg14 : memref<!tpu.dma_semaphore, #tpu.memory_space<semaphore_mem>>)
    %dma_start3A_55 = arith.constant 2 : i32
    %dma_start3A_56 = arith.constant 1 : i32
    %dma_start3A_57 = arith.constant 100 : i32
    %dma_start3A_58 = arith.constant 0 : i32
    %dma_start3A_59 = tpu.memref_slice %arg10[%dma_start3A_57, %dma_start3A_58] : memref<200x64xf32, #tpu.memory_space<vmem>> -> memref<100x64xf32, #tpu.memory_space<vmem>>
    %dma_start3A_60 = arith.constant 0 : i32
    %dma_start3A_61 = tpu.memref_slice %arg6[%dma_start3A_55, %dma_start3A_56, %dma_start3A_60] : memref<128x2x100xi32, #tpu.memory_space<vmem>> -> memref<1x1x100xi32, #tpu.memory_space<vmem>>
    %dma_start3A_62 = tpu.memref_squeeze %dma_start3A_61 : memref<1x1x100xi32, #tpu.memory_space<vmem>> -> memref<100xi32, #tpu.memory_space<vmem>>
    %dma_start3A_63 = arith.constant 0 : i32
    %dma_start3A_64 = arith.constant 0 : i32
    %dma_start3A_65 = tpu.memref_slice %arg3[%dma_start3A_63, %dma_start3A_64] : memref<1000000x64xf32, #tpu.memory_space<hbm>> -> memref<1000000x64xf32, #tpu.memory_space<hbm>>
    tpu.enqueue_indirect_dma source(%dma_start3A_65 : memref<1000000x64xf32, #tpu.memory_space<hbm>>) target(%dma_start3A_59 : memref<100x64xf32, #tpu.memory_space<vmem>>) offsets(%dma_start3A_62 : memref<100xi32, #tpu.memory_space<vmem>>) semaphore(%arg14 : memref<!tpu.dma_semaphore, #tpu.memory_space<semaphore_mem>>)
    %dma_wait3A = arith.constant 0 : i32
    %dma_wait3A_66 = arith.constant 0 : i32
    %dma_wait3A_67 = tpu.memref_slice %arg3[%dma_wait3A, %dma_wait3A_66] : memref<1000000x64xf32, #tpu.memory_space<hbm>> -> memref<200x64xf32, #tpu.memory_space<hbm>>
    %dma_wait3A_68 = arith.constant 0 : i32
    %dma_wait3A_69 = arith.constant 0 : i32
    %dma_wait3A_70 = tpu.memref_slice %arg3[%dma_wait3A_68, %dma_wait3A_69] : memref<1000000x64xf32, #tpu.memory_space<hbm>> -> memref<200x64xf32, #tpu.memory_space<hbm>>
    tpu.wait_dma2 semaphore(%arg12 : memref<!tpu.dma_semaphore, #tpu.memory_space<semaphore_mem>>) src(%dma_wait3A_70 : memref<200x64xf32, #tpu.memory_space<hbm>>) dst(%arg8 : memref<200x64xf32, #tpu.memory_space<vmem>>)
    %scan3A = arith.constant 0 : i32
    %scan3A_71 = arith.constant 50 : i32
    %scan3A_72 = arith.addi %scan3A, %scan3A_71 : i32
    %scan3A_73 = arith.constant 1 : i32
    scf.for %scan3A_411 = %scan3A to %scan3A_72 step %scan3A_73  : i32 {
      %mul3A_412 = arith.constant 4 : i32
      %mul3A_413 = arith.muli %scan3A_411, %mul3A_412 : i32
      %add3A_414 = arith.constant 0 : i32
      %add3A_415 = arith.addi %add3A_414, %mul3A_413 : i32
      %add3A_416 = arith.constant 0 : i32
      %add3A_417 = arith.addi %add3A_415, %add3A_416 : i32
      %get3A = arith.index_cast %add3A_417 : i32 to index
      %get3A_418 = arith.constant 0 : index
      %get3A_419 = tpu.vector_load %arg8[%get3A, %get3A_418] {strides = array<i32>} : memref<200x64xf32, #tpu.memory_space<vmem>>, vector<1x16xf32>,
      %get3A_420 = vector.shape_cast %get3A_419 : vector<1x16xf32> to vector<16xf32>
      %add3A_421 = arith.constant 0 : i32
      %add3A_422 = arith.addi %add3A_415, %add3A_421 : i32
      %get3A_423 = arith.index_cast %add3A_422 : i32 to index
      %get3A_424 = arith.constant 0 : index
      %get3A_425 = tpu.vector_load %arg7[%get3A_423, %get3A_424] {strides = array<i32>} : memref<200x64xf32, #tpu.memory_space<vmem>>, vector<1x16xf32>,
      %get3A_426 = vector.shape_cast %get3A_425 : vector<1x16xf32> to vector<16xf32>
      %add3A_427 = arith.addf %get3A_420, %get3A_426 : vector<16xf32>
      %swap3A = arith.index_cast %add3A_417 : i32 to index
      %swap3A_428 = arith.constant 0 : index
      %swap3A_429 = tpu.vector_load %arg8[%swap3A, %swap3A_428] {strides = array<i32>} : memref<200x64xf32, #tpu.memory_space<vmem>>, vector<1x16xf32>,
      %swap3A_430 = vector.shape_cast %swap3A_429 : vector<1x16xf32> to vector<16xf32>
      %swap3A_431 = vector.shape_cast %add3A_427 : vector<16xf32> to vector<1x16xf32>
      tpu.vector_store %arg8[%swap3A, %swap3A_428], %swap3A_431 {strides = array<i32>} : memref<200x64xf32, #tpu.memory_space<vmem>>, vector<1x16xf32>,
      %add3A_432 = arith.constant 0 : i32
      %add3A_433 = arith.addi %add3A_415, %add3A_432 : i32
      %get3A_434 = arith.index_cast %add3A_433 : i32 to index
      %get3A_435 = arith.constant 16 : index
      %get3A_436 = tpu.vector_load %arg8[%get3A_434, %get3A_435] {strides = array<i32>} : memref<200x64xf32, #tpu.memory_space<vmem>>, vector<1x16xf32>,
      %get3A_437 = vector.shape_cast %get3A_436 : vector<1x16xf32> to vector<16xf32>
      %add3A_438 = arith.constant 0 : i32
      %add3A_439 = arith.addi %add3A_415, %add3A_438 : i32
      %get3A_440 = arith.index_cast %add3A_439 : i32 to index
      %get3A_441 = arith.constant 16 : index
      %get3A_442 = tpu.vector_load %arg7[%get3A_440, %get3A_441] {strides = array<i32>} : memref<200x64xf32, #tpu.memory_space<vmem>>, vector<1x16xf32>,
      %get3A_443 = vector.shape_cast %get3A_442 : vector<1x16xf32> to vector<16xf32>
      %add3A_444 = arith.addf %get3A_437, %get3A_443 : vector<16xf32>
      %swap3A_445 = arith.index_cast %add3A_433 : i32 to index
      %swap3A_446 = arith.constant 16 : index
      %swap3A_447 = tpu.vector_load %arg8[%swap3A_445, %swap3A_446] {strides = array<i32>} : memref<200x64xf32, #tpu.memory_space<vmem>>, vector<1x16xf32>,
      %swap3A_448 = vector.shape_cast %swap3A_447 : vector<1x16xf32> to vector<16xf32>
      %swap3A_449 = vector.shape_cast %add3A_444 : vector<16xf32> to vector<1x16xf32>
      tpu.vector_store %arg8[%swap3A_445, %swap3A_446], %swap3A_449 {strides = array<i32>} : memref<200x64xf32, #tpu.memory_space<vmem>>, vector<1x16xf32>,
      %add3A_450 = arith.constant 0 : i32
      %add3A_451 = arith.addi %add3A_415, %add3A_450 : i32
      %get3A_452 = arith.index_cast %add3A_451 : i32 to index
      %get3A_453 = arith.constant 32 : index
      %get3A_454 = tpu.vector_load %arg8[%get3A_452, %get3A_453] {strides = array<i32>} : memref<200x64xf32, #tpu.memory_space<vmem>>, vector<1x16xf32>,
      %get3A_455 = vector.shape_cast %get3A_454 : vector<1x16xf32> to vector<16xf32>
      %add3A_456 = arith.constant 0 : i32
      %add3A_457 = arith.addi %add3A_415, %add3A_456 : i32
      %get3A_458 = arith.index_cast %add3A_457 : i32 to index
      %get3A_459 = arith.constant 32 : index
      %get3A_460 = tpu.vector_load %arg7[%get3A_458, %get3A_459] {strides = array<i32>} : memref<200x64xf32, #tpu.memory_space<vmem>>, vector<1x16xf32>,
      %get3A_461 = vector.shape_cast %get3A_460 : vector<1x16xf32> to vector<16xf32>
      %add3A_462 = arith.addf %get3A_455, %get3A_461 : vector<16xf32>
      %swap3A_463 = arith.index_cast %add3A_451 : i32 to index
      %swap3A_464 = arith.constant 32 : index
      %swap3A_465 = tpu.vector_load %arg8[%swap3A_463, %swap3A_464] {strides = array<i32>} : memref<200x64xf32, #tpu.memory_space<vmem>>, vector<1x16xf32>,
      %swap3A_466 = vector.shape_cast %swap3A_465 : vector<1x16xf32> to vector<16xf32>
      %swap3A_467 = vector.shape_cast %add3A_462 : vector<16xf32> to vector<1x16xf32>
      tpu.vector_store %arg8[%swap3A_463, %swap3A_464], %swap3A_467 {strides = array<i32>} : memref<200x64xf32, #tpu.memory_space<vmem>>, vector<1x16xf32>,
      %add3A_468 = arith.constant 0 : i32
      %add3A_469 = arith.addi %add3A_415, %add3A_468 : i32
      %get3A_470 = arith.index_cast %add3A_469 : i32 to index
      %get3A_471 = arith.constant 48 : index
      %get3A_472 = tpu.vector_load %arg8[%get3A_470, %get3A_471] {strides = array<i32>} : memref<200x64xf32, #tpu.memory_space<vmem>>, vector<1x16xf32>,
      %get3A_473 = vector.shape_cast %get3A_472 : vector<1x16xf32> to vector<16xf32>
      %add3A_474 = arith.constant 0 : i32
      %add3A_475 = arith.addi %add3A_415, %add3A_474 : i32
      %get3A_476 = arith.index_cast %add3A_475 : i32 to index
      %get3A_477 = arith.constant 48 : index
      %get3A_478 = tpu.vector_load %arg7[%get3A_476, %get3A_477] {strides = array<i32>} : memref<200x64xf32, #tpu.memory_space<vmem>>, vector<1x16xf32>,
      %get3A_479 = vector.shape_cast %get3A_478 : vector<1x16xf32> to vector<16xf32>
      %add3A_480 = arith.addf %get3A_473, %get3A_479 : vector<16xf32>
      %swap3A_481 = arith.index_cast %add3A_469 : i32 to index
      %swap3A_482 = arith.constant 48 : index
      %swap3A_483 = tpu.vector_load %arg8[%swap3A_481, %swap3A_482] {strides = array<i32>} : memref<200x64xf32, #tpu.memory_space<vmem>>, vector<1x16xf32>,
      %swap3A_484 = vector.shape_cast %swap3A_483 : vector<1x16xf32> to vector<16xf32>
      %swap3A_485 = vector.shape_cast %add3A_480 : vector<16xf32> to vector<1x16xf32>
      tpu.vector_store %arg8[%swap3A_481, %swap3A_482], %swap3A_485 {strides = array<i32>} : memref<200x64xf32, #tpu.memory_space<vmem>>, vector<1x16xf32>,
      %add3A_486 = arith.constant 1 : i32
      %add3A_487 = arith.addi %add3A_415, %add3A_486 : i32
      %get3A_488 = arith.index_cast %add3A_487 : i32 to index
      %get3A_489 = arith.constant 0 : index
      %get3A_490 = tpu.vector_load %arg8[%get3A_488, %get3A_489] {strides = array<i32>} : memref<200x64xf32, #tpu.memory_space<vmem>>, vector<1x16xf32>,
      %get3A_491 = vector.shape_cast %get3A_490 : vector<1x16xf32> to vector<16xf32>
      %add3A_492 = arith.constant 1 : i32
      %add3A_493 = arith.addi %add3A_415, %add3A_492 : i32
      %get3A_494 = arith.index_cast %add3A_493 : i32 to index
      %get3A_495 = arith.constant 0 : index
      %get3A_496 = tpu.vector_load %arg7[%get3A_494, %get3A_495] {strides = array<i32>} : memref<200x64xf32, #tpu.memory_space<vmem>>, vector<1x16xf32>,
      %get3A_497 = vector.shape_cast %get3A_496 : vector<1x16xf32> to vector<16xf32>
      %add3A_498 = arith.addf %get3A_491, %get3A_497 : vector<16xf32>
      %swap3A_499 = arith.index_cast %add3A_487 : i32 to index
      %swap3A_500 = arith.constant 0 : index
      %swap3A_501 = tpu.vector_load %arg8[%swap3A_499, %swap3A_500] {strides = array<i32>} : memref<200x64xf32, #tpu.memory_space<vmem>>, vector<1x16xf32>,
      %swap3A_502 = vector.shape_cast %swap3A_501 : vector<1x16xf32> to vector<16xf32>
      %swap3A_503 = vector.shape_cast %add3A_498 : vector<16xf32> to vector<1x16xf32>
      tpu.vector_store %arg8[%swap3A_499, %swap3A_500], %swap3A_503 {strides = array<i32>} : memref<200x64xf32, #tpu.memory_space<vmem>>, vector<1x16xf32>,
      %add3A_504 = arith.constant 1 : i32
      %add3A_505 = arith.addi %add3A_415, %add3A_504 : i32
      %get3A_506 = arith.index_cast %add3A_505 : i32 to index
      %get3A_507 = arith.constant 16 : index
      %get3A_508 = tpu.vector_load %arg8[%get3A_506, %get3A_507] {strides = array<i32>} : memref<200x64xf32, #tpu.memory_space<vmem>>, vector<1x16xf32>,
      %get3A_509 = vector.shape_cast %get3A_508 : vector<1x16xf32> to vector<16xf32>
      %add3A_510 = arith.constant 1 : i32
      %add3A_511 = arith.addi %add3A_415, %add3A_510 : i32
      %get3A_512 = arith.index_cast %add3A_511 : i32 to index
      %get3A_513 = arith.constant 16 : index
      %get3A_514 = tpu.vector_load %arg7[%get3A_512, %get3A_513] {strides = array<i32>} : memref<200x64xf32, #tpu.memory_space<vmem>>, vector<1x16xf32>,
      %get3A_515 = vector.shape_cast %get3A_514 : vector<1x16xf32> to vector<16xf32>
      %add3A_516 = arith.addf %get3A_509, %get3A_515 : vector<16xf32>
      %swap3A_517 = arith.index_cast %add3A_505 : i32 to index
      %swap3A_518 = arith.constant 16 : index
      %swap3A_519 = tpu.vector_load %arg8[%swap3A_517, %swap3A_518] {strides = array<i32>} : memref<200x64xf32, #tpu.memory_space<vmem>>, vector<1x16xf32>,
      %swap3A_520 = vector.shape_cast %swap3A_519 : vector<1x16xf32> to vector<16xf32>
      %swap3A_521 = vector.shape_cast %add3A_516 : vector<16xf32> to vector<1x16xf32>
      tpu.vector_store %arg8[%swap3A_517, %swap3A_518], %swap3A_521 {strides = array<i32>} : memref<200x64xf32, #tpu.memory_space<vmem>>, vector<1x16xf32>,
      %add3A_522 = arith.constant 1 : i32
      %add3A_523 = arith.addi %add3A_415, %add3A_522 : i32
      %get3A_524 = arith.index_cast %add3A_523 : i32 to index
      %get3A_525 = arith.constant 32 : index
      %get3A_526 = tpu.vector_load %arg8[%get3A_524, %get3A_525] {strides = array<i32>} : memref<200x64xf32, #tpu.memory_space<vmem>>, vector<1x16xf32>,
      %get3A_527 = vector.shape_cast %get3A_526 : vector<1x16xf32> to vector<16xf32>
      %add3A_528 = arith.constant 1 : i32
      %add3A_529 = arith.addi %add3A_415, %add3A_528 : i32
      %get3A_530 = arith.index_cast %add3A_529 : i32 to index
      %get3A_531 = arith.constant 32 : index
      %get3A_532 = tpu.vector_load %arg7[%get3A_530, %get3A_531] {strides = array<i32>} : memref<200x64xf32, #tpu.memory_space<vmem>>, vector<1x16xf32>,
      %get3A_533 = vector.shape_cast %get3A_532 : vector<1x16xf32> to vector<16xf32>
      %add3A_534 = arith.addf %get3A_527, %get3A_533 : vector<16xf32>
      %swap3A_535 = arith.index_cast %add3A_523 : i32 to index
      %swap3A_536 = arith.constant 32 : index
      %swap3A_537 = tpu.vector_load %arg8[%swap3A_535, %swap3A_536] {strides = array<i32>} : memref<200x64xf32, #tpu.memory_space<vmem>>, vector<1x16xf32>,
      %swap3A_538 = vector.shape_cast %swap3A_537 : vector<1x16xf32> to vector<16xf32>
      %swap3A_539 = vector.shape_cast %add3A_534 : vector<16xf32> to vector<1x16xf32>
      tpu.vector_store %arg8[%swap3A_535, %swap3A_536], %swap3A_539 {strides = array<i32>} : memref<200x64xf32, #tpu.memory_space<vmem>>, vector<1x16xf32>,
      %add3A_540 = arith.constant 1 : i32
      %add3A_541 = arith.addi %add3A_415, %add3A_540 : i32
      %get3A_542 = arith.index_cast %add3A_541 : i32 to index
      %get3A_543 = arith.constant 48 : index
      %get3A_544 = tpu.vector_load %arg8[%get3A_542, %get3A_543] {strides = array<i32>} : memref<200x64xf32, #tpu.memory_space<vmem>>, vector<1x16xf32>,
      %get3A_545 = vector.shape_cast %get3A_544 : vector<1x16xf32> to vector<16xf32>
      %add3A_546 = arith.constant 1 : i32
      %add3A_547 = arith.addi %add3A_415, %add3A_546 : i32
      %get3A_548 = arith.index_cast %add3A_547 : i32 to index
      %get3A_549 = arith.constant 48 : index
      %get3A_550 = tpu.vector_load %arg7[%get3A_548, %get3A_549] {strides = array<i32>} : memref<200x64xf32, #tpu.memory_space<vmem>>, vector<1x16xf32>,
      %get3A_551 = vector.shape_cast %get3A_550 : vector<1x16xf32> to vector<16xf32>
      %add3A_552 = arith.addf %get3A_545, %get3A_551 : vector<16xf32>
      %swap3A_553 = arith.index_cast %add3A_541 : i32 to index
      %swap3A_554 = arith.constant 48 : index
      %swap3A_555 = tpu.vector_load %arg8[%swap3A_553, %swap3A_554] {strides = array<i32>} : memref<200x64xf32, #tpu.memory_space<vmem>>, vector<1x16xf32>,
      %swap3A_556 = vector.shape_cast %swap3A_555 : vector<1x16xf32> to vector<16xf32>
      %swap3A_557 = vector.shape_cast %add3A_552 : vector<16xf32> to vector<1x16xf32>
      tpu.vector_store %arg8[%swap3A_553, %swap3A_554], %swap3A_557 {strides = array<i32>} : memref<200x64xf32, #tpu.memory_space<vmem>>, vector<1x16xf32>,
      %add3A_558 = arith.constant 2 : i32
      %add3A_559 = arith.addi %add3A_415, %add3A_558 : i32
      %get3A_560 = arith.index_cast %add3A_559 : i32 to index
      %get3A_561 = arith.constant 0 : index
      %get3A_562 = tpu.vector_load %arg8[%get3A_560, %get3A_561] {strides = array<i32>} : memref<200x64xf32, #tpu.memory_space<vmem>>, vector<1x16xf32>,
      %get3A_563 = vector.shape_cast %get3A_562 : vector<1x16xf32> to vector<16xf32>
      %add3A_564 = arith.constant 2 : i32
      %add3A_565 = arith.addi %add3A_415, %add3A_564 : i32
      %get3A_566 = arith.index_cast %add3A_565 : i32 to index
      %get3A_567 = arith.constant 0 : index
      %get3A_568 = tpu.vector_load %arg7[%get3A_566, %get3A_567] {strides = array<i32>} : memref<200x64xf32, #tpu.memory_space<vmem>>, vector<1x16xf32>,
      %get3A_569 = vector.shape_cast %get3A_568 : vector<1x16xf32> to vector<16xf32>
      %add3A_570 = arith.addf %get3A_563, %get3A_569 : vector<16xf32>
      %swap3A_571 = arith.index_cast %add3A_559 : i32 to index
      %swap3A_572 = arith.constant 0 : index
      %swap3A_573 = tpu.vector_load %arg8[%swap3A_571, %swap3A_572] {strides = array<i32>} : memref<200x64xf32, #tpu.memory_space<vmem>>, vector<1x16xf32>,
      %swap3A_574 = vector.shape_cast %swap3A_573 : vector<1x16xf32> to vector<16xf32>
      %swap3A_575 = vector.shape_cast %add3A_570 : vector<16xf32> to vector<1x16xf32>
      tpu.vector_store %arg8[%swap3A_571, %swap3A_572], %swap3A_575 {strides = array<i32>} : memref<200x64xf32, #tpu.memory_space<vmem>>, vector<1x16xf32>,
      %add3A_576 = arith.constant 2 : i32
      %add3A_577 = arith.addi %add3A_415, %add3A_576 : i32
      %get3A_578 = arith.index_cast %add3A_577 : i32 to index
      %get3A_579 = arith.constant 16 : index
      %get3A_580 = tpu.vector_load %arg8[%get3A_578, %get3A_579] {strides = array<i32>} : memref<200x64xf32, #tpu.memory_space<vmem>>, vector<1x16xf32>,
      %get3A_581 = vector.shape_cast %get3A_580 : vector<1x16xf32> to vector<16xf32>
      %add3A_582 = arith.constant 2 : i32
      %add3A_583 = arith.addi %add3A_415, %add3A_582 : i32
      %get3A_584 = arith.index_cast %add3A_583 : i32 to index
      %get3A_585 = arith.constant 16 : index
      %get3A_586 = tpu.vector_load %arg7[%get3A_584, %get3A_585] {strides = array<i32>} : memref<200x64xf32, #tpu.memory_space<vmem>>, vector<1x16xf32>,
      %get3A_587 = vector.shape_cast %get3A_586 : vector<1x16xf32> to vector<16xf32>
      %add3A_588 = arith.addf %get3A_581, %get3A_587 : vector<16xf32>
      %swap3A_589 = arith.index_cast %add3A_577 : i32 to index
      %swap3A_590 = arith.constant 16 : index
      %swap3A_591 = tpu.vector_load %arg8[%swap3A_589, %swap3A_590] {strides = array<i32>} : memref<200x64xf32, #tpu.memory_space<vmem>>, vector<1x16xf32>,
      %swap3A_592 = vector.shape_cast %swap3A_591 : vector<1x16xf32> to vector<16xf32>
      %swap3A_593 = vector.shape_cast %add3A_588 : vector<16xf32> to vector<1x16xf32>
      tpu.vector_store %arg8[%swap3A_589, %swap3A_590], %swap3A_593 {strides = array<i32>} : memref<200x64xf32, #tpu.memory_space<vmem>>, vector<1x16xf32>,
      %add3A_594 = arith.constant 2 : i32
      %add3A_595 = arith.addi %add3A_415, %add3A_594 : i32
      %get3A_596 = arith.index_cast %add3A_595 : i32 to index
      %get3A_597 = arith.constant 32 : index
      %get3A_598 = tpu.vector_load %arg8[%get3A_596, %get3A_597] {strides = array<i32>} : memref<200x64xf32, #tpu.memory_space<vmem>>, vector<1x16xf32>,
      %get3A_599 = vector.shape_cast %get3A_598 : vector<1x16xf32> to vector<16xf32>
      %add3A_600 = arith.constant 2 : i32
      %add3A_601 = arith.addi %add3A_415, %add3A_600 : i32
      %get3A_602 = arith.index_cast %add3A_601 : i32 to index
      %get3A_603 = arith.constant 32 : index
      %get3A_604 = tpu.vector_load %arg7[%get3A_602, %get3A_603] {strides = array<i32>} : memref<200x64xf32, #tpu.memory_space<vmem>>, vector<1x16xf32>,
      %get3A_605 = vector.shape_cast %get3A_604 : vector<1x16xf32> to vector<16xf32>
      %add3A_606 = arith.addf %get3A_599, %get3A_605 : vector<16xf32>
      %swap3A_607 = arith.index_cast %add3A_595 : i32 to index
      %swap3A_608 = arith.constant 32 : index
      %swap3A_609 = tpu.vector_load %arg8[%swap3A_607, %swap3A_608] {strides = array<i32>} : memref<200x64xf32, #tpu.memory_space<vmem>>, vector<1x16xf32>,
      %swap3A_610 = vector.shape_cast %swap3A_609 : vector<1x16xf32> to vector<16xf32>
      %swap3A_611 = vector.shape_cast %add3A_606 : vector<16xf32> to vector<1x16xf32>
      tpu.vector_store %arg8[%swap3A_607, %swap3A_608], %swap3A_611 {strides = array<i32>} : memref<200x64xf32, #tpu.memory_space<vmem>>, vector<1x16xf32>,
      %add3A_612 = arith.constant 2 : i32
      %add3A_613 = arith.addi %add3A_415, %add3A_612 : i32
      %get3A_614 = arith.index_cast %add3A_613 : i32 to index
      %get3A_615 = arith.constant 48 : index
      %get3A_616 = tpu.vector_load %arg8[%get3A_614, %get3A_615] {strides = array<i32>} : memref<200x64xf32, #tpu.memory_space<vmem>>, vector<1x16xf32>,
      %get3A_617 = vector.shape_cast %get3A_616 : vector<1x16xf32> to vector<16xf32>
      %add3A_618 = arith.constant 2 : i32
      %add3A_619 = arith.addi %add3A_415, %add3A_618 : i32
      %get3A_620 = arith.index_cast %add3A_619 : i32 to index
      %get3A_621 = arith.constant 48 : index
      %get3A_622 = tpu.vector_load %arg7[%get3A_620, %get3A_621] {strides = array<i32>} : memref<200x64xf32, #tpu.memory_space<vmem>>, vector<1x16xf32>,
      %get3A_623 = vector.shape_cast %get3A_622 : vector<1x16xf32> to vector<16xf32>
      %add3A_624 = arith.addf %get3A_617, %get3A_623 : vector<16xf32>
      %swap3A_625 = arith.index_cast %add3A_613 : i32 to index
      %swap3A_626 = arith.constant 48 : index
      %swap3A_627 = tpu.vector_load %arg8[%swap3A_625, %swap3A_626] {strides = array<i32>} : memref<200x64xf32, #tpu.memory_space<vmem>>, vector<1x16xf32>,
      %swap3A_628 = vector.shape_cast %swap3A_627 : vector<1x16xf32> to vector<16xf32>
      %swap3A_629 = vector.shape_cast %add3A_624 : vector<16xf32> to vector<1x16xf32>
      tpu.vector_store %arg8[%swap3A_625, %swap3A_626], %swap3A_629 {strides = array<i32>} : memref<200x64xf32, #tpu.memory_space<vmem>>, vector<1x16xf32>,
      %add3A_630 = arith.constant 3 : i32
      %add3A_631 = arith.addi %add3A_415, %add3A_630 : i32
      %get3A_632 = arith.index_cast %add3A_631 : i32 to index
      %get3A_633 = arith.constant 0 : index
      %get3A_634 = tpu.vector_load %arg8[%get3A_632, %get3A_633] {strides = array<i32>} : memref<200x64xf32, #tpu.memory_space<vmem>>, vector<1x16xf32>,
      %get3A_635 = vector.shape_cast %get3A_634 : vector<1x16xf32> to vector<16xf32>
      %add3A_636 = arith.constant 3 : i32
      %add3A_637 = arith.addi %add3A_415, %add3A_636 : i32
      %get3A_638 = arith.index_cast %add3A_637 : i32 to index
      %get3A_639 = arith.constant 0 : index
      %get3A_640 = tpu.vector_load %arg7[%get3A_638, %get3A_639] {strides = array<i32>} : memref<200x64xf32, #tpu.memory_space<vmem>>, vector<1x16xf32>,
      %get3A_641 = vector.shape_cast %get3A_640 : vector<1x16xf32> to vector<16xf32>
      %add3A_642 = arith.addf %get3A_635, %get3A_641 : vector<16xf32>
      %swap3A_643 = arith.index_cast %add3A_631 : i32 to index
      %swap3A_644 = arith.constant 0 : index
      %swap3A_645 = tpu.vector_load %arg8[%swap3A_643, %swap3A_644] {strides = array<i32>} : memref<200x64xf32, #tpu.memory_space<vmem>>, vector<1x16xf32>,
      %swap3A_646 = vector.shape_cast %swap3A_645 : vector<1x16xf32> to vector<16xf32>
      %swap3A_647 = vector.shape_cast %add3A_642 : vector<16xf32> to vector<1x16xf32>
      tpu.vector_store %arg8[%swap3A_643, %swap3A_644], %swap3A_647 {strides = array<i32>} : memref<200x64xf32, #tpu.memory_space<vmem>>, vector<1x16xf32>,
      %add3A_648 = arith.constant 3 : i32
      %add3A_649 = arith.addi %add3A_415, %add3A_648 : i32
      %get3A_650 = arith.index_cast %add3A_649 : i32 to index
      %get3A_651 = arith.constant 16 : index
      %get3A_652 = tpu.vector_load %arg8[%get3A_650, %get3A_651] {strides = array<i32>} : memref<200x64xf32, #tpu.memory_space<vmem>>, vector<1x16xf32>,
      %get3A_653 = vector.shape_cast %get3A_652 : vector<1x16xf32> to vector<16xf32>
      %add3A_654 = arith.constant 3 : i32
      %add3A_655 = arith.addi %add3A_415, %add3A_654 : i32
      %get3A_656 = arith.index_cast %add3A_655 : i32 to index
      %get3A_657 = arith.constant 16 : index
      %get3A_658 = tpu.vector_load %arg7[%get3A_656, %get3A_657] {strides = array<i32>} : memref<200x64xf32, #tpu.memory_space<vmem>>, vector<1x16xf32>,
      %get3A_659 = vector.shape_cast %get3A_658 : vector<1x16xf32> to vector<16xf32>
      %add3A_660 = arith.addf %get3A_653, %get3A_659 : vector<16xf32>
      %swap3A_661 = arith.index_cast %add3A_649 : i32 to index
      %swap3A_662 = arith.constant 16 : index
      %swap3A_663 = tpu.vector_load %arg8[%swap3A_661, %swap3A_662] {strides = array<i32>} : memref<200x64xf32, #tpu.memory_space<vmem>>, vector<1x16xf32>,
      %swap3A_664 = vector.shape_cast %swap3A_663 : vector<1x16xf32> to vector<16xf32>
      %swap3A_665 = vector.shape_cast %add3A_660 : vector<16xf32> to vector<1x16xf32>
      tpu.vector_store %arg8[%swap3A_661, %swap3A_662], %swap3A_665 {strides = array<i32>} : memref<200x64xf32, #tpu.memory_space<vmem>>, vector<1x16xf32>,
      %add3A_666 = arith.constant 3 : i32
      %add3A_667 = arith.addi %add3A_415, %add3A_666 : i32
      %get3A_668 = arith.index_cast %add3A_667 : i32 to index
      %get3A_669 = arith.constant 32 : index
      %get3A_670 = tpu.vector_load %arg8[%get3A_668, %get3A_669] {strides = array<i32>} : memref<200x64xf32, #tpu.memory_space<vmem>>, vector<1x16xf32>,
      %get3A_671 = vector.shape_cast %get3A_670 : vector<1x16xf32> to vector<16xf32>
      %add3A_672 = arith.constant 3 : i32
      %add3A_673 = arith.addi %add3A_415, %add3A_672 : i32
      %get3A_674 = arith.index_cast %add3A_673 : i32 to index
      %get3A_675 = arith.constant 32 : index
      %get3A_676 = tpu.vector_load %arg7[%get3A_674, %get3A_675] {strides = array<i32>} : memref<200x64xf32, #tpu.memory_space<vmem>>, vector<1x16xf32>,
      %get3A_677 = vector.shape_cast %get3A_676 : vector<1x16xf32> to vector<16xf32>
      %add3A_678 = arith.addf %get3A_671, %get3A_677 : vector<16xf32>
      %swap3A_679 = arith.index_cast %add3A_667 : i32 to index
      %swap3A_680 = arith.constant 32 : index
      %swap3A_681 = tpu.vector_load %arg8[%swap3A_679, %swap3A_680] {strides = array<i32>} : memref<200x64xf32, #tpu.memory_space<vmem>>, vector<1x16xf32>,
      %swap3A_682 = vector.shape_cast %swap3A_681 : vector<1x16xf32> to vector<16xf32>
      %swap3A_683 = vector.shape_cast %add3A_678 : vector<16xf32> to vector<1x16xf32>
      tpu.vector_store %arg8[%swap3A_679, %swap3A_680], %swap3A_683 {strides = array<i32>} : memref<200x64xf32, #tpu.memory_space<vmem>>, vector<1x16xf32>,
      %add3A_684 = arith.constant 3 : i32
      %add3A_685 = arith.addi %add3A_415, %add3A_684 : i32
      %get3A_686 = arith.index_cast %add3A_685 : i32 to index
      %get3A_687 = arith.constant 48 : index
      %get3A_688 = tpu.vector_load %arg8[%get3A_686, %get3A_687] {strides = array<i32>} : memref<200x64xf32, #tpu.memory_space<vmem>>, vector<1x16xf32>,
      %get3A_689 = vector.shape_cast %get3A_688 : vector<1x16xf32> to vector<16xf32>
      %add3A_690 = arith.constant 3 : i32
      %add3A_691 = arith.addi %add3A_415, %add3A_690 : i32
      %get3A_692 = arith.index_cast %add3A_691 : i32 to index
      %get3A_693 = arith.constant 48 : index
      %get3A_694 = tpu.vector_load %arg7[%get3A_692, %get3A_693] {strides = array<i32>} : memref<200x64xf32, #tpu.memory_space<vmem>>, vector<1x16xf32>,
      %get3A_695 = vector.shape_cast %get3A_694 : vector<1x16xf32> to vector<16xf32>
      %add3A_696 = arith.addf %get3A_689, %get3A_695 : vector<16xf32>
      %swap3A_697 = arith.index_cast %add3A_685 : i32 to index
      %swap3A_698 = arith.constant 48 : index
      %swap3A_699 = tpu.vector_load %arg8[%swap3A_697, %swap3A_698] {strides = array<i32>} : memref<200x64xf32, #tpu.memory_space<vmem>>, vector<1x16xf32>,
      %swap3A_700 = vector.shape_cast %swap3A_699 : vector<1x16xf32> to vector<16xf32>
      %swap3A_701 = vector.shape_cast %add3A_696 : vector<16xf32> to vector<1x16xf32>
      tpu.vector_store %arg8[%swap3A_697, %swap3A_698], %swap3A_701 {strides = array<i32>} : memref<200x64xf32, #tpu.memory_space<vmem>>, vector<1x16xf32>,
    }
    %scan3A_74 = arith.constant 50 : i32
    %mul3A_75 = arith.constant 128 : i32
    %mul3A_76 = arith.muli %add3A, %mul3A_75 : i32
    %add3A_77 = arith.constant 0 : i32
    %add3A_78 = arith.addi %mul3A_76, %add3A_77 : i32
    %dma_start3A_79 = arith.constant 0 : i32
    %dma_start3A_80 = arith.constant 0 : i32
    %dma_start3A_81 = tpu.memref_slice %arg5[%add3A_78, %dma_start3A_79, %dma_start3A_80] : memref<4096x200x64xf32, #tpu.memory_space<hbm>> -> memref<1x200x64xf32, #tpu.memory_space<hbm>>
    %dma_start3A_82 = tpu.memref_squeeze %dma_start3A_81 : memref<1x200x64xf32, #tpu.memory_space<hbm>> -> memref<200x64xf32, #tpu.memory_space<hbm>>
    %dma_start3A_83 = arith.constant 0 : i32
    %dma_start3A_84 = arith.constant 0 : i32
    %dma_start3A_85 = tpu.memref_slice %arg5[%add3A_78, %dma_start3A_83, %dma_start3A_84] : memref<4096x200x64xf32, #tpu.memory_space<hbm>> -> memref<1x200x64xf32, #tpu.memory_space<hbm>>
    %dma_start3A_86 = tpu.memref_squeeze %dma_start3A_85 : memref<1x200x64xf32, #tpu.memory_space<hbm>> -> memref<200x64xf32, #tpu.memory_space<hbm>>
    tpu.enqueue_dma source(%arg8 : memref<200x64xf32, #tpu.memory_space<vmem>>) target(%dma_start3A_86 : memref<200x64xf32, #tpu.memory_space<hbm>>) target_semaphore(%arg16 : memref<!tpu.dma_semaphore, #tpu.memory_space<semaphore_mem>>)
    %dma_start3A_87 = arith.constant 3 : i32
    %dma_start3A_88 = arith.constant 0 : i32
    %dma_start3A_89 = arith.constant 0 : i32
    %dma_start3A_90 = arith.constant 0 : i32
    %dma_start3A_91 = tpu.memref_slice %arg11[%dma_start3A_89, %dma_start3A_90] : memref<200x64xf32, #tpu.memory_space<vmem>> -> memref<100x64xf32, #tpu.memory_space<vmem>>
    %dma_start3A_92 = arith.constant 0 : i32
    %dma_start3A_93 = tpu.memref_slice %arg6[%dma_start3A_87, %dma_start3A_88, %dma_start3A_92] : memref<128x2x100xi32, #tpu.memory_space<vmem>> -> memref<1x1x100xi32, #tpu.memory_space<vmem>>
    %dma_start3A_94 = tpu.memref_squeeze %dma_start3A_93 : memref<1x1x100xi32, #tpu.memory_space<vmem>> -> memref<100xi32, #tpu.memory_space<vmem>>
    %dma_start3A_95 = arith.constant 0 : i32
    %dma_start3A_96 = arith.constant 0 : i32
    %dma_start3A_97 = tpu.memref_slice %arg3[%dma_start3A_95, %dma_start3A_96] : memref<1000000x64xf32, #tpu.memory_space<hbm>> -> memref<1000000x64xf32, #tpu.memory_space<hbm>>
    tpu.enqueue_indirect_dma source(%dma_start3A_97 : memref<1000000x64xf32, #tpu.memory_space<hbm>>) target(%dma_start3A_91 : memref<100x64xf32, #tpu.memory_space<vmem>>) offsets(%dma_start3A_94 : memref<100xi32, #tpu.memory_space<vmem>>) semaphore(%arg15 : memref<!tpu.dma_semaphore, #tpu.memory_space<semaphore_mem>>)
    %dma_start3A_98 = arith.constant 3 : i32
    %dma_start3A_99 = arith.constant 1 : i32
    %dma_start3A_100 = arith.constant 100 : i32
    %dma_start3A_101 = arith.constant 0 : i32
    %dma_start3A_102 = tpu.memref_slice %arg11[%dma_start3A_100, %dma_start3A_101] : memref<200x64xf32, #tpu.memory_space<vmem>> -> memref<100x64xf32, #tpu.memory_space<vmem>>
    %dma_start3A_103 = arith.constant 0 : i32
    %dma_start3A_104 = tpu.memref_slice %arg6[%dma_start3A_98, %dma_start3A_99, %dma_start3A_103] : memref<128x2x100xi32, #tpu.memory_space<vmem>> -> memref<1x1x100xi32, #tpu.memory_space<vmem>>
    %dma_start3A_105 = tpu.memref_squeeze %dma_start3A_104 : memref<1x1x100xi32, #tpu.memory_space<vmem>> -> memref<100xi32, #tpu.memory_space<vmem>>
    %dma_start3A_106 = arith.constant 0 : i32
    %dma_start3A_107 = arith.constant 0 : i32
    %dma_start3A_108 = tpu.memref_slice %arg3[%dma_start3A_106, %dma_start3A_107] : memref<1000000x64xf32, #tpu.memory_space<hbm>> -> memref<1000000x64xf32, #tpu.memory_space<hbm>>
    tpu.enqueue_indirect_dma source(%dma_start3A_108 : memref<1000000x64xf32, #tpu.memory_space<hbm>>) target(%dma_start3A_102 : memref<100x64xf32, #tpu.memory_space<vmem>>) offsets(%dma_start3A_105 : memref<100xi32, #tpu.memory_space<vmem>>) semaphore(%arg15 : memref<!tpu.dma_semaphore, #tpu.memory_space<semaphore_mem>>)
    %dma_wait3A_109 = arith.constant 0 : i32
    %dma_wait3A_110 = arith.constant 0 : i32
    %dma_wait3A_111 = tpu.memref_slice %arg3[%dma_wait3A_109, %dma_wait3A_110] : memref<1000000x64xf32, #tpu.memory_space<hbm>> -> memref<200x64xf32, #tpu.memory_space<hbm>>
    %dma_wait3A_112 = arith.constant 0 : i32
    %dma_wait3A_113 = arith.constant 0 : i32
    %dma_wait3A_114 = tpu.memref_slice %arg3[%dma_wait3A_112, %dma_wait3A_113] : memref<1000000x64xf32, #tpu.memory_space<hbm>> -> memref<200x64xf32, #tpu.memory_space<hbm>>
    tpu.wait_dma2 semaphore(%arg13 : memref<!tpu.dma_semaphore, #tpu.memory_space<semaphore_mem>>) src(%dma_wait3A_114 : memref<200x64xf32, #tpu.memory_space<hbm>>) dst(%arg9 : memref<200x64xf32, #tpu.memory_space<vmem>>)
    %scan3A_115 = arith.constant 0 : i32
    %scan3A_116 = arith.constant 50 : i32
    %scan3A_117 = arith.addi %scan3A_115, %scan3A_116 : i32
    %scan3A_118 = arith.constant 1 : i32
    scf.for %scan3A_411 = %scan3A_115 to %scan3A_117 step %scan3A_118  : i32 {
      %mul3A_412 = arith.constant 4 : i32
      %mul3A_413 = arith.muli %scan3A_411, %mul3A_412 : i32
      %add3A_414 = arith.constant 0 : i32
      %add3A_415 = arith.addi %add3A_414, %mul3A_413 : i32
      %add3A_416 = arith.constant 0 : i32
      %add3A_417 = arith.addi %add3A_415, %add3A_416 : i32
      %get3A = arith.index_cast %add3A_417 : i32 to index
      %get3A_418 = arith.constant 0 : index
      %get3A_419 = tpu.vector_load %arg9[%get3A, %get3A_418] {strides = array<i32>} : memref<200x64xf32, #tpu.memory_space<vmem>>, vector<1x16xf32>,
      %get3A_420 = vector.shape_cast %get3A_419 : vector<1x16xf32> to vector<16xf32>
      %add3A_421 = arith.constant 0 : i32
      %add3A_422 = arith.addi %add3A_415, %add3A_421 : i32
      %get3A_423 = arith.index_cast %add3A_422 : i32 to index
      %get3A_424 = arith.constant 0 : index
      %get3A_425 = tpu.vector_load %arg7[%get3A_423, %get3A_424] {strides = array<i32>} : memref<200x64xf32, #tpu.memory_space<vmem>>, vector<1x16xf32>,
      %get3A_426 = vector.shape_cast %get3A_425 : vector<1x16xf32> to vector<16xf32>
      %add3A_427 = arith.addf %get3A_420, %get3A_426 : vector<16xf32>
      %swap3A = arith.index_cast %add3A_417 : i32 to index
      %swap3A_428 = arith.constant 0 : index
      %swap3A_429 = tpu.vector_load %arg9[%swap3A, %swap3A_428] {strides = array<i32>} : memref<200x64xf32, #tpu.memory_space<vmem>>, vector<1x16xf32>,
      %swap3A_430 = vector.shape_cast %swap3A_429 : vector<1x16xf32> to vector<16xf32>
      %swap3A_431 = vector.shape_cast %add3A_427 : vector<16xf32> to vector<1x16xf32>
      tpu.vector_store %arg9[%swap3A, %swap3A_428], %swap3A_431 {strides = array<i32>} : memref<200x64xf32, #tpu.memory_space<vmem>>, vector<1x16xf32>,
      %add3A_432 = arith.constant 0 : i32
      %add3A_433 = arith.addi %add3A_415, %add3A_432 : i32
      %get3A_434 = arith.index_cast %add3A_433 : i32 to index
      %get3A_435 = arith.constant 16 : index
      %get3A_436 = tpu.vector_load %arg9[%get3A_434, %get3A_435] {strides = array<i32>} : memref<200x64xf32, #tpu.memory_space<vmem>>, vector<1x16xf32>,
      %get3A_437 = vector.shape_cast %get3A_436 : vector<1x16xf32> to vector<16xf32>
      %add3A_438 = arith.constant 0 : i32
      %add3A_439 = arith.addi %add3A_415, %add3A_438 : i32
      %get3A_440 = arith.index_cast %add3A_439 : i32 to index
      %get3A_441 = arith.constant 16 : index
      %get3A_442 = tpu.vector_load %arg7[%get3A_440, %get3A_441] {strides = array<i32>} : memref<200x64xf32, #tpu.memory_space<vmem>>, vector<1x16xf32>,
      %get3A_443 = vector.shape_cast %get3A_442 : vector<1x16xf32> to vector<16xf32>
      %add3A_444 = arith.addf %get3A_437, %get3A_443 : vector<16xf32>
      %swap3A_445 = arith.index_cast %add3A_433 : i32 to index
      %swap3A_446 = arith.constant 16 : index
      %swap3A_447 = tpu.vector_load %arg9[%swap3A_445, %swap3A_446] {strides = array<i32>} : memref<200x64xf32, #tpu.memory_space<vmem>>, vector<1x16xf32>,
      %swap3A_448 = vector.shape_cast %swap3A_447 : vector<1x16xf32> to vector<16xf32>
      %swap3A_449 = vector.shape_cast %add3A_444 : vector<16xf32> to vector<1x16xf32>
      tpu.vector_store %arg9[%swap3A_445, %swap3A_446], %swap3A_449 {strides = array<i32>} : memref<200x64xf32, #tpu.memory_space<vmem>>, vector<1x16xf32>,
      %add3A_450 = arith.constant 0 : i32
      %add3A_451 = arith.addi %add3A_415, %add3A_450 : i32
      %get3A_452 = arith.index_cast %add3A_451 : i32 to index
      %get3A_453 = arith.constant 32 : index
      %get3A_454 = tpu.vector_load %arg9[%get3A_452, %get3A_453] {strides = array<i32>} : memref<200x64xf32, #tpu.memory_space<vmem>>, vector<1x16xf32>,
      %get3A_455 = vector.shape_cast %get3A_454 : vector<1x16xf32> to vector<16xf32>
      %add3A_456 = arith.constant 0 : i32
      %add3A_457 = arith.addi %add3A_415, %add3A_456 : i32
      %get3A_458 = arith.index_cast %add3A_457 : i32 to index
      %get3A_459 = arith.constant 32 : index
      %get3A_460 = tpu.vector_load %arg7[%get3A_458, %get3A_459] {strides = array<i32>} : memref<200x64xf32, #tpu.memory_space<vmem>>, vector<1x16xf32>,
      %get3A_461 = vector.shape_cast %get3A_460 : vector<1x16xf32> to vector<16xf32>
      %add3A_462 = arith.addf %get3A_455, %get3A_461 : vector<16xf32>
      %swap3A_463 = arith.index_cast %add3A_451 : i32 to index
      %swap3A_464 = arith.constant 32 : index
      %swap3A_465 = tpu.vector_load %arg9[%swap3A_463, %swap3A_464] {strides = array<i32>} : memref<200x64xf32, #tpu.memory_space<vmem>>, vector<1x16xf32>,
      %swap3A_466 = vector.shape_cast %swap3A_465 : vector<1x16xf32> to vector<16xf32>
      %swap3A_467 = vector.shape_cast %add3A_462 : vector<16xf32> to vector<1x16xf32>
      tpu.vector_store %arg9[%swap3A_463, %swap3A_464], %swap3A_467 {strides = array<i32>} : memref<200x64xf32, #tpu.memory_space<vmem>>, vector<1x16xf32>,
      %add3A_468 = arith.constant 0 : i32
      %add3A_469 = arith.addi %add3A_415, %add3A_468 : i32
      %get3A_470 = arith.index_cast %add3A_469 : i32 to index
      %get3A_471 = arith.constant 48 : index
      %get3A_472 = tpu.vector_load %arg9[%get3A_470, %get3A_471] {strides = array<i32>} : memref<200x64xf32, #tpu.memory_space<vmem>>, vector<1x16xf32>,
      %get3A_473 = vector.shape_cast %get3A_472 : vector<1x16xf32> to vector<16xf32>
      %add3A_474 = arith.constant 0 : i32
      %add3A_475 = arith.addi %add3A_415, %add3A_474 : i32
      %get3A_476 = arith.index_cast %add3A_475 : i32 to index
      %get3A_477 = arith.constant 48 : index
      %get3A_478 = tpu.vector_load %arg7[%get3A_476, %get3A_477] {strides = array<i32>} : memref<200x64xf32, #tpu.memory_space<vmem>>, vector<1x16xf32>,
      %get3A_479 = vector.shape_cast %get3A_478 : vector<1x16xf32> to vector<16xf32>
      %add3A_480 = arith.addf %get3A_473, %get3A_479 : vector<16xf32>
      %swap3A_481 = arith.index_cast %add3A_469 : i32 to index
      %swap3A_482 = arith.constant 48 : index
      %swap3A_483 = tpu.vector_load %arg9[%swap3A_481, %swap3A_482] {strides = array<i32>} : memref<200x64xf32, #tpu.memory_space<vmem>>, vector<1x16xf32>,
      %swap3A_484 = vector.shape_cast %swap3A_483 : vector<1x16xf32> to vector<16xf32>
      %swap3A_485 = vector.shape_cast %add3A_480 : vector<16xf32> to vector<1x16xf32>
      tpu.vector_store %arg9[%swap3A_481, %swap3A_482], %swap3A_485 {strides = array<i32>} : memref<200x64xf32, #tpu.memory_space<vmem>>, vector<1x16xf32>,
      %add3A_486 = arith.constant 1 : i32
      %add3A_487 = arith.addi %add3A_415, %add3A_486 : i32
      %get3A_488 = arith.index_cast %add3A_487 : i32 to index
      %get3A_489 = arith.constant 0 : index
      %get3A_490 = tpu.vector_load %arg9[%get3A_488, %get3A_489] {strides = array<i32>} : memref<200x64xf32, #tpu.memory_space<vmem>>, vector<1x16xf32>,
      %get3A_491 = vector.shape_cast %get3A_490 : vector<1x16xf32> to vector<16xf32>
      %add3A_492 = arith.constant 1 : i32
      %add3A_493 = arith.addi %add3A_415, %add3A_492 : i32
      %get3A_494 = arith.index_cast %add3A_493 : i32 to index
      %get3A_495 = arith.constant 0 : index
      %get3A_496 = tpu.vector_load %arg7[%get3A_494, %get3A_495] {strides = array<i32>} : memref<200x64xf32, #tpu.memory_space<vmem>>, vector<1x16xf32>,
      %get3A_497 = vector.shape_cast %get3A_496 : vector<1x16xf32> to vector<16xf32>
      %add3A_498 = arith.addf %get3A_491, %get3A_497 : vector<16xf32>
      %swap3A_499 = arith.index_cast %add3A_487 : i32 to index
      %swap3A_500 = arith.constant 0 : index
      %swap3A_501 = tpu.vector_load %arg9[%swap3A_499, %swap3A_500] {strides = array<i32>} : memref<200x64xf32, #tpu.memory_space<vmem>>, vector<1x16xf32>,
      %swap3A_502 = vector.shape_cast %swap3A_501 : vector<1x16xf32> to vector<16xf32>
      %swap3A_503 = vector.shape_cast %add3A_498 : vector<16xf32> to vector<1x16xf32>
      tpu.vector_store %arg9[%swap3A_499, %swap3A_500], %swap3A_503 {strides = array<i32>} : memref<200x64xf32, #tpu.memory_space<vmem>>, vector<1x16xf32>,
      %add3A_504 = arith.constant 1 : i32
      %add3A_505 = arith.addi %add3A_415, %add3A_504 : i32
      %get3A_506 = arith.index_cast %add3A_505 : i32 to index
      %get3A_507 = arith.constant 16 : index
      %get3A_508 = tpu.vector_load %arg9[%get3A_506, %get3A_507] {strides = array<i32>} : memref<200x64xf32, #tpu.memory_space<vmem>>, vector<1x16xf32>,
      %get3A_509 = vector.shape_cast %get3A_508 : vector<1x16xf32> to vector<16xf32>
      %add3A_510 = arith.constant 1 : i32
      %add3A_511 = arith.addi %add3A_415, %add3A_510 : i32
      %get3A_512 = arith.index_cast %add3A_511 : i32 to index
      %get3A_513 = arith.constant 16 : index
      %get3A_514 = tpu.vector_load %arg7[%get3A_512, %get3A_513] {strides = array<i32>} : memref<200x64xf32, #tpu.memory_space<vmem>>, vector<1x16xf32>,
      %get3A_515 = vector.shape_cast %get3A_514 : vector<1x16xf32> to vector<16xf32>
      %add3A_516 = arith.addf %get3A_509, %get3A_515 : vector<16xf32>
      %swap3A_517 = arith.index_cast %add3A_505 : i32 to index
      %swap3A_518 = arith.constant 16 : index
      %swap3A_519 = tpu.vector_load %arg9[%swap3A_517, %swap3A_518] {strides = array<i32>} : memref<200x64xf32, #tpu.memory_space<vmem>>, vector<1x16xf32>,
      %swap3A_520 = vector.shape_cast %swap3A_519 : vector<1x16xf32> to vector<16xf32>
      %swap3A_521 = vector.shape_cast %add3A_516 : vector<16xf32> to vector<1x16xf32>
      tpu.vector_store %arg9[%swap3A_517, %swap3A_518], %swap3A_521 {strides = array<i32>} : memref<200x64xf32, #tpu.memory_space<vmem>>, vector<1x16xf32>,
      %add3A_522 = arith.constant 1 : i32
      %add3A_523 = arith.addi %add3A_415, %add3A_522 : i32
      %get3A_524 = arith.index_cast %add3A_523 : i32 to index
      %get3A_525 = arith.constant 32 : index
      %get3A_526 = tpu.vector_load %arg9[%get3A_524, %get3A_525] {strides = array<i32>} : memref<200x64xf32, #tpu.memory_space<vmem>>, vector<1x16xf32>,
      %get3A_527 = vector.shape_cast %get3A_526 : vector<1x16xf32> to vector<16xf32>
      %add3A_528 = arith.constant 1 : i32
      %add3A_529 = arith.addi %add3A_415, %add3A_528 : i32
      %get3A_530 = arith.index_cast %add3A_529 : i32 to index
      %get3A_531 = arith.constant 32 : index
      %get3A_532 = tpu.vector_load %arg7[%get3A_530, %get3A_531] {strides = array<i32>} : memref<200x64xf32, #tpu.memory_space<vmem>>, vector<1x16xf32>,
      %get3A_533 = vector.shape_cast %get3A_532 : vector<1x16xf32> to vector<16xf32>
      %add3A_534 = arith.addf %get3A_527, %get3A_533 : vector<16xf32>
      %swap3A_535 = arith.index_cast %add3A_523 : i32 to index
      %swap3A_536 = arith.constant 32 : index
      %swap3A_537 = tpu.vector_load %arg9[%swap3A_535, %swap3A_536] {strides = array<i32>} : memref<200x64xf32, #tpu.memory_space<vmem>>, vector<1x16xf32>,
      %swap3A_538 = vector.shape_cast %swap3A_537 : vector<1x16xf32> to vector<16xf32>
      %swap3A_539 = vector.shape_cast %add3A_534 : vector<16xf32> to vector<1x16xf32>
      tpu.vector_store %arg9[%swap3A_535, %swap3A_536], %swap3A_539 {strides = array<i32>} : memref<200x64xf32, #tpu.memory_space<vmem>>, vector<1x16xf32>,
      %add3A_540 = arith.constant 1 : i32
      %add3A_541 = arith.addi %add3A_415, %add3A_540 : i32
      %get3A_542 = arith.index_cast %add3A_541 : i32 to index
      %get3A_543 = arith.constant 48 : index
      %get3A_544 = tpu.vector_load %arg9[%get3A_542, %get3A_543] {strides = array<i32>} : memref<200x64xf32, #tpu.memory_space<vmem>>, vector<1x16xf32>,
      %get3A_545 = vector.shape_cast %get3A_544 : vector<1x16xf32> to vector<16xf32>
      %add3A_546 = arith.constant 1 : i32
      %add3A_547 = arith.addi %add3A_415, %add3A_546 : i32
      %get3A_548 = arith.index_cast %add3A_547 : i32 to index
      %get3A_549 = arith.constant 48 : index
      %get3A_550 = tpu.vector_load %arg7[%get3A_548, %get3A_549] {strides = array<i32>} : memref<200x64xf32, #tpu.memory_space<vmem>>, vector<1x16xf32>,
      %get3A_551 = vector.shape_cast %get3A_550 : vector<1x16xf32> to vector<16xf32>
      %add3A_552 = arith.addf %get3A_545, %get3A_551 : vector<16xf32>
      %swap3A_553 = arith.index_cast %add3A_541 : i32 to index
      %swap3A_554 = arith.constant 48 : index
      %swap3A_555 = tpu.vector_load %arg9[%swap3A_553, %swap3A_554] {strides = array<i32>} : memref<200x64xf32, #tpu.memory_space<vmem>>, vector<1x16xf32>,
      %swap3A_556 = vector.shape_cast %swap3A_555 : vector<1x16xf32> to vector<16xf32>
      %swap3A_557 = vector.shape_cast %add3A_552 : vector<16xf32> to vector<1x16xf32>
      tpu.vector_store %arg9[%swap3A_553, %swap3A_554], %swap3A_557 {strides = array<i32>} : memref<200x64xf32, #tpu.memory_space<vmem>>, vector<1x16xf32>,
      %add3A_558 = arith.constant 2 : i32
      %add3A_559 = arith.addi %add3A_415, %add3A_558 : i32
      %get3A_560 = arith.index_cast %add3A_559 : i32 to index
      %get3A_561 = arith.constant 0 : index
      %get3A_562 = tpu.vector_load %arg9[%get3A_560, %get3A_561] {strides = array<i32>} : memref<200x64xf32, #tpu.memory_space<vmem>>, vector<1x16xf32>,
      %get3A_563 = vector.shape_cast %get3A_562 : vector<1x16xf32> to vector<16xf32>
      %add3A_564 = arith.constant 2 : i32
      %add3A_565 = arith.addi %add3A_415, %add3A_564 : i32
      %get3A_566 = arith.index_cast %add3A_565 : i32 to index
      %get3A_567 = arith.constant 0 : index
      %get3A_568 = tpu.vector_load %arg7[%get3A_566, %get3A_567] {strides = array<i32>} : memref<200x64xf32, #tpu.memory_space<vmem>>, vector<1x16xf32>,
      %get3A_569 = vector.shape_cast %get3A_568 : vector<1x16xf32> to vector<16xf32>
      %add3A_570 = arith.addf %get3A_563, %get3A_569 : vector<16xf32>
      %swap3A_571 = arith.index_cast %add3A_559 : i32 to index
      %swap3A_572 = arith.constant 0 : index
      %swap3A_573 = tpu.vector_load %arg9[%swap3A_571, %swap3A_572] {strides = array<i32>} : memref<200x64xf32, #tpu.memory_space<vmem>>, vector<1x16xf32>,
      %swap3A_574 = vector.shape_cast %swap3A_573 : vector<1x16xf32> to vector<16xf32>
      %swap3A_575 = vector.shape_cast %add3A_570 : vector<16xf32> to vector<1x16xf32>
      tpu.vector_store %arg9[%swap3A_571, %swap3A_572], %swap3A_575 {strides = array<i32>} : memref<200x64xf32, #tpu.memory_space<vmem>>, vector<1x16xf32>,
      %add3A_576 = arith.constant 2 : i32
      %add3A_577 = arith.addi %add3A_415, %add3A_576 : i32
      %get3A_578 = arith.index_cast %add3A_577 : i32 to index
      %get3A_579 = arith.constant 16 : index
      %get3A_580 = tpu.vector_load %arg9[%get3A_578, %get3A_579] {strides = array<i32>} : memref<200x64xf32, #tpu.memory_space<vmem>>, vector<1x16xf32>,
      %get3A_581 = vector.shape_cast %get3A_580 : vector<1x16xf32> to vector<16xf32>
      %add3A_582 = arith.constant 2 : i32
      %add3A_583 = arith.addi %add3A_415, %add3A_582 : i32
      %get3A_584 = arith.index_cast %add3A_583 : i32 to index
      %get3A_585 = arith.constant 16 : index
      %get3A_586 = tpu.vector_load %arg7[%get3A_584, %get3A_585] {strides = array<i32>} : memref<200x64xf32, #tpu.memory_space<vmem>>, vector<1x16xf32>,
      %get3A_587 = vector.shape_cast %get3A_586 : vector<1x16xf32> to vector<16xf32>
      %add3A_588 = arith.addf %get3A_581, %get3A_587 : vector<16xf32>
      %swap3A_589 = arith.index_cast %add3A_577 : i32 to index
      %swap3A_590 = arith.constant 16 : index
      %swap3A_591 = tpu.vector_load %arg9[%swap3A_589, %swap3A_590] {strides = array<i32>} : memref<200x64xf32, #tpu.memory_space<vmem>>, vector<1x16xf32>,
      %swap3A_592 = vector.shape_cast %swap3A_591 : vector<1x16xf32> to vector<16xf32>
      %swap3A_593 = vector.shape_cast %add3A_588 : vector<16xf32> to vector<1x16xf32>
      tpu.vector_store %arg9[%swap3A_589, %swap3A_590], %swap3A_593 {strides = array<i32>} : memref<200x64xf32, #tpu.memory_space<vmem>>, vector<1x16xf32>,
      %add3A_594 = arith.constant 2 : i32
      %add3A_595 = arith.addi %add3A_415, %add3A_594 : i32
      %get3A_596 = arith.index_cast %add3A_595 : i32 to index
      %get3A_597 = arith.constant 32 : index
      %get3A_598 = tpu.vector_load %arg9[%get3A_596, %get3A_597] {strides = array<i32>} : memref<200x64xf32, #tpu.memory_space<vmem>>, vector<1x16xf32>,
      %get3A_599 = vector.shape_cast %get3A_598 : vector<1x16xf32> to vector<16xf32>
      %add3A_600 = arith.constant 2 : i32
      %add3A_601 = arith.addi %add3A_415, %add3A_600 : i32
      %get3A_602 = arith.index_cast %add3A_601 : i32 to index
      %get3A_603 = arith.constant 32 : index
      %get3A_604 = tpu.vector_load %arg7[%get3A_602, %get3A_603] {strides = array<i32>} : memref<200x64xf32, #tpu.memory_space<vmem>>, vector<1x16xf32>,
      %get3A_605 = vector.shape_cast %get3A_604 : vector<1x16xf32> to vector<16xf32>
      %add3A_606 = arith.addf %get3A_599, %get3A_605 : vector<16xf32>
      %swap3A_607 = arith.index_cast %add3A_595 : i32 to index
      %swap3A_608 = arith.constant 32 : index
      %swap3A_609 = tpu.vector_load %arg9[%swap3A_607, %swap3A_608] {strides = array<i32>} : memref<200x64xf32, #tpu.memory_space<vmem>>, vector<1x16xf32>,
      %swap3A_610 = vector.shape_cast %swap3A_609 : vector<1x16xf32> to vector<16xf32>
      %swap3A_611 = vector.shape_cast %add3A_606 : vector<16xf32> to vector<1x16xf32>
      tpu.vector_store %arg9[%swap3A_607, %swap3A_608], %swap3A_611 {strides = array<i32>} : memref<200x64xf32, #tpu.memory_space<vmem>>, vector<1x16xf32>,
      %add3A_612 = arith.constant 2 : i32
      %add3A_613 = arith.addi %add3A_415, %add3A_612 : i32
      %get3A_614 = arith.index_cast %add3A_613 : i32 to index
      %get3A_615 = arith.constant 48 : index
      %get3A_616 = tpu.vector_load %arg9[%get3A_614, %get3A_615] {strides = array<i32>} : memref<200x64xf32, #tpu.memory_space<vmem>>, vector<1x16xf32>,
      %get3A_617 = vector.shape_cast %get3A_616 : vector<1x16xf32> to vector<16xf32>
      %add3A_618 = arith.constant 2 : i32
      %add3A_619 = arith.addi %add3A_415, %add3A_618 : i32
      %get3A_620 = arith.index_cast %add3A_619 : i32 to index
      %get3A_621 = arith.constant 48 : index
      %get3A_622 = tpu.vector_load %arg7[%get3A_620, %get3A_621] {strides = array<i32>} : memref<200x64xf32, #tpu.memory_space<vmem>>, vector<1x16xf32>,
      %get3A_623 = vector.shape_cast %get3A_622 : vector<1x16xf32> to vector<16xf32>
      %add3A_624 = arith.addf %get3A_617, %get3A_623 : vector<16xf32>
      %swap3A_625 = arith.index_cast %add3A_613 : i32 to index
      %swap3A_626 = arith.constant 48 : index
      %swap3A_627 = tpu.vector_load %arg9[%swap3A_625, %swap3A_626] {strides = array<i32>} : memref<200x64xf32, #tpu.memory_space<vmem>>, vector<1x16xf32>,
      %swap3A_628 = vector.shape_cast %swap3A_627 : vector<1x16xf32> to vector<16xf32>
      %swap3A_629 = vector.shape_cast %add3A_624 : vector<16xf32> to vector<1x16xf32>
      tpu.vector_store %arg9[%swap3A_625, %swap3A_626], %swap3A_629 {strides = array<i32>} : memref<200x64xf32, #tpu.memory_space<vmem>>, vector<1x16xf32>,
      %add3A_630 = arith.constant 3 : i32
      %add3A_631 = arith.addi %add3A_415, %add3A_630 : i32
      %get3A_632 = arith.index_cast %add3A_631 : i32 to index
      %get3A_633 = arith.constant 0 : index
      %get3A_634 = tpu.vector_load %arg9[%get3A_632, %get3A_633] {strides = array<i32>} : memref<200x64xf32, #tpu.memory_space<vmem>>, vector<1x16xf32>,
      %get3A_635 = vector.shape_cast %get3A_634 : vector<1x16xf32> to vector<16xf32>
      %add3A_636 = arith.constant 3 : i32
      %add3A_637 = arith.addi %add3A_415, %add3A_636 : i32
      %get3A_638 = arith.index_cast %add3A_637 : i32 to index
      %get3A_639 = arith.constant 0 : index
      %get3A_640 = tpu.vector_load %arg7[%get3A_638, %get3A_639] {strides = array<i32>} : memref<200x64xf32, #tpu.memory_space<vmem>>, vector<1x16xf32>,
      %get3A_641 = vector.shape_cast %get3A_640 : vector<1x16xf32> to vector<16xf32>
      %add3A_642 = arith.addf %get3A_635, %get3A_641 : vector<16xf32>
      %swap3A_643 = arith.index_cast %add3A_631 : i32 to index
      %swap3A_644 = arith.constant 0 : index
      %swap3A_645 = tpu.vector_load %arg9[%swap3A_643, %swap3A_644] {strides = array<i32>} : memref<200x64xf32, #tpu.memory_space<vmem>>, vector<1x16xf32>,
      %swap3A_646 = vector.shape_cast %swap3A_645 : vector<1x16xf32> to vector<16xf32>
      %swap3A_647 = vector.shape_cast %add3A_642 : vector<16xf32> to vector<1x16xf32>
      tpu.vector_store %arg9[%swap3A_643, %swap3A_644], %swap3A_647 {strides = array<i32>} : memref<200x64xf32, #tpu.memory_space<vmem>>, vector<1x16xf32>,
      %add3A_648 = arith.constant 3 : i32
      %add3A_649 = arith.addi %add3A_415, %add3A_648 : i32
      %get3A_650 = arith.index_cast %add3A_649 : i32 to index
      %get3A_651 = arith.constant 16 : index
      %get3A_652 = tpu.vector_load %arg9[%get3A_650, %get3A_651] {strides = array<i32>} : memref<200x64xf32, #tpu.memory_space<vmem>>, vector<1x16xf32>,
      %get3A_653 = vector.shape_cast %get3A_652 : vector<1x16xf32> to vector<16xf32>
      %add3A_654 = arith.constant 3 : i32
      %add3A_655 = arith.addi %add3A_415, %add3A_654 : i32
      %get3A_656 = arith.index_cast %add3A_655 : i32 to index
      %get3A_657 = arith.constant 16 : index
      %get3A_658 = tpu.vector_load %arg7[%get3A_656, %get3A_657] {strides = array<i32>} : memref<200x64xf32, #tpu.memory_space<vmem>>, vector<1x16xf32>,
      %get3A_659 = vector.shape_cast %get3A_658 : vector<1x16xf32> to vector<16xf32>
      %add3A_660 = arith.addf %get3A_653, %get3A_659 : vector<16xf32>
      %swap3A_661 = arith.index_cast %add3A_649 : i32 to index
      %swap3A_662 = arith.constant 16 : index
      %swap3A_663 = tpu.vector_load %arg9[%swap3A_661, %swap3A_662] {strides = array<i32>} : memref<200x64xf32, #tpu.memory_space<vmem>>, vector<1x16xf32>,
      %swap3A_664 = vector.shape_cast %swap3A_663 : vector<1x16xf32> to vector<16xf32>
      %swap3A_665 = vector.shape_cast %add3A_660 : vector<16xf32> to vector<1x16xf32>
      tpu.vector_store %arg9[%swap3A_661, %swap3A_662], %swap3A_665 {strides = array<i32>} : memref<200x64xf32, #tpu.memory_space<vmem>>, vector<1x16xf32>,
      %add3A_666 = arith.constant 3 : i32
      %add3A_667 = arith.addi %add3A_415, %add3A_666 : i32
      %get3A_668 = arith.index_cast %add3A_667 : i32 to index
      %get3A_669 = arith.constant 32 : index
      %get3A_670 = tpu.vector_load %arg9[%get3A_668, %get3A_669] {strides = array<i32>} : memref<200x64xf32, #tpu.memory_space<vmem>>, vector<1x16xf32>,
      %get3A_671 = vector.shape_cast %get3A_670 : vector<1x16xf32> to vector<16xf32>
      %add3A_672 = arith.constant 3 : i32
      %add3A_673 = arith.addi %add3A_415, %add3A_672 : i32
      %get3A_674 = arith.index_cast %add3A_673 : i32 to index
      %get3A_675 = arith.constant 32 : index
      %get3A_676 = tpu.vector_load %arg7[%get3A_674, %get3A_675] {strides = array<i32>} : memref<200x64xf32, #tpu.memory_space<vmem>>, vector<1x16xf32>,
      %get3A_677 = vector.shape_cast %get3A_676 : vector<1x16xf32> to vector<16xf32>
      %add3A_678 = arith.addf %get3A_671, %get3A_677 : vector<16xf32>
      %swap3A_679 = arith.index_cast %add3A_667 : i32 to index
      %swap3A_680 = arith.constant 32 : index
      %swap3A_681 = tpu.vector_load %arg9[%swap3A_679, %swap3A_680] {strides = array<i32>} : memref<200x64xf32, #tpu.memory_space<vmem>>, vector<1x16xf32>,
      %swap3A_682 = vector.shape_cast %swap3A_681 : vector<1x16xf32> to vector<16xf32>
      %swap3A_683 = vector.shape_cast %add3A_678 : vector<16xf32> to vector<1x16xf32>
      tpu.vector_store %arg9[%swap3A_679, %swap3A_680], %swap3A_683 {strides = array<i32>} : memref<200x64xf32, #tpu.memory_space<vmem>>, vector<1x16xf32>,
      %add3A_684 = arith.constant 3 : i32
      %add3A_685 = arith.addi %add3A_415, %add3A_684 : i32
      %get3A_686 = arith.index_cast %add3A_685 : i32 to index
      %get3A_687 = arith.constant 48 : index
      %get3A_688 = tpu.vector_load %arg9[%get3A_686, %get3A_687] {strides = array<i32>} : memref<200x64xf32, #tpu.memory_space<vmem>>, vector<1x16xf32>,
      %get3A_689 = vector.shape_cast %get3A_688 : vector<1x16xf32> to vector<16xf32>
      %add3A_690 = arith.constant 3 : i32
      %add3A_691 = arith.addi %add3A_415, %add3A_690 : i32
      %get3A_692 = arith.index_cast %add3A_691 : i32 to index
      %get3A_693 = arith.constant 48 : index
      %get3A_694 = tpu.vector_load %arg7[%get3A_692, %get3A_693] {strides = array<i32>} : memref<200x64xf32, #tpu.memory_space<vmem>>, vector<1x16xf32>,
      %get3A_695 = vector.shape_cast %get3A_694 : vector<1x16xf32> to vector<16xf32>
      %add3A_696 = arith.addf %get3A_689, %get3A_695 : vector<16xf32>
      %swap3A_697 = arith.index_cast %add3A_685 : i32 to index
      %swap3A_698 = arith.constant 48 : index
      %swap3A_699 = tpu.vector_load %arg9[%swap3A_697, %swap3A_698] {strides = array<i32>} : memref<200x64xf32, #tpu.memory_space<vmem>>, vector<1x16xf32>,
      %swap3A_700 = vector.shape_cast %swap3A_699 : vector<1x16xf32> to vector<16xf32>
      %swap3A_701 = vector.shape_cast %add3A_696 : vector<16xf32> to vector<1x16xf32>
      tpu.vector_store %arg9[%swap3A_697, %swap3A_698], %swap3A_701 {strides = array<i32>} : memref<200x64xf32, #tpu.memory_space<vmem>>, vector<1x16xf32>,
    }
    %scan3A_119 = arith.constant 50 : i32
    %mul3A_120 = arith.constant 128 : i32
    %mul3A_121 = arith.muli %add3A, %mul3A_120 : i32
    %add3A_122 = arith.constant 1 : i32
    %add3A_123 = arith.addi %mul3A_121, %add3A_122 : i32
    %dma_start3A_124 = arith.constant 0 : i32
    %dma_start3A_125 = arith.constant 0 : i32
    %dma_start3A_126 = tpu.memref_slice %arg5[%add3A_123, %dma_start3A_124, %dma_start3A_125] : memref<4096x200x64xf32, #tpu.memory_space<hbm>> -> memref<1x200x64xf32, #tpu.memory_space<hbm>>
    %dma_start3A_127 = tpu.memref_squeeze %dma_start3A_126 : memref<1x200x64xf32, #tpu.memory_space<hbm>> -> memref<200x64xf32, #tpu.memory_space<hbm>>
    %dma_start3A_128 = arith.constant 0 : i32
    %dma_start3A_129 = arith.constant 0 : i32
    %dma_start3A_130 = tpu.memref_slice %arg5[%add3A_123, %dma_start3A_128, %dma_start3A_129] : memref<4096x200x64xf32, #tpu.memory_space<hbm>> -> memref<1x200x64xf32, #tpu.memory_space<hbm>>
    %dma_start3A_131 = tpu.memref_squeeze %dma_start3A_130 : memref<1x200x64xf32, #tpu.memory_space<hbm>> -> memref<200x64xf32, #tpu.memory_space<hbm>>
    tpu.enqueue_dma source(%arg9 : memref<200x64xf32, #tpu.memory_space<vmem>>) target(%dma_start3A_131 : memref<200x64xf32, #tpu.memory_space<hbm>>) target_semaphore(%arg17 : memref<!tpu.dma_semaphore, #tpu.memory_space<semaphore_mem>>)
    %dma_wait3A_132 = arith.constant 0 : i32
    %dma_wait3A_133 = arith.constant 0 : i32
    %dma_wait3A_134 = tpu.memref_slice %arg3[%dma_wait3A_132, %dma_wait3A_133] : memref<1000000x64xf32, #tpu.memory_space<hbm>> -> memref<200x64xf32, #tpu.memory_space<hbm>>
    %dma_wait3A_135 = arith.constant 0 : i32
    %dma_wait3A_136 = arith.constant 0 : i32
    %dma_wait3A_137 = tpu.memref_slice %arg3[%dma_wait3A_135, %dma_wait3A_136] : memref<1000000x64xf32, #tpu.memory_space<hbm>> -> memref<200x64xf32, #tpu.memory_space<hbm>>
    tpu.wait_dma2 semaphore(%arg16 : memref<!tpu.dma_semaphore, #tpu.memory_space<semaphore_mem>>) src(%dma_wait3A_137 : memref<200x64xf32, #tpu.memory_space<hbm>>) dst(%arg8 : memref<200x64xf32, #tpu.memory_space<vmem>>)
    %dma_start3A_138 = arith.constant 4 : i32
    %dma_start3A_139 = arith.constant 0 : i32
    %dma_start3A_140 = arith.constant 0 : i32
    %dma_start3A_141 = arith.constant 0 : i32
    %dma_start3A_142 = tpu.memref_slice %arg8[%dma_start3A_140, %dma_start3A_141] : memref<200x64xf32, #tpu.memory_space<vmem>> -> memref<100x64xf32, #tpu.memory_space<vmem>>
    %dma_start3A_143 = arith.constant 0 : i32
    %dma_start3A_144 = tpu.memref_slice %arg6[%dma_start3A_138, %dma_start3A_139, %dma_start3A_143] : memref<128x2x100xi32, #tpu.memory_space<vmem>> -> memref<1x1x100xi32, #tpu.memory_space<vmem>>
    %dma_start3A_145 = tpu.memref_squeeze %dma_start3A_144 : memref<1x1x100xi32, #tpu.memory_space<vmem>> -> memref<100xi32, #tpu.memory_space<vmem>>
    %dma_start3A_146 = arith.constant 0 : i32
    %dma_start3A_147 = arith.constant 0 : i32
    %dma_start3A_148 = tpu.memref_slice %arg3[%dma_start3A_146, %dma_start3A_147] : memref<1000000x64xf32, #tpu.memory_space<hbm>> -> memref<1000000x64xf32, #tpu.memory_space<hbm>>
    tpu.enqueue_indirect_dma source(%dma_start3A_148 : memref<1000000x64xf32, #tpu.memory_space<hbm>>) target(%dma_start3A_142 : memref<100x64xf32, #tpu.memory_space<vmem>>) offsets(%dma_start3A_145 : memref<100xi32, #tpu.memory_space<vmem>>) semaphore(%arg12 : memref<!tpu.dma_semaphore, #tpu.memory_space<semaphore_mem>>)
    %dma_start3A_149 = arith.constant 4 : i32
    %dma_start3A_150 = arith.constant 1 : i32
    %dma_start3A_151 = arith.constant 100 : i32
    %dma_start3A_152 = arith.constant 0 : i32
    %dma_start3A_153 = tpu.memref_slice %arg8[%dma_start3A_151, %dma_start3A_152] : memref<200x64xf32, #tpu.memory_space<vmem>> -> memref<100x64xf32, #tpu.memory_space<vmem>>
    %dma_start3A_154 = arith.constant 0 : i32
    %dma_start3A_155 = tpu.memref_slice %arg6[%dma_start3A_149, %dma_start3A_150, %dma_start3A_154] : memref<128x2x100xi32, #tpu.memory_space<vmem>> -> memref<1x1x100xi32, #tpu.memory_space<vmem>>
    %dma_start3A_156 = tpu.memref_squeeze %dma_start3A_155 : memref<1x1x100xi32, #tpu.memory_space<vmem>> -> memref<100xi32, #tpu.memory_space<vmem>>
    %dma_start3A_157 = arith.constant 0 : i32
    %dma_start3A_158 = arith.constant 0 : i32
    %dma_start3A_159 = tpu.memref_slice %arg3[%dma_start3A_157, %dma_start3A_158] : memref<1000000x64xf32, #tpu.memory_space<hbm>> -> memref<1000000x64xf32, #tpu.memory_space<hbm>>
    tpu.enqueue_indirect_dma source(%dma_start3A_159 : memref<1000000x64xf32, #tpu.memory_space<hbm>>) target(%dma_start3A_153 : memref<100x64xf32, #tpu.memory_space<vmem>>) offsets(%dma_start3A_156 : memref<100xi32, #tpu.memory_space<vmem>>) semaphore(%arg12 : memref<!tpu.dma_semaphore, #tpu.memory_space<semaphore_mem>>)
    %dma_wait3A_160 = arith.constant 0 : i32
    %dma_wait3A_161 = arith.constant 0 : i32
    %dma_wait3A_162 = tpu.memref_slice %arg3[%dma_wait3A_160, %dma_wait3A_161] : memref<1000000x64xf32, #tpu.memory_space<hbm>> -> memref<200x64xf32, #tpu.memory_space<hbm>>
    %dma_wait3A_163 = arith.constant 0 : i32
    %dma_wait3A_164 = arith.constant 0 : i32
    %dma_wait3A_165 = tpu.memref_slice %arg3[%dma_wait3A_163, %dma_wait3A_164] : memref<1000000x64xf32, #tpu.memory_space<hbm>> -> memref<200x64xf32, #tpu.memory_space<hbm>>
    tpu.wait_dma2 semaphore(%arg14 : memref<!tpu.dma_semaphore, #tpu.memory_space<semaphore_mem>>) src(%dma_wait3A_165 : memref<200x64xf32, #tpu.memory_space<hbm>>) dst(%arg10 : memref<200x64xf32, #tpu.memory_space<vmem>>)
    %scan3A_166 = arith.constant 0 : i32
    %scan3A_167 = arith.constant 50 : i32
    %scan3A_168 = arith.addi %scan3A_166, %scan3A_167 : i32
    %scan3A_169 = arith.constant 1 : i32
    scf.for %scan3A_411 = %scan3A_166 to %scan3A_168 step %scan3A_169  : i32 {
      %mul3A_412 = arith.constant 4 : i32
      %mul3A_413 = arith.muli %scan3A_411, %mul3A_412 : i32
      %add3A_414 = arith.constant 0 : i32
      %add3A_415 = arith.addi %add3A_414, %mul3A_413 : i32
      %add3A_416 = arith.constant 0 : i32
      %add3A_417 = arith.addi %add3A_415, %add3A_416 : i32
      %get3A = arith.index_cast %add3A_417 : i32 to index
      %get3A_418 = arith.constant 0 : index
      %get3A_419 = tpu.vector_load %arg10[%get3A, %get3A_418] {strides = array<i32>} : memref<200x64xf32, #tpu.memory_space<vmem>>, vector<1x16xf32>,
      %get3A_420 = vector.shape_cast %get3A_419 : vector<1x16xf32> to vector<16xf32>
      %add3A_421 = arith.constant 0 : i32
      %add3A_422 = arith.addi %add3A_415, %add3A_421 : i32
      %get3A_423 = arith.index_cast %add3A_422 : i32 to index
      %get3A_424 = arith.constant 0 : index
      %get3A_425 = tpu.vector_load %arg7[%get3A_423, %get3A_424] {strides = array<i32>} : memref<200x64xf32, #tpu.memory_space<vmem>>, vector<1x16xf32>,
      %get3A_426 = vector.shape_cast %get3A_425 : vector<1x16xf32> to vector<16xf32>
      %add3A_427 = arith.addf %get3A_420, %get3A_426 : vector<16xf32>
      %swap3A = arith.index_cast %add3A_417 : i32 to index
      %swap3A_428 = arith.constant 0 : index
      %swap3A_429 = tpu.vector_load %arg10[%swap3A, %swap3A_428] {strides = array<i32>} : memref<200x64xf32, #tpu.memory_space<vmem>>, vector<1x16xf32>,
      %swap3A_430 = vector.shape_cast %swap3A_429 : vector<1x16xf32> to vector<16xf32>
      %swap3A_431 = vector.shape_cast %add3A_427 : vector<16xf32> to vector<1x16xf32>
      tpu.vector_store %arg10[%swap3A, %swap3A_428], %swap3A_431 {strides = array<i32>} : memref<200x64xf32, #tpu.memory_space<vmem>>, vector<1x16xf32>,
      %add3A_432 = arith.constant 0 : i32
      %add3A_433 = arith.addi %add3A_415, %add3A_432 : i32
      %get3A_434 = arith.index_cast %add3A_433 : i32 to index
      %get3A_435 = arith.constant 16 : index
      %get3A_436 = tpu.vector_load %arg10[%get3A_434, %get3A_435] {strides = array<i32>} : memref<200x64xf32, #tpu.memory_space<vmem>>, vector<1x16xf32>,
      %get3A_437 = vector.shape_cast %get3A_436 : vector<1x16xf32> to vector<16xf32>
      %add3A_438 = arith.constant 0 : i32
      %add3A_439 = arith.addi %add3A_415, %add3A_438 : i32
      %get3A_440 = arith.index_cast %add3A_439 : i32 to index
      %get3A_441 = arith.constant 16 : index
      %get3A_442 = tpu.vector_load %arg7[%get3A_440, %get3A_441] {strides = array<i32>} : memref<200x64xf32, #tpu.memory_space<vmem>>, vector<1x16xf32>,
      %get3A_443 = vector.shape_cast %get3A_442 : vector<1x16xf32> to vector<16xf32>
      %add3A_444 = arith.addf %get3A_437, %get3A_443 : vector<16xf32>
      %swap3A_445 = arith.index_cast %add3A_433 : i32 to index
      %swap3A_446 = arith.constant 16 : index
      %swap3A_447 = tpu.vector_load %arg10[%swap3A_445, %swap3A_446] {strides = array<i32>} : memref<200x64xf32, #tpu.memory_space<vmem>>, vector<1x16xf32>,
      %swap3A_448 = vector.shape_cast %swap3A_447 : vector<1x16xf32> to vector<16xf32>
      %swap3A_449 = vector.shape_cast %add3A_444 : vector<16xf32> to vector<1x16xf32>
      tpu.vector_store %arg10[%swap3A_445, %swap3A_446], %swap3A_449 {strides = array<i32>} : memref<200x64xf32, #tpu.memory_space<vmem>>, vector<1x16xf32>,
      %add3A_450 = arith.constant 0 : i32
      %add3A_451 = arith.addi %add3A_415, %add3A_450 : i32
      %get3A_452 = arith.index_cast %add3A_451 : i32 to index
      %get3A_453 = arith.constant 32 : index
      %get3A_454 = tpu.vector_load %arg10[%get3A_452, %get3A_453] {strides = array<i32>} : memref<200x64xf32, #tpu.memory_space<vmem>>, vector<1x16xf32>,
      %get3A_455 = vector.shape_cast %get3A_454 : vector<1x16xf32> to vector<16xf32>
      %add3A_456 = arith.constant 0 : i32
      %add3A_457 = arith.addi %add3A_415, %add3A_456 : i32
      %get3A_458 = arith.index_cast %add3A_457 : i32 to index
      %get3A_459 = arith.constant 32 : index
      %get3A_460 = tpu.vector_load %arg7[%get3A_458, %get3A_459] {strides = array<i32>} : memref<200x64xf32, #tpu.memory_space<vmem>>, vector<1x16xf32>,
      %get3A_461 = vector.shape_cast %get3A_460 : vector<1x16xf32> to vector<16xf32>
      %add3A_462 = arith.addf %get3A_455, %get3A_461 : vector<16xf32>
      %swap3A_463 = arith.index_cast %add3A_451 : i32 to index
      %swap3A_464 = arith.constant 32 : index
      %swap3A_465 = tpu.vector_load %arg10[%swap3A_463, %swap3A_464] {strides = array<i32>} : memref<200x64xf32, #tpu.memory_space<vmem>>, vector<1x16xf32>,
      %swap3A_466 = vector.shape_cast %swap3A_465 : vector<1x16xf32> to vector<16xf32>
      %swap3A_467 = vector.shape_cast %add3A_462 : vector<16xf32> to vector<1x16xf32>
      tpu.vector_store %arg10[%swap3A_463, %swap3A_464], %swap3A_467 {strides = array<i32>} : memref<200x64xf32, #tpu.memory_space<vmem>>, vector<1x16xf32>,
      %add3A_468 = arith.constant 0 : i32
      %add3A_469 = arith.addi %add3A_415, %add3A_468 : i32
      %get3A_470 = arith.index_cast %add3A_469 : i32 to index
      %get3A_471 = arith.constant 48 : index
      %get3A_472 = tpu.vector_load %arg10[%get3A_470, %get3A_471] {strides = array<i32>} : memref<200x64xf32, #tpu.memory_space<vmem>>, vector<1x16xf32>,
      %get3A_473 = vector.shape_cast %get3A_472 : vector<1x16xf32> to vector<16xf32>
      %add3A_474 = arith.constant 0 : i32
      %add3A_475 = arith.addi %add3A_415, %add3A_474 : i32
      %get3A_476 = arith.index_cast %add3A_475 : i32 to index
      %get3A_477 = arith.constant 48 : index
      %get3A_478 = tpu.vector_load %arg7[%get3A_476, %get3A_477] {strides = array<i32>} : memref<200x64xf32, #tpu.memory_space<vmem>>, vector<1x16xf32>,
      %get3A_479 = vector.shape_cast %get3A_478 : vector<1x16xf32> to vector<16xf32>
      %add3A_480 = arith.addf %get3A_473, %get3A_479 : vector<16xf32>
      %swap3A_481 = arith.index_cast %add3A_469 : i32 to index
      %swap3A_482 = arith.constant 48 : index
      %swap3A_483 = tpu.vector_load %arg10[%swap3A_481, %swap3A_482] {strides = array<i32>} : memref<200x64xf32, #tpu.memory_space<vmem>>, vector<1x16xf32>,
      %swap3A_484 = vector.shape_cast %swap3A_483 : vector<1x16xf32> to vector<16xf32>
      %swap3A_485 = vector.shape_cast %add3A_480 : vector<16xf32> to vector<1x16xf32>
      tpu.vector_store %arg10[%swap3A_481, %swap3A_482], %swap3A_485 {strides = array<i32>} : memref<200x64xf32, #tpu.memory_space<vmem>>, vector<1x16xf32>,
      %add3A_486 = arith.constant 1 : i32
      %add3A_487 = arith.addi %add3A_415, %add3A_486 : i32
      %get3A_488 = arith.index_cast %add3A_487 : i32 to index
      %get3A_489 = arith.constant 0 : index
      %get3A_490 = tpu.vector_load %arg10[%get3A_488, %get3A_489] {strides = array<i32>} : memref<200x64xf32, #tpu.memory_space<vmem>>, vector<1x16xf32>,
      %get3A_491 = vector.shape_cast %get3A_490 : vector<1x16xf32> to vector<16xf32>
      %add3A_492 = arith.constant 1 : i32
      %add3A_493 = arith.addi %add3A_415, %add3A_492 : i32
      %get3A_494 = arith.index_cast %add3A_493 : i32 to index
      %get3A_495 = arith.constant 0 : index
      %get3A_496 = tpu.vector_load %arg7[%get3A_494, %get3A_495] {strides = array<i32>} : memref<200x64xf32, #tpu.memory_space<vmem>>, vector<1x16xf32>,
      %get3A_497 = vector.shape_cast %get3A_496 : vector<1x16xf32> to vector<16xf32>
      %add3A_498 = arith.addf %get3A_491, %get3A_497 : vector<16xf32>
      %swap3A_499 = arith.index_cast %add3A_487 : i32 to index
      %swap3A_500 = arith.constant 0 : index
      %swap3A_501 = tpu.vector_load %arg10[%swap3A_499, %swap3A_500] {strides = array<i32>} : memref<200x64xf32, #tpu.memory_space<vmem>>, vector<1x16xf32>,
      %swap3A_502 = vector.shape_cast %swap3A_501 : vector<1x16xf32> to vector<16xf32>
      %swap3A_503 = vector.shape_cast %add3A_498 : vector<16xf32> to vector<1x16xf32>
      tpu.vector_store %arg10[%swap3A_499, %swap3A_500], %swap3A_503 {strides = array<i32>} : memref<200x64xf32, #tpu.memory_space<vmem>>, vector<1x16xf32>,
      %add3A_504 = arith.constant 1 : i32
      %add3A_505 = arith.addi %add3A_415, %add3A_504 : i32
      %get3A_506 = arith.index_cast %add3A_505 : i32 to index
      %get3A_507 = arith.constant 16 : index
      %get3A_508 = tpu.vector_load %arg10[%get3A_506, %get3A_507] {strides = array<i32>} : memref<200x64xf32, #tpu.memory_space<vmem>>, vector<1x16xf32>,
      %get3A_509 = vector.shape_cast %get3A_508 : vector<1x16xf32> to vector<16xf32>
      %add3A_510 = arith.constant 1 : i32
      %add3A_511 = arith.addi %add3A_415, %add3A_510 : i32
      %get3A_512 = arith.index_cast %add3A_511 : i32 to index
      %get3A_513 = arith.constant 16 : index
      %get3A_514 = tpu.vector_load %arg7[%get3A_512, %get3A_513] {strides = array<i32>} : memref<200x64xf32, #tpu.memory_space<vmem>>, vector<1x16xf32>,
      %get3A_515 = vector.shape_cast %get3A_514 : vector<1x16xf32> to vector<16xf32>
      %add3A_516 = arith.addf %get3A_509, %get3A_515 : vector<16xf32>
      %swap3A_517 = arith.index_cast %add3A_505 : i32 to index
      %swap3A_518 = arith.constant 16 : index
      %swap3A_519 = tpu.vector_load %arg10[%swap3A_517, %swap3A_518] {strides = array<i32>} : memref<200x64xf32, #tpu.memory_space<vmem>>, vector<1x16xf32>,
      %swap3A_520 = vector.shape_cast %swap3A_519 : vector<1x16xf32> to vector<16xf32>
      %swap3A_521 = vector.shape_cast %add3A_516 : vector<16xf32> to vector<1x16xf32>
      tpu.vector_store %arg10[%swap3A_517, %swap3A_518], %swap3A_521 {strides = array<i32>} : memref<200x64xf32, #tpu.memory_space<vmem>>, vector<1x16xf32>,
      %add3A_522 = arith.constant 1 : i32
      %add3A_523 = arith.addi %add3A_415, %add3A_522 : i32
      %get3A_524 = arith.index_cast %add3A_523 : i32 to index
      %get3A_525 = arith.constant 32 : index
      %get3A_526 = tpu.vector_load %arg10[%get3A_524, %get3A_525] {strides = array<i32>} : memref<200x64xf32, #tpu.memory_space<vmem>>, vector<1x16xf32>,
      %get3A_527 = vector.shape_cast %get3A_526 : vector<1x16xf32> to vector<16xf32>
      %add3A_528 = arith.constant 1 : i32
      %add3A_529 = arith.addi %add3A_415, %add3A_528 : i32
      %get3A_530 = arith.index_cast %add3A_529 : i32 to index
      %get3A_531 = arith.constant 32 : index
      %get3A_532 = tpu.vector_load %arg7[%get3A_530, %get3A_531] {strides = array<i32>} : memref<200x64xf32, #tpu.memory_space<vmem>>, vector<1x16xf32>,
      %get3A_533 = vector.shape_cast %get3A_532 : vector<1x16xf32> to vector<16xf32>
      %add3A_534 = arith.addf %get3A_527, %get3A_533 : vector<16xf32>
      %swap3A_535 = arith.index_cast %add3A_523 : i32 to index
      %swap3A_536 = arith.constant 32 : index
      %swap3A_537 = tpu.vector_load %arg10[%swap3A_535, %swap3A_536] {strides = array<i32>} : memref<200x64xf32, #tpu.memory_space<vmem>>, vector<1x16xf32>,
      %swap3A_538 = vector.shape_cast %swap3A_537 : vector<1x16xf32> to vector<16xf32>
      %swap3A_539 = vector.shape_cast %add3A_534 : vector<16xf32> to vector<1x16xf32>
      tpu.vector_store %arg10[%swap3A_535, %swap3A_536], %swap3A_539 {strides = array<i32>} : memref<200x64xf32, #tpu.memory_space<vmem>>, vector<1x16xf32>,
      %add3A_540 = arith.constant 1 : i32
      %add3A_541 = arith.addi %add3A_415, %add3A_540 : i32
      %get3A_542 = arith.index_cast %add3A_541 : i32 to index
      %get3A_543 = arith.constant 48 : index
      %get3A_544 = tpu.vector_load %arg10[%get3A_542, %get3A_543] {strides = array<i32>} : memref<200x64xf32, #tpu.memory_space<vmem>>, vector<1x16xf32>,
      %get3A_545 = vector.shape_cast %get3A_544 : vector<1x16xf32> to vector<16xf32>
      %add3A_546 = arith.constant 1 : i32
      %add3A_547 = arith.addi %add3A_415, %add3A_546 : i32
      %get3A_548 = arith.index_cast %add3A_547 : i32 to index
      %get3A_549 = arith.constant 48 : index
      %get3A_550 = tpu.vector_load %arg7[%get3A_548, %get3A_549] {strides = array<i32>} : memref<200x64xf32, #tpu.memory_space<vmem>>, vector<1x16xf32>,
      %get3A_551 = vector.shape_cast %get3A_550 : vector<1x16xf32> to vector<16xf32>
      %add3A_552 = arith.addf %get3A_545, %get3A_551 : vector<16xf32>
      %swap3A_553 = arith.index_cast %add3A_541 : i32 to index
      %swap3A_554 = arith.constant 48 : index
      %swap3A_555 = tpu.vector_load %arg10[%swap3A_553, %swap3A_554] {strides = array<i32>} : memref<200x64xf32, #tpu.memory_space<vmem>>, vector<1x16xf32>,
      %swap3A_556 = vector.shape_cast %swap3A_555 : vector<1x16xf32> to vector<16xf32>
      %swap3A_557 = vector.shape_cast %add3A_552 : vector<16xf32> to vector<1x16xf32>
      tpu.vector_store %arg10[%swap3A_553, %swap3A_554], %swap3A_557 {strides = array<i32>} : memref<200x64xf32, #tpu.memory_space<vmem>>, vector<1x16xf32>,
      %add3A_558 = arith.constant 2 : i32
      %add3A_559 = arith.addi %add3A_415, %add3A_558 : i32
      %get3A_560 = arith.index_cast %add3A_559 : i32 to index
      %get3A_561 = arith.constant 0 : index
      %get3A_562 = tpu.vector_load %arg10[%get3A_560, %get3A_561] {strides = array<i32>} : memref<200x64xf32, #tpu.memory_space<vmem>>, vector<1x16xf32>,
      %get3A_563 = vector.shape_cast %get3A_562 : vector<1x16xf32> to vector<16xf32>
      %add3A_564 = arith.constant 2 : i32
      %add3A_565 = arith.addi %add3A_415, %add3A_564 : i32
      %get3A_566 = arith.index_cast %add3A_565 : i32 to index
      %get3A_567 = arith.constant 0 : index
      %get3A_568 = tpu.vector_load %arg7[%get3A_566, %get3A_567] {strides = array<i32>} : memref<200x64xf32, #tpu.memory_space<vmem>>, vector<1x16xf32>,
      %get3A_569 = vector.shape_cast %get3A_568 : vector<1x16xf32> to vector<16xf32>
      %add3A_570 = arith.addf %get3A_563, %get3A_569 : vector<16xf32>
      %swap3A_571 = arith.index_cast %add3A_559 : i32 to index
      %swap3A_572 = arith.constant 0 : index
      %swap3A_573 = tpu.vector_load %arg10[%swap3A_571, %swap3A_572] {strides = array<i32>} : memref<200x64xf32, #tpu.memory_space<vmem>>, vector<1x16xf32>,
      %swap3A_574 = vector.shape_cast %swap3A_573 : vector<1x16xf32> to vector<16xf32>
      %swap3A_575 = vector.shape_cast %add3A_570 : vector<16xf32> to vector<1x16xf32>
      tpu.vector_store %arg10[%swap3A_571, %swap3A_572], %swap3A_575 {strides = array<i32>} : memref<200x64xf32, #tpu.memory_space<vmem>>, vector<1x16xf32>,
      %add3A_576 = arith.constant 2 : i32
      %add3A_577 = arith.addi %add3A_415, %add3A_576 : i32
      %get3A_578 = arith.index_cast %add3A_577 : i32 to index
      %get3A_579 = arith.constant 16 : index
      %get3A_580 = tpu.vector_load %arg10[%get3A_578, %get3A_579] {strides = array<i32>} : memref<200x64xf32, #tpu.memory_space<vmem>>, vector<1x16xf32>,
      %get3A_581 = vector.shape_cast %get3A_580 : vector<1x16xf32> to vector<16xf32>
      %add3A_582 = arith.constant 2 : i32
      %add3A_583 = arith.addi %add3A_415, %add3A_582 : i32
      %get3A_584 = arith.index_cast %add3A_583 : i32 to index
      %get3A_585 = arith.constant 16 : index
      %get3A_586 = tpu.vector_load %arg7[%get3A_584, %get3A_585] {strides = array<i32>} : memref<200x64xf32, #tpu.memory_space<vmem>>, vector<1x16xf32>,
      %get3A_587 = vector.shape_cast %get3A_586 : vector<1x16xf32> to vector<16xf32>
      %add3A_588 = arith.addf %get3A_581, %get3A_587 : vector<16xf32>
      %swap3A_589 = arith.index_cast %add3A_577 : i32 to index
      %swap3A_590 = arith.constant 16 : index
      %swap3A_591 = tpu.vector_load %arg10[%swap3A_589, %swap3A_590] {strides = array<i32>} : memref<200x64xf32, #tpu.memory_space<vmem>>, vector<1x16xf32>,
      %swap3A_592 = vector.shape_cast %swap3A_591 : vector<1x16xf32> to vector<16xf32>
      %swap3A_593 = vector.shape_cast %add3A_588 : vector<16xf32> to vector<1x16xf32>
      tpu.vector_store %arg10[%swap3A_589, %swap3A_590], %swap3A_593 {strides = array<i32>} : memref<200x64xf32, #tpu.memory_space<vmem>>, vector<1x16xf32>,
      %add3A_594 = arith.constant 2 : i32
      %add3A_595 = arith.addi %add3A_415, %add3A_594 : i32
      %get3A_596 = arith.index_cast %add3A_595 : i32 to index
      %get3A_597 = arith.constant 32 : index
      %get3A_598 = tpu.vector_load %arg10[%get3A_596, %get3A_597] {strides = array<i32>} : memref<200x64xf32, #tpu.memory_space<vmem>>, vector<1x16xf32>,
      %get3A_599 = vector.shape_cast %get3A_598 : vector<1x16xf32> to vector<16xf32>
      %add3A_600 = arith.constant 2 : i32
      %add3A_601 = arith.addi %add3A_415, %add3A_600 : i32
      %get3A_602 = arith.index_cast %add3A_601 : i32 to index
      %get3A_603 = arith.constant 32 : index
      %get3A_604 = tpu.vector_load %arg7[%get3A_602, %get3A_603] {strides = array<i32>} : memref<200x64xf32, #tpu.memory_space<vmem>>, vector<1x16xf32>,
      %get3A_605 = vector.shape_cast %get3A_604 : vector<1x16xf32> to vector<16xf32>
      %add3A_606 = arith.addf %get3A_599, %get3A_605 : vector<16xf32>
      %swap3A_607 = arith.index_cast %add3A_595 : i32 to index
      %swap3A_608 = arith.constant 32 : index
      %swap3A_609 = tpu.vector_load %arg10[%swap3A_607, %swap3A_608] {strides = array<i32>} : memref<200x64xf32, #tpu.memory_space<vmem>>, vector<1x16xf32>,
      %swap3A_610 = vector.shape_cast %swap3A_609 : vector<1x16xf32> to vector<16xf32>
      %swap3A_611 = vector.shape_cast %add3A_606 : vector<16xf32> to vector<1x16xf32>
      tpu.vector_store %arg10[%swap3A_607, %swap3A_608], %swap3A_611 {strides = array<i32>} : memref<200x64xf32, #tpu.memory_space<vmem>>, vector<1x16xf32>,
      %add3A_612 = arith.constant 2 : i32
      %add3A_613 = arith.addi %add3A_415, %add3A_612 : i32
      %get3A_614 = arith.index_cast %add3A_613 : i32 to index
      %get3A_615 = arith.constant 48 : index
      %get3A_616 = tpu.vector_load %arg10[%get3A_614, %get3A_615] {strides = array<i32>} : memref<200x64xf32, #tpu.memory_space<vmem>>, vector<1x16xf32>,
      %get3A_617 = vector.shape_cast %get3A_616 : vector<1x16xf32> to vector<16xf32>
      %add3A_618 = arith.constant 2 : i32
      %add3A_619 = arith.addi %add3A_415, %add3A_618 : i32
      %get3A_620 = arith.index_cast %add3A_619 : i32 to index
      %get3A_621 = arith.constant 48 : index
      %get3A_622 = tpu.vector_load %arg7[%get3A_620, %get3A_621] {strides = array<i32>} : memref<200x64xf32, #tpu.memory_space<vmem>>, vector<1x16xf32>,
      %get3A_623 = vector.shape_cast %get3A_622 : vector<1x16xf32> to vector<16xf32>
      %add3A_624 = arith.addf %get3A_617, %get3A_623 : vector<16xf32>
      %swap3A_625 = arith.index_cast %add3A_613 : i32 to index
      %swap3A_626 = arith.constant 48 : index
      %swap3A_627 = tpu.vector_load %arg10[%swap3A_625, %swap3A_626] {strides = array<i32>} : memref<200x64xf32, #tpu.memory_space<vmem>>, vector<1x16xf32>,
      %swap3A_628 = vector.shape_cast %swap3A_627 : vector<1x16xf32> to vector<16xf32>
      %swap3A_629 = vector.shape_cast %add3A_624 : vector<16xf32> to vector<1x16xf32>
      tpu.vector_store %arg10[%swap3A_625, %swap3A_626], %swap3A_629 {strides = array<i32>} : memref<200x64xf32, #tpu.memory_space<vmem>>, vector<1x16xf32>,
      %add3A_630 = arith.constant 3 : i32
      %add3A_631 = arith.addi %add3A_415, %add3A_630 : i32
      %get3A_632 = arith.index_cast %add3A_631 : i32 to index
      %get3A_633 = arith.constant 0 : index
      %get3A_634 = tpu.vector_load %arg10[%get3A_632, %get3A_633] {strides = array<i32>} : memref<200x64xf32, #tpu.memory_space<vmem>>, vector<1x16xf32>,
      %get3A_635 = vector.shape_cast %get3A_634 : vector<1x16xf32> to vector<16xf32>
      %add3A_636 = arith.constant 3 : i32
      %add3A_637 = arith.addi %add3A_415, %add3A_636 : i32
      %get3A_638 = arith.index_cast %add3A_637 : i32 to index
      %get3A_639 = arith.constant 0 : index
      %get3A_640 = tpu.vector_load %arg7[%get3A_638, %get3A_639] {strides = array<i32>} : memref<200x64xf32, #tpu.memory_space<vmem>>, vector<1x16xf32>,
      %get3A_641 = vector.shape_cast %get3A_640 : vector<1x16xf32> to vector<16xf32>
      %add3A_642 = arith.addf %get3A_635, %get3A_641 : vector<16xf32>
      %swap3A_643 = arith.index_cast %add3A_631 : i32 to index
      %swap3A_644 = arith.constant 0 : index
      %swap3A_645 = tpu.vector_load %arg10[%swap3A_643, %swap3A_644] {strides = array<i32>} : memref<200x64xf32, #tpu.memory_space<vmem>>, vector<1x16xf32>,
      %swap3A_646 = vector.shape_cast %swap3A_645 : vector<1x16xf32> to vector<16xf32>
      %swap3A_647 = vector.shape_cast %add3A_642 : vector<16xf32> to vector<1x16xf32>
      tpu.vector_store %arg10[%swap3A_643, %swap3A_644], %swap3A_647 {strides = array<i32>} : memref<200x64xf32, #tpu.memory_space<vmem>>, vector<1x16xf32>,
      %add3A_648 = arith.constant 3 : i32
      %add3A_649 = arith.addi %add3A_415, %add3A_648 : i32
      %get3A_650 = arith.index_cast %add3A_649 : i32 to index
      %get3A_651 = arith.constant 16 : index
      %get3A_652 = tpu.vector_load %arg10[%get3A_650, %get3A_651] {strides = array<i32>} : memref<200x64xf32, #tpu.memory_space<vmem>>, vector<1x16xf32>,
      %get3A_653 = vector.shape_cast %get3A_652 : vector<1x16xf32> to vector<16xf32>
      %add3A_654 = arith.constant 3 : i32
      %add3A_655 = arith.addi %add3A_415, %add3A_654 : i32
      %get3A_656 = arith.index_cast %add3A_655 : i32 to index
      %get3A_657 = arith.constant 16 : index
      %get3A_658 = tpu.vector_load %arg7[%get3A_656, %get3A_657] {strides = array<i32>} : memref<200x64xf32, #tpu.memory_space<vmem>>, vector<1x16xf32>,
      %get3A_659 = vector.shape_cast %get3A_658 : vector<1x16xf32> to vector<16xf32>
      %add3A_660 = arith.addf %get3A_653, %get3A_659 : vector<16xf32>
      %swap3A_661 = arith.index_cast %add3A_649 : i32 to index
      %swap3A_662 = arith.constant 16 : index
      %swap3A_663 = tpu.vector_load %arg10[%swap3A_661, %swap3A_662] {strides = array<i32>} : memref<200x64xf32, #tpu.memory_space<vmem>>, vector<1x16xf32>,
      %swap3A_664 = vector.shape_cast %swap3A_663 : vector<1x16xf32> to vector<16xf32>
      %swap3A_665 = vector.shape_cast %add3A_660 : vector<16xf32> to vector<1x16xf32>
      tpu.vector_store %arg10[%swap3A_661, %swap3A_662], %swap3A_665 {strides = array<i32>} : memref<200x64xf32, #tpu.memory_space<vmem>>, vector<1x16xf32>,
      %add3A_666 = arith.constant 3 : i32
      %add3A_667 = arith.addi %add3A_415, %add3A_666 : i32
      %get3A_668 = arith.index_cast %add3A_667 : i32 to index
      %get3A_669 = arith.constant 32 : index
      %get3A_670 = tpu.vector_load %arg10[%get3A_668, %get3A_669] {strides = array<i32>} : memref<200x64xf32, #tpu.memory_space<vmem>>, vector<1x16xf32>,
      %get3A_671 = vector.shape_cast %get3A_670 : vector<1x16xf32> to vector<16xf32>
      %add3A_672 = arith.constant 3 : i32
      %add3A_673 = arith.addi %add3A_415, %add3A_672 : i32
      %get3A_674 = arith.index_cast %add3A_673 : i32 to index
      %get3A_675 = arith.constant 32 : index
      %get3A_676 = tpu.vector_load %arg7[%get3A_674, %get3A_675] {strides = array<i32>} : memref<200x64xf32, #tpu.memory_space<vmem>>, vector<1x16xf32>,
      %get3A_677 = vector.shape_cast %get3A_676 : vector<1x16xf32> to vector<16xf32>
      %add3A_678 = arith.addf %get3A_671, %get3A_677 : vector<16xf32>
      %swap3A_679 = arith.index_cast %add3A_667 : i32 to index
      %swap3A_680 = arith.constant 32 : index
      %swap3A_681 = tpu.vector_load %arg10[%swap3A_679, %swap3A_680] {strides = array<i32>} : memref<200x64xf32, #tpu.memory_space<vmem>>, vector<1x16xf32>,
      %swap3A_682 = vector.shape_cast %swap3A_681 : vector<1x16xf32> to vector<16xf32>
      %swap3A_683 = vector.shape_cast %add3A_678 : vector<16xf32> to vector<1x16xf32>
      tpu.vector_store %arg10[%swap3A_679, %swap3A_680], %swap3A_683 {strides = array<i32>} : memref<200x64xf32, #tpu.memory_space<vmem>>, vector<1x16xf32>,
      %add3A_684 = arith.constant 3 : i32
      %add3A_685 = arith.addi %add3A_415, %add3A_684 : i32
      %get3A_686 = arith.index_cast %add3A_685 : i32 to index
      %get3A_687 = arith.constant 48 : index
      %get3A_688 = tpu.vector_load %arg10[%get3A_686, %get3A_687] {strides = array<i32>} : memref<200x64xf32, #tpu.memory_space<vmem>>, vector<1x16xf32>,
      %get3A_689 = vector.shape_cast %get3A_688 : vector<1x16xf32> to vector<16xf32>
      %add3A_690 = arith.constant 3 : i32
      %add3A_691 = arith.addi %add3A_415, %add3A_690 : i32
      %get3A_692 = arith.index_cast %add3A_691 : i32 to index
      %get3A_693 = arith.constant 48 : index
      %get3A_694 = tpu.vector_load %arg7[%get3A_692, %get3A_693] {strides = array<i32>} : memref<200x64xf32, #tpu.memory_space<vmem>>, vector<1x16xf32>,
      %get3A_695 = vector.shape_cast %get3A_694 : vector<1x16xf32> to vector<16xf32>
      %add3A_696 = arith.addf %get3A_689, %get3A_695 : vector<16xf32>
      %swap3A_697 = arith.index_cast %add3A_685 : i32 to index
      %swap3A_698 = arith.constant 48 : index
      %swap3A_699 = tpu.vector_load %arg10[%swap3A_697, %swap3A_698] {strides = array<i32>} : memref<200x64xf32, #tpu.memory_space<vmem>>, vector<1x16xf32>,
      %swap3A_700 = vector.shape_cast %swap3A_699 : vector<1x16xf32> to vector<16xf32>
      %swap3A_701 = vector.shape_cast %add3A_696 : vector<16xf32> to vector<1x16xf32>
      tpu.vector_store %arg10[%swap3A_697, %swap3A_698], %swap3A_701 {strides = array<i32>} : memref<200x64xf32, #tpu.memory_space<vmem>>, vector<1x16xf32>,
    }
    %scan3A_170 = arith.constant 50 : i32
    %mul3A_171 = arith.constant 128 : i32
    %mul3A_172 = arith.muli %add3A, %mul3A_171 : i32
    %add3A_173 = arith.constant 2 : i32
    %add3A_174 = arith.addi %mul3A_172, %add3A_173 : i32
    %dma_start3A_175 = arith.constant 0 : i32
    %dma_start3A_176 = arith.constant 0 : i32
    %dma_start3A_177 = tpu.memref_slice %arg5[%add3A_174, %dma_start3A_175, %dma_start3A_176] : memref<4096x200x64xf32, #tpu.memory_space<hbm>> -> memref<1x200x64xf32, #tpu.memory_space<hbm>>
    %dma_start3A_178 = tpu.memref_squeeze %dma_start3A_177 : memref<1x200x64xf32, #tpu.memory_space<hbm>> -> memref<200x64xf32, #tpu.memory_space<hbm>>
    %dma_start3A_179 = arith.constant 0 : i32
    %dma_start3A_180 = arith.constant 0 : i32
    %dma_start3A_181 = tpu.memref_slice %arg5[%add3A_174, %dma_start3A_179, %dma_start3A_180] : memref<4096x200x64xf32, #tpu.memory_space<hbm>> -> memref<1x200x64xf32, #tpu.memory_space<hbm>>
    %dma_start3A_182 = tpu.memref_squeeze %dma_start3A_181 : memref<1x200x64xf32, #tpu.memory_space<hbm>> -> memref<200x64xf32, #tpu.memory_space<hbm>>
    tpu.enqueue_dma source(%arg10 : memref<200x64xf32, #tpu.memory_space<vmem>>) target(%dma_start3A_182 : memref<200x64xf32, #tpu.memory_space<hbm>>) target_semaphore(%arg18 : memref<!tpu.dma_semaphore, #tpu.memory_space<semaphore_mem>>)
    %dma_wait3A_183 = arith.constant 0 : i32
    %dma_wait3A_184 = arith.constant 0 : i32
    %dma_wait3A_185 = tpu.memref_slice %arg3[%dma_wait3A_183, %dma_wait3A_184] : memref<1000000x64xf32, #tpu.memory_space<hbm>> -> memref<200x64xf32, #tpu.memory_space<hbm>>
    %dma_wait3A_186 = arith.constant 0 : i32
    %dma_wait3A_187 = arith.constant 0 : i32
    %dma_wait3A_188 = tpu.memref_slice %arg3[%dma_wait3A_186, %dma_wait3A_187] : memref<1000000x64xf32, #tpu.memory_space<hbm>> -> memref<200x64xf32, #tpu.memory_space<hbm>>
    tpu.wait_dma2 semaphore(%arg17 : memref<!tpu.dma_semaphore, #tpu.memory_space<semaphore_mem>>) src(%dma_wait3A_188 : memref<200x64xf32, #tpu.memory_space<hbm>>) dst(%arg9 : memref<200x64xf32, #tpu.memory_space<vmem>>)
    %dma_start3A_189 = arith.constant 5 : i32
    %dma_start3A_190 = arith.constant 0 : i32
    %dma_start3A_191 = arith.constant 0 : i32
    %dma_start3A_192 = arith.constant 0 : i32
    %dma_start3A_193 = tpu.memref_slice %arg9[%dma_start3A_191, %dma_start3A_192] : memref<200x64xf32, #tpu.memory_space<vmem>> -> memref<100x64xf32, #tpu.memory_space<vmem>>
    %dma_start3A_194 = arith.constant 0 : i32
    %dma_start3A_195 = tpu.memref_slice %arg6[%dma_start3A_189, %dma_start3A_190, %dma_start3A_194] : memref<128x2x100xi32, #tpu.memory_space<vmem>> -> memref<1x1x100xi32, #tpu.memory_space<vmem>>
    %dma_start3A_196 = tpu.memref_squeeze %dma_start3A_195 : memref<1x1x100xi32, #tpu.memory_space<vmem>> -> memref<100xi32, #tpu.memory_space<vmem>>
    %dma_start3A_197 = arith.constant 0 : i32
    %dma_start3A_198 = arith.constant 0 : i32
    %dma_start3A_199 = tpu.memref_slice %arg3[%dma_start3A_197, %dma_start3A_198] : memref<1000000x64xf32, #tpu.memory_space<hbm>> -> memref<1000000x64xf32, #tpu.memory_space<hbm>>
    tpu.enqueue_indirect_dma source(%dma_start3A_199 : memref<1000000x64xf32, #tpu.memory_space<hbm>>) target(%dma_start3A_193 : memref<100x64xf32, #tpu.memory_space<vmem>>) offsets(%dma_start3A_196 : memref<100xi32, #tpu.memory_space<vmem>>) semaphore(%arg13 : memref<!tpu.dma_semaphore, #tpu.memory_space<semaphore_mem>>)
    %dma_start3A_200 = arith.constant 5 : i32
    %dma_start3A_201 = arith.constant 1 : i32
    %dma_start3A_202 = arith.constant 100 : i32
    %dma_start3A_203 = arith.constant 0 : i32
    %dma_start3A_204 = tpu.memref_slice %arg9[%dma_start3A_202, %dma_start3A_203] : memref<200x64xf32, #tpu.memory_space<vmem>> -> memref<100x64xf32, #tpu.memory_space<vmem>>
    %dma_start3A_205 = arith.constant 0 : i32
    %dma_start3A_206 = tpu.memref_slice %arg6[%dma_start3A_200, %dma_start3A_201, %dma_start3A_205] : memref<128x2x100xi32, #tpu.memory_space<vmem>> -> memref<1x1x100xi32, #tpu.memory_space<vmem>>
    %dma_start3A_207 = tpu.memref_squeeze %dma_start3A_206 : memref<1x1x100xi32, #tpu.memory_space<vmem>> -> memref<100xi32, #tpu.memory_space<vmem>>
    %dma_start3A_208 = arith.constant 0 : i32
    %dma_start3A_209 = arith.constant 0 : i32
    %dma_start3A_210 = tpu.memref_slice %arg3[%dma_start3A_208, %dma_start3A_209] : memref<1000000x64xf32, #tpu.memory_space<hbm>> -> memref<1000000x64xf32, #tpu.memory_space<hbm>>
    tpu.enqueue_indirect_dma source(%dma_start3A_210 : memref<1000000x64xf32, #tpu.memory_space<hbm>>) target(%dma_start3A_204 : memref<100x64xf32, #tpu.memory_space<vmem>>) offsets(%dma_start3A_207 : memref<100xi32, #tpu.memory_space<vmem>>) semaphore(%arg13 : memref<!tpu.dma_semaphore, #tpu.memory_space<semaphore_mem>>)
    %dma_wait3A_211 = arith.constant 0 : i32
    %dma_wait3A_212 = arith.constant 0 : i32
    %dma_wait3A_213 = tpu.memref_slice %arg3[%dma_wait3A_211, %dma_wait3A_212] : memref<1000000x64xf32, #tpu.memory_space<hbm>> -> memref<200x64xf32, #tpu.memory_space<hbm>>
    %dma_wait3A_214 = arith.constant 0 : i32
    %dma_wait3A_215 = arith.constant 0 : i32
    %dma_wait3A_216 = tpu.memref_slice %arg3[%dma_wait3A_214, %dma_wait3A_215] : memref<1000000x64xf32, #tpu.memory_space<hbm>> -> memref<200x64xf32, #tpu.memory_space<hbm>>
    tpu.wait_dma2 semaphore(%arg15 : memref<!tpu.dma_semaphore, #tpu.memory_space<semaphore_mem>>) src(%dma_wait3A_216 : memref<200x64xf32, #tpu.memory_space<hbm>>) dst(%arg11 : memref<200x64xf32, #tpu.memory_space<vmem>>)
    %scan3A_217 = arith.constant 0 : i32
    %scan3A_218 = arith.constant 50 : i32
    %scan3A_219 = arith.addi %scan3A_217, %scan3A_218 : i32
    %scan3A_220 = arith.constant 1 : i32
    scf.for %scan3A_411 = %scan3A_217 to %scan3A_219 step %scan3A_220  : i32 {
      %mul3A_412 = arith.constant 4 : i32
      %mul3A_413 = arith.muli %scan3A_411, %mul3A_412 : i32
      %add3A_414 = arith.constant 0 : i32
      %add3A_415 = arith.addi %add3A_414, %mul3A_413 : i32
      %add3A_416 = arith.constant 0 : i32
      %add3A_417 = arith.addi %add3A_415, %add3A_416 : i32
      %get3A = arith.index_cast %add3A_417 : i32 to index
      %get3A_418 = arith.constant 0 : index
      %get3A_419 = tpu.vector_load %arg11[%get3A, %get3A_418] {strides = array<i32>} : memref<200x64xf32, #tpu.memory_space<vmem>>, vector<1x16xf32>,
      %get3A_420 = vector.shape_cast %get3A_419 : vector<1x16xf32> to vector<16xf32>
      %add3A_421 = arith.constant 0 : i32
      %add3A_422 = arith.addi %add3A_415, %add3A_421 : i32
      %get3A_423 = arith.index_cast %add3A_422 : i32 to index
      %get3A_424 = arith.constant 0 : index
      %get3A_425 = tpu.vector_load %arg7[%get3A_423, %get3A_424] {strides = array<i32>} : memref<200x64xf32, #tpu.memory_space<vmem>>, vector<1x16xf32>,
      %get3A_426 = vector.shape_cast %get3A_425 : vector<1x16xf32> to vector<16xf32>
      %add3A_427 = arith.addf %get3A_420, %get3A_426 : vector<16xf32>
      %swap3A = arith.index_cast %add3A_417 : i32 to index
      %swap3A_428 = arith.constant 0 : index
      %swap3A_429 = tpu.vector_load %arg11[%swap3A, %swap3A_428] {strides = array<i32>} : memref<200x64xf32, #tpu.memory_space<vmem>>, vector<1x16xf32>,
      %swap3A_430 = vector.shape_cast %swap3A_429 : vector<1x16xf32> to vector<16xf32>
      %swap3A_431 = vector.shape_cast %add3A_427 : vector<16xf32> to vector<1x16xf32>
      tpu.vector_store %arg11[%swap3A, %swap3A_428], %swap3A_431 {strides = array<i32>} : memref<200x64xf32, #tpu.memory_space<vmem>>, vector<1x16xf32>,
      %add3A_432 = arith.constant 0 : i32
      %add3A_433 = arith.addi %add3A_415, %add3A_432 : i32
      %get3A_434 = arith.index_cast %add3A_433 : i32 to index
      %get3A_435 = arith.constant 16 : index
      %get3A_436 = tpu.vector_load %arg11[%get3A_434, %get3A_435] {strides = array<i32>} : memref<200x64xf32, #tpu.memory_space<vmem>>, vector<1x16xf32>,
      %get3A_437 = vector.shape_cast %get3A_436 : vector<1x16xf32> to vector<16xf32>
      %add3A_438 = arith.constant 0 : i32
      %add3A_439 = arith.addi %add3A_415, %add3A_438 : i32
      %get3A_440 = arith.index_cast %add3A_439 : i32 to index
      %get3A_441 = arith.constant 16 : index
      %get3A_442 = tpu.vector_load %arg7[%get3A_440, %get3A_441] {strides = array<i32>} : memref<200x64xf32, #tpu.memory_space<vmem>>, vector<1x16xf32>,
      %get3A_443 = vector.shape_cast %get3A_442 : vector<1x16xf32> to vector<16xf32>
      %add3A_444 = arith.addf %get3A_437, %get3A_443 : vector<16xf32>
      %swap3A_445 = arith.index_cast %add3A_433 : i32 to index
      %swap3A_446 = arith.constant 16 : index
      %swap3A_447 = tpu.vector_load %arg11[%swap3A_445, %swap3A_446] {strides = array<i32>} : memref<200x64xf32, #tpu.memory_space<vmem>>, vector<1x16xf32>,
      %swap3A_448 = vector.shape_cast %swap3A_447 : vector<1x16xf32> to vector<16xf32>
      %swap3A_449 = vector.shape_cast %add3A_444 : vector<16xf32> to vector<1x16xf32>
      tpu.vector_store %arg11[%swap3A_445, %swap3A_446], %swap3A_449 {strides = array<i32>} : memref<200x64xf32, #tpu.memory_space<vmem>>, vector<1x16xf32>,
      %add3A_450 = arith.constant 0 : i32
      %add3A_451 = arith.addi %add3A_415, %add3A_450 : i32
      %get3A_452 = arith.index_cast %add3A_451 : i32 to index
      %get3A_453 = arith.constant 32 : index
      %get3A_454 = tpu.vector_load %arg11[%get3A_452, %get3A_453] {strides = array<i32>} : memref<200x64xf32, #tpu.memory_space<vmem>>, vector<1x16xf32>,
      %get3A_455 = vector.shape_cast %get3A_454 : vector<1x16xf32> to vector<16xf32>
      %add3A_456 = arith.constant 0 : i32
      %add3A_457 = arith.addi %add3A_415, %add3A_456 : i32
      %get3A_458 = arith.index_cast %add3A_457 : i32 to index
      %get3A_459 = arith.constant 32 : index
      %get3A_460 = tpu.vector_load %arg7[%get3A_458, %get3A_459] {strides = array<i32>} : memref<200x64xf32, #tpu.memory_space<vmem>>, vector<1x16xf32>,
      %get3A_461 = vector.shape_cast %get3A_460 : vector<1x16xf32> to vector<16xf32>
      %add3A_462 = arith.addf %get3A_455, %get3A_461 : vector<16xf32>
      %swap3A_463 = arith.index_cast %add3A_451 : i32 to index
      %swap3A_464 = arith.constant 32 : index
      %swap3A_465 = tpu.vector_load %arg11[%swap3A_463, %swap3A_464] {strides = array<i32>} : memref<200x64xf32, #tpu.memory_space<vmem>>, vector<1x16xf32>,
      %swap3A_466 = vector.shape_cast %swap3A_465 : vector<1x16xf32> to vector<16xf32>
      %swap3A_467 = vector.shape_cast %add3A_462 : vector<16xf32> to vector<1x16xf32>
      tpu.vector_store %arg11[%swap3A_463, %swap3A_464], %swap3A_467 {strides = array<i32>} : memref<200x64xf32, #tpu.memory_space<vmem>>, vector<1x16xf32>,
      %add3A_468 = arith.constant 0 : i32
      %add3A_469 = arith.addi %add3A_415, %add3A_468 : i32
      %get3A_470 = arith.index_cast %add3A_469 : i32 to index
      %get3A_471 = arith.constant 48 : index
      %get3A_472 = tpu.vector_load %arg11[%get3A_470, %get3A_471] {strides = array<i32>} : memref<200x64xf32, #tpu.memory_space<vmem>>, vector<1x16xf32>,
      %get3A_473 = vector.shape_cast %get3A_472 : vector<1x16xf32> to vector<16xf32>
      %add3A_474 = arith.constant 0 : i32
      %add3A_475 = arith.addi %add3A_415, %add3A_474 : i32
      %get3A_476 = arith.index_cast %add3A_475 : i32 to index
      %get3A_477 = arith.constant 48 : index
      %get3A_478 = tpu.vector_load %arg7[%get3A_476, %get3A_477] {strides = array<i32>} : memref<200x64xf32, #tpu.memory_space<vmem>>, vector<1x16xf32>,
      %get3A_479 = vector.shape_cast %get3A_478 : vector<1x16xf32> to vector<16xf32>
      %add3A_480 = arith.addf %get3A_473, %get3A_479 : vector<16xf32>
      %swap3A_481 = arith.index_cast %add3A_469 : i32 to index
      %swap3A_482 = arith.constant 48 : index
      %swap3A_483 = tpu.vector_load %arg11[%swap3A_481, %swap3A_482] {strides = array<i32>} : memref<200x64xf32, #tpu.memory_space<vmem>>, vector<1x16xf32>,
      %swap3A_484 = vector.shape_cast %swap3A_483 : vector<1x16xf32> to vector<16xf32>
      %swap3A_485 = vector.shape_cast %add3A_480 : vector<16xf32> to vector<1x16xf32>
      tpu.vector_store %arg11[%swap3A_481, %swap3A_482], %swap3A_485 {strides = array<i32>} : memref<200x64xf32, #tpu.memory_space<vmem>>, vector<1x16xf32>,
      %add3A_486 = arith.constant 1 : i32
      %add3A_487 = arith.addi %add3A_415, %add3A_486 : i32
      %get3A_488 = arith.index_cast %add3A_487 : i32 to index
      %get3A_489 = arith.constant 0 : index
      %get3A_490 = tpu.vector_load %arg11[%get3A_488, %get3A_489] {strides = array<i32>} : memref<200x64xf32, #tpu.memory_space<vmem>>, vector<1x16xf32>,
      %get3A_491 = vector.shape_cast %get3A_490 : vector<1x16xf32> to vector<16xf32>
      %add3A_492 = arith.constant 1 : i32
      %add3A_493 = arith.addi %add3A_415, %add3A_492 : i32
      %get3A_494 = arith.index_cast %add3A_493 : i32 to index
      %get3A_495 = arith.constant 0 : index
      %get3A_496 = tpu.vector_load %arg7[%get3A_494, %get3A_495] {strides = array<i32>} : memref<200x64xf32, #tpu.memory_space<vmem>>, vector<1x16xf32>,
      %get3A_497 = vector.shape_cast %get3A_496 : vector<1x16xf32> to vector<16xf32>
      %add3A_498 = arith.addf %get3A_491, %get3A_497 : vector<16xf32>
      %swap3A_499 = arith.index_cast %add3A_487 : i32 to index
      %swap3A_500 = arith.constant 0 : index
      %swap3A_501 = tpu.vector_load %arg11[%swap3A_499, %swap3A_500] {strides = array<i32>} : memref<200x64xf32, #tpu.memory_space<vmem>>, vector<1x16xf32>,
      %swap3A_502 = vector.shape_cast %swap3A_501 : vector<1x16xf32> to vector<16xf32>
      %swap3A_503 = vector.shape_cast %add3A_498 : vector<16xf32> to vector<1x16xf32>
      tpu.vector_store %arg11[%swap3A_499, %swap3A_500], %swap3A_503 {strides = array<i32>} : memref<200x64xf32, #tpu.memory_space<vmem>>, vector<1x16xf32>,
      %add3A_504 = arith.constant 1 : i32
      %add3A_505 = arith.addi %add3A_415, %add3A_504 : i32
      %get3A_506 = arith.index_cast %add3A_505 : i32 to index
      %get3A_507 = arith.constant 16 : index
      %get3A_508 = tpu.vector_load %arg11[%get3A_506, %get3A_507] {strides = array<i32>} : memref<200x64xf32, #tpu.memory_space<vmem>>, vector<1x16xf32>,
      %get3A_509 = vector.shape_cast %get3A_508 : vector<1x16xf32> to vector<16xf32>
      %add3A_510 = arith.constant 1 : i32
      %add3A_511 = arith.addi %add3A_415, %add3A_510 : i32
      %get3A_512 = arith.index_cast %add3A_511 : i32 to index
      %get3A_513 = arith.constant 16 : index
      %get3A_514 = tpu.vector_load %arg7[%get3A_512, %get3A_513] {strides = array<i32>} : memref<200x64xf32, #tpu.memory_space<vmem>>, vector<1x16xf32>,
      %get3A_515 = vector.shape_cast %get3A_514 : vector<1x16xf32> to vector<16xf32>
      %add3A_516 = arith.addf %get3A_509, %get3A_515 : vector<16xf32>
      %swap3A_517 = arith.index_cast %add3A_505 : i32 to index
      %swap3A_518 = arith.constant 16 : index
      %swap3A_519 = tpu.vector_load %arg11[%swap3A_517, %swap3A_518] {strides = array<i32>} : memref<200x64xf32, #tpu.memory_space<vmem>>, vector<1x16xf32>,
      %swap3A_520 = vector.shape_cast %swap3A_519 : vector<1x16xf32> to vector<16xf32>
      %swap3A_521 = vector.shape_cast %add3A_516 : vector<16xf32> to vector<1x16xf32>
      tpu.vector_store %arg11[%swap3A_517, %swap3A_518], %swap3A_521 {strides = array<i32>} : memref<200x64xf32, #tpu.memory_space<vmem>>, vector<1x16xf32>,
      %add3A_522 = arith.constant 1 : i32
      %add3A_523 = arith.addi %add3A_415, %add3A_522 : i32
      %get3A_524 = arith.index_cast %add3A_523 : i32 to index
      %get3A_525 = arith.constant 32 : index
      %get3A_526 = tpu.vector_load %arg11[%get3A_524, %get3A_525] {strides = array<i32>} : memref<200x64xf32, #tpu.memory_space<vmem>>, vector<1x16xf32>,
      %get3A_527 = vector.shape_cast %get3A_526 : vector<1x16xf32> to vector<16xf32>
      %add3A_528 = arith.constant 1 : i32
      %add3A_529 = arith.addi %add3A_415, %add3A_528 : i32
      %get3A_530 = arith.index_cast %add3A_529 : i32 to index
      %get3A_531 = arith.constant 32 : index
      %get3A_532 = tpu.vector_load %arg7[%get3A_530, %get3A_531] {strides = array<i32>} : memref<200x64xf32, #tpu.memory_space<vmem>>, vector<1x16xf32>,
      %get3A_533 = vector.shape_cast %get3A_532 : vector<1x16xf32> to vector<16xf32>
      %add3A_534 = arith.addf %get3A_527, %get3A_533 : vector<16xf32>
      %swap3A_535 = arith.index_cast %add3A_523 : i32 to index
      %swap3A_536 = arith.constant 32 : index
      %swap3A_537 = tpu.vector_load %arg11[%swap3A_535, %swap3A_536] {strides = array<i32>} : memref<200x64xf32, #tpu.memory_space<vmem>>, vector<1x16xf32>,
      %swap3A_538 = vector.shape_cast %swap3A_537 : vector<1x16xf32> to vector<16xf32>
      %swap3A_539 = vector.shape_cast %add3A_534 : vector<16xf32> to vector<1x16xf32>
      tpu.vector_store %arg11[%swap3A_535, %swap3A_536], %swap3A_539 {strides = array<i32>} : memref<200x64xf32, #tpu.memory_space<vmem>>, vector<1x16xf32>,
      %add3A_540 = arith.constant 1 : i32
      %add3A_541 = arith.addi %add3A_415, %add3A_540 : i32
      %get3A_542 = arith.index_cast %add3A_541 : i32 to index
      %get3A_543 = arith.constant 48 : index
      %get3A_544 = tpu.vector_load %arg11[%get3A_542, %get3A_543] {strides = array<i32>} : memref<200x64xf32, #tpu.memory_space<vmem>>, vector<1x16xf32>,
      %get3A_545 = vector.shape_cast %get3A_544 : vector<1x16xf32> to vector<16xf32>
      %add3A_546 = arith.constant 1 : i32
      %add3A_547 = arith.addi %add3A_415, %add3A_546 : i32
      %get3A_548 = arith.index_cast %add3A_547 : i32 to index
      %get3A_549 = arith.constant 48 : index
      %get3A_550 = tpu.vector_load %arg7[%get3A_548, %get3A_549] {strides = array<i32>} : memref<200x64xf32, #tpu.memory_space<vmem>>, vector<1x16xf32>,
      %get3A_551 = vector.shape_cast %get3A_550 : vector<1x16xf32> to vector<16xf32>
      %add3A_552 = arith.addf %get3A_545, %get3A_551 : vector<16xf32>
      %swap3A_553 = arith.index_cast %add3A_541 : i32 to index
      %swap3A_554 = arith.constant 48 : index
      %swap3A_555 = tpu.vector_load %arg11[%swap3A_553, %swap3A_554] {strides = array<i32>} : memref<200x64xf32, #tpu.memory_space<vmem>>, vector<1x16xf32>,
      %swap3A_556 = vector.shape_cast %swap3A_555 : vector<1x16xf32> to vector<16xf32>
      %swap3A_557 = vector.shape_cast %add3A_552 : vector<16xf32> to vector<1x16xf32>
      tpu.vector_store %arg11[%swap3A_553, %swap3A_554], %swap3A_557 {strides = array<i32>} : memref<200x64xf32, #tpu.memory_space<vmem>>, vector<1x16xf32>,
      %add3A_558 = arith.constant 2 : i32
      %add3A_559 = arith.addi %add3A_415, %add3A_558 : i32
      %get3A_560 = arith.index_cast %add3A_559 : i32 to index
      %get3A_561 = arith.constant 0 : index
      %get3A_562 = tpu.vector_load %arg11[%get3A_560, %get3A_561] {strides = array<i32>} : memref<200x64xf32, #tpu.memory_space<vmem>>, vector<1x16xf32>,
      %get3A_563 = vector.shape_cast %get3A_562 : vector<1x16xf32> to vector<16xf32>
      %add3A_564 = arith.constant 2 : i32
      %add3A_565 = arith.addi %add3A_415, %add3A_564 : i32
      %get3A_566 = arith.index_cast %add3A_565 : i32 to index
      %get3A_567 = arith.constant 0 : index
      %get3A_568 = tpu.vector_load %arg7[%get3A_566, %get3A_567] {strides = array<i32>} : memref<200x64xf32, #tpu.memory_space<vmem>>, vector<1x16xf32>,
      %get3A_569 = vector.shape_cast %get3A_568 : vector<1x16xf32> to vector<16xf32>
      %add3A_570 = arith.addf %get3A_563, %get3A_569 : vector<16xf32>
      %swap3A_571 = arith.index_cast %add3A_559 : i32 to index
      %swap3A_572 = arith.constant 0 : index
      %swap3A_573 = tpu.vector_load %arg11[%swap3A_571, %swap3A_572] {strides = array<i32>} : memref<200x64xf32, #tpu.memory_space<vmem>>, vector<1x16xf32>,
      %swap3A_574 = vector.shape_cast %swap3A_573 : vector<1x16xf32> to vector<16xf32>
      %swap3A_575 = vector.shape_cast %add3A_570 : vector<16xf32> to vector<1x16xf32>
      tpu.vector_store %arg11[%swap3A_571, %swap3A_572], %swap3A_575 {strides = array<i32>} : memref<200x64xf32, #tpu.memory_space<vmem>>, vector<1x16xf32>,
      %add3A_576 = arith.constant 2 : i32
      %add3A_577 = arith.addi %add3A_415, %add3A_576 : i32
      %get3A_578 = arith.index_cast %add3A_577 : i32 to index
      %get3A_579 = arith.constant 16 : index
      %get3A_580 = tpu.vector_load %arg11[%get3A_578, %get3A_579] {strides = array<i32>} : memref<200x64xf32, #tpu.memory_space<vmem>>, vector<1x16xf32>,
      %get3A_581 = vector.shape_cast %get3A_580 : vector<1x16xf32> to vector<16xf32>
      %add3A_582 = arith.constant 2 : i32
      %add3A_583 = arith.addi %add3A_415, %add3A_582 : i32
      %get3A_584 = arith.index_cast %add3A_583 : i32 to index
      %get3A_585 = arith.constant 16 : index
      %get3A_586 = tpu.vector_load %arg7[%get3A_584, %get3A_585] {strides = array<i32>} : memref<200x64xf32, #tpu.memory_space<vmem>>, vector<1x16xf32>,
      %get3A_587 = vector.shape_cast %get3A_586 : vector<1x16xf32> to vector<16xf32>
      %add3A_588 = arith.addf %get3A_581, %get3A_587 : vector<16xf32>
      %swap3A_589 = arith.index_cast %add3A_577 : i32 to index
      %swap3A_590 = arith.constant 16 : index
      %swap3A_591 = tpu.vector_load %arg11[%swap3A_589, %swap3A_590] {strides = array<i32>} : memref<200x64xf32, #tpu.memory_space<vmem>>, vector<1x16xf32>,
      %swap3A_592 = vector.shape_cast %swap3A_591 : vector<1x16xf32> to vector<16xf32>
      %swap3A_593 = vector.shape_cast %add3A_588 : vector<16xf32> to vector<1x16xf32>
      tpu.vector_store %arg11[%swap3A_589, %swap3A_590], %swap3A_593 {strides = array<i32>} : memref<200x64xf32, #tpu.memory_space<vmem>>, vector<1x16xf32>,
      %add3A_594 = arith.constant 2 : i32
      %add3A_595 = arith.addi %add3A_415, %add3A_594 : i32
      %get3A_596 = arith.index_cast %add3A_595 : i32 to index
      %get3A_597 = arith.constant 32 : index
      %get3A_598 = tpu.vector_load %arg11[%get3A_596, %get3A_597] {strides = array<i32>} : memref<200x64xf32, #tpu.memory_space<vmem>>, vector<1x16xf32>,
      %get3A_599 = vector.shape_cast %get3A_598 : vector<1x16xf32> to vector<16xf32>
      %add3A_600 = arith.constant 2 : i32
      %add3A_601 = arith.addi %add3A_415, %add3A_600 : i32
      %get3A_602 = arith.index_cast %add3A_601 : i32 to index
      %get3A_603 = arith.constant 32 : index
      %get3A_604 = tpu.vector_load %arg7[%get3A_602, %get3A_603] {strides = array<i32>} : memref<200x64xf32, #tpu.memory_space<vmem>>, vector<1x16xf32>,
      %get3A_605 = vector.shape_cast %get3A_604 : vector<1x16xf32> to vector<16xf32>
      %add3A_606 = arith.addf %get3A_599, %get3A_605 : vector<16xf32>
      %swap3A_607 = arith.index_cast %add3A_595 : i32 to index
      %swap3A_608 = arith.constant 32 : index
      %swap3A_609 = tpu.vector_load %arg11[%swap3A_607, %swap3A_608] {strides = array<i32>} : memref<200x64xf32, #tpu.memory_space<vmem>>, vector<1x16xf32>,
      %swap3A_610 = vector.shape_cast %swap3A_609 : vector<1x16xf32> to vector<16xf32>
      %swap3A_611 = vector.shape_cast %add3A_606 : vector<16xf32> to vector<1x16xf32>
      tpu.vector_store %arg11[%swap3A_607, %swap3A_608], %swap3A_611 {strides = array<i32>} : memref<200x64xf32, #tpu.memory_space<vmem>>, vector<1x16xf32>,
      %add3A_612 = arith.constant 2 : i32
      %add3A_613 = arith.addi %add3A_415, %add3A_612 : i32
      %get3A_614 = arith.index_cast %add3A_613 : i32 to index
      %get3A_615 = arith.constant 48 : index
      %get3A_616 = tpu.vector_load %arg11[%get3A_614, %get3A_615] {strides = array<i32>} : memref<200x64xf32, #tpu.memory_space<vmem>>, vector<1x16xf32>,
      %get3A_617 = vector.shape_cast %get3A_616 : vector<1x16xf32> to vector<16xf32>
      %add3A_618 = arith.constant 2 : i32
      %add3A_619 = arith.addi %add3A_415, %add3A_618 : i32
      %get3A_620 = arith.index_cast %add3A_619 : i32 to index
      %get3A_621 = arith.constant 48 : index
      %get3A_622 = tpu.vector_load %arg7[%get3A_620, %get3A_621] {strides = array<i32>} : memref<200x64xf32, #tpu.memory_space<vmem>>, vector<1x16xf32>,
      %get3A_623 = vector.shape_cast %get3A_622 : vector<1x16xf32> to vector<16xf32>
      %add3A_624 = arith.addf %get3A_617, %get3A_623 : vector<16xf32>
      %swap3A_625 = arith.index_cast %add3A_613 : i32 to index
      %swap3A_626 = arith.constant 48 : index
      %swap3A_627 = tpu.vector_load %arg11[%swap3A_625, %swap3A_626] {strides = array<i32>} : memref<200x64xf32, #tpu.memory_space<vmem>>, vector<1x16xf32>,
      %swap3A_628 = vector.shape_cast %swap3A_627 : vector<1x16xf32> to vector<16xf32>
      %swap3A_629 = vector.shape_cast %add3A_624 : vector<16xf32> to vector<1x16xf32>
      tpu.vector_store %arg11[%swap3A_625, %swap3A_626], %swap3A_629 {strides = array<i32>} : memref<200x64xf32, #tpu.memory_space<vmem>>, vector<1x16xf32>,
      %add3A_630 = arith.constant 3 : i32
      %add3A_631 = arith.addi %add3A_415, %add3A_630 : i32
      %get3A_632 = arith.index_cast %add3A_631 : i32 to index
      %get3A_633 = arith.constant 0 : index
      %get3A_634 = tpu.vector_load %arg11[%get3A_632, %get3A_633] {strides = array<i32>} : memref<200x64xf32, #tpu.memory_space<vmem>>, vector<1x16xf32>,
      %get3A_635 = vector.shape_cast %get3A_634 : vector<1x16xf32> to vector<16xf32>
      %add3A_636 = arith.constant 3 : i32
      %add3A_637 = arith.addi %add3A_415, %add3A_636 : i32
      %get3A_638 = arith.index_cast %add3A_637 : i32 to index
      %get3A_639 = arith.constant 0 : index
      %get3A_640 = tpu.vector_load %arg7[%get3A_638, %get3A_639] {strides = array<i32>} : memref<200x64xf32, #tpu.memory_space<vmem>>, vector<1x16xf32>,
      %get3A_641 = vector.shape_cast %get3A_640 : vector<1x16xf32> to vector<16xf32>
      %add3A_642 = arith.addf %get3A_635, %get3A_641 : vector<16xf32>
      %swap3A_643 = arith.index_cast %add3A_631 : i32 to index
      %swap3A_644 = arith.constant 0 : index
      %swap3A_645 = tpu.vector_load %arg11[%swap3A_643, %swap3A_644] {strides = array<i32>} : memref<200x64xf32, #tpu.memory_space<vmem>>, vector<1x16xf32>,
      %swap3A_646 = vector.shape_cast %swap3A_645 : vector<1x16xf32> to vector<16xf32>
      %swap3A_647 = vector.shape_cast %add3A_642 : vector<16xf32> to vector<1x16xf32>
      tpu.vector_store %arg11[%swap3A_643, %swap3A_644], %swap3A_647 {strides = array<i32>} : memref<200x64xf32, #tpu.memory_space<vmem>>, vector<1x16xf32>,
      %add3A_648 = arith.constant 3 : i32
      %add3A_649 = arith.addi %add3A_415, %add3A_648 : i32
      %get3A_650 = arith.index_cast %add3A_649 : i32 to index
      %get3A_651 = arith.constant 16 : index
      %get3A_652 = tpu.vector_load %arg11[%get3A_650, %get3A_651] {strides = array<i32>} : memref<200x64xf32, #tpu.memory_space<vmem>>, vector<1x16xf32>,
      %get3A_653 = vector.shape_cast %get3A_652 : vector<1x16xf32> to vector<16xf32>
      %add3A_654 = arith.constant 3 : i32
      %add3A_655 = arith.addi %add3A_415, %add3A_654 : i32
      %get3A_656 = arith.index_cast %add3A_655 : i32 to index
      %get3A_657 = arith.constant 16 : index
      %get3A_658 = tpu.vector_load %arg7[%get3A_656, %get3A_657] {strides = array<i32>} : memref<200x64xf32, #tpu.memory_space<vmem>>, vector<1x16xf32>,
      %get3A_659 = vector.shape_cast %get3A_658 : vector<1x16xf32> to vector<16xf32>
      %add3A_660 = arith.addf %get3A_653, %get3A_659 : vector<16xf32>
      %swap3A_661 = arith.index_cast %add3A_649 : i32 to index
      %swap3A_662 = arith.constant 16 : index
      %swap3A_663 = tpu.vector_load %arg11[%swap3A_661, %swap3A_662] {strides = array<i32>} : memref<200x64xf32, #tpu.memory_space<vmem>>, vector<1x16xf32>,
      %swap3A_664 = vector.shape_cast %swap3A_663 : vector<1x16xf32> to vector<16xf32>
      %swap3A_665 = vector.shape_cast %add3A_660 : vector<16xf32> to vector<1x16xf32>
      tpu.vector_store %arg11[%swap3A_661, %swap3A_662], %swap3A_665 {strides = array<i32>} : memref<200x64xf32, #tpu.memory_space<vmem>>, vector<1x16xf32>,
      %add3A_666 = arith.constant 3 : i32
      %add3A_667 = arith.addi %add3A_415, %add3A_666 : i32
      %get3A_668 = arith.index_cast %add3A_667 : i32 to index
      %get3A_669 = arith.constant 32 : index
      %get3A_670 = tpu.vector_load %arg11[%get3A_668, %get3A_669] {strides = array<i32>} : memref<200x64xf32, #tpu.memory_space<vmem>>, vector<1x16xf32>,
      %get3A_671 = vector.shape_cast %get3A_670 : vector<1x16xf32> to vector<16xf32>
      %add3A_672 = arith.constant 3 : i32
      %add3A_673 = arith.addi %add3A_415, %add3A_672 : i32
      %get3A_674 = arith.index_cast %add3A_673 : i32 to index
      %get3A_675 = arith.constant 32 : index
      %get3A_676 = tpu.vector_load %arg7[%get3A_674, %get3A_675] {strides = array<i32>} : memref<200x64xf32, #tpu.memory_space<vmem>>, vector<1x16xf32>,
      %get3A_677 = vector.shape_cast %get3A_676 : vector<1x16xf32> to vector<16xf32>
      %add3A_678 = arith.addf %get3A_671, %get3A_677 : vector<16xf32>
      %swap3A_679 = arith.index_cast %add3A_667 : i32 to index
      %swap3A_680 = arith.constant 32 : index
      %swap3A_681 = tpu.vector_load %arg11[%swap3A_679, %swap3A_680] {strides = array<i32>} : memref<200x64xf32, #tpu.memory_space<vmem>>, vector<1x16xf32>,
      %swap3A_682 = vector.shape_cast %swap3A_681 : vector<1x16xf32> to vector<16xf32>
      %swap3A_683 = vector.shape_cast %add3A_678 : vector<16xf32> to vector<1x16xf32>
      tpu.vector_store %arg11[%swap3A_679, %swap3A_680], %swap3A_683 {strides = array<i32>} : memref<200x64xf32, #tpu.memory_space<vmem>>, vector<1x16xf32>,
      %add3A_684 = arith.constant 3 : i32
      %add3A_685 = arith.addi %add3A_415, %add3A_684 : i32
      %get3A_686 = arith.index_cast %add3A_685 : i32 to index
      %get3A_687 = arith.constant 48 : index
      %get3A_688 = tpu.vector_load %arg11[%get3A_686, %get3A_687] {strides = array<i32>} : memref<200x64xf32, #tpu.memory_space<vmem>>, vector<1x16xf32>,
      %get3A_689 = vector.shape_cast %get3A_688 : vector<1x16xf32> to vector<16xf32>
      %add3A_690 = arith.constant 3 : i32
      %add3A_691 = arith.addi %add3A_415, %add3A_690 : i32
      %get3A_692 = arith.index_cast %add3A_691 : i32 to index
      %get3A_693 = arith.constant 48 : index
      %get3A_694 = tpu.vector_load %arg7[%get3A_692, %get3A_693] {strides = array<i32>} : memref<200x64xf32, #tpu.memory_space<vmem>>, vector<1x16xf32>,
      %get3A_695 = vector.shape_cast %get3A_694 : vector<1x16xf32> to vector<16xf32>
      %add3A_696 = arith.addf %get3A_689, %get3A_695 : vector<16xf32>
      %swap3A_697 = arith.index_cast %add3A_685 : i32 to index
      %swap3A_698 = arith.constant 48 : index
      %swap3A_699 = tpu.vector_load %arg11[%swap3A_697, %swap3A_698] {strides = array<i32>} : memref<200x64xf32, #tpu.memory_space<vmem>>, vector<1x16xf32>,
      %swap3A_700 = vector.shape_cast %swap3A_699 : vector<1x16xf32> to vector<16xf32>
      %swap3A_701 = vector.shape_cast %add3A_696 : vector<16xf32> to vector<1x16xf32>
      tpu.vector_store %arg11[%swap3A_697, %swap3A_698], %swap3A_701 {strides = array<i32>} : memref<200x64xf32, #tpu.memory_space<vmem>>, vector<1x16xf32>,
    }
    %scan3A_221 = arith.constant 50 : i32
    %mul3A_222 = arith.constant 128 : i32
    %mul3A_223 = arith.muli %add3A, %mul3A_222 : i32
    %add3A_224 = arith.constant 3 : i32
    %add3A_225 = arith.addi %mul3A_223, %add3A_224 : i32
    %dma_start3A_226 = arith.constant 0 : i32
    %dma_start3A_227 = arith.constant 0 : i32
    %dma_start3A_228 = tpu.memref_slice %arg5[%add3A_225, %dma_start3A_226, %dma_start3A_227] : memref<4096x200x64xf32, #tpu.memory_space<hbm>> -> memref<1x200x64xf32, #tpu.memory_space<hbm>>
    %dma_start3A_229 = tpu.memref_squeeze %dma_start3A_228 : memref<1x200x64xf32, #tpu.memory_space<hbm>> -> memref<200x64xf32, #tpu.memory_space<hbm>>
    %dma_start3A_230 = arith.constant 0 : i32
    %dma_start3A_231 = arith.constant 0 : i32
    %dma_start3A_232 = tpu.memref_slice %arg5[%add3A_225, %dma_start3A_230, %dma_start3A_231] : memref<4096x200x64xf32, #tpu.memory_space<hbm>> -> memref<1x200x64xf32, #tpu.memory_space<hbm>>
    %dma_start3A_233 = tpu.memref_squeeze %dma_start3A_232 : memref<1x200x64xf32, #tpu.memory_space<hbm>> -> memref<200x64xf32, #tpu.memory_space<hbm>>
    tpu.enqueue_dma source(%arg11 : memref<200x64xf32, #tpu.memory_space<vmem>>) target(%dma_start3A_233 : memref<200x64xf32, #tpu.memory_space<hbm>>) target_semaphore(%arg19 : memref<!tpu.dma_semaphore, #tpu.memory_space<semaphore_mem>>)
    %scan3A_234 = arith.constant 0 : i32
    %scan3A_235 = arith.constant 30 : i32
    %scan3A_236 = arith.addi %scan3A_234, %scan3A_235 : i32
    %scan3A_237 = arith.constant 1 : i32
    scf.for %scan3A_411 = %scan3A_234 to %scan3A_236 step %scan3A_237  : i32 {
      %mul3A_412 = arith.constant 1 : i32
      %mul3A_413 = arith.muli %scan3A_411, %mul3A_412 : i32
      %add3A_414 = arith.constant 1 : i32
      %add3A_415 = arith.addi %add3A_414, %mul3A_413 : i32
      %mul3A_416 = arith.constant 4 : i32
      %mul3A_417 = arith.muli %add3A_415, %mul3A_416 : i32
      %add3A_418 = arith.constant 0 : i32
      %add3A_419 = arith.addi %mul3A_417, %add3A_418 : i32
      %dma_wait3A_420 = arith.constant 0 : i32
      %dma_wait3A_421 = arith.constant 0 : i32
      %dma_wait3A_422 = tpu.memref_slice %arg3[%dma_wait3A_420, %dma_wait3A_421] : memref<1000000x64xf32, #tpu.memory_space<hbm>> -> memref<200x64xf32, #tpu.memory_space<hbm>>
      %dma_wait3A_423 = arith.constant 0 : i32
      %dma_wait3A_424 = arith.constant 0 : i32
      %dma_wait3A_425 = tpu.memref_slice %arg3[%dma_wait3A_423, %dma_wait3A_424] : memref<1000000x64xf32, #tpu.memory_space<hbm>> -> memref<200x64xf32, #tpu.memory_space<hbm>>
      tpu.wait_dma2 semaphore(%arg18 : memref<!tpu.dma_semaphore, #tpu.memory_space<semaphore_mem>>) src(%dma_wait3A_425 : memref<200x64xf32, #tpu.memory_space<hbm>>) dst(%arg10 : memref<200x64xf32, #tpu.memory_space<vmem>>)
      %add3A_426 = arith.constant 2 : i32
      %add3A_427 = arith.addi %add3A_419, %add3A_426 : i32
      %dma_start3A_428 = arith.constant 0 : i32
      %dma_start3A_429 = arith.constant 0 : i32
      %dma_start3A_430 = arith.constant 0 : i32
      %dma_start3A_431 = tpu.memref_slice %arg10[%dma_start3A_429, %dma_start3A_430] : memref<200x64xf32, #tpu.memory_space<vmem>> -> memref<100x64xf32, #tpu.memory_space<vmem>>
      %dma_start3A_432 = arith.constant 0 : i32
      %dma_start3A_433 = tpu.memref_slice %arg6[%add3A_427, %dma_start3A_428, %dma_start3A_432] : memref<128x2x100xi32, #tpu.memory_space<vmem>> -> memref<1x1x100xi32, #tpu.memory_space<vmem>>
      %dma_start3A_434 = tpu.memref_squeeze %dma_start3A_433 : memref<1x1x100xi32, #tpu.memory_space<vmem>> -> memref<100xi32, #tpu.memory_space<vmem>>
      %dma_start3A_435 = arith.constant 0 : i32
      %dma_start3A_436 = arith.constant 0 : i32
      %dma_start3A_437 = tpu.memref_slice %arg3[%dma_start3A_435, %dma_start3A_436] : memref<1000000x64xf32, #tpu.memory_space<hbm>> -> memref<1000000x64xf32, #tpu.memory_space<hbm>>
      tpu.enqueue_indirect_dma source(%dma_start3A_437 : memref<1000000x64xf32, #tpu.memory_space<hbm>>) target(%dma_start3A_431 : memref<100x64xf32, #tpu.memory_space<vmem>>) offsets(%dma_start3A_434 : memref<100xi32, #tpu.memory_space<vmem>>) semaphore(%arg14 : memref<!tpu.dma_semaphore, #tpu.memory_space<semaphore_mem>>)
      %dma_start3A_438 = arith.constant 1 : i32
      %dma_start3A_439 = arith.constant 100 : i32
      %dma_start3A_440 = arith.constant 0 : i32
      %dma_start3A_441 = tpu.memref_slice %arg10[%dma_start3A_439, %dma_start3A_440] : memref<200x64xf32, #tpu.memory_space<vmem>> -> memref<100x64xf32, #tpu.memory_space<vmem>>
      %dma_start3A_442 = arith.constant 0 : i32
      %dma_start3A_443 = tpu.memref_slice %arg6[%add3A_427, %dma_start3A_438, %dma_start3A_442] : memref<128x2x100xi32, #tpu.memory_space<vmem>> -> memref<1x1x100xi32, #tpu.memory_space<vmem>>
      %dma_start3A_444 = tpu.memref_squeeze %dma_start3A_443 : memref<1x1x100xi32, #tpu.memory_space<vmem>> -> memref<100xi32, #tpu.memory_space<vmem>>
      %dma_start3A_445 = arith.constant 0 : i32
      %dma_start3A_446 = arith.constant 0 : i32
      %dma_start3A_447 = tpu.memref_slice %arg3[%dma_start3A_445, %dma_start3A_446] : memref<1000000x64xf32, #tpu.memory_space<hbm>> -> memref<1000000x64xf32, #tpu.memory_space<hbm>>
      tpu.enqueue_indirect_dma source(%dma_start3A_447 : memref<1000000x64xf32, #tpu.memory_space<hbm>>) target(%dma_start3A_441 : memref<100x64xf32, #tpu.memory_space<vmem>>) offsets(%dma_start3A_444 : memref<100xi32, #tpu.memory_space<vmem>>) semaphore(%arg14 : memref<!tpu.dma_semaphore, #tpu.memory_space<semaphore_mem>>)
      %dma_wait3A_448 = arith.constant 0 : i32
      %dma_wait3A_449 = arith.constant 0 : i32
      %dma_wait3A_450 = tpu.memref_slice %arg3[%dma_wait3A_448, %dma_wait3A_449] : memref<1000000x64xf32, #tpu.memory_space<hbm>> -> memref<200x64xf32, #tpu.memory_space<hbm>>
      %dma_wait3A_451 = arith.constant 0 : i32
      %dma_wait3A_452 = arith.constant 0 : i32
      %dma_wait3A_453 = tpu.memref_slice %arg3[%dma_wait3A_451, %dma_wait3A_452] : memref<1000000x64xf32, #tpu.memory_space<hbm>> -> memref<200x64xf32, #tpu.memory_space<hbm>>
      tpu.wait_dma2 semaphore(%arg12 : memref<!tpu.dma_semaphore, #tpu.memory_space<semaphore_mem>>) src(%dma_wait3A_453 : memref<200x64xf32, #tpu.memory_space<hbm>>) dst(%arg8 : memref<200x64xf32, #tpu.memory_space<vmem>>)
      %scan3A_454 = arith.constant 0 : i32
      %scan3A_455 = arith.constant 50 : i32
      %scan3A_456 = arith.addi %scan3A_454, %scan3A_455 : i32
      %scan3A_457 = arith.constant 1 : i32
      scf.for %scan3A_626 = %scan3A_454 to %scan3A_456 step %scan3A_457  : i32 {
        %mul3A_627 = arith.constant 4 : i32
        %mul3A_628 = arith.muli %scan3A_626, %mul3A_627 : i32
        %add3A_629 = arith.constant 0 : i32
        %add3A_630 = arith.addi %add3A_629, %mul3A_628 : i32
        %add3A_631 = arith.constant 0 : i32
        %add3A_632 = arith.addi %add3A_630, %add3A_631 : i32
        %get3A = arith.index_cast %add3A_632 : i32 to index
        %get3A_633 = arith.constant 0 : index
        %get3A_634 = tpu.vector_load %arg8[%get3A, %get3A_633] {strides = array<i32>} : memref<200x64xf32, #tpu.memory_space<vmem>>, vector<1x16xf32>,
        %get3A_635 = vector.shape_cast %get3A_634 : vector<1x16xf32> to vector<16xf32>
        %add3A_636 = arith.constant 0 : i32
        %add3A_637 = arith.addi %add3A_630, %add3A_636 : i32
        %get3A_638 = arith.index_cast %add3A_637 : i32 to index
        %get3A_639 = arith.constant 0 : index
        %get3A_640 = tpu.vector_load %arg7[%get3A_638, %get3A_639] {strides = array<i32>} : memref<200x64xf32, #tpu.memory_space<vmem>>, vector<1x16xf32>,
        %get3A_641 = vector.shape_cast %get3A_640 : vector<1x16xf32> to vector<16xf32>
        %add3A_642 = arith.addf %get3A_635, %get3A_641 : vector<16xf32>
        %swap3A = arith.index_cast %add3A_632 : i32 to index
        %swap3A_643 = arith.constant 0 : index
        %swap3A_644 = tpu.vector_load %arg8[%swap3A, %swap3A_643] {strides = array<i32>} : memref<200x64xf32, #tpu.memory_space<vmem>>, vector<1x16xf32>,
        %swap3A_645 = vector.shape_cast %swap3A_644 : vector<1x16xf32> to vector<16xf32>
        %swap3A_646 = vector.shape_cast %add3A_642 : vector<16xf32> to vector<1x16xf32>
        tpu.vector_store %arg8[%swap3A, %swap3A_643], %swap3A_646 {strides = array<i32>} : memref<200x64xf32, #tpu.memory_space<vmem>>, vector<1x16xf32>,
        %add3A_647 = arith.constant 0 : i32
        %add3A_648 = arith.addi %add3A_630, %add3A_647 : i32
        %get3A_649 = arith.index_cast %add3A_648 : i32 to index
        %get3A_650 = arith.constant 16 : index
        %get3A_651 = tpu.vector_load %arg8[%get3A_649, %get3A_650] {strides = array<i32>} : memref<200x64xf32, #tpu.memory_space<vmem>>, vector<1x16xf32>,
        %get3A_652 = vector.shape_cast %get3A_651 : vector<1x16xf32> to vector<16xf32>
        %add3A_653 = arith.constant 0 : i32
        %add3A_654 = arith.addi %add3A_630, %add3A_653 : i32
        %get3A_655 = arith.index_cast %add3A_654 : i32 to index
        %get3A_656 = arith.constant 16 : index
        %get3A_657 = tpu.vector_load %arg7[%get3A_655, %get3A_656] {strides = array<i32>} : memref<200x64xf32, #tpu.memory_space<vmem>>, vector<1x16xf32>,
        %get3A_658 = vector.shape_cast %get3A_657 : vector<1x16xf32> to vector<16xf32>
        %add3A_659 = arith.addf %get3A_652, %get3A_658 : vector<16xf32>
        %swap3A_660 = arith.index_cast %add3A_648 : i32 to index
        %swap3A_661 = arith.constant 16 : index
        %swap3A_662 = tpu.vector_load %arg8[%swap3A_660, %swap3A_661] {strides = array<i32>} : memref<200x64xf32, #tpu.memory_space<vmem>>, vector<1x16xf32>,
        %swap3A_663 = vector.shape_cast %swap3A_662 : vector<1x16xf32> to vector<16xf32>
        %swap3A_664 = vector.shape_cast %add3A_659 : vector<16xf32> to vector<1x16xf32>
        tpu.vector_store %arg8[%swap3A_660, %swap3A_661], %swap3A_664 {strides = array<i32>} : memref<200x64xf32, #tpu.memory_space<vmem>>, vector<1x16xf32>,
        %add3A_665 = arith.constant 0 : i32
        %add3A_666 = arith.addi %add3A_630, %add3A_665 : i32
        %get3A_667 = arith.index_cast %add3A_666 : i32 to index
        %get3A_668 = arith.constant 32 : index
        %get3A_669 = tpu.vector_load %arg8[%get3A_667, %get3A_668] {strides = array<i32>} : memref<200x64xf32, #tpu.memory_space<vmem>>, vector<1x16xf32>,
        %get3A_670 = vector.shape_cast %get3A_669 : vector<1x16xf32> to vector<16xf32>
        %add3A_671 = arith.constant 0 : i32
        %add3A_672 = arith.addi %add3A_630, %add3A_671 : i32
        %get3A_673 = arith.index_cast %add3A_672 : i32 to index
        %get3A_674 = arith.constant 32 : index
        %get3A_675 = tpu.vector_load %arg7[%get3A_673, %get3A_674] {strides = array<i32>} : memref<200x64xf32, #tpu.memory_space<vmem>>, vector<1x16xf32>,
        %get3A_676 = vector.shape_cast %get3A_675 : vector<1x16xf32> to vector<16xf32>
        %add3A_677 = arith.addf %get3A_670, %get3A_676 : vector<16xf32>
        %swap3A_678 = arith.index_cast %add3A_666 : i32 to index
        %swap3A_679 = arith.constant 32 : index
        %swap3A_680 = tpu.vector_load %arg8[%swap3A_678, %swap3A_679] {strides = array<i32>} : memref<200x64xf32, #tpu.memory_space<vmem>>, vector<1x16xf32>,
        %swap3A_681 = vector.shape_cast %swap3A_680 : vector<1x16xf32> to vector<16xf32>
        %swap3A_682 = vector.shape_cast %add3A_677 : vector<16xf32> to vector<1x16xf32>
        tpu.vector_store %arg8[%swap3A_678, %swap3A_679], %swap3A_682 {strides = array<i32>} : memref<200x64xf32, #tpu.memory_space<vmem>>, vector<1x16xf32>,
        %add3A_683 = arith.constant 0 : i32
        %add3A_684 = arith.addi %add3A_630, %add3A_683 : i32
        %get3A_685 = arith.index_cast %add3A_684 : i32 to index
        %get3A_686 = arith.constant 48 : index
        %get3A_687 = tpu.vector_load %arg8[%get3A_685, %get3A_686] {strides = array<i32>} : memref<200x64xf32, #tpu.memory_space<vmem>>, vector<1x16xf32>,
        %get3A_688 = vector.shape_cast %get3A_687 : vector<1x16xf32> to vector<16xf32>
        %add3A_689 = arith.constant 0 : i32
        %add3A_690 = arith.addi %add3A_630, %add3A_689 : i32
        %get3A_691 = arith.index_cast %add3A_690 : i32 to index
        %get3A_692 = arith.constant 48 : index
        %get3A_693 = tpu.vector_load %arg7[%get3A_691, %get3A_692] {strides = array<i32>} : memref<200x64xf32, #tpu.memory_space<vmem>>, vector<1x16xf32>,
        %get3A_694 = vector.shape_cast %get3A_693 : vector<1x16xf32> to vector<16xf32>
        %add3A_695 = arith.addf %get3A_688, %get3A_694 : vector<16xf32>
        %swap3A_696 = arith.index_cast %add3A_684 : i32 to index
        %swap3A_697 = arith.constant 48 : index
        %swap3A_698 = tpu.vector_load %arg8[%swap3A_696, %swap3A_697] {strides = array<i32>} : memref<200x64xf32, #tpu.memory_space<vmem>>, vector<1x16xf32>,
        %swap3A_699 = vector.shape_cast %swap3A_698 : vector<1x16xf32> to vector<16xf32>
        %swap3A_700 = vector.shape_cast %add3A_695 : vector<16xf32> to vector<1x16xf32>
        tpu.vector_store %arg8[%swap3A_696, %swap3A_697], %swap3A_700 {strides = array<i32>} : memref<200x64xf32, #tpu.memory_space<vmem>>, vector<1x16xf32>,
        %add3A_701 = arith.constant 1 : i32
        %add3A_702 = arith.addi %add3A_630, %add3A_701 : i32
        %get3A_703 = arith.index_cast %add3A_702 : i32 to index
        %get3A_704 = arith.constant 0 : index
        %get3A_705 = tpu.vector_load %arg8[%get3A_703, %get3A_704] {strides = array<i32>} : memref<200x64xf32, #tpu.memory_space<vmem>>, vector<1x16xf32>,
        %get3A_706 = vector.shape_cast %get3A_705 : vector<1x16xf32> to vector<16xf32>
        %add3A_707 = arith.constant 1 : i32
        %add3A_708 = arith.addi %add3A_630, %add3A_707 : i32
        %get3A_709 = arith.index_cast %add3A_708 : i32 to index
        %get3A_710 = arith.constant 0 : index
        %get3A_711 = tpu.vector_load %arg7[%get3A_709, %get3A_710] {strides = array<i32>} : memref<200x64xf32, #tpu.memory_space<vmem>>, vector<1x16xf32>,
        %get3A_712 = vector.shape_cast %get3A_711 : vector<1x16xf32> to vector<16xf32>
        %add3A_713 = arith.addf %get3A_706, %get3A_712 : vector<16xf32>
        %swap3A_714 = arith.index_cast %add3A_702 : i32 to index
        %swap3A_715 = arith.constant 0 : index
        %swap3A_716 = tpu.vector_load %arg8[%swap3A_714, %swap3A_715] {strides = array<i32>} : memref<200x64xf32, #tpu.memory_space<vmem>>, vector<1x16xf32>,
        %swap3A_717 = vector.shape_cast %swap3A_716 : vector<1x16xf32> to vector<16xf32>
        %swap3A_718 = vector.shape_cast %add3A_713 : vector<16xf32> to vector<1x16xf32>
        tpu.vector_store %arg8[%swap3A_714, %swap3A_715], %swap3A_718 {strides = array<i32>} : memref<200x64xf32, #tpu.memory_space<vmem>>, vector<1x16xf32>,
        %add3A_719 = arith.constant 1 : i32
        %add3A_720 = arith.addi %add3A_630, %add3A_719 : i32
        %get3A_721 = arith.index_cast %add3A_720 : i32 to index
        %get3A_722 = arith.constant 16 : index
        %get3A_723 = tpu.vector_load %arg8[%get3A_721, %get3A_722] {strides = array<i32>} : memref<200x64xf32, #tpu.memory_space<vmem>>, vector<1x16xf32>,
        %get3A_724 = vector.shape_cast %get3A_723 : vector<1x16xf32> to vector<16xf32>
        %add3A_725 = arith.constant 1 : i32
        %add3A_726 = arith.addi %add3A_630, %add3A_725 : i32
        %get3A_727 = arith.index_cast %add3A_726 : i32 to index
        %get3A_728 = arith.constant 16 : index
        %get3A_729 = tpu.vector_load %arg7[%get3A_727, %get3A_728] {strides = array<i32>} : memref<200x64xf32, #tpu.memory_space<vmem>>, vector<1x16xf32>,
        %get3A_730 = vector.shape_cast %get3A_729 : vector<1x16xf32> to vector<16xf32>
        %add3A_731 = arith.addf %get3A_724, %get3A_730 : vector<16xf32>
        %swap3A_732 = arith.index_cast %add3A_720 : i32 to index
        %swap3A_733 = arith.constant 16 : index
        %swap3A_734 = tpu.vector_load %arg8[%swap3A_732, %swap3A_733] {strides = array<i32>} : memref<200x64xf32, #tpu.memory_space<vmem>>, vector<1x16xf32>,
        %swap3A_735 = vector.shape_cast %swap3A_734 : vector<1x16xf32> to vector<16xf32>
        %swap3A_736 = vector.shape_cast %add3A_731 : vector<16xf32> to vector<1x16xf32>
        tpu.vector_store %arg8[%swap3A_732, %swap3A_733], %swap3A_736 {strides = array<i32>} : memref<200x64xf32, #tpu.memory_space<vmem>>, vector<1x16xf32>,
        %add3A_737 = arith.constant 1 : i32
        %add3A_738 = arith.addi %add3A_630, %add3A_737 : i32
        %get3A_739 = arith.index_cast %add3A_738 : i32 to index
        %get3A_740 = arith.constant 32 : index
        %get3A_741 = tpu.vector_load %arg8[%get3A_739, %get3A_740] {strides = array<i32>} : memref<200x64xf32, #tpu.memory_space<vmem>>, vector<1x16xf32>,
        %get3A_742 = vector.shape_cast %get3A_741 : vector<1x16xf32> to vector<16xf32>
        %add3A_743 = arith.constant 1 : i32
        %add3A_744 = arith.addi %add3A_630, %add3A_743 : i32
        %get3A_745 = arith.index_cast %add3A_744 : i32 to index
        %get3A_746 = arith.constant 32 : index
        %get3A_747 = tpu.vector_load %arg7[%get3A_745, %get3A_746] {strides = array<i32>} : memref<200x64xf32, #tpu.memory_space<vmem>>, vector<1x16xf32>,
        %get3A_748 = vector.shape_cast %get3A_747 : vector<1x16xf32> to vector<16xf32>
        %add3A_749 = arith.addf %get3A_742, %get3A_748 : vector<16xf32>
        %swap3A_750 = arith.index_cast %add3A_738 : i32 to index
        %swap3A_751 = arith.constant 32 : index
        %swap3A_752 = tpu.vector_load %arg8[%swap3A_750, %swap3A_751] {strides = array<i32>} : memref<200x64xf32, #tpu.memory_space<vmem>>, vector<1x16xf32>,
        %swap3A_753 = vector.shape_cast %swap3A_752 : vector<1x16xf32> to vector<16xf32>
        %swap3A_754 = vector.shape_cast %add3A_749 : vector<16xf32> to vector<1x16xf32>
        tpu.vector_store %arg8[%swap3A_750, %swap3A_751], %swap3A_754 {strides = array<i32>} : memref<200x64xf32, #tpu.memory_space<vmem>>, vector<1x16xf32>,
        %add3A_755 = arith.constant 1 : i32
        %add3A_756 = arith.addi %add3A_630, %add3A_755 : i32
        %get3A_757 = arith.index_cast %add3A_756 : i32 to index
        %get3A_758 = arith.constant 48 : index
        %get3A_759 = tpu.vector_load %arg8[%get3A_757, %get3A_758] {strides = array<i32>} : memref<200x64xf32, #tpu.memory_space<vmem>>, vector<1x16xf32>,
        %get3A_760 = vector.shape_cast %get3A_759 : vector<1x16xf32> to vector<16xf32>
        %add3A_761 = arith.constant 1 : i32
        %add3A_762 = arith.addi %add3A_630, %add3A_761 : i32
        %get3A_763 = arith.index_cast %add3A_762 : i32 to index
        %get3A_764 = arith.constant 48 : index
        %get3A_765 = tpu.vector_load %arg7[%get3A_763, %get3A_764] {strides = array<i32>} : memref<200x64xf32, #tpu.memory_space<vmem>>, vector<1x16xf32>,
        %get3A_766 = vector.shape_cast %get3A_765 : vector<1x16xf32> to vector<16xf32>
        %add3A_767 = arith.addf %get3A_760, %get3A_766 : vector<16xf32>
        %swap3A_768 = arith.index_cast %add3A_756 : i32 to index
        %swap3A_769 = arith.constant 48 : index
        %swap3A_770 = tpu.vector_load %arg8[%swap3A_768, %swap3A_769] {strides = array<i32>} : memref<200x64xf32, #tpu.memory_space<vmem>>, vector<1x16xf32>,
        %swap3A_771 = vector.shape_cast %swap3A_770 : vector<1x16xf32> to vector<16xf32>
        %swap3A_772 = vector.shape_cast %add3A_767 : vector<16xf32> to vector<1x16xf32>
        tpu.vector_store %arg8[%swap3A_768, %swap3A_769], %swap3A_772 {strides = array<i32>} : memref<200x64xf32, #tpu.memory_space<vmem>>, vector<1x16xf32>,
        %add3A_773 = arith.constant 2 : i32
        %add3A_774 = arith.addi %add3A_630, %add3A_773 : i32
        %get3A_775 = arith.index_cast %add3A_774 : i32 to index
        %get3A_776 = arith.constant 0 : index
        %get3A_777 = tpu.vector_load %arg8[%get3A_775, %get3A_776] {strides = array<i32>} : memref<200x64xf32, #tpu.memory_space<vmem>>, vector<1x16xf32>,
        %get3A_778 = vector.shape_cast %get3A_777 : vector<1x16xf32> to vector<16xf32>
        %add3A_779 = arith.constant 2 : i32
        %add3A_780 = arith.addi %add3A_630, %add3A_779 : i32
        %get3A_781 = arith.index_cast %add3A_780 : i32 to index
        %get3A_782 = arith.constant 0 : index
        %get3A_783 = tpu.vector_load %arg7[%get3A_781, %get3A_782] {strides = array<i32>} : memref<200x64xf32, #tpu.memory_space<vmem>>, vector<1x16xf32>,
        %get3A_784 = vector.shape_cast %get3A_783 : vector<1x16xf32> to vector<16xf32>
        %add3A_785 = arith.addf %get3A_778, %get3A_784 : vector<16xf32>
        %swap3A_786 = arith.index_cast %add3A_774 : i32 to index
        %swap3A_787 = arith.constant 0 : index
        %swap3A_788 = tpu.vector_load %arg8[%swap3A_786, %swap3A_787] {strides = array<i32>} : memref<200x64xf32, #tpu.memory_space<vmem>>, vector<1x16xf32>,
        %swap3A_789 = vector.shape_cast %swap3A_788 : vector<1x16xf32> to vector<16xf32>
        %swap3A_790 = vector.shape_cast %add3A_785 : vector<16xf32> to vector<1x16xf32>
        tpu.vector_store %arg8[%swap3A_786, %swap3A_787], %swap3A_790 {strides = array<i32>} : memref<200x64xf32, #tpu.memory_space<vmem>>, vector<1x16xf32>,
        %add3A_791 = arith.constant 2 : i32
        %add3A_792 = arith.addi %add3A_630, %add3A_791 : i32
        %get3A_793 = arith.index_cast %add3A_792 : i32 to index
        %get3A_794 = arith.constant 16 : index
        %get3A_795 = tpu.vector_load %arg8[%get3A_793, %get3A_794] {strides = array<i32>} : memref<200x64xf32, #tpu.memory_space<vmem>>, vector<1x16xf32>,
        %get3A_796 = vector.shape_cast %get3A_795 : vector<1x16xf32> to vector<16xf32>
        %add3A_797 = arith.constant 2 : i32
        %add3A_798 = arith.addi %add3A_630, %add3A_797 : i32
        %get3A_799 = arith.index_cast %add3A_798 : i32 to index
        %get3A_800 = arith.constant 16 : index
        %get3A_801 = tpu.vector_load %arg7[%get3A_799, %get3A_800] {strides = array<i32>} : memref<200x64xf32, #tpu.memory_space<vmem>>, vector<1x16xf32>,
        %get3A_802 = vector.shape_cast %get3A_801 : vector<1x16xf32> to vector<16xf32>
        %add3A_803 = arith.addf %get3A_796, %get3A_802 : vector<16xf32>
        %swap3A_804 = arith.index_cast %add3A_792 : i32 to index
        %swap3A_805 = arith.constant 16 : index
        %swap3A_806 = tpu.vector_load %arg8[%swap3A_804, %swap3A_805] {strides = array<i32>} : memref<200x64xf32, #tpu.memory_space<vmem>>, vector<1x16xf32>,
        %swap3A_807 = vector.shape_cast %swap3A_806 : vector<1x16xf32> to vector<16xf32>
        %swap3A_808 = vector.shape_cast %add3A_803 : vector<16xf32> to vector<1x16xf32>
        tpu.vector_store %arg8[%swap3A_804, %swap3A_805], %swap3A_808 {strides = array<i32>} : memref<200x64xf32, #tpu.memory_space<vmem>>, vector<1x16xf32>,
        %add3A_809 = arith.constant 2 : i32
        %add3A_810 = arith.addi %add3A_630, %add3A_809 : i32
        %get3A_811 = arith.index_cast %add3A_810 : i32 to index
        %get3A_812 = arith.constant 32 : index
        %get3A_813 = tpu.vector_load %arg8[%get3A_811, %get3A_812] {strides = array<i32>} : memref<200x64xf32, #tpu.memory_space<vmem>>, vector<1x16xf32>,
        %get3A_814 = vector.shape_cast %get3A_813 : vector<1x16xf32> to vector<16xf32>
        %add3A_815 = arith.constant 2 : i32
        %add3A_816 = arith.addi %add3A_630, %add3A_815 : i32
        %get3A_817 = arith.index_cast %add3A_816 : i32 to index
        %get3A_818 = arith.constant 32 : index
        %get3A_819 = tpu.vector_load %arg7[%get3A_817, %get3A_818] {strides = array<i32>} : memref<200x64xf32, #tpu.memory_space<vmem>>, vector<1x16xf32>,
        %get3A_820 = vector.shape_cast %get3A_819 : vector<1x16xf32> to vector<16xf32>
        %add3A_821 = arith.addf %get3A_814, %get3A_820 : vector<16xf32>
        %swap3A_822 = arith.index_cast %add3A_810 : i32 to index
        %swap3A_823 = arith.constant 32 : index
        %swap3A_824 = tpu.vector_load %arg8[%swap3A_822, %swap3A_823] {strides = array<i32>} : memref<200x64xf32, #tpu.memory_space<vmem>>, vector<1x16xf32>,
        %swap3A_825 = vector.shape_cast %swap3A_824 : vector<1x16xf32> to vector<16xf32>
        %swap3A_826 = vector.shape_cast %add3A_821 : vector<16xf32> to vector<1x16xf32>
        tpu.vector_store %arg8[%swap3A_822, %swap3A_823], %swap3A_826 {strides = array<i32>} : memref<200x64xf32, #tpu.memory_space<vmem>>, vector<1x16xf32>,
        %add3A_827 = arith.constant 2 : i32
        %add3A_828 = arith.addi %add3A_630, %add3A_827 : i32
        %get3A_829 = arith.index_cast %add3A_828 : i32 to index
        %get3A_830 = arith.constant 48 : index
        %get3A_831 = tpu.vector_load %arg8[%get3A_829, %get3A_830] {strides = array<i32>} : memref<200x64xf32, #tpu.memory_space<vmem>>, vector<1x16xf32>,
        %get3A_832 = vector.shape_cast %get3A_831 : vector<1x16xf32> to vector<16xf32>
        %add3A_833 = arith.constant 2 : i32
        %add3A_834 = arith.addi %add3A_630, %add3A_833 : i32
        %get3A_835 = arith.index_cast %add3A_834 : i32 to index
        %get3A_836 = arith.constant 48 : index
        %get3A_837 = tpu.vector_load %arg7[%get3A_835, %get3A_836] {strides = array<i32>} : memref<200x64xf32, #tpu.memory_space<vmem>>, vector<1x16xf32>,
        %get3A_838 = vector.shape_cast %get3A_837 : vector<1x16xf32> to vector<16xf32>
        %add3A_839 = arith.addf %get3A_832, %get3A_838 : vector<16xf32>
        %swap3A_840 = arith.index_cast %add3A_828 : i32 to index
        %swap3A_841 = arith.constant 48 : index
        %swap3A_842 = tpu.vector_load %arg8[%swap3A_840, %swap3A_841] {strides = array<i32>} : memref<200x64xf32, #tpu.memory_space<vmem>>, vector<1x16xf32>,
        %swap3A_843 = vector.shape_cast %swap3A_842 : vector<1x16xf32> to vector<16xf32>
        %swap3A_844 = vector.shape_cast %add3A_839 : vector<16xf32> to vector<1x16xf32>
        tpu.vector_store %arg8[%swap3A_840, %swap3A_841], %swap3A_844 {strides = array<i32>} : memref<200x64xf32, #tpu.memory_space<vmem>>, vector<1x16xf32>,
        %add3A_845 = arith.constant 3 : i32
        %add3A_846 = arith.addi %add3A_630, %add3A_845 : i32
        %get3A_847 = arith.index_cast %add3A_846 : i32 to index
        %get3A_848 = arith.constant 0 : index
        %get3A_849 = tpu.vector_load %arg8[%get3A_847, %get3A_848] {strides = array<i32>} : memref<200x64xf32, #tpu.memory_space<vmem>>, vector<1x16xf32>,
        %get3A_850 = vector.shape_cast %get3A_849 : vector<1x16xf32> to vector<16xf32>
        %add3A_851 = arith.constant 3 : i32
        %add3A_852 = arith.addi %add3A_630, %add3A_851 : i32
        %get3A_853 = arith.index_cast %add3A_852 : i32 to index
        %get3A_854 = arith.constant 0 : index
        %get3A_855 = tpu.vector_load %arg7[%get3A_853, %get3A_854] {strides = array<i32>} : memref<200x64xf32, #tpu.memory_space<vmem>>, vector<1x16xf32>,
        %get3A_856 = vector.shape_cast %get3A_855 : vector<1x16xf32> to vector<16xf32>
        %add3A_857 = arith.addf %get3A_850, %get3A_856 : vector<16xf32>
        %swap3A_858 = arith.index_cast %add3A_846 : i32 to index
        %swap3A_859 = arith.constant 0 : index
        %swap3A_860 = tpu.vector_load %arg8[%swap3A_858, %swap3A_859] {strides = array<i32>} : memref<200x64xf32, #tpu.memory_space<vmem>>, vector<1x16xf32>,
        %swap3A_861 = vector.shape_cast %swap3A_860 : vector<1x16xf32> to vector<16xf32>
        %swap3A_862 = vector.shape_cast %add3A_857 : vector<16xf32> to vector<1x16xf32>
        tpu.vector_store %arg8[%swap3A_858, %swap3A_859], %swap3A_862 {strides = array<i32>} : memref<200x64xf32, #tpu.memory_space<vmem>>, vector<1x16xf32>,
        %add3A_863 = arith.constant 3 : i32
        %add3A_864 = arith.addi %add3A_630, %add3A_863 : i32
        %get3A_865 = arith.index_cast %add3A_864 : i32 to index
        %get3A_866 = arith.constant 16 : index
        %get3A_867 = tpu.vector_load %arg8[%get3A_865, %get3A_866] {strides = array<i32>} : memref<200x64xf32, #tpu.memory_space<vmem>>, vector<1x16xf32>,
        %get3A_868 = vector.shape_cast %get3A_867 : vector<1x16xf32> to vector<16xf32>
        %add3A_869 = arith.constant 3 : i32
        %add3A_870 = arith.addi %add3A_630, %add3A_869 : i32
        %get3A_871 = arith.index_cast %add3A_870 : i32 to index
        %get3A_872 = arith.constant 16 : index
        %get3A_873 = tpu.vector_load %arg7[%get3A_871, %get3A_872] {strides = array<i32>} : memref<200x64xf32, #tpu.memory_space<vmem>>, vector<1x16xf32>,
        %get3A_874 = vector.shape_cast %get3A_873 : vector<1x16xf32> to vector<16xf32>
        %add3A_875 = arith.addf %get3A_868, %get3A_874 : vector<16xf32>
        %swap3A_876 = arith.index_cast %add3A_864 : i32 to index
        %swap3A_877 = arith.constant 16 : index
        %swap3A_878 = tpu.vector_load %arg8[%swap3A_876, %swap3A_877] {strides = array<i32>} : memref<200x64xf32, #tpu.memory_space<vmem>>, vector<1x16xf32>,
        %swap3A_879 = vector.shape_cast %swap3A_878 : vector<1x16xf32> to vector<16xf32>
        %swap3A_880 = vector.shape_cast %add3A_875 : vector<16xf32> to vector<1x16xf32>
        tpu.vector_store %arg8[%swap3A_876, %swap3A_877], %swap3A_880 {strides = array<i32>} : memref<200x64xf32, #tpu.memory_space<vmem>>, vector<1x16xf32>,
        %add3A_881 = arith.constant 3 : i32
        %add3A_882 = arith.addi %add3A_630, %add3A_881 : i32
        %get3A_883 = arith.index_cast %add3A_882 : i32 to index
        %get3A_884 = arith.constant 32 : index
        %get3A_885 = tpu.vector_load %arg8[%get3A_883, %get3A_884] {strides = array<i32>} : memref<200x64xf32, #tpu.memory_space<vmem>>, vector<1x16xf32>,
        %get3A_886 = vector.shape_cast %get3A_885 : vector<1x16xf32> to vector<16xf32>
        %add3A_887 = arith.constant 3 : i32
        %add3A_888 = arith.addi %add3A_630, %add3A_887 : i32
        %get3A_889 = arith.index_cast %add3A_888 : i32 to index
        %get3A_890 = arith.constant 32 : index
        %get3A_891 = tpu.vector_load %arg7[%get3A_889, %get3A_890] {strides = array<i32>} : memref<200x64xf32, #tpu.memory_space<vmem>>, vector<1x16xf32>,
        %get3A_892 = vector.shape_cast %get3A_891 : vector<1x16xf32> to vector<16xf32>
        %add3A_893 = arith.addf %get3A_886, %get3A_892 : vector<16xf32>
        %swap3A_894 = arith.index_cast %add3A_882 : i32 to index
        %swap3A_895 = arith.constant 32 : index
        %swap3A_896 = tpu.vector_load %arg8[%swap3A_894, %swap3A_895] {strides = array<i32>} : memref<200x64xf32, #tpu.memory_space<vmem>>, vector<1x16xf32>,
        %swap3A_897 = vector.shape_cast %swap3A_896 : vector<1x16xf32> to vector<16xf32>
        %swap3A_898 = vector.shape_cast %add3A_893 : vector<16xf32> to vector<1x16xf32>
        tpu.vector_store %arg8[%swap3A_894, %swap3A_895], %swap3A_898 {strides = array<i32>} : memref<200x64xf32, #tpu.memory_space<vmem>>, vector<1x16xf32>,
        %add3A_899 = arith.constant 3 : i32
        %add3A_900 = arith.addi %add3A_630, %add3A_899 : i32
        %get3A_901 = arith.index_cast %add3A_900 : i32 to index
        %get3A_902 = arith.constant 48 : index
        %get3A_903 = tpu.vector_load %arg8[%get3A_901, %get3A_902] {strides = array<i32>} : memref<200x64xf32, #tpu.memory_space<vmem>>, vector<1x16xf32>,
        %get3A_904 = vector.shape_cast %get3A_903 : vector<1x16xf32> to vector<16xf32>
        %add3A_905 = arith.constant 3 : i32
        %add3A_906 = arith.addi %add3A_630, %add3A_905 : i32
        %get3A_907 = arith.index_cast %add3A_906 : i32 to index
        %get3A_908 = arith.constant 48 : index
        %get3A_909 = tpu.vector_load %arg7[%get3A_907, %get3A_908] {strides = array<i32>} : memref<200x64xf32, #tpu.memory_space<vmem>>, vector<1x16xf32>,
        %get3A_910 = vector.shape_cast %get3A_909 : vector<1x16xf32> to vector<16xf32>
        %add3A_911 = arith.addf %get3A_904, %get3A_910 : vector<16xf32>
        %swap3A_912 = arith.index_cast %add3A_900 : i32 to index
        %swap3A_913 = arith.constant 48 : index
        %swap3A_914 = tpu.vector_load %arg8[%swap3A_912, %swap3A_913] {strides = array<i32>} : memref<200x64xf32, #tpu.memory_space<vmem>>, vector<1x16xf32>,
        %swap3A_915 = vector.shape_cast %swap3A_914 : vector<1x16xf32> to vector<16xf32>
        %swap3A_916 = vector.shape_cast %add3A_911 : vector<16xf32> to vector<1x16xf32>
        tpu.vector_store %arg8[%swap3A_912, %swap3A_913], %swap3A_916 {strides = array<i32>} : memref<200x64xf32, #tpu.memory_space<vmem>>, vector<1x16xf32>,
      }
      %scan3A_458 = arith.constant 50 : i32
      %mul3A_459 = arith.constant 128 : i32
      %mul3A_460 = arith.muli %add3A, %mul3A_459 : i32
      %add3A_461 = arith.addi %mul3A_460, %add3A_419 : i32
      %dma_start3A_462 = arith.constant 0 : i32
      %dma_start3A_463 = arith.constant 0 : i32
      %dma_start3A_464 = tpu.memref_slice %arg5[%add3A_461, %dma_start3A_462, %dma_start3A_463] : memref<4096x200x64xf32, #tpu.memory_space<hbm>> -> memref<1x200x64xf32, #tpu.memory_space<hbm>>
      %dma_start3A_465 = tpu.memref_squeeze %dma_start3A_464 : memref<1x200x64xf32, #tpu.memory_space<hbm>> -> memref<200x64xf32, #tpu.memory_space<hbm>>
      %dma_start3A_466 = arith.constant 0 : i32
      %dma_start3A_467 = arith.constant 0 : i32
      %dma_start3A_468 = tpu.memref_slice %arg5[%add3A_461, %dma_start3A_466, %dma_start3A_467] : memref<4096x200x64xf32, #tpu.memory_space<hbm>> -> memref<1x200x64xf32, #tpu.memory_space<hbm>>
      %dma_start3A_469 = tpu.memref_squeeze %dma_start3A_468 : memref<1x200x64xf32, #tpu.memory_space<hbm>> -> memref<200x64xf32, #tpu.memory_space<hbm>>
      tpu.enqueue_dma source(%arg8 : memref<200x64xf32, #tpu.memory_space<vmem>>) target(%dma_start3A_469 : memref<200x64xf32, #tpu.memory_space<hbm>>) target_semaphore(%arg16 : memref<!tpu.dma_semaphore, #tpu.memory_space<semaphore_mem>>)
      %add3A_470 = arith.constant 1 : i32
      %add3A_471 = arith.addi %mul3A_417, %add3A_470 : i32
      %dma_wait3A_472 = arith.constant 0 : i32
      %dma_wait3A_473 = arith.constant 0 : i32
      %dma_wait3A_474 = tpu.memref_slice %arg3[%dma_wait3A_472, %dma_wait3A_473] : memref<1000000x64xf32, #tpu.memory_space<hbm>> -> memref<200x64xf32, #tpu.memory_space<hbm>>
      %dma_wait3A_475 = arith.constant 0 : i32
      %dma_wait3A_476 = arith.constant 0 : i32
      %dma_wait3A_477 = tpu.memref_slice %arg3[%dma_wait3A_475, %dma_wait3A_476] : memref<1000000x64xf32, #tpu.memory_space<hbm>> -> memref<200x64xf32, #tpu.memory_space<hbm>>
      tpu.wait_dma2 semaphore(%arg19 : memref<!tpu.dma_semaphore, #tpu.memory_space<semaphore_mem>>) src(%dma_wait3A_477 : memref<200x64xf32, #tpu.memory_space<hbm>>) dst(%arg11 : memref<200x64xf32, #tpu.memory_space<vmem>>)
      %add3A_478 = arith.constant 2 : i32
      %add3A_479 = arith.addi %add3A_471, %add3A_478 : i32
      %dma_start3A_480 = arith.constant 0 : i32
      %dma_start3A_481 = arith.constant 0 : i32
      %dma_start3A_482 = arith.constant 0 : i32
      %dma_start3A_483 = tpu.memref_slice %arg11[%dma_start3A_481, %dma_start3A_482] : memref<200x64xf32, #tpu.memory_space<vmem>> -> memref<100x64xf32, #tpu.memory_space<vmem>>
      %dma_start3A_484 = arith.constant 0 : i32
      %dma_start3A_485 = tpu.memref_slice %arg6[%add3A_479, %dma_start3A_480, %dma_start3A_484] : memref<128x2x100xi32, #tpu.memory_space<vmem>> -> memref<1x1x100xi32, #tpu.memory_space<vmem>>
      %dma_start3A_486 = tpu.memref_squeeze %dma_start3A_485 : memref<1x1x100xi32, #tpu.memory_space<vmem>> -> memref<100xi32, #tpu.memory_space<vmem>>
      %dma_start3A_487 = arith.constant 0 : i32
      %dma_start3A_488 = arith.constant 0 : i32
      %dma_start3A_489 = tpu.memref_slice %arg3[%dma_start3A_487, %dma_start3A_488] : memref<1000000x64xf32, #tpu.memory_space<hbm>> -> memref<1000000x64xf32, #tpu.memory_space<hbm>>
      tpu.enqueue_indirect_dma source(%dma_start3A_489 : memref<1000000x64xf32, #tpu.memory_space<hbm>>) target(%dma_start3A_483 : memref<100x64xf32, #tpu.memory_space<vmem>>) offsets(%dma_start3A_486 : memref<100xi32, #tpu.memory_space<vmem>>) semaphore(%arg15 : memref<!tpu.dma_semaphore, #tpu.memory_space<semaphore_mem>>)
      %dma_start3A_490 = arith.constant 1 : i32
      %dma_start3A_491 = arith.constant 100 : i32
      %dma_start3A_492 = arith.constant 0 : i32
      %dma_start3A_493 = tpu.memref_slice %arg11[%dma_start3A_491, %dma_start3A_492] : memref<200x64xf32, #tpu.memory_space<vmem>> -> memref<100x64xf32, #tpu.memory_space<vmem>>
      %dma_start3A_494 = arith.constant 0 : i32
      %dma_start3A_495 = tpu.memref_slice %arg6[%add3A_479, %dma_start3A_490, %dma_start3A_494] : memref<128x2x100xi32, #tpu.memory_space<vmem>> -> memref<1x1x100xi32, #tpu.memory_space<vmem>>
      %dma_start3A_496 = tpu.memref_squeeze %dma_start3A_495 : memref<1x1x100xi32, #tpu.memory_space<vmem>> -> memref<100xi32, #tpu.memory_space<vmem>>
      %dma_start3A_497 = arith.constant 0 : i32
      %dma_start3A_498 = arith.constant 0 : i32
      %dma_start3A_499 = tpu.memref_slice %arg3[%dma_start3A_497, %dma_start3A_498] : memref<1000000x64xf32, #tpu.memory_space<hbm>> -> memref<1000000x64xf32, #tpu.memory_space<hbm>>
      tpu.enqueue_indirect_dma source(%dma_start3A_499 : memref<1000000x64xf32, #tpu.memory_space<hbm>>) target(%dma_start3A_493 : memref<100x64xf32, #tpu.memory_space<vmem>>) offsets(%dma_start3A_496 : memref<100xi32, #tpu.memory_space<vmem>>) semaphore(%arg15 : memref<!tpu.dma_semaphore, #tpu.memory_space<semaphore_mem>>)
      %dma_wait3A_500 = arith.constant 0 : i32
      %dma_wait3A_501 = arith.constant 0 : i32
      %dma_wait3A_502 = tpu.memref_slice %arg3[%dma_wait3A_500, %dma_wait3A_501] : memref<1000000x64xf32, #tpu.memory_space<hbm>> -> memref<200x64xf32, #tpu.memory_space<hbm>>
      %dma_wait3A_503 = arith.constant 0 : i32
      %dma_wait3A_504 = arith.constant 0 : i32
      %dma_wait3A_505 = tpu.memref_slice %arg3[%dma_wait3A_503, %dma_wait3A_504] : memref<1000000x64xf32, #tpu.memory_space<hbm>> -> memref<200x64xf32, #tpu.memory_space<hbm>>
      tpu.wait_dma2 semaphore(%arg13 : memref<!tpu.dma_semaphore, #tpu.memory_space<semaphore_mem>>) src(%dma_wait3A_505 : memref<200x64xf32, #tpu.memory_space<hbm>>) dst(%arg9 : memref<200x64xf32, #tpu.memory_space<vmem>>)
      %scan3A_506 = arith.constant 0 : i32
      %scan3A_507 = arith.constant 50 : i32
      %scan3A_508 = arith.addi %scan3A_506, %scan3A_507 : i32
      %scan3A_509 = arith.constant 1 : i32
      scf.for %scan3A_626 = %scan3A_506 to %scan3A_508 step %scan3A_509  : i32 {
        %mul3A_627 = arith.constant 4 : i32
        %mul3A_628 = arith.muli %scan3A_626, %mul3A_627 : i32
        %add3A_629 = arith.constant 0 : i32
        %add3A_630 = arith.addi %add3A_629, %mul3A_628 : i32
        %add3A_631 = arith.constant 0 : i32
        %add3A_632 = arith.addi %add3A_630, %add3A_631 : i32
        %get3A = arith.index_cast %add3A_632 : i32 to index
        %get3A_633 = arith.constant 0 : index
        %get3A_634 = tpu.vector_load %arg9[%get3A, %get3A_633] {strides = array<i32>} : memref<200x64xf32, #tpu.memory_space<vmem>>, vector<1x16xf32>,
        %get3A_635 = vector.shape_cast %get3A_634 : vector<1x16xf32> to vector<16xf32>
        %add3A_636 = arith.constant 0 : i32
        %add3A_637 = arith.addi %add3A_630, %add3A_636 : i32
        %get3A_638 = arith.index_cast %add3A_637 : i32 to index
        %get3A_639 = arith.constant 0 : index
        %get3A_640 = tpu.vector_load %arg7[%get3A_638, %get3A_639] {strides = array<i32>} : memref<200x64xf32, #tpu.memory_space<vmem>>, vector<1x16xf32>,
        %get3A_641 = vector.shape_cast %get3A_640 : vector<1x16xf32> to vector<16xf32>
        %add3A_642 = arith.addf %get3A_635, %get3A_641 : vector<16xf32>
        %swap3A = arith.index_cast %add3A_632 : i32 to index
        %swap3A_643 = arith.constant 0 : index
        %swap3A_644 = tpu.vector_load %arg9[%swap3A, %swap3A_643] {strides = array<i32>} : memref<200x64xf32, #tpu.memory_space<vmem>>, vector<1x16xf32>,
        %swap3A_645 = vector.shape_cast %swap3A_644 : vector<1x16xf32> to vector<16xf32>
        %swap3A_646 = vector.shape_cast %add3A_642 : vector<16xf32> to vector<1x16xf32>
        tpu.vector_store %arg9[%swap3A, %swap3A_643], %swap3A_646 {strides = array<i32>} : memref<200x64xf32, #tpu.memory_space<vmem>>, vector<1x16xf32>,
        %add3A_647 = arith.constant 0 : i32
        %add3A_648 = arith.addi %add3A_630, %add3A_647 : i32
        %get3A_649 = arith.index_cast %add3A_648 : i32 to index
        %get3A_650 = arith.constant 16 : index
        %get3A_651 = tpu.vector_load %arg9[%get3A_649, %get3A_650] {strides = array<i32>} : memref<200x64xf32, #tpu.memory_space<vmem>>, vector<1x16xf32>,
        %get3A_652 = vector.shape_cast %get3A_651 : vector<1x16xf32> to vector<16xf32>
        %add3A_653 = arith.constant 0 : i32
        %add3A_654 = arith.addi %add3A_630, %add3A_653 : i32
        %get3A_655 = arith.index_cast %add3A_654 : i32 to index
        %get3A_656 = arith.constant 16 : index
        %get3A_657 = tpu.vector_load %arg7[%get3A_655, %get3A_656] {strides = array<i32>} : memref<200x64xf32, #tpu.memory_space<vmem>>, vector<1x16xf32>,
        %get3A_658 = vector.shape_cast %get3A_657 : vector<1x16xf32> to vector<16xf32>
        %add3A_659 = arith.addf %get3A_652, %get3A_658 : vector<16xf32>
        %swap3A_660 = arith.index_cast %add3A_648 : i32 to index
        %swap3A_661 = arith.constant 16 : index
        %swap3A_662 = tpu.vector_load %arg9[%swap3A_660, %swap3A_661] {strides = array<i32>} : memref<200x64xf32, #tpu.memory_space<vmem>>, vector<1x16xf32>,
        %swap3A_663 = vector.shape_cast %swap3A_662 : vector<1x16xf32> to vector<16xf32>
        %swap3A_664 = vector.shape_cast %add3A_659 : vector<16xf32> to vector<1x16xf32>
        tpu.vector_store %arg9[%swap3A_660, %swap3A_661], %swap3A_664 {strides = array<i32>} : memref<200x64xf32, #tpu.memory_space<vmem>>, vector<1x16xf32>,
        %add3A_665 = arith.constant 0 : i32
        %add3A_666 = arith.addi %add3A_630, %add3A_665 : i32
        %get3A_667 = arith.index_cast %add3A_666 : i32 to index
        %get3A_668 = arith.constant 32 : index
        %get3A_669 = tpu.vector_load %arg9[%get3A_667, %get3A_668] {strides = array<i32>} : memref<200x64xf32, #tpu.memory_space<vmem>>, vector<1x16xf32>,
        %get3A_670 = vector.shape_cast %get3A_669 : vector<1x16xf32> to vector<16xf32>
        %add3A_671 = arith.constant 0 : i32
        %add3A_672 = arith.addi %add3A_630, %add3A_671 : i32
        %get3A_673 = arith.index_cast %add3A_672 : i32 to index
        %get3A_674 = arith.constant 32 : index
        %get3A_675 = tpu.vector_load %arg7[%get3A_673, %get3A_674] {strides = array<i32>} : memref<200x64xf32, #tpu.memory_space<vmem>>, vector<1x16xf32>,
        %get3A_676 = vector.shape_cast %get3A_675 : vector<1x16xf32> to vector<16xf32>
        %add3A_677 = arith.addf %get3A_670, %get3A_676 : vector<16xf32>
        %swap3A_678 = arith.index_cast %add3A_666 : i32 to index
        %swap3A_679 = arith.constant 32 : index
        %swap3A_680 = tpu.vector_load %arg9[%swap3A_678, %swap3A_679] {strides = array<i32>} : memref<200x64xf32, #tpu.memory_space<vmem>>, vector<1x16xf32>,
        %swap3A_681 = vector.shape_cast %swap3A_680 : vector<1x16xf32> to vector<16xf32>
        %swap3A_682 = vector.shape_cast %add3A_677 : vector<16xf32> to vector<1x16xf32>
        tpu.vector_store %arg9[%swap3A_678, %swap3A_679], %swap3A_682 {strides = array<i32>} : memref<200x64xf32, #tpu.memory_space<vmem>>, vector<1x16xf32>,
        %add3A_683 = arith.constant 0 : i32
        %add3A_684 = arith.addi %add3A_630, %add3A_683 : i32
        %get3A_685 = arith.index_cast %add3A_684 : i32 to index
        %get3A_686 = arith.constant 48 : index
        %get3A_687 = tpu.vector_load %arg9[%get3A_685, %get3A_686] {strides = array<i32>} : memref<200x64xf32, #tpu.memory_space<vmem>>, vector<1x16xf32>,
        %get3A_688 = vector.shape_cast %get3A_687 : vector<1x16xf32> to vector<16xf32>
        %add3A_689 = arith.constant 0 : i32
        %add3A_690 = arith.addi %add3A_630, %add3A_689 : i32
        %get3A_691 = arith.index_cast %add3A_690 : i32 to index
        %get3A_692 = arith.constant 48 : index
        %get3A_693 = tpu.vector_load %arg7[%get3A_691, %get3A_692] {strides = array<i32>} : memref<200x64xf32, #tpu.memory_space<vmem>>, vector<1x16xf32>,
        %get3A_694 = vector.shape_cast %get3A_693 : vector<1x16xf32> to vector<16xf32>
        %add3A_695 = arith.addf %get3A_688, %get3A_694 : vector<16xf32>
        %swap3A_696 = arith.index_cast %add3A_684 : i32 to index
        %swap3A_697 = arith.constant 48 : index
        %swap3A_698 = tpu.vector_load %arg9[%swap3A_696, %swap3A_697] {strides = array<i32>} : memref<200x64xf32, #tpu.memory_space<vmem>>, vector<1x16xf32>,
        %swap3A_699 = vector.shape_cast %swap3A_698 : vector<1x16xf32> to vector<16xf32>
        %swap3A_700 = vector.shape_cast %add3A_695 : vector<16xf32> to vector<1x16xf32>
        tpu.vector_store %arg9[%swap3A_696, %swap3A_697], %swap3A_700 {strides = array<i32>} : memref<200x64xf32, #tpu.memory_space<vmem>>, vector<1x16xf32>,
        %add3A_701 = arith.constant 1 : i32
        %add3A_702 = arith.addi %add3A_630, %add3A_701 : i32
        %get3A_703 = arith.index_cast %add3A_702 : i32 to index
        %get3A_704 = arith.constant 0 : index
        %get3A_705 = tpu.vector_load %arg9[%get3A_703, %get3A_704] {strides = array<i32>} : memref<200x64xf32, #tpu.memory_space<vmem>>, vector<1x16xf32>,
        %get3A_706 = vector.shape_cast %get3A_705 : vector<1x16xf32> to vector<16xf32>
        %add3A_707 = arith.constant 1 : i32
        %add3A_708 = arith.addi %add3A_630, %add3A_707 : i32
        %get3A_709 = arith.index_cast %add3A_708 : i32 to index
        %get3A_710 = arith.constant 0 : index
        %get3A_711 = tpu.vector_load %arg7[%get3A_709, %get3A_710] {strides = array<i32>} : memref<200x64xf32, #tpu.memory_space<vmem>>, vector<1x16xf32>,
        %get3A_712 = vector.shape_cast %get3A_711 : vector<1x16xf32> to vector<16xf32>
        %add3A_713 = arith.addf %get3A_706, %get3A_712 : vector<16xf32>
        %swap3A_714 = arith.index_cast %add3A_702 : i32 to index
        %swap3A_715 = arith.constant 0 : index
        %swap3A_716 = tpu.vector_load %arg9[%swap3A_714, %swap3A_715] {strides = array<i32>} : memref<200x64xf32, #tpu.memory_space<vmem>>, vector<1x16xf32>,
        %swap3A_717 = vector.shape_cast %swap3A_716 : vector<1x16xf32> to vector<16xf32>
        %swap3A_718 = vector.shape_cast %add3A_713 : vector<16xf32> to vector<1x16xf32>
        tpu.vector_store %arg9[%swap3A_714, %swap3A_715], %swap3A_718 {strides = array<i32>} : memref<200x64xf32, #tpu.memory_space<vmem>>, vector<1x16xf32>,
        %add3A_719 = arith.constant 1 : i32
        %add3A_720 = arith.addi %add3A_630, %add3A_719 : i32
        %get3A_721 = arith.index_cast %add3A_720 : i32 to index
        %get3A_722 = arith.constant 16 : index
        %get3A_723 = tpu.vector_load %arg9[%get3A_721, %get3A_722] {strides = array<i32>} : memref<200x64xf32, #tpu.memory_space<vmem>>, vector<1x16xf32>,
        %get3A_724 = vector.shape_cast %get3A_723 : vector<1x16xf32> to vector<16xf32>
        %add3A_725 = arith.constant 1 : i32
        %add3A_726 = arith.addi %add3A_630, %add3A_725 : i32
        %get3A_727 = arith.index_cast %add3A_726 : i32 to index
        %get3A_728 = arith.constant 16 : index
        %get3A_729 = tpu.vector_load %arg7[%get3A_727, %get3A_728] {strides = array<i32>} : memref<200x64xf32, #tpu.memory_space<vmem>>, vector<1x16xf32>,
        %get3A_730 = vector.shape_cast %get3A_729 : vector<1x16xf32> to vector<16xf32>
        %add3A_731 = arith.addf %get3A_724, %get3A_730 : vector<16xf32>
        %swap3A_732 = arith.index_cast %add3A_720 : i32 to index
        %swap3A_733 = arith.constant 16 : index
        %swap3A_734 = tpu.vector_load %arg9[%swap3A_732, %swap3A_733] {strides = array<i32>} : memref<200x64xf32, #tpu.memory_space<vmem>>, vector<1x16xf32>,
        %swap3A_735 = vector.shape_cast %swap3A_734 : vector<1x16xf32> to vector<16xf32>
        %swap3A_736 = vector.shape_cast %add3A_731 : vector<16xf32> to vector<1x16xf32>
        tpu.vector_store %arg9[%swap3A_732, %swap3A_733], %swap3A_736 {strides = array<i32>} : memref<200x64xf32, #tpu.memory_space<vmem>>, vector<1x16xf32>,
        %add3A_737 = arith.constant 1 : i32
        %add3A_738 = arith.addi %add3A_630, %add3A_737 : i32
        %get3A_739 = arith.index_cast %add3A_738 : i32 to index
        %get3A_740 = arith.constant 32 : index
        %get3A_741 = tpu.vector_load %arg9[%get3A_739, %get3A_740] {strides = array<i32>} : memref<200x64xf32, #tpu.memory_space<vmem>>, vector<1x16xf32>,
        %get3A_742 = vector.shape_cast %get3A_741 : vector<1x16xf32> to vector<16xf32>
        %add3A_743 = arith.constant 1 : i32
        %add3A_744 = arith.addi %add3A_630, %add3A_743 : i32
        %get3A_745 = arith.index_cast %add3A_744 : i32 to index
        %get3A_746 = arith.constant 32 : index
        %get3A_747 = tpu.vector_load %arg7[%get3A_745, %get3A_746] {strides = array<i32>} : memref<200x64xf32, #tpu.memory_space<vmem>>, vector<1x16xf32>,
        %get3A_748 = vector.shape_cast %get3A_747 : vector<1x16xf32> to vector<16xf32>
        %add3A_749 = arith.addf %get3A_742, %get3A_748 : vector<16xf32>
        %swap3A_750 = arith.index_cast %add3A_738 : i32 to index
        %swap3A_751 = arith.constant 32 : index
        %swap3A_752 = tpu.vector_load %arg9[%swap3A_750, %swap3A_751] {strides = array<i32>} : memref<200x64xf32, #tpu.memory_space<vmem>>, vector<1x16xf32>,
        %swap3A_753 = vector.shape_cast %swap3A_752 : vector<1x16xf32> to vector<16xf32>
        %swap3A_754 = vector.shape_cast %add3A_749 : vector<16xf32> to vector<1x16xf32>
        tpu.vector_store %arg9[%swap3A_750, %swap3A_751], %swap3A_754 {strides = array<i32>} : memref<200x64xf32, #tpu.memory_space<vmem>>, vector<1x16xf32>,
        %add3A_755 = arith.constant 1 : i32
        %add3A_756 = arith.addi %add3A_630, %add3A_755 : i32
        %get3A_757 = arith.index_cast %add3A_756 : i32 to index
        %get3A_758 = arith.constant 48 : index
        %get3A_759 = tpu.vector_load %arg9[%get3A_757, %get3A_758] {strides = array<i32>} : memref<200x64xf32, #tpu.memory_space<vmem>>, vector<1x16xf32>,
        %get3A_760 = vector.shape_cast %get3A_759 : vector<1x16xf32> to vector<16xf32>
        %add3A_761 = arith.constant 1 : i32
        %add3A_762 = arith.addi %add3A_630, %add3A_761 : i32
        %get3A_763 = arith.index_cast %add3A_762 : i32 to index
        %get3A_764 = arith.constant 48 : index
        %get3A_765 = tpu.vector_load %arg7[%get3A_763, %get3A_764] {strides = array<i32>} : memref<200x64xf32, #tpu.memory_space<vmem>>, vector<1x16xf32>,
        %get3A_766 = vector.shape_cast %get3A_765 : vector<1x16xf32> to vector<16xf32>
        %add3A_767 = arith.addf %get3A_760, %get3A_766 : vector<16xf32>
        %swap3A_768 = arith.index_cast %add3A_756 : i32 to index
        %swap3A_769 = arith.constant 48 : index
        %swap3A_770 = tpu.vector_load %arg9[%swap3A_768, %swap3A_769] {strides = array<i32>} : memref<200x64xf32, #tpu.memory_space<vmem>>, vector<1x16xf32>,
        %swap3A_771 = vector.shape_cast %swap3A_770 : vector<1x16xf32> to vector<16xf32>
        %swap3A_772 = vector.shape_cast %add3A_767 : vector<16xf32> to vector<1x16xf32>
        tpu.vector_store %arg9[%swap3A_768, %swap3A_769], %swap3A_772 {strides = array<i32>} : memref<200x64xf32, #tpu.memory_space<vmem>>, vector<1x16xf32>,
        %add3A_773 = arith.constant 2 : i32
        %add3A_774 = arith.addi %add3A_630, %add3A_773 : i32
        %get3A_775 = arith.index_cast %add3A_774 : i32 to index
        %get3A_776 = arith.constant 0 : index
        %get3A_777 = tpu.vector_load %arg9[%get3A_775, %get3A_776] {strides = array<i32>} : memref<200x64xf32, #tpu.memory_space<vmem>>, vector<1x16xf32>,
        %get3A_778 = vector.shape_cast %get3A_777 : vector<1x16xf32> to vector<16xf32>
        %add3A_779 = arith.constant 2 : i32
        %add3A_780 = arith.addi %add3A_630, %add3A_779 : i32
        %get3A_781 = arith.index_cast %add3A_780 : i32 to index
        %get3A_782 = arith.constant 0 : index
        %get3A_783 = tpu.vector_load %arg7[%get3A_781, %get3A_782] {strides = array<i32>} : memref<200x64xf32, #tpu.memory_space<vmem>>, vector<1x16xf32>,
        %get3A_784 = vector.shape_cast %get3A_783 : vector<1x16xf32> to vector<16xf32>
        %add3A_785 = arith.addf %get3A_778, %get3A_784 : vector<16xf32>
        %swap3A_786 = arith.index_cast %add3A_774 : i32 to index
        %swap3A_787 = arith.constant 0 : index
        %swap3A_788 = tpu.vector_load %arg9[%swap3A_786, %swap3A_787] {strides = array<i32>} : memref<200x64xf32, #tpu.memory_space<vmem>>, vector<1x16xf32>,
        %swap3A_789 = vector.shape_cast %swap3A_788 : vector<1x16xf32> to vector<16xf32>
        %swap3A_790 = vector.shape_cast %add3A_785 : vector<16xf32> to vector<1x16xf32>
        tpu.vector_store %arg9[%swap3A_786, %swap3A_787], %swap3A_790 {strides = array<i32>} : memref<200x64xf32, #tpu.memory_space<vmem>>, vector<1x16xf32>,
        %add3A_791 = arith.constant 2 : i32
        %add3A_792 = arith.addi %add3A_630, %add3A_791 : i32
        %get3A_793 = arith.index_cast %add3A_792 : i32 to index
        %get3A_794 = arith.constant 16 : index
        %get3A_795 = tpu.vector_load %arg9[%get3A_793, %get3A_794] {strides = array<i32>} : memref<200x64xf32, #tpu.memory_space<vmem>>, vector<1x16xf32>,
        %get3A_796 = vector.shape_cast %get3A_795 : vector<1x16xf32> to vector<16xf32>
        %add3A_797 = arith.constant 2 : i32
        %add3A_798 = arith.addi %add3A_630, %add3A_797 : i32
        %get3A_799 = arith.index_cast %add3A_798 : i32 to index
        %get3A_800 = arith.constant 16 : index
        %get3A_801 = tpu.vector_load %arg7[%get3A_799, %get3A_800] {strides = array<i32>} : memref<200x64xf32, #tpu.memory_space<vmem>>, vector<1x16xf32>,
        %get3A_802 = vector.shape_cast %get3A_801 : vector<1x16xf32> to vector<16xf32>
        %add3A_803 = arith.addf %get3A_796, %get3A_802 : vector<16xf32>
        %swap3A_804 = arith.index_cast %add3A_792 : i32 to index
        %swap3A_805 = arith.constant 16 : index
        %swap3A_806 = tpu.vector_load %arg9[%swap3A_804, %swap3A_805] {strides = array<i32>} : memref<200x64xf32, #tpu.memory_space<vmem>>, vector<1x16xf32>,
        %swap3A_807 = vector.shape_cast %swap3A_806 : vector<1x16xf32> to vector<16xf32>
        %swap3A_808 = vector.shape_cast %add3A_803 : vector<16xf32> to vector<1x16xf32>
        tpu.vector_store %arg9[%swap3A_804, %swap3A_805], %swap3A_808 {strides = array<i32>} : memref<200x64xf32, #tpu.memory_space<vmem>>, vector<1x16xf32>,
        %add3A_809 = arith.constant 2 : i32
        %add3A_810 = arith.addi %add3A_630, %add3A_809 : i32
        %get3A_811 = arith.index_cast %add3A_810 : i32 to index
        %get3A_812 = arith.constant 32 : index
        %get3A_813 = tpu.vector_load %arg9[%get3A_811, %get3A_812] {strides = array<i32>} : memref<200x64xf32, #tpu.memory_space<vmem>>, vector<1x16xf32>,
        %get3A_814 = vector.shape_cast %get3A_813 : vector<1x16xf32> to vector<16xf32>
        %add3A_815 = arith.constant 2 : i32
        %add3A_816 = arith.addi %add3A_630, %add3A_815 : i32
        %get3A_817 = arith.index_cast %add3A_816 : i32 to index
        %get3A_818 = arith.constant 32 : index
        %get3A_819 = tpu.vector_load %arg7[%get3A_817, %get3A_818] {strides = array<i32>} : memref<200x64xf32, #tpu.memory_space<vmem>>, vector<1x16xf32>,
        %get3A_820 = vector.shape_cast %get3A_819 : vector<1x16xf32> to vector<16xf32>
        %add3A_821 = arith.addf %get3A_814, %get3A_820 : vector<16xf32>
        %swap3A_822 = arith.index_cast %add3A_810 : i32 to index
        %swap3A_823 = arith.constant 32 : index
        %swap3A_824 = tpu.vector_load %arg9[%swap3A_822, %swap3A_823] {strides = array<i32>} : memref<200x64xf32, #tpu.memory_space<vmem>>, vector<1x16xf32>,
        %swap3A_825 = vector.shape_cast %swap3A_824 : vector<1x16xf32> to vector<16xf32>
        %swap3A_826 = vector.shape_cast %add3A_821 : vector<16xf32> to vector<1x16xf32>
        tpu.vector_store %arg9[%swap3A_822, %swap3A_823], %swap3A_826 {strides = array<i32>} : memref<200x64xf32, #tpu.memory_space<vmem>>, vector<1x16xf32>,
        %add3A_827 = arith.constant 2 : i32
        %add3A_828 = arith.addi %add3A_630, %add3A_827 : i32
        %get3A_829 = arith.index_cast %add3A_828 : i32 to index
        %get3A_830 = arith.constant 48 : index
        %get3A_831 = tpu.vector_load %arg9[%get3A_829, %get3A_830] {strides = array<i32>} : memref<200x64xf32, #tpu.memory_space<vmem>>, vector<1x16xf32>,
        %get3A_832 = vector.shape_cast %get3A_831 : vector<1x16xf32> to vector<16xf32>
        %add3A_833 = arith.constant 2 : i32
        %add3A_834 = arith.addi %add3A_630, %add3A_833 : i32
        %get3A_835 = arith.index_cast %add3A_834 : i32 to index
        %get3A_836 = arith.constant 48 : index
        %get3A_837 = tpu.vector_load %arg7[%get3A_835, %get3A_836] {strides = array<i32>} : memref<200x64xf32, #tpu.memory_space<vmem>>, vector<1x16xf32>,
        %get3A_838 = vector.shape_cast %get3A_837 : vector<1x16xf32> to vector<16xf32>
        %add3A_839 = arith.addf %get3A_832, %get3A_838 : vector<16xf32>
        %swap3A_840 = arith.index_cast %add3A_828 : i32 to index
        %swap3A_841 = arith.constant 48 : index
        %swap3A_842 = tpu.vector_load %arg9[%swap3A_840, %swap3A_841] {strides = array<i32>} : memref<200x64xf32, #tpu.memory_space<vmem>>, vector<1x16xf32>,
        %swap3A_843 = vector.shape_cast %swap3A_842 : vector<1x16xf32> to vector<16xf32>
        %swap3A_844 = vector.shape_cast %add3A_839 : vector<16xf32> to vector<1x16xf32>
        tpu.vector_store %arg9[%swap3A_840, %swap3A_841], %swap3A_844 {strides = array<i32>} : memref<200x64xf32, #tpu.memory_space<vmem>>, vector<1x16xf32>,
        %add3A_845 = arith.constant 3 : i32
        %add3A_846 = arith.addi %add3A_630, %add3A_845 : i32
        %get3A_847 = arith.index_cast %add3A_846 : i32 to index
        %get3A_848 = arith.constant 0 : index
        %get3A_849 = tpu.vector_load %arg9[%get3A_847, %get3A_848] {strides = array<i32>} : memref<200x64xf32, #tpu.memory_space<vmem>>, vector<1x16xf32>,
        %get3A_850 = vector.shape_cast %get3A_849 : vector<1x16xf32> to vector<16xf32>
        %add3A_851 = arith.constant 3 : i32
        %add3A_852 = arith.addi %add3A_630, %add3A_851 : i32
        %get3A_853 = arith.index_cast %add3A_852 : i32 to index
        %get3A_854 = arith.constant 0 : index
        %get3A_855 = tpu.vector_load %arg7[%get3A_853, %get3A_854] {strides = array<i32>} : memref<200x64xf32, #tpu.memory_space<vmem>>, vector<1x16xf32>,
        %get3A_856 = vector.shape_cast %get3A_855 : vector<1x16xf32> to vector<16xf32>
        %add3A_857 = arith.addf %get3A_850, %get3A_856 : vector<16xf32>
        %swap3A_858 = arith.index_cast %add3A_846 : i32 to index
        %swap3A_859 = arith.constant 0 : index
        %swap3A_860 = tpu.vector_load %arg9[%swap3A_858, %swap3A_859] {strides = array<i32>} : memref<200x64xf32, #tpu.memory_space<vmem>>, vector<1x16xf32>,
        %swap3A_861 = vector.shape_cast %swap3A_860 : vector<1x16xf32> to vector<16xf32>
        %swap3A_862 = vector.shape_cast %add3A_857 : vector<16xf32> to vector<1x16xf32>
        tpu.vector_store %arg9[%swap3A_858, %swap3A_859], %swap3A_862 {strides = array<i32>} : memref<200x64xf32, #tpu.memory_space<vmem>>, vector<1x16xf32>,
        %add3A_863 = arith.constant 3 : i32
        %add3A_864 = arith.addi %add3A_630, %add3A_863 : i32
        %get3A_865 = arith.index_cast %add3A_864 : i32 to index
        %get3A_866 = arith.constant 16 : index
        %get3A_867 = tpu.vector_load %arg9[%get3A_865, %get3A_866] {strides = array<i32>} : memref<200x64xf32, #tpu.memory_space<vmem>>, vector<1x16xf32>,
        %get3A_868 = vector.shape_cast %get3A_867 : vector<1x16xf32> to vector<16xf32>
        %add3A_869 = arith.constant 3 : i32
        %add3A_870 = arith.addi %add3A_630, %add3A_869 : i32
        %get3A_871 = arith.index_cast %add3A_870 : i32 to index
        %get3A_872 = arith.constant 16 : index
        %get3A_873 = tpu.vector_load %arg7[%get3A_871, %get3A_872] {strides = array<i32>} : memref<200x64xf32, #tpu.memory_space<vmem>>, vector<1x16xf32>,
        %get3A_874 = vector.shape_cast %get3A_873 : vector<1x16xf32> to vector<16xf32>
        %add3A_875 = arith.addf %get3A_868, %get3A_874 : vector<16xf32>
        %swap3A_876 = arith.index_cast %add3A_864 : i32 to index
        %swap3A_877 = arith.constant 16 : index
        %swap3A_878 = tpu.vector_load %arg9[%swap3A_876, %swap3A_877] {strides = array<i32>} : memref<200x64xf32, #tpu.memory_space<vmem>>, vector<1x16xf32>,
        %swap3A_879 = vector.shape_cast %swap3A_878 : vector<1x16xf32> to vector<16xf32>
        %swap3A_880 = vector.shape_cast %add3A_875 : vector<16xf32> to vector<1x16xf32>
        tpu.vector_store %arg9[%swap3A_876, %swap3A_877], %swap3A_880 {strides = array<i32>} : memref<200x64xf32, #tpu.memory_space<vmem>>, vector<1x16xf32>,
        %add3A_881 = arith.constant 3 : i32
        %add3A_882 = arith.addi %add3A_630, %add3A_881 : i32
        %get3A_883 = arith.index_cast %add3A_882 : i32 to index
        %get3A_884 = arith.constant 32 : index
        %get3A_885 = tpu.vector_load %arg9[%get3A_883, %get3A_884] {strides = array<i32>} : memref<200x64xf32, #tpu.memory_space<vmem>>, vector<1x16xf32>,
        %get3A_886 = vector.shape_cast %get3A_885 : vector<1x16xf32> to vector<16xf32>
        %add3A_887 = arith.constant 3 : i32
        %add3A_888 = arith.addi %add3A_630, %add3A_887 : i32
        %get3A_889 = arith.index_cast %add3A_888 : i32 to index
        %get3A_890 = arith.constant 32 : index
        %get3A_891 = tpu.vector_load %arg7[%get3A_889, %get3A_890] {strides = array<i32>} : memref<200x64xf32, #tpu.memory_space<vmem>>, vector<1x16xf32>,
        %get3A_892 = vector.shape_cast %get3A_891 : vector<1x16xf32> to vector<16xf32>
        %add3A_893 = arith.addf %get3A_886, %get3A_892 : vector<16xf32>
        %swap3A_894 = arith.index_cast %add3A_882 : i32 to index
        %swap3A_895 = arith.constant 32 : index
        %swap3A_896 = tpu.vector_load %arg9[%swap3A_894, %swap3A_895] {strides = array<i32>} : memref<200x64xf32, #tpu.memory_space<vmem>>, vector<1x16xf32>,
        %swap3A_897 = vector.shape_cast %swap3A_896 : vector<1x16xf32> to vector<16xf32>
        %swap3A_898 = vector.shape_cast %add3A_893 : vector<16xf32> to vector<1x16xf32>
        tpu.vector_store %arg9[%swap3A_894, %swap3A_895], %swap3A_898 {strides = array<i32>} : memref<200x64xf32, #tpu.memory_space<vmem>>, vector<1x16xf32>,
        %add3A_899 = arith.constant 3 : i32
        %add3A_900 = arith.addi %add3A_630, %add3A_899 : i32
        %get3A_901 = arith.index_cast %add3A_900 : i32 to index
        %get3A_902 = arith.constant 48 : index
        %get3A_903 = tpu.vector_load %arg9[%get3A_901, %get3A_902] {strides = array<i32>} : memref<200x64xf32, #tpu.memory_space<vmem>>, vector<1x16xf32>,
        %get3A_904 = vector.shape_cast %get3A_903 : vector<1x16xf32> to vector<16xf32>
        %add3A_905 = arith.constant 3 : i32
        %add3A_906 = arith.addi %add3A_630, %add3A_905 : i32
        %get3A_907 = arith.index_cast %add3A_906 : i32 to index
        %get3A_908 = arith.constant 48 : index
        %get3A_909 = tpu.vector_load %arg7[%get3A_907, %get3A_908] {strides = array<i32>} : memref<200x64xf32, #tpu.memory_space<vmem>>, vector<1x16xf32>,
        %get3A_910 = vector.shape_cast %get3A_909 : vector<1x16xf32> to vector<16xf32>
        %add3A_911 = arith.addf %get3A_904, %get3A_910 : vector<16xf32>
        %swap3A_912 = arith.index_cast %add3A_900 : i32 to index
        %swap3A_913 = arith.constant 48 : index
        %swap3A_914 = tpu.vector_load %arg9[%swap3A_912, %swap3A_913] {strides = array<i32>} : memref<200x64xf32, #tpu.memory_space<vmem>>, vector<1x16xf32>,
        %swap3A_915 = vector.shape_cast %swap3A_914 : vector<1x16xf32> to vector<16xf32>
        %swap3A_916 = vector.shape_cast %add3A_911 : vector<16xf32> to vector<1x16xf32>
        tpu.vector_store %arg9[%swap3A_912, %swap3A_913], %swap3A_916 {strides = array<i32>} : memref<200x64xf32, #tpu.memory_space<vmem>>, vector<1x16xf32>,
      }
      %scan3A_510 = arith.constant 50 : i32
      %mul3A_511 = arith.constant 128 : i32
      %mul3A_512 = arith.muli %add3A, %mul3A_511 : i32
      %add3A_513 = arith.addi %mul3A_512, %add3A_471 : i32
      %dma_start3A_514 = arith.constant 0 : i32
      %dma_start3A_515 = arith.constant 0 : i32
      %dma_start3A_516 = tpu.memref_slice %arg5[%add3A_513, %dma_start3A_514, %dma_start3A_515] : memref<4096x200x64xf32, #tpu.memory_space<hbm>> -> memref<1x200x64xf32, #tpu.memory_space<hbm>>
      %dma_start3A_517 = tpu.memref_squeeze %dma_start3A_516 : memref<1x200x64xf32, #tpu.memory_space<hbm>> -> memref<200x64xf32, #tpu.memory_space<hbm>>
      %dma_start3A_518 = arith.constant 0 : i32
      %dma_start3A_519 = arith.constant 0 : i32
      %dma_start3A_520 = tpu.memref_slice %arg5[%add3A_513, %dma_start3A_518, %dma_start3A_519] : memref<4096x200x64xf32, #tpu.memory_space<hbm>> -> memref<1x200x64xf32, #tpu.memory_space<hbm>>
      %dma_start3A_521 = tpu.memref_squeeze %dma_start3A_520 : memref<1x200x64xf32, #tpu.memory_space<hbm>> -> memref<200x64xf32, #tpu.memory_space<hbm>>
      tpu.enqueue_dma source(%arg9 : memref<200x64xf32, #tpu.memory_space<vmem>>) target(%dma_start3A_521 : memref<200x64xf32, #tpu.memory_space<hbm>>) target_semaphore(%arg17 : memref<!tpu.dma_semaphore, #tpu.memory_space<semaphore_mem>>)
      %add3A_522 = arith.constant 2 : i32
      %add3A_523 = arith.addi %mul3A_417, %add3A_522 : i32
      %dma_wait3A_524 = arith.constant 0 : i32
      %dma_wait3A_525 = arith.constant 0 : i32
      %dma_wait3A_526 = tpu.memref_slice %arg3[%dma_wait3A_524, %dma_wait3A_525] : memref<1000000x64xf32, #tpu.memory_space<hbm>> -> memref<200x64xf32, #tpu.memory_space<hbm>>
      %dma_wait3A_527 = arith.constant 0 : i32
      %dma_wait3A_528 = arith.constant 0 : i32
      %dma_wait3A_529 = tpu.memref_slice %arg3[%dma_wait3A_527, %dma_wait3A_528] : memref<1000000x64xf32, #tpu.memory_space<hbm>> -> memref<200x64xf32, #tpu.memory_space<hbm>>
      tpu.wait_dma2 semaphore(%arg16 : memref<!tpu.dma_semaphore, #tpu.memory_space<semaphore_mem>>) src(%dma_wait3A_529 : memref<200x64xf32, #tpu.memory_space<hbm>>) dst(%arg8 : memref<200x64xf32, #tpu.memory_space<vmem>>)
      %add3A_530 = arith.constant 2 : i32
      %add3A_531 = arith.addi %add3A_523, %add3A_530 : i32
      %dma_start3A_532 = arith.constant 0 : i32
      %dma_start3A_533 = arith.constant 0 : i32
      %dma_start3A_534 = arith.constant 0 : i32
      %dma_start3A_535 = tpu.memref_slice %arg8[%dma_start3A_533, %dma_start3A_534] : memref<200x64xf32, #tpu.memory_space<vmem>> -> memref<100x64xf32, #tpu.memory_space<vmem>>
      %dma_start3A_536 = arith.constant 0 : i32
      %dma_start3A_537 = tpu.memref_slice %arg6[%add3A_531, %dma_start3A_532, %dma_start3A_536] : memref<128x2x100xi32, #tpu.memory_space<vmem>> -> memref<1x1x100xi32, #tpu.memory_space<vmem>>
      %dma_start3A_538 = tpu.memref_squeeze %dma_start3A_537 : memref<1x1x100xi32, #tpu.memory_space<vmem>> -> memref<100xi32, #tpu.memory_space<vmem>>
      %dma_start3A_539 = arith.constant 0 : i32
      %dma_start3A_540 = arith.constant 0 : i32
      %dma_start3A_541 = tpu.memref_slice %arg3[%dma_start3A_539, %dma_start3A_540] : memref<1000000x64xf32, #tpu.memory_space<hbm>> -> memref<1000000x64xf32, #tpu.memory_space<hbm>>
      tpu.enqueue_indirect_dma source(%dma_start3A_541 : memref<1000000x64xf32, #tpu.memory_space<hbm>>) target(%dma_start3A_535 : memref<100x64xf32, #tpu.memory_space<vmem>>) offsets(%dma_start3A_538 : memref<100xi32, #tpu.memory_space<vmem>>) semaphore(%arg12 : memref<!tpu.dma_semaphore, #tpu.memory_space<semaphore_mem>>)
      %dma_start3A_542 = arith.constant 1 : i32
      %dma_start3A_543 = arith.constant 100 : i32
      %dma_start3A_544 = arith.constant 0 : i32
      %dma_start3A_545 = tpu.memref_slice %arg8[%dma_start3A_543, %dma_start3A_544] : memref<200x64xf32, #tpu.memory_space<vmem>> -> memref<100x64xf32, #tpu.memory_space<vmem>>
      %dma_start3A_546 = arith.constant 0 : i32
      %dma_start3A_547 = tpu.memref_slice %arg6[%add3A_531, %dma_start3A_542, %dma_start3A_546] : memref<128x2x100xi32, #tpu.memory_space<vmem>> -> memref<1x1x100xi32, #tpu.memory_space<vmem>>
      %dma_start3A_548 = tpu.memref_squeeze %dma_start3A_547 : memref<1x1x100xi32, #tpu.memory_space<vmem>> -> memref<100xi32, #tpu.memory_space<vmem>>
      %dma_start3A_549 = arith.constant 0 : i32
      %dma_start3A_550 = arith.constant 0 : i32
      %dma_start3A_551 = tpu.memref_slice %arg3[%dma_start3A_549, %dma_start3A_550] : memref<1000000x64xf32, #tpu.memory_space<hbm>> -> memref<1000000x64xf32, #tpu.memory_space<hbm>>
      tpu.enqueue_indirect_dma source(%dma_start3A_551 : memref<1000000x64xf32, #tpu.memory_space<hbm>>) target(%dma_start3A_545 : memref<100x64xf32, #tpu.memory_space<vmem>>) offsets(%dma_start3A_548 : memref<100xi32, #tpu.memory_space<vmem>>) semaphore(%arg12 : memref<!tpu.dma_semaphore, #tpu.memory_space<semaphore_mem>>)
      %dma_wait3A_552 = arith.constant 0 : i32
      %dma_wait3A_553 = arith.constant 0 : i32
      %dma_wait3A_554 = tpu.memref_slice %arg3[%dma_wait3A_552, %dma_wait3A_553] : memref<1000000x64xf32, #tpu.memory_space<hbm>> -> memref<200x64xf32, #tpu.memory_space<hbm>>
      %dma_wait3A_555 = arith.constant 0 : i32
      %dma_wait3A_556 = arith.constant 0 : i32
      %dma_wait3A_557 = tpu.memref_slice %arg3[%dma_wait3A_555, %dma_wait3A_556] : memref<1000000x64xf32, #tpu.memory_space<hbm>> -> memref<200x64xf32, #tpu.memory_space<hbm>>
      tpu.wait_dma2 semaphore(%arg14 : memref<!tpu.dma_semaphore, #tpu.memory_space<semaphore_mem>>) src(%dma_wait3A_557 : memref<200x64xf32, #tpu.memory_space<hbm>>) dst(%arg10 : memref<200x64xf32, #tpu.memory_space<vmem>>)
      %scan3A_558 = arith.constant 0 : i32
      %scan3A_559 = arith.constant 50 : i32
      %scan3A_560 = arith.addi %scan3A_558, %scan3A_559 : i32
      %scan3A_561 = arith.constant 1 : i32
      scf.for %scan3A_626 = %scan3A_558 to %scan3A_560 step %scan3A_561  : i32 {
        %mul3A_627 = arith.constant 4 : i32
        %mul3A_628 = arith.muli %scan3A_626, %mul3A_627 : i32
        %add3A_629 = arith.constant 0 : i32
        %add3A_630 = arith.addi %add3A_629, %mul3A_628 : i32
        %add3A_631 = arith.constant 0 : i32
        %add3A_632 = arith.addi %add3A_630, %add3A_631 : i32
        %get3A = arith.index_cast %add3A_632 : i32 to index
        %get3A_633 = arith.constant 0 : index
        %get3A_634 = tpu.vector_load %arg10[%get3A, %get3A_633] {strides = array<i32>} : memref<200x64xf32, #tpu.memory_space<vmem>>, vector<1x16xf32>,
        %get3A_635 = vector.shape_cast %get3A_634 : vector<1x16xf32> to vector<16xf32>
        %add3A_636 = arith.constant 0 : i32
        %add3A_637 = arith.addi %add3A_630, %add3A_636 : i32
        %get3A_638 = arith.index_cast %add3A_637 : i32 to index
        %get3A_639 = arith.constant 0 : index
        %get3A_640 = tpu.vector_load %arg7[%get3A_638, %get3A_639] {strides = array<i32>} : memref<200x64xf32, #tpu.memory_space<vmem>>, vector<1x16xf32>,
        %get3A_641 = vector.shape_cast %get3A_640 : vector<1x16xf32> to vector<16xf32>
        %add3A_642 = arith.addf %get3A_635, %get3A_641 : vector<16xf32>
        %swap3A = arith.index_cast %add3A_632 : i32 to index
        %swap3A_643 = arith.constant 0 : index
        %swap3A_644 = tpu.vector_load %arg10[%swap3A, %swap3A_643] {strides = array<i32>} : memref<200x64xf32, #tpu.memory_space<vmem>>, vector<1x16xf32>,
        %swap3A_645 = vector.shape_cast %swap3A_644 : vector<1x16xf32> to vector<16xf32>
        %swap3A_646 = vector.shape_cast %add3A_642 : vector<16xf32> to vector<1x16xf32>
        tpu.vector_store %arg10[%swap3A, %swap3A_643], %swap3A_646 {strides = array<i32>} : memref<200x64xf32, #tpu.memory_space<vmem>>, vector<1x16xf32>,
        %add3A_647 = arith.constant 0 : i32
        %add3A_648 = arith.addi %add3A_630, %add3A_647 : i32
        %get3A_649 = arith.index_cast %add3A_648 : i32 to index
        %get3A_650 = arith.constant 16 : index
        %get3A_651 = tpu.vector_load %arg10[%get3A_649, %get3A_650] {strides = array<i32>} : memref<200x64xf32, #tpu.memory_space<vmem>>, vector<1x16xf32>,
        %get3A_652 = vector.shape_cast %get3A_651 : vector<1x16xf32> to vector<16xf32>
        %add3A_653 = arith.constant 0 : i32
        %add3A_654 = arith.addi %add3A_630, %add3A_653 : i32
        %get3A_655 = arith.index_cast %add3A_654 : i32 to index
        %get3A_656 = arith.constant 16 : index
        %get3A_657 = tpu.vector_load %arg7[%get3A_655, %get3A_656] {strides = array<i32>} : memref<200x64xf32, #tpu.memory_space<vmem>>, vector<1x16xf32>,
        %get3A_658 = vector.shape_cast %get3A_657 : vector<1x16xf32> to vector<16xf32>
        %add3A_659 = arith.addf %get3A_652, %get3A_658 : vector<16xf32>
        %swap3A_660 = arith.index_cast %add3A_648 : i32 to index
        %swap3A_661 = arith.constant 16 : index
        %swap3A_662 = tpu.vector_load %arg10[%swap3A_660, %swap3A_661] {strides = array<i32>} : memref<200x64xf32, #tpu.memory_space<vmem>>, vector<1x16xf32>,
        %swap3A_663 = vector.shape_cast %swap3A_662 : vector<1x16xf32> to vector<16xf32>
        %swap3A_664 = vector.shape_cast %add3A_659 : vector<16xf32> to vector<1x16xf32>
        tpu.vector_store %arg10[%swap3A_660, %swap3A_661], %swap3A_664 {strides = array<i32>} : memref<200x64xf32, #tpu.memory_space<vmem>>, vector<1x16xf32>,
        %add3A_665 = arith.constant 0 : i32
        %add3A_666 = arith.addi %add3A_630, %add3A_665 : i32
        %get3A_667 = arith.index_cast %add3A_666 : i32 to index
        %get3A_668 = arith.constant 32 : index
        %get3A_669 = tpu.vector_load %arg10[%get3A_667, %get3A_668] {strides = array<i32>} : memref<200x64xf32, #tpu.memory_space<vmem>>, vector<1x16xf32>,
        %get3A_670 = vector.shape_cast %get3A_669 : vector<1x16xf32> to vector<16xf32>
        %add3A_671 = arith.constant 0 : i32
        %add3A_672 = arith.addi %add3A_630, %add3A_671 : i32
        %get3A_673 = arith.index_cast %add3A_672 : i32 to index
        %get3A_674 = arith.constant 32 : index
        %get3A_675 = tpu.vector_load %arg7[%get3A_673, %get3A_674] {strides = array<i32>} : memref<200x64xf32, #tpu.memory_space<vmem>>, vector<1x16xf32>,
        %get3A_676 = vector.shape_cast %get3A_675 : vector<1x16xf32> to vector<16xf32>
        %add3A_677 = arith.addf %get3A_670, %get3A_676 : vector<16xf32>
        %swap3A_678 = arith.index_cast %add3A_666 : i32 to index
        %swap3A_679 = arith.constant 32 : index
        %swap3A_680 = tpu.vector_load %arg10[%swap3A_678, %swap3A_679] {strides = array<i32>} : memref<200x64xf32, #tpu.memory_space<vmem>>, vector<1x16xf32>,
        %swap3A_681 = vector.shape_cast %swap3A_680 : vector<1x16xf32> to vector<16xf32>
        %swap3A_682 = vector.shape_cast %add3A_677 : vector<16xf32> to vector<1x16xf32>
        tpu.vector_store %arg10[%swap3A_678, %swap3A_679], %swap3A_682 {strides = array<i32>} : memref<200x64xf32, #tpu.memory_space<vmem>>, vector<1x16xf32>,
        %add3A_683 = arith.constant 0 : i32
        %add3A_684 = arith.addi %add3A_630, %add3A_683 : i32
        %get3A_685 = arith.index_cast %add3A_684 : i32 to index
        %get3A_686 = arith.constant 48 : index
        %get3A_687 = tpu.vector_load %arg10[%get3A_685, %get3A_686] {strides = array<i32>} : memref<200x64xf32, #tpu.memory_space<vmem>>, vector<1x16xf32>,
        %get3A_688 = vector.shape_cast %get3A_687 : vector<1x16xf32> to vector<16xf32>
        %add3A_689 = arith.constant 0 : i32
        %add3A_690 = arith.addi %add3A_630, %add3A_689 : i32
        %get3A_691 = arith.index_cast %add3A_690 : i32 to index
        %get3A_692 = arith.constant 48 : index
        %get3A_693 = tpu.vector_load %arg7[%get3A_691, %get3A_692] {strides = array<i32>} : memref<200x64xf32, #tpu.memory_space<vmem>>, vector<1x16xf32>,
        %get3A_694 = vector.shape_cast %get3A_693 : vector<1x16xf32> to vector<16xf32>
        %add3A_695 = arith.addf %get3A_688, %get3A_694 : vector<16xf32>
        %swap3A_696 = arith.index_cast %add3A_684 : i32 to index
        %swap3A_697 = arith.constant 48 : index
        %swap3A_698 = tpu.vector_load %arg10[%swap3A_696, %swap3A_697] {strides = array<i32>} : memref<200x64xf32, #tpu.memory_space<vmem>>, vector<1x16xf32>,
        %swap3A_699 = vector.shape_cast %swap3A_698 : vector<1x16xf32> to vector<16xf32>
        %swap3A_700 = vector.shape_cast %add3A_695 : vector<16xf32> to vector<1x16xf32>
        tpu.vector_store %arg10[%swap3A_696, %swap3A_697], %swap3A_700 {strides = array<i32>} : memref<200x64xf32, #tpu.memory_space<vmem>>, vector<1x16xf32>,
        %add3A_701 = arith.constant 1 : i32
        %add3A_702 = arith.addi %add3A_630, %add3A_701 : i32
        %get3A_703 = arith.index_cast %add3A_702 : i32 to index
        %get3A_704 = arith.constant 0 : index
        %get3A_705 = tpu.vector_load %arg10[%get3A_703, %get3A_704] {strides = array<i32>} : memref<200x64xf32, #tpu.memory_space<vmem>>, vector<1x16xf32>,
        %get3A_706 = vector.shape_cast %get3A_705 : vector<1x16xf32> to vector<16xf32>
        %add3A_707 = arith.constant 1 : i32
        %add3A_708 = arith.addi %add3A_630, %add3A_707 : i32
        %get3A_709 = arith.index_cast %add3A_708 : i32 to index
        %get3A_710 = arith.constant 0 : index
        %get3A_711 = tpu.vector_load %arg7[%get3A_709, %get3A_710] {strides = array<i32>} : memref<200x64xf32, #tpu.memory_space<vmem>>, vector<1x16xf32>,
        %get3A_712 = vector.shape_cast %get3A_711 : vector<1x16xf32> to vector<16xf32>
        %add3A_713 = arith.addf %get3A_706, %get3A_712 : vector<16xf32>
        %swap3A_714 = arith.index_cast %add3A_702 : i32 to index
        %swap3A_715 = arith.constant 0 : index
        %swap3A_716 = tpu.vector_load %arg10[%swap3A_714, %swap3A_715] {strides = array<i32>} : memref<200x64xf32, #tpu.memory_space<vmem>>, vector<1x16xf32>,
        %swap3A_717 = vector.shape_cast %swap3A_716 : vector<1x16xf32> to vector<16xf32>
        %swap3A_718 = vector.shape_cast %add3A_713 : vector<16xf32> to vector<1x16xf32>
        tpu.vector_store %arg10[%swap3A_714, %swap3A_715], %swap3A_718 {strides = array<i32>} : memref<200x64xf32, #tpu.memory_space<vmem>>, vector<1x16xf32>,
        %add3A_719 = arith.constant 1 : i32
        %add3A_720 = arith.addi %add3A_630, %add3A_719 : i32
        %get3A_721 = arith.index_cast %add3A_720 : i32 to index
        %get3A_722 = arith.constant 16 : index
        %get3A_723 = tpu.vector_load %arg10[%get3A_721, %get3A_722] {strides = array<i32>} : memref<200x64xf32, #tpu.memory_space<vmem>>, vector<1x16xf32>,
        %get3A_724 = vector.shape_cast %get3A_723 : vector<1x16xf32> to vector<16xf32>
        %add3A_725 = arith.constant 1 : i32
        %add3A_726 = arith.addi %add3A_630, %add3A_725 : i32
        %get3A_727 = arith.index_cast %add3A_726 : i32 to index
        %get3A_728 = arith.constant 16 : index
        %get3A_729 = tpu.vector_load %arg7[%get3A_727, %get3A_728] {strides = array<i32>} : memref<200x64xf32, #tpu.memory_space<vmem>>, vector<1x16xf32>,
        %get3A_730 = vector.shape_cast %get3A_729 : vector<1x16xf32> to vector<16xf32>
        %add3A_731 = arith.addf %get3A_724, %get3A_730 : vector<16xf32>
        %swap3A_732 = arith.index_cast %add3A_720 : i32 to index
        %swap3A_733 = arith.constant 16 : index
        %swap3A_734 = tpu.vector_load %arg10[%swap3A_732, %swap3A_733] {strides = array<i32>} : memref<200x64xf32, #tpu.memory_space<vmem>>, vector<1x16xf32>,
        %swap3A_735 = vector.shape_cast %swap3A_734 : vector<1x16xf32> to vector<16xf32>
        %swap3A_736 = vector.shape_cast %add3A_731 : vector<16xf32> to vector<1x16xf32>
        tpu.vector_store %arg10[%swap3A_732, %swap3A_733], %swap3A_736 {strides = array<i32>} : memref<200x64xf32, #tpu.memory_space<vmem>>, vector<1x16xf32>,
        %add3A_737 = arith.constant 1 : i32
        %add3A_738 = arith.addi %add3A_630, %add3A_737 : i32
        %get3A_739 = arith.index_cast %add3A_738 : i32 to index
        %get3A_740 = arith.constant 32 : index
        %get3A_741 = tpu.vector_load %arg10[%get3A_739, %get3A_740] {strides = array<i32>} : memref<200x64xf32, #tpu.memory_space<vmem>>, vector<1x16xf32>,
        %get3A_742 = vector.shape_cast %get3A_741 : vector<1x16xf32> to vector<16xf32>
        %add3A_743 = arith.constant 1 : i32
        %add3A_744 = arith.addi %add3A_630, %add3A_743 : i32
        %get3A_745 = arith.index_cast %add3A_744 : i32 to index
        %get3A_746 = arith.constant 32 : index
        %get3A_747 = tpu.vector_load %arg7[%get3A_745, %get3A_746] {strides = array<i32>} : memref<200x64xf32, #tpu.memory_space<vmem>>, vector<1x16xf32>,
        %get3A_748 = vector.shape_cast %get3A_747 : vector<1x16xf32> to vector<16xf32>
        %add3A_749 = arith.addf %get3A_742, %get3A_748 : vector<16xf32>
        %swap3A_750 = arith.index_cast %add3A_738 : i32 to index
        %swap3A_751 = arith.constant 32 : index
        %swap3A_752 = tpu.vector_load %arg10[%swap3A_750, %swap3A_751] {strides = array<i32>} : memref<200x64xf32, #tpu.memory_space<vmem>>, vector<1x16xf32>,
        %swap3A_753 = vector.shape_cast %swap3A_752 : vector<1x16xf32> to vector<16xf32>
        %swap3A_754 = vector.shape_cast %add3A_749 : vector<16xf32> to vector<1x16xf32>
        tpu.vector_store %arg10[%swap3A_750, %swap3A_751], %swap3A_754 {strides = array<i32>} : memref<200x64xf32, #tpu.memory_space<vmem>>, vector<1x16xf32>,
        %add3A_755 = arith.constant 1 : i32
        %add3A_756 = arith.addi %add3A_630, %add3A_755 : i32
        %get3A_757 = arith.index_cast %add3A_756 : i32 to index
        %get3A_758 = arith.constant 48 : index
        %get3A_759 = tpu.vector_load %arg10[%get3A_757, %get3A_758] {strides = array<i32>} : memref<200x64xf32, #tpu.memory_space<vmem>>, vector<1x16xf32>,
        %get3A_760 = vector.shape_cast %get3A_759 : vector<1x16xf32> to vector<16xf32>
        %add3A_761 = arith.constant 1 : i32
        %add3A_762 = arith.addi %add3A_630, %add3A_761 : i32
        %get3A_763 = arith.index_cast %add3A_762 : i32 to index
        %get3A_764 = arith.constant 48 : index
        %get3A_765 = tpu.vector_load %arg7[%get3A_763, %get3A_764] {strides = array<i32>} : memref<200x64xf32, #tpu.memory_space<vmem>>, vector<1x16xf32>,
        %get3A_766 = vector.shape_cast %get3A_765 : vector<1x16xf32> to vector<16xf32>
        %add3A_767 = arith.addf %get3A_760, %get3A_766 : vector<16xf32>
        %swap3A_768 = arith.index_cast %add3A_756 : i32 to index
        %swap3A_769 = arith.constant 48 : index
        %swap3A_770 = tpu.vector_load %arg10[%swap3A_768, %swap3A_769] {strides = array<i32>} : memref<200x64xf32, #tpu.memory_space<vmem>>, vector<1x16xf32>,
        %swap3A_771 = vector.shape_cast %swap3A_770 : vector<1x16xf32> to vector<16xf32>
        %swap3A_772 = vector.shape_cast %add3A_767 : vector<16xf32> to vector<1x16xf32>
        tpu.vector_store %arg10[%swap3A_768, %swap3A_769], %swap3A_772 {strides = array<i32>} : memref<200x64xf32, #tpu.memory_space<vmem>>, vector<1x16xf32>,
        %add3A_773 = arith.constant 2 : i32
        %add3A_774 = arith.addi %add3A_630, %add3A_773 : i32
        %get3A_775 = arith.index_cast %add3A_774 : i32 to index
        %get3A_776 = arith.constant 0 : index
        %get3A_777 = tpu.vector_load %arg10[%get3A_775, %get3A_776] {strides = array<i32>} : memref<200x64xf32, #tpu.memory_space<vmem>>, vector<1x16xf32>,
        %get3A_778 = vector.shape_cast %get3A_777 : vector<1x16xf32> to vector<16xf32>
        %add3A_779 = arith.constant 2 : i32
        %add3A_780 = arith.addi %add3A_630, %add3A_779 : i32
        %get3A_781 = arith.index_cast %add3A_780 : i32 to index
        %get3A_782 = arith.constant 0 : index
        %get3A_783 = tpu.vector_load %arg7[%get3A_781, %get3A_782] {strides = array<i32>} : memref<200x64xf32, #tpu.memory_space<vmem>>, vector<1x16xf32>,
        %get3A_784 = vector.shape_cast %get3A_783 : vector<1x16xf32> to vector<16xf32>
        %add3A_785 = arith.addf %get3A_778, %get3A_784 : vector<16xf32>
        %swap3A_786 = arith.index_cast %add3A_774 : i32 to index
        %swap3A_787 = arith.constant 0 : index
        %swap3A_788 = tpu.vector_load %arg10[%swap3A_786, %swap3A_787] {strides = array<i32>} : memref<200x64xf32, #tpu.memory_space<vmem>>, vector<1x16xf32>,
        %swap3A_789 = vector.shape_cast %swap3A_788 : vector<1x16xf32> to vector<16xf32>
        %swap3A_790 = vector.shape_cast %add3A_785 : vector<16xf32> to vector<1x16xf32>
        tpu.vector_store %arg10[%swap3A_786, %swap3A_787], %swap3A_790 {strides = array<i32>} : memref<200x64xf32, #tpu.memory_space<vmem>>, vector<1x16xf32>,
        %add3A_791 = arith.constant 2 : i32
        %add3A_792 = arith.addi %add3A_630, %add3A_791 : i32
        %get3A_793 = arith.index_cast %add3A_792 : i32 to index
        %get3A_794 = arith.constant 16 : index
        %get3A_795 = tpu.vector_load %arg10[%get3A_793, %get3A_794] {strides = array<i32>} : memref<200x64xf32, #tpu.memory_space<vmem>>, vector<1x16xf32>,
        %get3A_796 = vector.shape_cast %get3A_795 : vector<1x16xf32> to vector<16xf32>
        %add3A_797 = arith.constant 2 : i32
        %add3A_798 = arith.addi %add3A_630, %add3A_797 : i32
        %get3A_799 = arith.index_cast %add3A_798 : i32 to index
        %get3A_800 = arith.constant 16 : index
        %get3A_801 = tpu.vector_load %arg7[%get3A_799, %get3A_800] {strides = array<i32>} : memref<200x64xf32, #tpu.memory_space<vmem>>, vector<1x16xf32>,
        %get3A_802 = vector.shape_cast %get3A_801 : vector<1x16xf32> to vector<16xf32>
        %add3A_803 = arith.addf %get3A_796, %get3A_802 : vector<16xf32>
        %swap3A_804 = arith.index_cast %add3A_792 : i32 to index
        %swap3A_805 = arith.constant 16 : index
        %swap3A_806 = tpu.vector_load %arg10[%swap3A_804, %swap3A_805] {strides = array<i32>} : memref<200x64xf32, #tpu.memory_space<vmem>>, vector<1x16xf32>,
        %swap3A_807 = vector.shape_cast %swap3A_806 : vector<1x16xf32> to vector<16xf32>
        %swap3A_808 = vector.shape_cast %add3A_803 : vector<16xf32> to vector<1x16xf32>
        tpu.vector_store %arg10[%swap3A_804, %swap3A_805], %swap3A_808 {strides = array<i32>} : memref<200x64xf32, #tpu.memory_space<vmem>>, vector<1x16xf32>,
        %add3A_809 = arith.constant 2 : i32
        %add3A_810 = arith.addi %add3A_630, %add3A_809 : i32
        %get3A_811 = arith.index_cast %add3A_810 : i32 to index
        %get3A_812 = arith.constant 32 : index
        %get3A_813 = tpu.vector_load %arg10[%get3A_811, %get3A_812] {strides = array<i32>} : memref<200x64xf32, #tpu.memory_space<vmem>>, vector<1x16xf32>,
        %get3A_814 = vector.shape_cast %get3A_813 : vector<1x16xf32> to vector<16xf32>
        %add3A_815 = arith.constant 2 : i32
        %add3A_816 = arith.addi %add3A_630, %add3A_815 : i32
        %get3A_817 = arith.index_cast %add3A_816 : i32 to index
        %get3A_818 = arith.constant 32 : index
        %get3A_819 = tpu.vector_load %arg7[%get3A_817, %get3A_818] {strides = array<i32>} : memref<200x64xf32, #tpu.memory_space<vmem>>, vector<1x16xf32>,
        %get3A_820 = vector.shape_cast %get3A_819 : vector<1x16xf32> to vector<16xf32>
        %add3A_821 = arith.addf %get3A_814, %get3A_820 : vector<16xf32>
        %swap3A_822 = arith.index_cast %add3A_810 : i32 to index
        %swap3A_823 = arith.constant 32 : index
        %swap3A_824 = tpu.vector_load %arg10[%swap3A_822, %swap3A_823] {strides = array<i32>} : memref<200x64xf32, #tpu.memory_space<vmem>>, vector<1x16xf32>,
        %swap3A_825 = vector.shape_cast %swap3A_824 : vector<1x16xf32> to vector<16xf32>
        %swap3A_826 = vector.shape_cast %add3A_821 : vector<16xf32> to vector<1x16xf32>
        tpu.vector_store %arg10[%swap3A_822, %swap3A_823], %swap3A_826 {strides = array<i32>} : memref<200x64xf32, #tpu.memory_space<vmem>>, vector<1x16xf32>,
        %add3A_827 = arith.constant 2 : i32
        %add3A_828 = arith.addi %add3A_630, %add3A_827 : i32
        %get3A_829 = arith.index_cast %add3A_828 : i32 to index
        %get3A_830 = arith.constant 48 : index
        %get3A_831 = tpu.vector_load %arg10[%get3A_829, %get3A_830] {strides = array<i32>} : memref<200x64xf32, #tpu.memory_space<vmem>>, vector<1x16xf32>,
        %get3A_832 = vector.shape_cast %get3A_831 : vector<1x16xf32> to vector<16xf32>
        %add3A_833 = arith.constant 2 : i32
        %add3A_834 = arith.addi %add3A_630, %add3A_833 : i32
        %get3A_835 = arith.index_cast %add3A_834 : i32 to index
        %get3A_836 = arith.constant 48 : index
        %get3A_837 = tpu.vector_load %arg7[%get3A_835, %get3A_836] {strides = array<i32>} : memref<200x64xf32, #tpu.memory_space<vmem>>, vector<1x16xf32>,
        %get3A_838 = vector.shape_cast %get3A_837 : vector<1x16xf32> to vector<16xf32>
        %add3A_839 = arith.addf %get3A_832, %get3A_838 : vector<16xf32>
        %swap3A_840 = arith.index_cast %add3A_828 : i32 to index
        %swap3A_841 = arith.constant 48 : index
        %swap3A_842 = tpu.vector_load %arg10[%swap3A_840, %swap3A_841] {strides = array<i32>} : memref<200x64xf32, #tpu.memory_space<vmem>>, vector<1x16xf32>,
        %swap3A_843 = vector.shape_cast %swap3A_842 : vector<1x16xf32> to vector<16xf32>
        %swap3A_844 = vector.shape_cast %add3A_839 : vector<16xf32> to vector<1x16xf32>
        tpu.vector_store %arg10[%swap3A_840, %swap3A_841], %swap3A_844 {strides = array<i32>} : memref<200x64xf32, #tpu.memory_space<vmem>>, vector<1x16xf32>,
        %add3A_845 = arith.constant 3 : i32
        %add3A_846 = arith.addi %add3A_630, %add3A_845 : i32
        %get3A_847 = arith.index_cast %add3A_846 : i32 to index
        %get3A_848 = arith.constant 0 : index
        %get3A_849 = tpu.vector_load %arg10[%get3A_847, %get3A_848] {strides = array<i32>} : memref<200x64xf32, #tpu.memory_space<vmem>>, vector<1x16xf32>,
        %get3A_850 = vector.shape_cast %get3A_849 : vector<1x16xf32> to vector<16xf32>
        %add3A_851 = arith.constant 3 : i32
        %add3A_852 = arith.addi %add3A_630, %add3A_851 : i32
        %get3A_853 = arith.index_cast %add3A_852 : i32 to index
        %get3A_854 = arith.constant 0 : index
        %get3A_855 = tpu.vector_load %arg7[%get3A_853, %get3A_854] {strides = array<i32>} : memref<200x64xf32, #tpu.memory_space<vmem>>, vector<1x16xf32>,
        %get3A_856 = vector.shape_cast %get3A_855 : vector<1x16xf32> to vector<16xf32>
        %add3A_857 = arith.addf %get3A_850, %get3A_856 : vector<16xf32>
        %swap3A_858 = arith.index_cast %add3A_846 : i32 to index
        %swap3A_859 = arith.constant 0 : index
        %swap3A_860 = tpu.vector_load %arg10[%swap3A_858, %swap3A_859] {strides = array<i32>} : memref<200x64xf32, #tpu.memory_space<vmem>>, vector<1x16xf32>,
        %swap3A_861 = vector.shape_cast %swap3A_860 : vector<1x16xf32> to vector<16xf32>
        %swap3A_862 = vector.shape_cast %add3A_857 : vector<16xf32> to vector<1x16xf32>
        tpu.vector_store %arg10[%swap3A_858, %swap3A_859], %swap3A_862 {strides = array<i32>} : memref<200x64xf32, #tpu.memory_space<vmem>>, vector<1x16xf32>,
        %add3A_863 = arith.constant 3 : i32
        %add3A_864 = arith.addi %add3A_630, %add3A_863 : i32
        %get3A_865 = arith.index_cast %add3A_864 : i32 to index
        %get3A_866 = arith.constant 16 : index
        %get3A_867 = tpu.vector_load %arg10[%get3A_865, %get3A_866] {strides = array<i32>} : memref<200x64xf32, #tpu.memory_space<vmem>>, vector<1x16xf32>,
        %get3A_868 = vector.shape_cast %get3A_867 : vector<1x16xf32> to vector<16xf32>
        %add3A_869 = arith.constant 3 : i32
        %add3A_870 = arith.addi %add3A_630, %add3A_869 : i32
        %get3A_871 = arith.index_cast %add3A_870 : i32 to index
        %get3A_872 = arith.constant 16 : index
        %get3A_873 = tpu.vector_load %arg7[%get3A_871, %get3A_872] {strides = array<i32>} : memref<200x64xf32, #tpu.memory_space<vmem>>, vector<1x16xf32>,
        %get3A_874 = vector.shape_cast %get3A_873 : vector<1x16xf32> to vector<16xf32>
        %add3A_875 = arith.addf %get3A_868, %get3A_874 : vector<16xf32>
        %swap3A_876 = arith.index_cast %add3A_864 : i32 to index
        %swap3A_877 = arith.constant 16 : index
        %swap3A_878 = tpu.vector_load %arg10[%swap3A_876, %swap3A_877] {strides = array<i32>} : memref<200x64xf32, #tpu.memory_space<vmem>>, vector<1x16xf32>,
        %swap3A_879 = vector.shape_cast %swap3A_878 : vector<1x16xf32> to vector<16xf32>
        %swap3A_880 = vector.shape_cast %add3A_875 : vector<16xf32> to vector<1x16xf32>
        tpu.vector_store %arg10[%swap3A_876, %swap3A_877], %swap3A_880 {strides = array<i32>} : memref<200x64xf32, #tpu.memory_space<vmem>>, vector<1x16xf32>,
        %add3A_881 = arith.constant 3 : i32
        %add3A_882 = arith.addi %add3A_630, %add3A_881 : i32
        %get3A_883 = arith.index_cast %add3A_882 : i32 to index
        %get3A_884 = arith.constant 32 : index
        %get3A_885 = tpu.vector_load %arg10[%get3A_883, %get3A_884] {strides = array<i32>} : memref<200x64xf32, #tpu.memory_space<vmem>>, vector<1x16xf32>,
        %get3A_886 = vector.shape_cast %get3A_885 : vector<1x16xf32> to vector<16xf32>
        %add3A_887 = arith.constant 3 : i32
        %add3A_888 = arith.addi %add3A_630, %add3A_887 : i32
        %get3A_889 = arith.index_cast %add3A_888 : i32 to index
        %get3A_890 = arith.constant 32 : index
        %get3A_891 = tpu.vector_load %arg7[%get3A_889, %get3A_890] {strides = array<i32>} : memref<200x64xf32, #tpu.memory_space<vmem>>, vector<1x16xf32>,
        %get3A_892 = vector.shape_cast %get3A_891 : vector<1x16xf32> to vector<16xf32>
        %add3A_893 = arith.addf %get3A_886, %get3A_892 : vector<16xf32>
        %swap3A_894 = arith.index_cast %add3A_882 : i32 to index
        %swap3A_895 = arith.constant 32 : index
        %swap3A_896 = tpu.vector_load %arg10[%swap3A_894, %swap3A_895] {strides = array<i32>} : memref<200x64xf32, #tpu.memory_space<vmem>>, vector<1x16xf32>,
        %swap3A_897 = vector.shape_cast %swap3A_896 : vector<1x16xf32> to vector<16xf32>
        %swap3A_898 = vector.shape_cast %add3A_893 : vector<16xf32> to vector<1x16xf32>
        tpu.vector_store %arg10[%swap3A_894, %swap3A_895], %swap3A_898 {strides = array<i32>} : memref<200x64xf32, #tpu.memory_space<vmem>>, vector<1x16xf32>,
        %add3A_899 = arith.constant 3 : i32
        %add3A_900 = arith.addi %add3A_630, %add3A_899 : i32
        %get3A_901 = arith.index_cast %add3A_900 : i32 to index
        %get3A_902 = arith.constant 48 : index
        %get3A_903 = tpu.vector_load %arg10[%get3A_901, %get3A_902] {strides = array<i32>} : memref<200x64xf32, #tpu.memory_space<vmem>>, vector<1x16xf32>,
        %get3A_904 = vector.shape_cast %get3A_903 : vector<1x16xf32> to vector<16xf32>
        %add3A_905 = arith.constant 3 : i32
        %add3A_906 = arith.addi %add3A_630, %add3A_905 : i32
        %get3A_907 = arith.index_cast %add3A_906 : i32 to index
        %get3A_908 = arith.constant 48 : index
        %get3A_909 = tpu.vector_load %arg7[%get3A_907, %get3A_908] {strides = array<i32>} : memref<200x64xf32, #tpu.memory_space<vmem>>, vector<1x16xf32>,
        %get3A_910 = vector.shape_cast %get3A_909 : vector<1x16xf32> to vector<16xf32>
        %add3A_911 = arith.addf %get3A_904, %get3A_910 : vector<16xf32>
        %swap3A_912 = arith.index_cast %add3A_900 : i32 to index
        %swap3A_913 = arith.constant 48 : index
        %swap3A_914 = tpu.vector_load %arg10[%swap3A_912, %swap3A_913] {strides = array<i32>} : memref<200x64xf32, #tpu.memory_space<vmem>>, vector<1x16xf32>,
        %swap3A_915 = vector.shape_cast %swap3A_914 : vector<1x16xf32> to vector<16xf32>
        %swap3A_916 = vector.shape_cast %add3A_911 : vector<16xf32> to vector<1x16xf32>
        tpu.vector_store %arg10[%swap3A_912, %swap3A_913], %swap3A_916 {strides = array<i32>} : memref<200x64xf32, #tpu.memory_space<vmem>>, vector<1x16xf32>,
      }
      %scan3A_562 = arith.constant 50 : i32
      %mul3A_563 = arith.constant 128 : i32
      %mul3A_564 = arith.muli %add3A, %mul3A_563 : i32
      %add3A_565 = arith.addi %mul3A_564, %add3A_523 : i32
      %dma_start3A_566 = arith.constant 0 : i32
      %dma_start3A_567 = arith.constant 0 : i32
      %dma_start3A_568 = tpu.memref_slice %arg5[%add3A_565, %dma_start3A_566, %dma_start3A_567] : memref<4096x200x64xf32, #tpu.memory_space<hbm>> -> memref<1x200x64xf32, #tpu.memory_space<hbm>>
      %dma_start3A_569 = tpu.memref_squeeze %dma_start3A_568 : memref<1x200x64xf32, #tpu.memory_space<hbm>> -> memref<200x64xf32, #tpu.memory_space<hbm>>
      %dma_start3A_570 = arith.constant 0 : i32
      %dma_start3A_571 = arith.constant 0 : i32
      %dma_start3A_572 = tpu.memref_slice %arg5[%add3A_565, %dma_start3A_570, %dma_start3A_571] : memref<4096x200x64xf32, #tpu.memory_space<hbm>> -> memref<1x200x64xf32, #tpu.memory_space<hbm>>
      %dma_start3A_573 = tpu.memref_squeeze %dma_start3A_572 : memref<1x200x64xf32, #tpu.memory_space<hbm>> -> memref<200x64xf32, #tpu.memory_space<hbm>>
      tpu.enqueue_dma source(%arg10 : memref<200x64xf32, #tpu.memory_space<vmem>>) target(%dma_start3A_573 : memref<200x64xf32, #tpu.memory_space<hbm>>) target_semaphore(%arg18 : memref<!tpu.dma_semaphore, #tpu.memory_space<semaphore_mem>>)
      %add3A_574 = arith.constant 3 : i32
      %add3A_575 = arith.addi %mul3A_417, %add3A_574 : i32
      %dma_wait3A_576 = arith.constant 0 : i32
      %dma_wait3A_577 = arith.constant 0 : i32
      %dma_wait3A_578 = tpu.memref_slice %arg3[%dma_wait3A_576, %dma_wait3A_577] : memref<1000000x64xf32, #tpu.memory_space<hbm>> -> memref<200x64xf32, #tpu.memory_space<hbm>>
      %dma_wait3A_579 = arith.constant 0 : i32
      %dma_wait3A_580 = arith.constant 0 : i32
      %dma_wait3A_581 = tpu.memref_slice %arg3[%dma_wait3A_579, %dma_wait3A_580] : memref<1000000x64xf32, #tpu.memory_space<hbm>> -> memref<200x64xf32, #tpu.memory_space<hbm>>
      tpu.wait_dma2 semaphore(%arg17 : memref<!tpu.dma_semaphore, #tpu.memory_space<semaphore_mem>>) src(%dma_wait3A_581 : memref<200x64xf32, #tpu.memory_space<hbm>>) dst(%arg9 : memref<200x64xf32, #tpu.memory_space<vmem>>)
      %add3A_582 = arith.constant 2 : i32
      %add3A_583 = arith.addi %add3A_575, %add3A_582 : i32
      %dma_start3A_584 = arith.constant 0 : i32
      %dma_start3A_585 = arith.constant 0 : i32
      %dma_start3A_586 = arith.constant 0 : i32
      %dma_start3A_587 = tpu.memref_slice %arg9[%dma_start3A_585, %dma_start3A_586] : memref<200x64xf32, #tpu.memory_space<vmem>> -> memref<100x64xf32, #tpu.memory_space<vmem>>
      %dma_start3A_588 = arith.constant 0 : i32
      %dma_start3A_589 = tpu.memref_slice %arg6[%add3A_583, %dma_start3A_584, %dma_start3A_588] : memref<128x2x100xi32, #tpu.memory_space<vmem>> -> memref<1x1x100xi32, #tpu.memory_space<vmem>>
      %dma_start3A_590 = tpu.memref_squeeze %dma_start3A_589 : memref<1x1x100xi32, #tpu.memory_space<vmem>> -> memref<100xi32, #tpu.memory_space<vmem>>
      %dma_start3A_591 = arith.constant 0 : i32
      %dma_start3A_592 = arith.constant 0 : i32
      %dma_start3A_593 = tpu.memref_slice %arg3[%dma_start3A_591, %dma_start3A_592] : memref<1000000x64xf32, #tpu.memory_space<hbm>> -> memref<1000000x64xf32, #tpu.memory_space<hbm>>
      tpu.enqueue_indirect_dma source(%dma_start3A_593 : memref<1000000x64xf32, #tpu.memory_space<hbm>>) target(%dma_start3A_587 : memref<100x64xf32, #tpu.memory_space<vmem>>) offsets(%dma_start3A_590 : memref<100xi32, #tpu.memory_space<vmem>>) semaphore(%arg13 : memref<!tpu.dma_semaphore, #tpu.memory_space<semaphore_mem>>)
      %dma_start3A_594 = arith.constant 1 : i32
      %dma_start3A_595 = arith.constant 100 : i32
      %dma_start3A_596 = arith.constant 0 : i32
      %dma_start3A_597 = tpu.memref_slice %arg9[%dma_start3A_595, %dma_start3A_596] : memref<200x64xf32, #tpu.memory_space<vmem>> -> memref<100x64xf32, #tpu.memory_space<vmem>>
      %dma_start3A_598 = arith.constant 0 : i32
      %dma_start3A_599 = tpu.memref_slice %arg6[%add3A_583, %dma_start3A_594, %dma_start3A_598] : memref<128x2x100xi32, #tpu.memory_space<vmem>> -> memref<1x1x100xi32, #tpu.memory_space<vmem>>
      %dma_start3A_600 = tpu.memref_squeeze %dma_start3A_599 : memref<1x1x100xi32, #tpu.memory_space<vmem>> -> memref<100xi32, #tpu.memory_space<vmem>>
      %dma_start3A_601 = arith.constant 0 : i32
      %dma_start3A_602 = arith.constant 0 : i32
      %dma_start3A_603 = tpu.memref_slice %arg3[%dma_start3A_601, %dma_start3A_602] : memref<1000000x64xf32, #tpu.memory_space<hbm>> -> memref<1000000x64xf32, #tpu.memory_space<hbm>>
      tpu.enqueue_indirect_dma source(%dma_start3A_603 : memref<1000000x64xf32, #tpu.memory_space<hbm>>) target(%dma_start3A_597 : memref<100x64xf32, #tpu.memory_space<vmem>>) offsets(%dma_start3A_600 : memref<100xi32, #tpu.memory_space<vmem>>) semaphore(%arg13 : memref<!tpu.dma_semaphore, #tpu.memory_space<semaphore_mem>>)
      %dma_wait3A_604 = arith.constant 0 : i32
      %dma_wait3A_605 = arith.constant 0 : i32
      %dma_wait3A_606 = tpu.memref_slice %arg3[%dma_wait3A_604, %dma_wait3A_605] : memref<1000000x64xf32, #tpu.memory_space<hbm>> -> memref<200x64xf32, #tpu.memory_space<hbm>>
      %dma_wait3A_607 = arith.constant 0 : i32
      %dma_wait3A_608 = arith.constant 0 : i32
      %dma_wait3A_609 = tpu.memref_slice %arg3[%dma_wait3A_607, %dma_wait3A_608] : memref<1000000x64xf32, #tpu.memory_space<hbm>> -> memref<200x64xf32, #tpu.memory_space<hbm>>
      tpu.wait_dma2 semaphore(%arg15 : memref<!tpu.dma_semaphore, #tpu.memory_space<semaphore_mem>>) src(%dma_wait3A_609 : memref<200x64xf32, #tpu.memory_space<hbm>>) dst(%arg11 : memref<200x64xf32, #tpu.memory_space<vmem>>)
      %scan3A_610 = arith.constant 0 : i32
      %scan3A_611 = arith.constant 50 : i32
      %scan3A_612 = arith.addi %scan3A_610, %scan3A_611 : i32
      %scan3A_613 = arith.constant 1 : i32
      scf.for %scan3A_626 = %scan3A_610 to %scan3A_612 step %scan3A_613  : i32 {
        %mul3A_627 = arith.constant 4 : i32
        %mul3A_628 = arith.muli %scan3A_626, %mul3A_627 : i32
        %add3A_629 = arith.constant 0 : i32
        %add3A_630 = arith.addi %add3A_629, %mul3A_628 : i32
        %add3A_631 = arith.constant 0 : i32
        %add3A_632 = arith.addi %add3A_630, %add3A_631 : i32
        %get3A = arith.index_cast %add3A_632 : i32 to index
        %get3A_633 = arith.constant 0 : index
        %get3A_634 = tpu.vector_load %arg11[%get3A, %get3A_633] {strides = array<i32>} : memref<200x64xf32, #tpu.memory_space<vmem>>, vector<1x16xf32>,
        %get3A_635 = vector.shape_cast %get3A_634 : vector<1x16xf32> to vector<16xf32>
        %add3A_636 = arith.constant 0 : i32
        %add3A_637 = arith.addi %add3A_630, %add3A_636 : i32
        %get3A_638 = arith.index_cast %add3A_637 : i32 to index
        %get3A_639 = arith.constant 0 : index
        %get3A_640 = tpu.vector_load %arg7[%get3A_638, %get3A_639] {strides = array<i32>} : memref<200x64xf32, #tpu.memory_space<vmem>>, vector<1x16xf32>,
        %get3A_641 = vector.shape_cast %get3A_640 : vector<1x16xf32> to vector<16xf32>
        %add3A_642 = arith.addf %get3A_635, %get3A_641 : vector<16xf32>
        %swap3A = arith.index_cast %add3A_632 : i32 to index
        %swap3A_643 = arith.constant 0 : index
        %swap3A_644 = tpu.vector_load %arg11[%swap3A, %swap3A_643] {strides = array<i32>} : memref<200x64xf32, #tpu.memory_space<vmem>>, vector<1x16xf32>,
        %swap3A_645 = vector.shape_cast %swap3A_644 : vector<1x16xf32> to vector<16xf32>
        %swap3A_646 = vector.shape_cast %add3A_642 : vector<16xf32> to vector<1x16xf32>
        tpu.vector_store %arg11[%swap3A, %swap3A_643], %swap3A_646 {strides = array<i32>} : memref<200x64xf32, #tpu.memory_space<vmem>>, vector<1x16xf32>,
        %add3A_647 = arith.constant 0 : i32
        %add3A_648 = arith.addi %add3A_630, %add3A_647 : i32
        %get3A_649 = arith.index_cast %add3A_648 : i32 to index
        %get3A_650 = arith.constant 16 : index
        %get3A_651 = tpu.vector_load %arg11[%get3A_649, %get3A_650] {strides = array<i32>} : memref<200x64xf32, #tpu.memory_space<vmem>>, vector<1x16xf32>,
        %get3A_652 = vector.shape_cast %get3A_651 : vector<1x16xf32> to vector<16xf32>
        %add3A_653 = arith.constant 0 : i32
        %add3A_654 = arith.addi %add3A_630, %add3A_653 : i32
        %get3A_655 = arith.index_cast %add3A_654 : i32 to index
        %get3A_656 = arith.constant 16 : index
        %get3A_657 = tpu.vector_load %arg7[%get3A_655, %get3A_656] {strides = array<i32>} : memref<200x64xf32, #tpu.memory_space<vmem>>, vector<1x16xf32>,
        %get3A_658 = vector.shape_cast %get3A_657 : vector<1x16xf32> to vector<16xf32>
        %add3A_659 = arith.addf %get3A_652, %get3A_658 : vector<16xf32>
        %swap3A_660 = arith.index_cast %add3A_648 : i32 to index
        %swap3A_661 = arith.constant 16 : index
        %swap3A_662 = tpu.vector_load %arg11[%swap3A_660, %swap3A_661] {strides = array<i32>} : memref<200x64xf32, #tpu.memory_space<vmem>>, vector<1x16xf32>,
        %swap3A_663 = vector.shape_cast %swap3A_662 : vector<1x16xf32> to vector<16xf32>
        %swap3A_664 = vector.shape_cast %add3A_659 : vector<16xf32> to vector<1x16xf32>
        tpu.vector_store %arg11[%swap3A_660, %swap3A_661], %swap3A_664 {strides = array<i32>} : memref<200x64xf32, #tpu.memory_space<vmem>>, vector<1x16xf32>,
        %add3A_665 = arith.constant 0 : i32
        %add3A_666 = arith.addi %add3A_630, %add3A_665 : i32
        %get3A_667 = arith.index_cast %add3A_666 : i32 to index
        %get3A_668 = arith.constant 32 : index
        %get3A_669 = tpu.vector_load %arg11[%get3A_667, %get3A_668] {strides = array<i32>} : memref<200x64xf32, #tpu.memory_space<vmem>>, vector<1x16xf32>,
        %get3A_670 = vector.shape_cast %get3A_669 : vector<1x16xf32> to vector<16xf32>
        %add3A_671 = arith.constant 0 : i32
        %add3A_672 = arith.addi %add3A_630, %add3A_671 : i32
        %get3A_673 = arith.index_cast %add3A_672 : i32 to index
        %get3A_674 = arith.constant 32 : index
        %get3A_675 = tpu.vector_load %arg7[%get3A_673, %get3A_674] {strides = array<i32>} : memref<200x64xf32, #tpu.memory_space<vmem>>, vector<1x16xf32>,
        %get3A_676 = vector.shape_cast %get3A_675 : vector<1x16xf32> to vector<16xf32>
        %add3A_677 = arith.addf %get3A_670, %get3A_676 : vector<16xf32>
        %swap3A_678 = arith.index_cast %add3A_666 : i32 to index
        %swap3A_679 = arith.constant 32 : index
        %swap3A_680 = tpu.vector_load %arg11[%swap3A_678, %swap3A_679] {strides = array<i32>} : memref<200x64xf32, #tpu.memory_space<vmem>>, vector<1x16xf32>,
        %swap3A_681 = vector.shape_cast %swap3A_680 : vector<1x16xf32> to vector<16xf32>
        %swap3A_682 = vector.shape_cast %add3A_677 : vector<16xf32> to vector<1x16xf32>
        tpu.vector_store %arg11[%swap3A_678, %swap3A_679], %swap3A_682 {strides = array<i32>} : memref<200x64xf32, #tpu.memory_space<vmem>>, vector<1x16xf32>,
        %add3A_683 = arith.constant 0 : i32
        %add3A_684 = arith.addi %add3A_630, %add3A_683 : i32
        %get3A_685 = arith.index_cast %add3A_684 : i32 to index
        %get3A_686 = arith.constant 48 : index
        %get3A_687 = tpu.vector_load %arg11[%get3A_685, %get3A_686] {strides = array<i32>} : memref<200x64xf32, #tpu.memory_space<vmem>>, vector<1x16xf32>,
        %get3A_688 = vector.shape_cast %get3A_687 : vector<1x16xf32> to vector<16xf32>
        %add3A_689 = arith.constant 0 : i32
        %add3A_690 = arith.addi %add3A_630, %add3A_689 : i32
        %get3A_691 = arith.index_cast %add3A_690 : i32 to index
        %get3A_692 = arith.constant 48 : index
        %get3A_693 = tpu.vector_load %arg7[%get3A_691, %get3A_692] {strides = array<i32>} : memref<200x64xf32, #tpu.memory_space<vmem>>, vector<1x16xf32>,
        %get3A_694 = vector.shape_cast %get3A_693 : vector<1x16xf32> to vector<16xf32>
        %add3A_695 = arith.addf %get3A_688, %get3A_694 : vector<16xf32>
        %swap3A_696 = arith.index_cast %add3A_684 : i32 to index
        %swap3A_697 = arith.constant 48 : index
        %swap3A_698 = tpu.vector_load %arg11[%swap3A_696, %swap3A_697] {strides = array<i32>} : memref<200x64xf32, #tpu.memory_space<vmem>>, vector<1x16xf32>,
        %swap3A_699 = vector.shape_cast %swap3A_698 : vector<1x16xf32> to vector<16xf32>
        %swap3A_700 = vector.shape_cast %add3A_695 : vector<16xf32> to vector<1x16xf32>
        tpu.vector_store %arg11[%swap3A_696, %swap3A_697], %swap3A_700 {strides = array<i32>} : memref<200x64xf32, #tpu.memory_space<vmem>>, vector<1x16xf32>,
        %add3A_701 = arith.constant 1 : i32
        %add3A_702 = arith.addi %add3A_630, %add3A_701 : i32
        %get3A_703 = arith.index_cast %add3A_702 : i32 to index
        %get3A_704 = arith.constant 0 : index
        %get3A_705 = tpu.vector_load %arg11[%get3A_703, %get3A_704] {strides = array<i32>} : memref<200x64xf32, #tpu.memory_space<vmem>>, vector<1x16xf32>,
        %get3A_706 = vector.shape_cast %get3A_705 : vector<1x16xf32> to vector<16xf32>
        %add3A_707 = arith.constant 1 : i32
        %add3A_708 = arith.addi %add3A_630, %add3A_707 : i32
        %get3A_709 = arith.index_cast %add3A_708 : i32 to index
        %get3A_710 = arith.constant 0 : index
        %get3A_711 = tpu.vector_load %arg7[%get3A_709, %get3A_710] {strides = array<i32>} : memref<200x64xf32, #tpu.memory_space<vmem>>, vector<1x16xf32>,
        %get3A_712 = vector.shape_cast %get3A_711 : vector<1x16xf32> to vector<16xf32>
        %add3A_713 = arith.addf %get3A_706, %get3A_712 : vector<16xf32>
        %swap3A_714 = arith.index_cast %add3A_702 : i32 to index
        %swap3A_715 = arith.constant 0 : index
        %swap3A_716 = tpu.vector_load %arg11[%swap3A_714, %swap3A_715] {strides = array<i32>} : memref<200x64xf32, #tpu.memory_space<vmem>>, vector<1x16xf32>,
        %swap3A_717 = vector.shape_cast %swap3A_716 : vector<1x16xf32> to vector<16xf32>
        %swap3A_718 = vector.shape_cast %add3A_713 : vector<16xf32> to vector<1x16xf32>
        tpu.vector_store %arg11[%swap3A_714, %swap3A_715], %swap3A_718 {strides = array<i32>} : memref<200x64xf32, #tpu.memory_space<vmem>>, vector<1x16xf32>,
        %add3A_719 = arith.constant 1 : i32
        %add3A_720 = arith.addi %add3A_630, %add3A_719 : i32
        %get3A_721 = arith.index_cast %add3A_720 : i32 to index
        %get3A_722 = arith.constant 16 : index
        %get3A_723 = tpu.vector_load %arg11[%get3A_721, %get3A_722] {strides = array<i32>} : memref<200x64xf32, #tpu.memory_space<vmem>>, vector<1x16xf32>,
        %get3A_724 = vector.shape_cast %get3A_723 : vector<1x16xf32> to vector<16xf32>
        %add3A_725 = arith.constant 1 : i32
        %add3A_726 = arith.addi %add3A_630, %add3A_725 : i32
        %get3A_727 = arith.index_cast %add3A_726 : i32 to index
        %get3A_728 = arith.constant 16 : index
        %get3A_729 = tpu.vector_load %arg7[%get3A_727, %get3A_728] {strides = array<i32>} : memref<200x64xf32, #tpu.memory_space<vmem>>, vector<1x16xf32>,
        %get3A_730 = vector.shape_cast %get3A_729 : vector<1x16xf32> to vector<16xf32>
        %add3A_731 = arith.addf %get3A_724, %get3A_730 : vector<16xf32>
        %swap3A_732 = arith.index_cast %add3A_720 : i32 to index
        %swap3A_733 = arith.constant 16 : index
        %swap3A_734 = tpu.vector_load %arg11[%swap3A_732, %swap3A_733] {strides = array<i32>} : memref<200x64xf32, #tpu.memory_space<vmem>>, vector<1x16xf32>,
        %swap3A_735 = vector.shape_cast %swap3A_734 : vector<1x16xf32> to vector<16xf32>
        %swap3A_736 = vector.shape_cast %add3A_731 : vector<16xf32> to vector<1x16xf32>
        tpu.vector_store %arg11[%swap3A_732, %swap3A_733], %swap3A_736 {strides = array<i32>} : memref<200x64xf32, #tpu.memory_space<vmem>>, vector<1x16xf32>,
        %add3A_737 = arith.constant 1 : i32
        %add3A_738 = arith.addi %add3A_630, %add3A_737 : i32
        %get3A_739 = arith.index_cast %add3A_738 : i32 to index
        %get3A_740 = arith.constant 32 : index
        %get3A_741 = tpu.vector_load %arg11[%get3A_739, %get3A_740] {strides = array<i32>} : memref<200x64xf32, #tpu.memory_space<vmem>>, vector<1x16xf32>,
        %get3A_742 = vector.shape_cast %get3A_741 : vector<1x16xf32> to vector<16xf32>
        %add3A_743 = arith.constant 1 : i32
        %add3A_744 = arith.addi %add3A_630, %add3A_743 : i32
        %get3A_745 = arith.index_cast %add3A_744 : i32 to index
        %get3A_746 = arith.constant 32 : index
        %get3A_747 = tpu.vector_load %arg7[%get3A_745, %get3A_746] {strides = array<i32>} : memref<200x64xf32, #tpu.memory_space<vmem>>, vector<1x16xf32>,
        %get3A_748 = vector.shape_cast %get3A_747 : vector<1x16xf32> to vector<16xf32>
        %add3A_749 = arith.addf %get3A_742, %get3A_748 : vector<16xf32>
        %swap3A_750 = arith.index_cast %add3A_738 : i32 to index
        %swap3A_751 = arith.constant 32 : index
        %swap3A_752 = tpu.vector_load %arg11[%swap3A_750, %swap3A_751] {strides = array<i32>} : memref<200x64xf32, #tpu.memory_space<vmem>>, vector<1x16xf32>,
        %swap3A_753 = vector.shape_cast %swap3A_752 : vector<1x16xf32> to vector<16xf32>
        %swap3A_754 = vector.shape_cast %add3A_749 : vector<16xf32> to vector<1x16xf32>
        tpu.vector_store %arg11[%swap3A_750, %swap3A_751], %swap3A_754 {strides = array<i32>} : memref<200x64xf32, #tpu.memory_space<vmem>>, vector<1x16xf32>,
        %add3A_755 = arith.constant 1 : i32
        %add3A_756 = arith.addi %add3A_630, %add3A_755 : i32
        %get3A_757 = arith.index_cast %add3A_756 : i32 to index
        %get3A_758 = arith.constant 48 : index
        %get3A_759 = tpu.vector_load %arg11[%get3A_757, %get3A_758] {strides = array<i32>} : memref<200x64xf32, #tpu.memory_space<vmem>>, vector<1x16xf32>,
        %get3A_760 = vector.shape_cast %get3A_759 : vector<1x16xf32> to vector<16xf32>
        %add3A_761 = arith.constant 1 : i32
        %add3A_762 = arith.addi %add3A_630, %add3A_761 : i32
        %get3A_763 = arith.index_cast %add3A_762 : i32 to index
        %get3A_764 = arith.constant 48 : index
        %get3A_765 = tpu.vector_load %arg7[%get3A_763, %get3A_764] {strides = array<i32>} : memref<200x64xf32, #tpu.memory_space<vmem>>, vector<1x16xf32>,
        %get3A_766 = vector.shape_cast %get3A_765 : vector<1x16xf32> to vector<16xf32>
        %add3A_767 = arith.addf %get3A_760, %get3A_766 : vector<16xf32>
        %swap3A_768 = arith.index_cast %add3A_756 : i32 to index
        %swap3A_769 = arith.constant 48 : index
        %swap3A_770 = tpu.vector_load %arg11[%swap3A_768, %swap3A_769] {strides = array<i32>} : memref<200x64xf32, #tpu.memory_space<vmem>>, vector<1x16xf32>,
        %swap3A_771 = vector.shape_cast %swap3A_770 : vector<1x16xf32> to vector<16xf32>
        %swap3A_772 = vector.shape_cast %add3A_767 : vector<16xf32> to vector<1x16xf32>
        tpu.vector_store %arg11[%swap3A_768, %swap3A_769], %swap3A_772 {strides = array<i32>} : memref<200x64xf32, #tpu.memory_space<vmem>>, vector<1x16xf32>,
        %add3A_773 = arith.constant 2 : i32
        %add3A_774 = arith.addi %add3A_630, %add3A_773 : i32
        %get3A_775 = arith.index_cast %add3A_774 : i32 to index
        %get3A_776 = arith.constant 0 : index
        %get3A_777 = tpu.vector_load %arg11[%get3A_775, %get3A_776] {strides = array<i32>} : memref<200x64xf32, #tpu.memory_space<vmem>>, vector<1x16xf32>,
        %get3A_778 = vector.shape_cast %get3A_777 : vector<1x16xf32> to vector<16xf32>
        %add3A_779 = arith.constant 2 : i32
        %add3A_780 = arith.addi %add3A_630, %add3A_779 : i32
        %get3A_781 = arith.index_cast %add3A_780 : i32 to index
        %get3A_782 = arith.constant 0 : index
        %get3A_783 = tpu.vector_load %arg7[%get3A_781, %get3A_782] {strides = array<i32>} : memref<200x64xf32, #tpu.memory_space<vmem>>, vector<1x16xf32>,
        %get3A_784 = vector.shape_cast %get3A_783 : vector<1x16xf32> to vector<16xf32>
        %add3A_785 = arith.addf %get3A_778, %get3A_784 : vector<16xf32>
        %swap3A_786 = arith.index_cast %add3A_774 : i32 to index
        %swap3A_787 = arith.constant 0 : index
        %swap3A_788 = tpu.vector_load %arg11[%swap3A_786, %swap3A_787] {strides = array<i32>} : memref<200x64xf32, #tpu.memory_space<vmem>>, vector<1x16xf32>,
        %swap3A_789 = vector.shape_cast %swap3A_788 : vector<1x16xf32> to vector<16xf32>
        %swap3A_790 = vector.shape_cast %add3A_785 : vector<16xf32> to vector<1x16xf32>
        tpu.vector_store %arg11[%swap3A_786, %swap3A_787], %swap3A_790 {strides = array<i32>} : memref<200x64xf32, #tpu.memory_space<vmem>>, vector<1x16xf32>,
        %add3A_791 = arith.constant 2 : i32
        %add3A_792 = arith.addi %add3A_630, %add3A_791 : i32
        %get3A_793 = arith.index_cast %add3A_792 : i32 to index
        %get3A_794 = arith.constant 16 : index
        %get3A_795 = tpu.vector_load %arg11[%get3A_793, %get3A_794] {strides = array<i32>} : memref<200x64xf32, #tpu.memory_space<vmem>>, vector<1x16xf32>,
        %get3A_796 = vector.shape_cast %get3A_795 : vector<1x16xf32> to vector<16xf32>
        %add3A_797 = arith.constant 2 : i32
        %add3A_798 = arith.addi %add3A_630, %add3A_797 : i32
        %get3A_799 = arith.index_cast %add3A_798 : i32 to index
        %get3A_800 = arith.constant 16 : index
        %get3A_801 = tpu.vector_load %arg7[%get3A_799, %get3A_800] {strides = array<i32>} : memref<200x64xf32, #tpu.memory_space<vmem>>, vector<1x16xf32>,
        %get3A_802 = vector.shape_cast %get3A_801 : vector<1x16xf32> to vector<16xf32>
        %add3A_803 = arith.addf %get3A_796, %get3A_802 : vector<16xf32>
        %swap3A_804 = arith.index_cast %add3A_792 : i32 to index
        %swap3A_805 = arith.constant 16 : index
        %swap3A_806 = tpu.vector_load %arg11[%swap3A_804, %swap3A_805] {strides = array<i32>} : memref<200x64xf32, #tpu.memory_space<vmem>>, vector<1x16xf32>,
        %swap3A_807 = vector.shape_cast %swap3A_806 : vector<1x16xf32> to vector<16xf32>
        %swap3A_808 = vector.shape_cast %add3A_803 : vector<16xf32> to vector<1x16xf32>
        tpu.vector_store %arg11[%swap3A_804, %swap3A_805], %swap3A_808 {strides = array<i32>} : memref<200x64xf32, #tpu.memory_space<vmem>>, vector<1x16xf32>,
        %add3A_809 = arith.constant 2 : i32
        %add3A_810 = arith.addi %add3A_630, %add3A_809 : i32
        %get3A_811 = arith.index_cast %add3A_810 : i32 to index
        %get3A_812 = arith.constant 32 : index
        %get3A_813 = tpu.vector_load %arg11[%get3A_811, %get3A_812] {strides = array<i32>} : memref<200x64xf32, #tpu.memory_space<vmem>>, vector<1x16xf32>,
        %get3A_814 = vector.shape_cast %get3A_813 : vector<1x16xf32> to vector<16xf32>
        %add3A_815 = arith.constant 2 : i32
        %add3A_816 = arith.addi %add3A_630, %add3A_815 : i32
        %get3A_817 = arith.index_cast %add3A_816 : i32 to index
        %get3A_818 = arith.constant 32 : index
        %get3A_819 = tpu.vector_load %arg7[%get3A_817, %get3A_818] {strides = array<i32>} : memref<200x64xf32, #tpu.memory_space<vmem>>, vector<1x16xf32>,
        %get3A_820 = vector.shape_cast %get3A_819 : vector<1x16xf32> to vector<16xf32>
        %add3A_821 = arith.addf %get3A_814, %get3A_820 : vector<16xf32>
        %swap3A_822 = arith.index_cast %add3A_810 : i32 to index
        %swap3A_823 = arith.constant 32 : index
        %swap3A_824 = tpu.vector_load %arg11[%swap3A_822, %swap3A_823] {strides = array<i32>} : memref<200x64xf32, #tpu.memory_space<vmem>>, vector<1x16xf32>,
        %swap3A_825 = vector.shape_cast %swap3A_824 : vector<1x16xf32> to vector<16xf32>
        %swap3A_826 = vector.shape_cast %add3A_821 : vector<16xf32> to vector<1x16xf32>
        tpu.vector_store %arg11[%swap3A_822, %swap3A_823], %swap3A_826 {strides = array<i32>} : memref<200x64xf32, #tpu.memory_space<vmem>>, vector<1x16xf32>,
        %add3A_827 = arith.constant 2 : i32
        %add3A_828 = arith.addi %add3A_630, %add3A_827 : i32
        %get3A_829 = arith.index_cast %add3A_828 : i32 to index
        %get3A_830 = arith.constant 48 : index
        %get3A_831 = tpu.vector_load %arg11[%get3A_829, %get3A_830] {strides = array<i32>} : memref<200x64xf32, #tpu.memory_space<vmem>>, vector<1x16xf32>,
        %get3A_832 = vector.shape_cast %get3A_831 : vector<1x16xf32> to vector<16xf32>
        %add3A_833 = arith.constant 2 : i32
        %add3A_834 = arith.addi %add3A_630, %add3A_833 : i32
        %get3A_835 = arith.index_cast %add3A_834 : i32 to index
        %get3A_836 = arith.constant 48 : index
        %get3A_837 = tpu.vector_load %arg7[%get3A_835, %get3A_836] {strides = array<i32>} : memref<200x64xf32, #tpu.memory_space<vmem>>, vector<1x16xf32>,
        %get3A_838 = vector.shape_cast %get3A_837 : vector<1x16xf32> to vector<16xf32>
        %add3A_839 = arith.addf %get3A_832, %get3A_838 : vector<16xf32>
        %swap3A_840 = arith.index_cast %add3A_828 : i32 to index
        %swap3A_841 = arith.constant 48 : index
        %swap3A_842 = tpu.vector_load %arg11[%swap3A_840, %swap3A_841] {strides = array<i32>} : memref<200x64xf32, #tpu.memory_space<vmem>>, vector<1x16xf32>,
        %swap3A_843 = vector.shape_cast %swap3A_842 : vector<1x16xf32> to vector<16xf32>
        %swap3A_844 = vector.shape_cast %add3A_839 : vector<16xf32> to vector<1x16xf32>
        tpu.vector_store %arg11[%swap3A_840, %swap3A_841], %swap3A_844 {strides = array<i32>} : memref<200x64xf32, #tpu.memory_space<vmem>>, vector<1x16xf32>,
        %add3A_845 = arith.constant 3 : i32
        %add3A_846 = arith.addi %add3A_630, %add3A_845 : i32
        %get3A_847 = arith.index_cast %add3A_846 : i32 to index
        %get3A_848 = arith.constant 0 : index
        %get3A_849 = tpu.vector_load %arg11[%get3A_847, %get3A_848] {strides = array<i32>} : memref<200x64xf32, #tpu.memory_space<vmem>>, vector<1x16xf32>,
        %get3A_850 = vector.shape_cast %get3A_849 : vector<1x16xf32> to vector<16xf32>
        %add3A_851 = arith.constant 3 : i32
        %add3A_852 = arith.addi %add3A_630, %add3A_851 : i32
        %get3A_853 = arith.index_cast %add3A_852 : i32 to index
        %get3A_854 = arith.constant 0 : index
        %get3A_855 = tpu.vector_load %arg7[%get3A_853, %get3A_854] {strides = array<i32>} : memref<200x64xf32, #tpu.memory_space<vmem>>, vector<1x16xf32>,
        %get3A_856 = vector.shape_cast %get3A_855 : vector<1x16xf32> to vector<16xf32>
        %add3A_857 = arith.addf %get3A_850, %get3A_856 : vector<16xf32>
        %swap3A_858 = arith.index_cast %add3A_846 : i32 to index
        %swap3A_859 = arith.constant 0 : index
        %swap3A_860 = tpu.vector_load %arg11[%swap3A_858, %swap3A_859] {strides = array<i32>} : memref<200x64xf32, #tpu.memory_space<vmem>>, vector<1x16xf32>,
        %swap3A_861 = vector.shape_cast %swap3A_860 : vector<1x16xf32> to vector<16xf32>
        %swap3A_862 = vector.shape_cast %add3A_857 : vector<16xf32> to vector<1x16xf32>
        tpu.vector_store %arg11[%swap3A_858, %swap3A_859], %swap3A_862 {strides = array<i32>} : memref<200x64xf32, #tpu.memory_space<vmem>>, vector<1x16xf32>,
        %add3A_863 = arith.constant 3 : i32
        %add3A_864 = arith.addi %add3A_630, %add3A_863 : i32
        %get3A_865 = arith.index_cast %add3A_864 : i32 to index
        %get3A_866 = arith.constant 16 : index
        %get3A_867 = tpu.vector_load %arg11[%get3A_865, %get3A_866] {strides = array<i32>} : memref<200x64xf32, #tpu.memory_space<vmem>>, vector<1x16xf32>,
        %get3A_868 = vector.shape_cast %get3A_867 : vector<1x16xf32> to vector<16xf32>
        %add3A_869 = arith.constant 3 : i32
        %add3A_870 = arith.addi %add3A_630, %add3A_869 : i32
        %get3A_871 = arith.index_cast %add3A_870 : i32 to index
        %get3A_872 = arith.constant 16 : index
        %get3A_873 = tpu.vector_load %arg7[%get3A_871, %get3A_872] {strides = array<i32>} : memref<200x64xf32, #tpu.memory_space<vmem>>, vector<1x16xf32>,
        %get3A_874 = vector.shape_cast %get3A_873 : vector<1x16xf32> to vector<16xf32>
        %add3A_875 = arith.addf %get3A_868, %get3A_874 : vector<16xf32>
        %swap3A_876 = arith.index_cast %add3A_864 : i32 to index
        %swap3A_877 = arith.constant 16 : index
        %swap3A_878 = tpu.vector_load %arg11[%swap3A_876, %swap3A_877] {strides = array<i32>} : memref<200x64xf32, #tpu.memory_space<vmem>>, vector<1x16xf32>,
        %swap3A_879 = vector.shape_cast %swap3A_878 : vector<1x16xf32> to vector<16xf32>
        %swap3A_880 = vector.shape_cast %add3A_875 : vector<16xf32> to vector<1x16xf32>
        tpu.vector_store %arg11[%swap3A_876, %swap3A_877], %swap3A_880 {strides = array<i32>} : memref<200x64xf32, #tpu.memory_space<vmem>>, vector<1x16xf32>,
        %add3A_881 = arith.constant 3 : i32
        %add3A_882 = arith.addi %add3A_630, %add3A_881 : i32
        %get3A_883 = arith.index_cast %add3A_882 : i32 to index
        %get3A_884 = arith.constant 32 : index
        %get3A_885 = tpu.vector_load %arg11[%get3A_883, %get3A_884] {strides = array<i32>} : memref<200x64xf32, #tpu.memory_space<vmem>>, vector<1x16xf32>,
        %get3A_886 = vector.shape_cast %get3A_885 : vector<1x16xf32> to vector<16xf32>
        %add3A_887 = arith.constant 3 : i32
        %add3A_888 = arith.addi %add3A_630, %add3A_887 : i32
        %get3A_889 = arith.index_cast %add3A_888 : i32 to index
        %get3A_890 = arith.constant 32 : index
        %get3A_891 = tpu.vector_load %arg7[%get3A_889, %get3A_890] {strides = array<i32>} : memref<200x64xf32, #tpu.memory_space<vmem>>, vector<1x16xf32>,
        %get3A_892 = vector.shape_cast %get3A_891 : vector<1x16xf32> to vector<16xf32>
        %add3A_893 = arith.addf %get3A_886, %get3A_892 : vector<16xf32>
        %swap3A_894 = arith.index_cast %add3A_882 : i32 to index
        %swap3A_895 = arith.constant 32 : index
        %swap3A_896 = tpu.vector_load %arg11[%swap3A_894, %swap3A_895] {strides = array<i32>} : memref<200x64xf32, #tpu.memory_space<vmem>>, vector<1x16xf32>,
        %swap3A_897 = vector.shape_cast %swap3A_896 : vector<1x16xf32> to vector<16xf32>
        %swap3A_898 = vector.shape_cast %add3A_893 : vector<16xf32> to vector<1x16xf32>
        tpu.vector_store %arg11[%swap3A_894, %swap3A_895], %swap3A_898 {strides = array<i32>} : memref<200x64xf32, #tpu.memory_space<vmem>>, vector<1x16xf32>,
        %add3A_899 = arith.constant 3 : i32
        %add3A_900 = arith.addi %add3A_630, %add3A_899 : i32
        %get3A_901 = arith.index_cast %add3A_900 : i32 to index
        %get3A_902 = arith.constant 48 : index
        %get3A_903 = tpu.vector_load %arg11[%get3A_901, %get3A_902] {strides = array<i32>} : memref<200x64xf32, #tpu.memory_space<vmem>>, vector<1x16xf32>,
        %get3A_904 = vector.shape_cast %get3A_903 : vector<1x16xf32> to vector<16xf32>
        %add3A_905 = arith.constant 3 : i32
        %add3A_906 = arith.addi %add3A_630, %add3A_905 : i32
        %get3A_907 = arith.index_cast %add3A_906 : i32 to index
        %get3A_908 = arith.constant 48 : index
        %get3A_909 = tpu.vector_load %arg7[%get3A_907, %get3A_908] {strides = array<i32>} : memref<200x64xf32, #tpu.memory_space<vmem>>, vector<1x16xf32>,
        %get3A_910 = vector.shape_cast %get3A_909 : vector<1x16xf32> to vector<16xf32>
        %add3A_911 = arith.addf %get3A_904, %get3A_910 : vector<16xf32>
        %swap3A_912 = arith.index_cast %add3A_900 : i32 to index
        %swap3A_913 = arith.constant 48 : index
        %swap3A_914 = tpu.vector_load %arg11[%swap3A_912, %swap3A_913] {strides = array<i32>} : memref<200x64xf32, #tpu.memory_space<vmem>>, vector<1x16xf32>,
        %swap3A_915 = vector.shape_cast %swap3A_914 : vector<1x16xf32> to vector<16xf32>
        %swap3A_916 = vector.shape_cast %add3A_911 : vector<16xf32> to vector<1x16xf32>
        tpu.vector_store %arg11[%swap3A_912, %swap3A_913], %swap3A_916 {strides = array<i32>} : memref<200x64xf32, #tpu.memory_space<vmem>>, vector<1x16xf32>,
      }
      %scan3A_614 = arith.constant 50 : i32
      %mul3A_615 = arith.constant 128 : i32
      %mul3A_616 = arith.muli %add3A, %mul3A_615 : i32
      %add3A_617 = arith.addi %mul3A_616, %add3A_575 : i32
      %dma_start3A_618 = arith.constant 0 : i32
      %dma_start3A_619 = arith.constant 0 : i32
      %dma_start3A_620 = tpu.memref_slice %arg5[%add3A_617, %dma_start3A_618, %dma_start3A_619] : memref<4096x200x64xf32, #tpu.memory_space<hbm>> -> memref<1x200x64xf32, #tpu.memory_space<hbm>>
      %dma_start3A_621 = tpu.memref_squeeze %dma_start3A_620 : memref<1x200x64xf32, #tpu.memory_space<hbm>> -> memref<200x64xf32, #tpu.memory_space<hbm>>
      %dma_start3A_622 = arith.constant 0 : i32
      %dma_start3A_623 = arith.constant 0 : i32
      %dma_start3A_624 = tpu.memref_slice %arg5[%add3A_617, %dma_start3A_622, %dma_start3A_623] : memref<4096x200x64xf32, #tpu.memory_space<hbm>> -> memref<1x200x64xf32, #tpu.memory_space<hbm>>
      %dma_start3A_625 = tpu.memref_squeeze %dma_start3A_624 : memref<1x200x64xf32, #tpu.memory_space<hbm>> -> memref<200x64xf32, #tpu.memory_space<hbm>>
      tpu.enqueue_dma source(%arg11 : memref<200x64xf32, #tpu.memory_space<vmem>>) target(%dma_start3A_625 : memref<200x64xf32, #tpu.memory_space<hbm>>) target_semaphore(%arg19 : memref<!tpu.dma_semaphore, #tpu.memory_space<semaphore_mem>>)
    }
    %scan3A_238 = arith.constant 30 : i32
    %dma_wait3A_239 = arith.constant 0 : i32
    %dma_wait3A_240 = arith.constant 0 : i32
    %dma_wait3A_241 = tpu.memref_slice %arg3[%dma_wait3A_239, %dma_wait3A_240] : memref<1000000x64xf32, #tpu.memory_space<hbm>> -> memref<200x64xf32, #tpu.memory_space<hbm>>
    %dma_wait3A_242 = arith.constant 0 : i32
    %dma_wait3A_243 = arith.constant 0 : i32
    %dma_wait3A_244 = tpu.memref_slice %arg3[%dma_wait3A_242, %dma_wait3A_243] : memref<1000000x64xf32, #tpu.memory_space<hbm>> -> memref<200x64xf32, #tpu.memory_space<hbm>>
    tpu.wait_dma2 semaphore(%arg18 : memref<!tpu.dma_semaphore, #tpu.memory_space<semaphore_mem>>) src(%dma_wait3A_244 : memref<200x64xf32, #tpu.memory_space<hbm>>) dst(%arg10 : memref<200x64xf32, #tpu.memory_space<vmem>>)
    %dma_start3A_245 = arith.constant 126 : i32
    %dma_start3A_246 = arith.constant 0 : i32
    %dma_start3A_247 = arith.constant 0 : i32
    %dma_start3A_248 = arith.constant 0 : i32
    %dma_start3A_249 = tpu.memref_slice %arg10[%dma_start3A_247, %dma_start3A_248] : memref<200x64xf32, #tpu.memory_space<vmem>> -> memref<100x64xf32, #tpu.memory_space<vmem>>
    %dma_start3A_250 = arith.constant 0 : i32
    %dma_start3A_251 = tpu.memref_slice %arg6[%dma_start3A_245, %dma_start3A_246, %dma_start3A_250] : memref<128x2x100xi32, #tpu.memory_space<vmem>> -> memref<1x1x100xi32, #tpu.memory_space<vmem>>
    %dma_start3A_252 = tpu.memref_squeeze %dma_start3A_251 : memref<1x1x100xi32, #tpu.memory_space<vmem>> -> memref<100xi32, #tpu.memory_space<vmem>>
    %dma_start3A_253 = arith.constant 0 : i32
    %dma_start3A_254 = arith.constant 0 : i32
    %dma_start3A_255 = tpu.memref_slice %arg3[%dma_start3A_253, %dma_start3A_254] : memref<1000000x64xf32, #tpu.memory_space<hbm>> -> memref<1000000x64xf32, #tpu.memory_space<hbm>>
    tpu.enqueue_indirect_dma source(%dma_start3A_255 : memref<1000000x64xf32, #tpu.memory_space<hbm>>) target(%dma_start3A_249 : memref<100x64xf32, #tpu.memory_space<vmem>>) offsets(%dma_start3A_252 : memref<100xi32, #tpu.memory_space<vmem>>) semaphore(%arg14 : memref<!tpu.dma_semaphore, #tpu.memory_space<semaphore_mem>>)
    %dma_start3A_256 = arith.constant 126 : i32
    %dma_start3A_257 = arith.constant 1 : i32
    %dma_start3A_258 = arith.constant 100 : i32
    %dma_start3A_259 = arith.constant 0 : i32
    %dma_start3A_260 = tpu.memref_slice %arg10[%dma_start3A_258, %dma_start3A_259] : memref<200x64xf32, #tpu.memory_space<vmem>> -> memref<100x64xf32, #tpu.memory_space<vmem>>
    %dma_start3A_261 = arith.constant 0 : i32
    %dma_start3A_262 = tpu.memref_slice %arg6[%dma_start3A_256, %dma_start3A_257, %dma_start3A_261] : memref<128x2x100xi32, #tpu.memory_space<vmem>> -> memref<1x1x100xi32, #tpu.memory_space<vmem>>
    %dma_start3A_263 = tpu.memref_squeeze %dma_start3A_262 : memref<1x1x100xi32, #tpu.memory_space<vmem>> -> memref<100xi32, #tpu.memory_space<vmem>>
    %dma_start3A_264 = arith.constant 0 : i32
    %dma_start3A_265 = arith.constant 0 : i32
    %dma_start3A_266 = tpu.memref_slice %arg3[%dma_start3A_264, %dma_start3A_265] : memref<1000000x64xf32, #tpu.memory_space<hbm>> -> memref<1000000x64xf32, #tpu.memory_space<hbm>>
    tpu.enqueue_indirect_dma source(%dma_start3A_266 : memref<1000000x64xf32, #tpu.memory_space<hbm>>) target(%dma_start3A_260 : memref<100x64xf32, #tpu.memory_space<vmem>>) offsets(%dma_start3A_263 : memref<100xi32, #tpu.memory_space<vmem>>) semaphore(%arg14 : memref<!tpu.dma_semaphore, #tpu.memory_space<semaphore_mem>>)
    %dma_wait3A_267 = arith.constant 0 : i32
    %dma_wait3A_268 = arith.constant 0 : i32
    %dma_wait3A_269 = tpu.memref_slice %arg3[%dma_wait3A_267, %dma_wait3A_268] : memref<1000000x64xf32, #tpu.memory_space<hbm>> -> memref<200x64xf32, #tpu.memory_space<hbm>>
    %dma_wait3A_270 = arith.constant 0 : i32
    %dma_wait3A_271 = arith.constant 0 : i32
    %dma_wait3A_272 = tpu.memref_slice %arg3[%dma_wait3A_270, %dma_wait3A_271] : memref<1000000x64xf32, #tpu.memory_space<hbm>> -> memref<200x64xf32, #tpu.memory_space<hbm>>
    tpu.wait_dma2 semaphore(%arg12 : memref<!tpu.dma_semaphore, #tpu.memory_space<semaphore_mem>>) src(%dma_wait3A_272 : memref<200x64xf32, #tpu.memory_space<hbm>>) dst(%arg8 : memref<200x64xf32, #tpu.memory_space<vmem>>)
    %scan3A_273 = arith.constant 0 : i32
    %scan3A_274 = arith.constant 50 : i32
    %scan3A_275 = arith.addi %scan3A_273, %scan3A_274 : i32
    %scan3A_276 = arith.constant 1 : i32
    scf.for %scan3A_411 = %scan3A_273 to %scan3A_275 step %scan3A_276  : i32 {
      %mul3A_412 = arith.constant 4 : i32
      %mul3A_413 = arith.muli %scan3A_411, %mul3A_412 : i32
      %add3A_414 = arith.constant 0 : i32
      %add3A_415 = arith.addi %add3A_414, %mul3A_413 : i32
      %add3A_416 = arith.constant 0 : i32
      %add3A_417 = arith.addi %add3A_415, %add3A_416 : i32
      %get3A = arith.index_cast %add3A_417 : i32 to index
      %get3A_418 = arith.constant 0 : index
      %get3A_419 = tpu.vector_load %arg8[%get3A, %get3A_418] {strides = array<i32>} : memref<200x64xf32, #tpu.memory_space<vmem>>, vector<1x16xf32>,
      %get3A_420 = vector.shape_cast %get3A_419 : vector<1x16xf32> to vector<16xf32>
      %add3A_421 = arith.constant 0 : i32
      %add3A_422 = arith.addi %add3A_415, %add3A_421 : i32
      %get3A_423 = arith.index_cast %add3A_422 : i32 to index
      %get3A_424 = arith.constant 0 : index
      %get3A_425 = tpu.vector_load %arg7[%get3A_423, %get3A_424] {strides = array<i32>} : memref<200x64xf32, #tpu.memory_space<vmem>>, vector<1x16xf32>,
      %get3A_426 = vector.shape_cast %get3A_425 : vector<1x16xf32> to vector<16xf32>
      %add3A_427 = arith.addf %get3A_420, %get3A_426 : vector<16xf32>
      %swap3A = arith.index_cast %add3A_417 : i32 to index
      %swap3A_428 = arith.constant 0 : index
      %swap3A_429 = tpu.vector_load %arg8[%swap3A, %swap3A_428] {strides = array<i32>} : memref<200x64xf32, #tpu.memory_space<vmem>>, vector<1x16xf32>,
      %swap3A_430 = vector.shape_cast %swap3A_429 : vector<1x16xf32> to vector<16xf32>
      %swap3A_431 = vector.shape_cast %add3A_427 : vector<16xf32> to vector<1x16xf32>
      tpu.vector_store %arg8[%swap3A, %swap3A_428], %swap3A_431 {strides = array<i32>} : memref<200x64xf32, #tpu.memory_space<vmem>>, vector<1x16xf32>,
      %add3A_432 = arith.constant 0 : i32
      %add3A_433 = arith.addi %add3A_415, %add3A_432 : i32
      %get3A_434 = arith.index_cast %add3A_433 : i32 to index
      %get3A_435 = arith.constant 16 : index
      %get3A_436 = tpu.vector_load %arg8[%get3A_434, %get3A_435] {strides = array<i32>} : memref<200x64xf32, #tpu.memory_space<vmem>>, vector<1x16xf32>,
      %get3A_437 = vector.shape_cast %get3A_436 : vector<1x16xf32> to vector<16xf32>
      %add3A_438 = arith.constant 0 : i32
      %add3A_439 = arith.addi %add3A_415, %add3A_438 : i32
      %get3A_440 = arith.index_cast %add3A_439 : i32 to index
      %get3A_441 = arith.constant 16 : index
      %get3A_442 = tpu.vector_load %arg7[%get3A_440, %get3A_441] {strides = array<i32>} : memref<200x64xf32, #tpu.memory_space<vmem>>, vector<1x16xf32>,
      %get3A_443 = vector.shape_cast %get3A_442 : vector<1x16xf32> to vector<16xf32>
      %add3A_444 = arith.addf %get3A_437, %get3A_443 : vector<16xf32>
      %swap3A_445 = arith.index_cast %add3A_433 : i32 to index
      %swap3A_446 = arith.constant 16 : index
      %swap3A_447 = tpu.vector_load %arg8[%swap3A_445, %swap3A_446] {strides = array<i32>} : memref<200x64xf32, #tpu.memory_space<vmem>>, vector<1x16xf32>,
      %swap3A_448 = vector.shape_cast %swap3A_447 : vector<1x16xf32> to vector<16xf32>
      %swap3A_449 = vector.shape_cast %add3A_444 : vector<16xf32> to vector<1x16xf32>
      tpu.vector_store %arg8[%swap3A_445, %swap3A_446], %swap3A_449 {strides = array<i32>} : memref<200x64xf32, #tpu.memory_space<vmem>>, vector<1x16xf32>,
      %add3A_450 = arith.constant 0 : i32
      %add3A_451 = arith.addi %add3A_415, %add3A_450 : i32
      %get3A_452 = arith.index_cast %add3A_451 : i32 to index
      %get3A_453 = arith.constant 32 : index
      %get3A_454 = tpu.vector_load %arg8[%get3A_452, %get3A_453] {strides = array<i32>} : memref<200x64xf32, #tpu.memory_space<vmem>>, vector<1x16xf32>,
      %get3A_455 = vector.shape_cast %get3A_454 : vector<1x16xf32> to vector<16xf32>
      %add3A_456 = arith.constant 0 : i32
      %add3A_457 = arith.addi %add3A_415, %add3A_456 : i32
      %get3A_458 = arith.index_cast %add3A_457 : i32 to index
      %get3A_459 = arith.constant 32 : index
      %get3A_460 = tpu.vector_load %arg7[%get3A_458, %get3A_459] {strides = array<i32>} : memref<200x64xf32, #tpu.memory_space<vmem>>, vector<1x16xf32>,
      %get3A_461 = vector.shape_cast %get3A_460 : vector<1x16xf32> to vector<16xf32>
      %add3A_462 = arith.addf %get3A_455, %get3A_461 : vector<16xf32>
      %swap3A_463 = arith.index_cast %add3A_451 : i32 to index
      %swap3A_464 = arith.constant 32 : index
      %swap3A_465 = tpu.vector_load %arg8[%swap3A_463, %swap3A_464] {strides = array<i32>} : memref<200x64xf32, #tpu.memory_space<vmem>>, vector<1x16xf32>,
      %swap3A_466 = vector.shape_cast %swap3A_465 : vector<1x16xf32> to vector<16xf32>
      %swap3A_467 = vector.shape_cast %add3A_462 : vector<16xf32> to vector<1x16xf32>
      tpu.vector_store %arg8[%swap3A_463, %swap3A_464], %swap3A_467 {strides = array<i32>} : memref<200x64xf32, #tpu.memory_space<vmem>>, vector<1x16xf32>,
      %add3A_468 = arith.constant 0 : i32
      %add3A_469 = arith.addi %add3A_415, %add3A_468 : i32
      %get3A_470 = arith.index_cast %add3A_469 : i32 to index
      %get3A_471 = arith.constant 48 : index
      %get3A_472 = tpu.vector_load %arg8[%get3A_470, %get3A_471] {strides = array<i32>} : memref<200x64xf32, #tpu.memory_space<vmem>>, vector<1x16xf32>,
      %get3A_473 = vector.shape_cast %get3A_472 : vector<1x16xf32> to vector<16xf32>
      %add3A_474 = arith.constant 0 : i32
      %add3A_475 = arith.addi %add3A_415, %add3A_474 : i32
      %get3A_476 = arith.index_cast %add3A_475 : i32 to index
      %get3A_477 = arith.constant 48 : index
      %get3A_478 = tpu.vector_load %arg7[%get3A_476, %get3A_477] {strides = array<i32>} : memref<200x64xf32, #tpu.memory_space<vmem>>, vector<1x16xf32>,
      %get3A_479 = vector.shape_cast %get3A_478 : vector<1x16xf32> to vector<16xf32>
      %add3A_480 = arith.addf %get3A_473, %get3A_479 : vector<16xf32>
      %swap3A_481 = arith.index_cast %add3A_469 : i32 to index
      %swap3A_482 = arith.constant 48 : index
      %swap3A_483 = tpu.vector_load %arg8[%swap3A_481, %swap3A_482] {strides = array<i32>} : memref<200x64xf32, #tpu.memory_space<vmem>>, vector<1x16xf32>,
      %swap3A_484 = vector.shape_cast %swap3A_483 : vector<1x16xf32> to vector<16xf32>
      %swap3A_485 = vector.shape_cast %add3A_480 : vector<16xf32> to vector<1x16xf32>
      tpu.vector_store %arg8[%swap3A_481, %swap3A_482], %swap3A_485 {strides = array<i32>} : memref<200x64xf32, #tpu.memory_space<vmem>>, vector<1x16xf32>,
      %add3A_486 = arith.constant 1 : i32
      %add3A_487 = arith.addi %add3A_415, %add3A_486 : i32
      %get3A_488 = arith.index_cast %add3A_487 : i32 to index
      %get3A_489 = arith.constant 0 : index
      %get3A_490 = tpu.vector_load %arg8[%get3A_488, %get3A_489] {strides = array<i32>} : memref<200x64xf32, #tpu.memory_space<vmem>>, vector<1x16xf32>,
      %get3A_491 = vector.shape_cast %get3A_490 : vector<1x16xf32> to vector<16xf32>
      %add3A_492 = arith.constant 1 : i32
      %add3A_493 = arith.addi %add3A_415, %add3A_492 : i32
      %get3A_494 = arith.index_cast %add3A_493 : i32 to index
      %get3A_495 = arith.constant 0 : index
      %get3A_496 = tpu.vector_load %arg7[%get3A_494, %get3A_495] {strides = array<i32>} : memref<200x64xf32, #tpu.memory_space<vmem>>, vector<1x16xf32>,
      %get3A_497 = vector.shape_cast %get3A_496 : vector<1x16xf32> to vector<16xf32>
      %add3A_498 = arith.addf %get3A_491, %get3A_497 : vector<16xf32>
      %swap3A_499 = arith.index_cast %add3A_487 : i32 to index
      %swap3A_500 = arith.constant 0 : index
      %swap3A_501 = tpu.vector_load %arg8[%swap3A_499, %swap3A_500] {strides = array<i32>} : memref<200x64xf32, #tpu.memory_space<vmem>>, vector<1x16xf32>,
      %swap3A_502 = vector.shape_cast %swap3A_501 : vector<1x16xf32> to vector<16xf32>
      %swap3A_503 = vector.shape_cast %add3A_498 : vector<16xf32> to vector<1x16xf32>
      tpu.vector_store %arg8[%swap3A_499, %swap3A_500], %swap3A_503 {strides = array<i32>} : memref<200x64xf32, #tpu.memory_space<vmem>>, vector<1x16xf32>,
      %add3A_504 = arith.constant 1 : i32
      %add3A_505 = arith.addi %add3A_415, %add3A_504 : i32
      %get3A_506 = arith.index_cast %add3A_505 : i32 to index
      %get3A_507 = arith.constant 16 : index
      %get3A_508 = tpu.vector_load %arg8[%get3A_506, %get3A_507] {strides = array<i32>} : memref<200x64xf32, #tpu.memory_space<vmem>>, vector<1x16xf32>,
      %get3A_509 = vector.shape_cast %get3A_508 : vector<1x16xf32> to vector<16xf32>
      %add3A_510 = arith.constant 1 : i32
      %add3A_511 = arith.addi %add3A_415, %add3A_510 : i32
      %get3A_512 = arith.index_cast %add3A_511 : i32 to index
      %get3A_513 = arith.constant 16 : index
      %get3A_514 = tpu.vector_load %arg7[%get3A_512, %get3A_513] {strides = array<i32>} : memref<200x64xf32, #tpu.memory_space<vmem>>, vector<1x16xf32>,
      %get3A_515 = vector.shape_cast %get3A_514 : vector<1x16xf32> to vector<16xf32>
      %add3A_516 = arith.addf %get3A_509, %get3A_515 : vector<16xf32>
      %swap3A_517 = arith.index_cast %add3A_505 : i32 to index
      %swap3A_518 = arith.constant 16 : index
      %swap3A_519 = tpu.vector_load %arg8[%swap3A_517, %swap3A_518] {strides = array<i32>} : memref<200x64xf32, #tpu.memory_space<vmem>>, vector<1x16xf32>,
      %swap3A_520 = vector.shape_cast %swap3A_519 : vector<1x16xf32> to vector<16xf32>
      %swap3A_521 = vector.shape_cast %add3A_516 : vector<16xf32> to vector<1x16xf32>
      tpu.vector_store %arg8[%swap3A_517, %swap3A_518], %swap3A_521 {strides = array<i32>} : memref<200x64xf32, #tpu.memory_space<vmem>>, vector<1x16xf32>,
      %add3A_522 = arith.constant 1 : i32
      %add3A_523 = arith.addi %add3A_415, %add3A_522 : i32
      %get3A_524 = arith.index_cast %add3A_523 : i32 to index
      %get3A_525 = arith.constant 32 : index
      %get3A_526 = tpu.vector_load %arg8[%get3A_524, %get3A_525] {strides = array<i32>} : memref<200x64xf32, #tpu.memory_space<vmem>>, vector<1x16xf32>,
      %get3A_527 = vector.shape_cast %get3A_526 : vector<1x16xf32> to vector<16xf32>
      %add3A_528 = arith.constant 1 : i32
      %add3A_529 = arith.addi %add3A_415, %add3A_528 : i32
      %get3A_530 = arith.index_cast %add3A_529 : i32 to index
      %get3A_531 = arith.constant 32 : index
      %get3A_532 = tpu.vector_load %arg7[%get3A_530, %get3A_531] {strides = array<i32>} : memref<200x64xf32, #tpu.memory_space<vmem>>, vector<1x16xf32>,
      %get3A_533 = vector.shape_cast %get3A_532 : vector<1x16xf32> to vector<16xf32>
      %add3A_534 = arith.addf %get3A_527, %get3A_533 : vector<16xf32>
      %swap3A_535 = arith.index_cast %add3A_523 : i32 to index
      %swap3A_536 = arith.constant 32 : index
      %swap3A_537 = tpu.vector_load %arg8[%swap3A_535, %swap3A_536] {strides = array<i32>} : memref<200x64xf32, #tpu.memory_space<vmem>>, vector<1x16xf32>,
      %swap3A_538 = vector.shape_cast %swap3A_537 : vector<1x16xf32> to vector<16xf32>
      %swap3A_539 = vector.shape_cast %add3A_534 : vector<16xf32> to vector<1x16xf32>
      tpu.vector_store %arg8[%swap3A_535, %swap3A_536], %swap3A_539 {strides = array<i32>} : memref<200x64xf32, #tpu.memory_space<vmem>>, vector<1x16xf32>,
      %add3A_540 = arith.constant 1 : i32
      %add3A_541 = arith.addi %add3A_415, %add3A_540 : i32
      %get3A_542 = arith.index_cast %add3A_541 : i32 to index
      %get3A_543 = arith.constant 48 : index
      %get3A_544 = tpu.vector_load %arg8[%get3A_542, %get3A_543] {strides = array<i32>} : memref<200x64xf32, #tpu.memory_space<vmem>>, vector<1x16xf32>,
      %get3A_545 = vector.shape_cast %get3A_544 : vector<1x16xf32> to vector<16xf32>
      %add3A_546 = arith.constant 1 : i32
      %add3A_547 = arith.addi %add3A_415, %add3A_546 : i32
      %get3A_548 = arith.index_cast %add3A_547 : i32 to index
      %get3A_549 = arith.constant 48 : index
      %get3A_550 = tpu.vector_load %arg7[%get3A_548, %get3A_549] {strides = array<i32>} : memref<200x64xf32, #tpu.memory_space<vmem>>, vector<1x16xf32>,
      %get3A_551 = vector.shape_cast %get3A_550 : vector<1x16xf32> to vector<16xf32>
      %add3A_552 = arith.addf %get3A_545, %get3A_551 : vector<16xf32>
      %swap3A_553 = arith.index_cast %add3A_541 : i32 to index
      %swap3A_554 = arith.constant 48 : index
      %swap3A_555 = tpu.vector_load %arg8[%swap3A_553, %swap3A_554] {strides = array<i32>} : memref<200x64xf32, #tpu.memory_space<vmem>>, vector<1x16xf32>,
      %swap3A_556 = vector.shape_cast %swap3A_555 : vector<1x16xf32> to vector<16xf32>
      %swap3A_557 = vector.shape_cast %add3A_552 : vector<16xf32> to vector<1x16xf32>
      tpu.vector_store %arg8[%swap3A_553, %swap3A_554], %swap3A_557 {strides = array<i32>} : memref<200x64xf32, #tpu.memory_space<vmem>>, vector<1x16xf32>,
      %add3A_558 = arith.constant 2 : i32
      %add3A_559 = arith.addi %add3A_415, %add3A_558 : i32
      %get3A_560 = arith.index_cast %add3A_559 : i32 to index
      %get3A_561 = arith.constant 0 : index
      %get3A_562 = tpu.vector_load %arg8[%get3A_560, %get3A_561] {strides = array<i32>} : memref<200x64xf32, #tpu.memory_space<vmem>>, vector<1x16xf32>,
      %get3A_563 = vector.shape_cast %get3A_562 : vector<1x16xf32> to vector<16xf32>
      %add3A_564 = arith.constant 2 : i32
      %add3A_565 = arith.addi %add3A_415, %add3A_564 : i32
      %get3A_566 = arith.index_cast %add3A_565 : i32 to index
      %get3A_567 = arith.constant 0 : index
      %get3A_568 = tpu.vector_load %arg7[%get3A_566, %get3A_567] {strides = array<i32>} : memref<200x64xf32, #tpu.memory_space<vmem>>, vector<1x16xf32>,
      %get3A_569 = vector.shape_cast %get3A_568 : vector<1x16xf32> to vector<16xf32>
      %add3A_570 = arith.addf %get3A_563, %get3A_569 : vector<16xf32>
      %swap3A_571 = arith.index_cast %add3A_559 : i32 to index
      %swap3A_572 = arith.constant 0 : index
      %swap3A_573 = tpu.vector_load %arg8[%swap3A_571, %swap3A_572] {strides = array<i32>} : memref<200x64xf32, #tpu.memory_space<vmem>>, vector<1x16xf32>,
      %swap3A_574 = vector.shape_cast %swap3A_573 : vector<1x16xf32> to vector<16xf32>
      %swap3A_575 = vector.shape_cast %add3A_570 : vector<16xf32> to vector<1x16xf32>
      tpu.vector_store %arg8[%swap3A_571, %swap3A_572], %swap3A_575 {strides = array<i32>} : memref<200x64xf32, #tpu.memory_space<vmem>>, vector<1x16xf32>,
      %add3A_576 = arith.constant 2 : i32
      %add3A_577 = arith.addi %add3A_415, %add3A_576 : i32
      %get3A_578 = arith.index_cast %add3A_577 : i32 to index
      %get3A_579 = arith.constant 16 : index
      %get3A_580 = tpu.vector_load %arg8[%get3A_578, %get3A_579] {strides = array<i32>} : memref<200x64xf32, #tpu.memory_space<vmem>>, vector<1x16xf32>,
      %get3A_581 = vector.shape_cast %get3A_580 : vector<1x16xf32> to vector<16xf32>
      %add3A_582 = arith.constant 2 : i32
      %add3A_583 = arith.addi %add3A_415, %add3A_582 : i32
      %get3A_584 = arith.index_cast %add3A_583 : i32 to index
      %get3A_585 = arith.constant 16 : index
      %get3A_586 = tpu.vector_load %arg7[%get3A_584, %get3A_585] {strides = array<i32>} : memref<200x64xf32, #tpu.memory_space<vmem>>, vector<1x16xf32>,
      %get3A_587 = vector.shape_cast %get3A_586 : vector<1x16xf32> to vector<16xf32>
      %add3A_588 = arith.addf %get3A_581, %get3A_587 : vector<16xf32>
      %swap3A_589 = arith.index_cast %add3A_577 : i32 to index
      %swap3A_590 = arith.constant 16 : index
      %swap3A_591 = tpu.vector_load %arg8[%swap3A_589, %swap3A_590] {strides = array<i32>} : memref<200x64xf32, #tpu.memory_space<vmem>>, vector<1x16xf32>,
      %swap3A_592 = vector.shape_cast %swap3A_591 : vector<1x16xf32> to vector<16xf32>
      %swap3A_593 = vector.shape_cast %add3A_588 : vector<16xf32> to vector<1x16xf32>
      tpu.vector_store %arg8[%swap3A_589, %swap3A_590], %swap3A_593 {strides = array<i32>} : memref<200x64xf32, #tpu.memory_space<vmem>>, vector<1x16xf32>,
      %add3A_594 = arith.constant 2 : i32
      %add3A_595 = arith.addi %add3A_415, %add3A_594 : i32
      %get3A_596 = arith.index_cast %add3A_595 : i32 to index
      %get3A_597 = arith.constant 32 : index
      %get3A_598 = tpu.vector_load %arg8[%get3A_596, %get3A_597] {strides = array<i32>} : memref<200x64xf32, #tpu.memory_space<vmem>>, vector<1x16xf32>,
      %get3A_599 = vector.shape_cast %get3A_598 : vector<1x16xf32> to vector<16xf32>
      %add3A_600 = arith.constant 2 : i32
      %add3A_601 = arith.addi %add3A_415, %add3A_600 : i32
      %get3A_602 = arith.index_cast %add3A_601 : i32 to index
      %get3A_603 = arith.constant 32 : index
      %get3A_604 = tpu.vector_load %arg7[%get3A_602, %get3A_603] {strides = array<i32>} : memref<200x64xf32, #tpu.memory_space<vmem>>, vector<1x16xf32>,
      %get3A_605 = vector.shape_cast %get3A_604 : vector<1x16xf32> to vector<16xf32>
      %add3A_606 = arith.addf %get3A_599, %get3A_605 : vector<16xf32>
      %swap3A_607 = arith.index_cast %add3A_595 : i32 to index
      %swap3A_608 = arith.constant 32 : index
      %swap3A_609 = tpu.vector_load %arg8[%swap3A_607, %swap3A_608] {strides = array<i32>} : memref<200x64xf32, #tpu.memory_space<vmem>>, vector<1x16xf32>,
      %swap3A_610 = vector.shape_cast %swap3A_609 : vector<1x16xf32> to vector<16xf32>
      %swap3A_611 = vector.shape_cast %add3A_606 : vector<16xf32> to vector<1x16xf32>
      tpu.vector_store %arg8[%swap3A_607, %swap3A_608], %swap3A_611 {strides = array<i32>} : memref<200x64xf32, #tpu.memory_space<vmem>>, vector<1x16xf32>,
      %add3A_612 = arith.constant 2 : i32
      %add3A_613 = arith.addi %add3A_415, %add3A_612 : i32
      %get3A_614 = arith.index_cast %add3A_613 : i32 to index
      %get3A_615 = arith.constant 48 : index
      %get3A_616 = tpu.vector_load %arg8[%get3A_614, %get3A_615] {strides = array<i32>} : memref<200x64xf32, #tpu.memory_space<vmem>>, vector<1x16xf32>,
      %get3A_617 = vector.shape_cast %get3A_616 : vector<1x16xf32> to vector<16xf32>
      %add3A_618 = arith.constant 2 : i32
      %add3A_619 = arith.addi %add3A_415, %add3A_618 : i32
      %get3A_620 = arith.index_cast %add3A_619 : i32 to index
      %get3A_621 = arith.constant 48 : index
      %get3A_622 = tpu.vector_load %arg7[%get3A_620, %get3A_621] {strides = array<i32>} : memref<200x64xf32, #tpu.memory_space<vmem>>, vector<1x16xf32>,
      %get3A_623 = vector.shape_cast %get3A_622 : vector<1x16xf32> to vector<16xf32>
      %add3A_624 = arith.addf %get3A_617, %get3A_623 : vector<16xf32>
      %swap3A_625 = arith.index_cast %add3A_613 : i32 to index
      %swap3A_626 = arith.constant 48 : index
      %swap3A_627 = tpu.vector_load %arg8[%swap3A_625, %swap3A_626] {strides = array<i32>} : memref<200x64xf32, #tpu.memory_space<vmem>>, vector<1x16xf32>,
      %swap3A_628 = vector.shape_cast %swap3A_627 : vector<1x16xf32> to vector<16xf32>
      %swap3A_629 = vector.shape_cast %add3A_624 : vector<16xf32> to vector<1x16xf32>
      tpu.vector_store %arg8[%swap3A_625, %swap3A_626], %swap3A_629 {strides = array<i32>} : memref<200x64xf32, #tpu.memory_space<vmem>>, vector<1x16xf32>,
      %add3A_630 = arith.constant 3 : i32
      %add3A_631 = arith.addi %add3A_415, %add3A_630 : i32
      %get3A_632 = arith.index_cast %add3A_631 : i32 to index
      %get3A_633 = arith.constant 0 : index
      %get3A_634 = tpu.vector_load %arg8[%get3A_632, %get3A_633] {strides = array<i32>} : memref<200x64xf32, #tpu.memory_space<vmem>>, vector<1x16xf32>,
      %get3A_635 = vector.shape_cast %get3A_634 : vector<1x16xf32> to vector<16xf32>
      %add3A_636 = arith.constant 3 : i32
      %add3A_637 = arith.addi %add3A_415, %add3A_636 : i32
      %get3A_638 = arith.index_cast %add3A_637 : i32 to index
      %get3A_639 = arith.constant 0 : index
      %get3A_640 = tpu.vector_load %arg7[%get3A_638, %get3A_639] {strides = array<i32>} : memref<200x64xf32, #tpu.memory_space<vmem>>, vector<1x16xf32>,
      %get3A_641 = vector.shape_cast %get3A_640 : vector<1x16xf32> to vector<16xf32>
      %add3A_642 = arith.addf %get3A_635, %get3A_641 : vector<16xf32>
      %swap3A_643 = arith.index_cast %add3A_631 : i32 to index
      %swap3A_644 = arith.constant 0 : index
      %swap3A_645 = tpu.vector_load %arg8[%swap3A_643, %swap3A_644] {strides = array<i32>} : memref<200x64xf32, #tpu.memory_space<vmem>>, vector<1x16xf32>,
      %swap3A_646 = vector.shape_cast %swap3A_645 : vector<1x16xf32> to vector<16xf32>
      %swap3A_647 = vector.shape_cast %add3A_642 : vector<16xf32> to vector<1x16xf32>
      tpu.vector_store %arg8[%swap3A_643, %swap3A_644], %swap3A_647 {strides = array<i32>} : memref<200x64xf32, #tpu.memory_space<vmem>>, vector<1x16xf32>,
      %add3A_648 = arith.constant 3 : i32
      %add3A_649 = arith.addi %add3A_415, %add3A_648 : i32
      %get3A_650 = arith.index_cast %add3A_649 : i32 to index
      %get3A_651 = arith.constant 16 : index
      %get3A_652 = tpu.vector_load %arg8[%get3A_650, %get3A_651] {strides = array<i32>} : memref<200x64xf32, #tpu.memory_space<vmem>>, vector<1x16xf32>,
      %get3A_653 = vector.shape_cast %get3A_652 : vector<1x16xf32> to vector<16xf32>
      %add3A_654 = arith.constant 3 : i32
      %add3A_655 = arith.addi %add3A_415, %add3A_654 : i32
      %get3A_656 = arith.index_cast %add3A_655 : i32 to index
      %get3A_657 = arith.constant 16 : index
      %get3A_658 = tpu.vector_load %arg7[%get3A_656, %get3A_657] {strides = array<i32>} : memref<200x64xf32, #tpu.memory_space<vmem>>, vector<1x16xf32>,
      %get3A_659 = vector.shape_cast %get3A_658 : vector<1x16xf32> to vector<16xf32>
      %add3A_660 = arith.addf %get3A_653, %get3A_659 : vector<16xf32>
      %swap3A_661 = arith.index_cast %add3A_649 : i32 to index
      %swap3A_662 = arith.constant 16 : index
      %swap3A_663 = tpu.vector_load %arg8[%swap3A_661, %swap3A_662] {strides = array<i32>} : memref<200x64xf32, #tpu.memory_space<vmem>>, vector<1x16xf32>,
      %swap3A_664 = vector.shape_cast %swap3A_663 : vector<1x16xf32> to vector<16xf32>
      %swap3A_665 = vector.shape_cast %add3A_660 : vector<16xf32> to vector<1x16xf32>
      tpu.vector_store %arg8[%swap3A_661, %swap3A_662], %swap3A_665 {strides = array<i32>} : memref<200x64xf32, #tpu.memory_space<vmem>>, vector<1x16xf32>,
      %add3A_666 = arith.constant 3 : i32
      %add3A_667 = arith.addi %add3A_415, %add3A_666 : i32
      %get3A_668 = arith.index_cast %add3A_667 : i32 to index
      %get3A_669 = arith.constant 32 : index
      %get3A_670 = tpu.vector_load %arg8[%get3A_668, %get3A_669] {strides = array<i32>} : memref<200x64xf32, #tpu.memory_space<vmem>>, vector<1x16xf32>,
      %get3A_671 = vector.shape_cast %get3A_670 : vector<1x16xf32> to vector<16xf32>
      %add3A_672 = arith.constant 3 : i32
      %add3A_673 = arith.addi %add3A_415, %add3A_672 : i32
      %get3A_674 = arith.index_cast %add3A_673 : i32 to index
      %get3A_675 = arith.constant 32 : index
      %get3A_676 = tpu.vector_load %arg7[%get3A_674, %get3A_675] {strides = array<i32>} : memref<200x64xf32, #tpu.memory_space<vmem>>, vector<1x16xf32>,
      %get3A_677 = vector.shape_cast %get3A_676 : vector<1x16xf32> to vector<16xf32>
      %add3A_678 = arith.addf %get3A_671, %get3A_677 : vector<16xf32>
      %swap3A_679 = arith.index_cast %add3A_667 : i32 to index
      %swap3A_680 = arith.constant 32 : index
      %swap3A_681 = tpu.vector_load %arg8[%swap3A_679, %swap3A_680] {strides = array<i32>} : memref<200x64xf32, #tpu.memory_space<vmem>>, vector<1x16xf32>,
      %swap3A_682 = vector.shape_cast %swap3A_681 : vector<1x16xf32> to vector<16xf32>
      %swap3A_683 = vector.shape_cast %add3A_678 : vector<16xf32> to vector<1x16xf32>
      tpu.vector_store %arg8[%swap3A_679, %swap3A_680], %swap3A_683 {strides = array<i32>} : memref<200x64xf32, #tpu.memory_space<vmem>>, vector<1x16xf32>,
      %add3A_684 = arith.constant 3 : i32
      %add3A_685 = arith.addi %add3A_415, %add3A_684 : i32
      %get3A_686 = arith.index_cast %add3A_685 : i32 to index
      %get3A_687 = arith.constant 48 : index
      %get3A_688 = tpu.vector_load %arg8[%get3A_686, %get3A_687] {strides = array<i32>} : memref<200x64xf32, #tpu.memory_space<vmem>>, vector<1x16xf32>,
      %get3A_689 = vector.shape_cast %get3A_688 : vector<1x16xf32> to vector<16xf32>
      %add3A_690 = arith.constant 3 : i32
      %add3A_691 = arith.addi %add3A_415, %add3A_690 : i32
      %get3A_692 = arith.index_cast %add3A_691 : i32 to index
      %get3A_693 = arith.constant 48 : index
      %get3A_694 = tpu.vector_load %arg7[%get3A_692, %get3A_693] {strides = array<i32>} : memref<200x64xf32, #tpu.memory_space<vmem>>, vector<1x16xf32>,
      %get3A_695 = vector.shape_cast %get3A_694 : vector<1x16xf32> to vector<16xf32>
      %add3A_696 = arith.addf %get3A_689, %get3A_695 : vector<16xf32>
      %swap3A_697 = arith.index_cast %add3A_685 : i32 to index
      %swap3A_698 = arith.constant 48 : index
      %swap3A_699 = tpu.vector_load %arg8[%swap3A_697, %swap3A_698] {strides = array<i32>} : memref<200x64xf32, #tpu.memory_space<vmem>>, vector<1x16xf32>,
      %swap3A_700 = vector.shape_cast %swap3A_699 : vector<1x16xf32> to vector<16xf32>
      %swap3A_701 = vector.shape_cast %add3A_696 : vector<16xf32> to vector<1x16xf32>
      tpu.vector_store %arg8[%swap3A_697, %swap3A_698], %swap3A_701 {strides = array<i32>} : memref<200x64xf32, #tpu.memory_space<vmem>>, vector<1x16xf32>,
    }
    %scan3A_277 = arith.constant 50 : i32
    %mul3A_278 = arith.constant 128 : i32
    %mul3A_279 = arith.muli %add3A, %mul3A_278 : i32
    %add3A_280 = arith.constant 124 : i32
    %add3A_281 = arith.addi %mul3A_279, %add3A_280 : i32
    %dma_start3A_282 = arith.constant 0 : i32
    %dma_start3A_283 = arith.constant 0 : i32
    %dma_start3A_284 = tpu.memref_slice %arg5[%add3A_281, %dma_start3A_282, %dma_start3A_283] : memref<4096x200x64xf32, #tpu.memory_space<hbm>> -> memref<1x200x64xf32, #tpu.memory_space<hbm>>
    %dma_start3A_285 = tpu.memref_squeeze %dma_start3A_284 : memref<1x200x64xf32, #tpu.memory_space<hbm>> -> memref<200x64xf32, #tpu.memory_space<hbm>>
    %dma_start3A_286 = arith.constant 0 : i32
    %dma_start3A_287 = arith.constant 0 : i32
    %dma_start3A_288 = tpu.memref_slice %arg5[%add3A_281, %dma_start3A_286, %dma_start3A_287] : memref<4096x200x64xf32, #tpu.memory_space<hbm>> -> memref<1x200x64xf32, #tpu.memory_space<hbm>>
    %dma_start3A_289 = tpu.memref_squeeze %dma_start3A_288 : memref<1x200x64xf32, #tpu.memory_space<hbm>> -> memref<200x64xf32, #tpu.memory_space<hbm>>
    tpu.enqueue_dma source(%arg8 : memref<200x64xf32, #tpu.memory_space<vmem>>) target(%dma_start3A_289 : memref<200x64xf32, #tpu.memory_space<hbm>>) target_semaphore(%arg16 : memref<!tpu.dma_semaphore, #tpu.memory_space<semaphore_mem>>)
    %dma_wait3A_290 = arith.constant 0 : i32
    %dma_wait3A_291 = arith.constant 0 : i32
    %dma_wait3A_292 = tpu.memref_slice %arg3[%dma_wait3A_290, %dma_wait3A_291] : memref<1000000x64xf32, #tpu.memory_space<hbm>> -> memref<200x64xf32, #tpu.memory_space<hbm>>
    %dma_wait3A_293 = arith.constant 0 : i32
    %dma_wait3A_294 = arith.constant 0 : i32
    %dma_wait3A_295 = tpu.memref_slice %arg3[%dma_wait3A_293, %dma_wait3A_294] : memref<1000000x64xf32, #tpu.memory_space<hbm>> -> memref<200x64xf32, #tpu.memory_space<hbm>>
    tpu.wait_dma2 semaphore(%arg19 : memref<!tpu.dma_semaphore, #tpu.memory_space<semaphore_mem>>) src(%dma_wait3A_295 : memref<200x64xf32, #tpu.memory_space<hbm>>) dst(%arg11 : memref<200x64xf32, #tpu.memory_space<vmem>>)
    %dma_start3A_296 = arith.constant 127 : i32
    %dma_start3A_297 = arith.constant 0 : i32
    %dma_start3A_298 = arith.constant 0 : i32
    %dma_start3A_299 = arith.constant 0 : i32
    %dma_start3A_300 = tpu.memref_slice %arg11[%dma_start3A_298, %dma_start3A_299] : memref<200x64xf32, #tpu.memory_space<vmem>> -> memref<100x64xf32, #tpu.memory_space<vmem>>
    %dma_start3A_301 = arith.constant 0 : i32
    %dma_start3A_302 = tpu.memref_slice %arg6[%dma_start3A_296, %dma_start3A_297, %dma_start3A_301] : memref<128x2x100xi32, #tpu.memory_space<vmem>> -> memref<1x1x100xi32, #tpu.memory_space<vmem>>
    %dma_start3A_303 = tpu.memref_squeeze %dma_start3A_302 : memref<1x1x100xi32, #tpu.memory_space<vmem>> -> memref<100xi32, #tpu.memory_space<vmem>>
    %dma_start3A_304 = arith.constant 0 : i32
    %dma_start3A_305 = arith.constant 0 : i32
    %dma_start3A_306 = tpu.memref_slice %arg3[%dma_start3A_304, %dma_start3A_305] : memref<1000000x64xf32, #tpu.memory_space<hbm>> -> memref<1000000x64xf32, #tpu.memory_space<hbm>>
    tpu.enqueue_indirect_dma source(%dma_start3A_306 : memref<1000000x64xf32, #tpu.memory_space<hbm>>) target(%dma_start3A_300 : memref<100x64xf32, #tpu.memory_space<vmem>>) offsets(%dma_start3A_303 : memref<100xi32, #tpu.memory_space<vmem>>) semaphore(%arg15 : memref<!tpu.dma_semaphore, #tpu.memory_space<semaphore_mem>>)
    %dma_start3A_307 = arith.constant 127 : i32
    %dma_start3A_308 = arith.constant 1 : i32
    %dma_start3A_309 = arith.constant 100 : i32
    %dma_start3A_310 = arith.constant 0 : i32
    %dma_start3A_311 = tpu.memref_slice %arg11[%dma_start3A_309, %dma_start3A_310] : memref<200x64xf32, #tpu.memory_space<vmem>> -> memref<100x64xf32, #tpu.memory_space<vmem>>
    %dma_start3A_312 = arith.constant 0 : i32
    %dma_start3A_313 = tpu.memref_slice %arg6[%dma_start3A_307, %dma_start3A_308, %dma_start3A_312] : memref<128x2x100xi32, #tpu.memory_space<vmem>> -> memref<1x1x100xi32, #tpu.memory_space<vmem>>
    %dma_start3A_314 = tpu.memref_squeeze %dma_start3A_313 : memref<1x1x100xi32, #tpu.memory_space<vmem>> -> memref<100xi32, #tpu.memory_space<vmem>>
    %dma_start3A_315 = arith.constant 0 : i32
    %dma_start3A_316 = arith.constant 0 : i32
    %dma_start3A_317 = tpu.memref_slice %arg3[%dma_start3A_315, %dma_start3A_316] : memref<1000000x64xf32, #tpu.memory_space<hbm>> -> memref<1000000x64xf32, #tpu.memory_space<hbm>>
    tpu.enqueue_indirect_dma source(%dma_start3A_317 : memref<1000000x64xf32, #tpu.memory_space<hbm>>) target(%dma_start3A_311 : memref<100x64xf32, #tpu.memory_space<vmem>>) offsets(%dma_start3A_314 : memref<100xi32, #tpu.memory_space<vmem>>) semaphore(%arg15 : memref<!tpu.dma_semaphore, #tpu.memory_space<semaphore_mem>>)
    %dma_wait3A_318 = arith.constant 0 : i32
    %dma_wait3A_319 = arith.constant 0 : i32
    %dma_wait3A_320 = tpu.memref_slice %arg3[%dma_wait3A_318, %dma_wait3A_319] : memref<1000000x64xf32, #tpu.memory_space<hbm>> -> memref<200x64xf32, #tpu.memory_space<hbm>>
    %dma_wait3A_321 = arith.constant 0 : i32
    %dma_wait3A_322 = arith.constant 0 : i32
    %dma_wait3A_323 = tpu.memref_slice %arg3[%dma_wait3A_321, %dma_wait3A_322] : memref<1000000x64xf32, #tpu.memory_space<hbm>> -> memref<200x64xf32, #tpu.memory_space<hbm>>
    tpu.wait_dma2 semaphore(%arg13 : memref<!tpu.dma_semaphore, #tpu.memory_space<semaphore_mem>>) src(%dma_wait3A_323 : memref<200x64xf32, #tpu.memory_space<hbm>>) dst(%arg9 : memref<200x64xf32, #tpu.memory_space<vmem>>)
    %scan3A_324 = arith.constant 0 : i32
    %scan3A_325 = arith.constant 50 : i32
    %scan3A_326 = arith.addi %scan3A_324, %scan3A_325 : i32
    %scan3A_327 = arith.constant 1 : i32
    scf.for %scan3A_411 = %scan3A_324 to %scan3A_326 step %scan3A_327  : i32 {
      %mul3A_412 = arith.constant 4 : i32
      %mul3A_413 = arith.muli %scan3A_411, %mul3A_412 : i32
      %add3A_414 = arith.constant 0 : i32
      %add3A_415 = arith.addi %add3A_414, %mul3A_413 : i32
      %add3A_416 = arith.constant 0 : i32
      %add3A_417 = arith.addi %add3A_415, %add3A_416 : i32
      %get3A = arith.index_cast %add3A_417 : i32 to index
      %get3A_418 = arith.constant 0 : index
      %get3A_419 = tpu.vector_load %arg9[%get3A, %get3A_418] {strides = array<i32>} : memref<200x64xf32, #tpu.memory_space<vmem>>, vector<1x16xf32>,
      %get3A_420 = vector.shape_cast %get3A_419 : vector<1x16xf32> to vector<16xf32>
      %add3A_421 = arith.constant 0 : i32
      %add3A_422 = arith.addi %add3A_415, %add3A_421 : i32
      %get3A_423 = arith.index_cast %add3A_422 : i32 to index
      %get3A_424 = arith.constant 0 : index
      %get3A_425 = tpu.vector_load %arg7[%get3A_423, %get3A_424] {strides = array<i32>} : memref<200x64xf32, #tpu.memory_space<vmem>>, vector<1x16xf32>,
      %get3A_426 = vector.shape_cast %get3A_425 : vector<1x16xf32> to vector<16xf32>
      %add3A_427 = arith.addf %get3A_420, %get3A_426 : vector<16xf32>
      %swap3A = arith.index_cast %add3A_417 : i32 to index
      %swap3A_428 = arith.constant 0 : index
      %swap3A_429 = tpu.vector_load %arg9[%swap3A, %swap3A_428] {strides = array<i32>} : memref<200x64xf32, #tpu.memory_space<vmem>>, vector<1x16xf32>,
      %swap3A_430 = vector.shape_cast %swap3A_429 : vector<1x16xf32> to vector<16xf32>
      %swap3A_431 = vector.shape_cast %add3A_427 : vector<16xf32> to vector<1x16xf32>
      tpu.vector_store %arg9[%swap3A, %swap3A_428], %swap3A_431 {strides = array<i32>} : memref<200x64xf32, #tpu.memory_space<vmem>>, vector<1x16xf32>,
      %add3A_432 = arith.constant 0 : i32
      %add3A_433 = arith.addi %add3A_415, %add3A_432 : i32
      %get3A_434 = arith.index_cast %add3A_433 : i32 to index
      %get3A_435 = arith.constant 16 : index
      %get3A_436 = tpu.vector_load %arg9[%get3A_434, %get3A_435] {strides = array<i32>} : memref<200x64xf32, #tpu.memory_space<vmem>>, vector<1x16xf32>,
      %get3A_437 = vector.shape_cast %get3A_436 : vector<1x16xf32> to vector<16xf32>
      %add3A_438 = arith.constant 0 : i32
      %add3A_439 = arith.addi %add3A_415, %add3A_438 : i32
      %get3A_440 = arith.index_cast %add3A_439 : i32 to index
      %get3A_441 = arith.constant 16 : index
      %get3A_442 = tpu.vector_load %arg7[%get3A_440, %get3A_441] {strides = array<i32>} : memref<200x64xf32, #tpu.memory_space<vmem>>, vector<1x16xf32>,
      %get3A_443 = vector.shape_cast %get3A_442 : vector<1x16xf32> to vector<16xf32>
      %add3A_444 = arith.addf %get3A_437, %get3A_443 : vector<16xf32>
      %swap3A_445 = arith.index_cast %add3A_433 : i32 to index
      %swap3A_446 = arith.constant 16 : index
      %swap3A_447 = tpu.vector_load %arg9[%swap3A_445, %swap3A_446] {strides = array<i32>} : memref<200x64xf32, #tpu.memory_space<vmem>>, vector<1x16xf32>,
      %swap3A_448 = vector.shape_cast %swap3A_447 : vector<1x16xf32> to vector<16xf32>
      %swap3A_449 = vector.shape_cast %add3A_444 : vector<16xf32> to vector<1x16xf32>
      tpu.vector_store %arg9[%swap3A_445, %swap3A_446], %swap3A_449 {strides = array<i32>} : memref<200x64xf32, #tpu.memory_space<vmem>>, vector<1x16xf32>,
      %add3A_450 = arith.constant 0 : i32
      %add3A_451 = arith.addi %add3A_415, %add3A_450 : i32
      %get3A_452 = arith.index_cast %add3A_451 : i32 to index
      %get3A_453 = arith.constant 32 : index
      %get3A_454 = tpu.vector_load %arg9[%get3A_452, %get3A_453] {strides = array<i32>} : memref<200x64xf32, #tpu.memory_space<vmem>>, vector<1x16xf32>,
      %get3A_455 = vector.shape_cast %get3A_454 : vector<1x16xf32> to vector<16xf32>
      %add3A_456 = arith.constant 0 : i32
      %add3A_457 = arith.addi %add3A_415, %add3A_456 : i32
      %get3A_458 = arith.index_cast %add3A_457 : i32 to index
      %get3A_459 = arith.constant 32 : index
      %get3A_460 = tpu.vector_load %arg7[%get3A_458, %get3A_459] {strides = array<i32>} : memref<200x64xf32, #tpu.memory_space<vmem>>, vector<1x16xf32>,
      %get3A_461 = vector.shape_cast %get3A_460 : vector<1x16xf32> to vector<16xf32>
      %add3A_462 = arith.addf %get3A_455, %get3A_461 : vector<16xf32>
      %swap3A_463 = arith.index_cast %add3A_451 : i32 to index
      %swap3A_464 = arith.constant 32 : index
      %swap3A_465 = tpu.vector_load %arg9[%swap3A_463, %swap3A_464] {strides = array<i32>} : memref<200x64xf32, #tpu.memory_space<vmem>>, vector<1x16xf32>,
      %swap3A_466 = vector.shape_cast %swap3A_465 : vector<1x16xf32> to vector<16xf32>
      %swap3A_467 = vector.shape_cast %add3A_462 : vector<16xf32> to vector<1x16xf32>
      tpu.vector_store %arg9[%swap3A_463, %swap3A_464], %swap3A_467 {strides = array<i32>} : memref<200x64xf32, #tpu.memory_space<vmem>>, vector<1x16xf32>,
      %add3A_468 = arith.constant 0 : i32
      %add3A_469 = arith.addi %add3A_415, %add3A_468 : i32
      %get3A_470 = arith.index_cast %add3A_469 : i32 to index
      %get3A_471 = arith.constant 48 : index
      %get3A_472 = tpu.vector_load %arg9[%get3A_470, %get3A_471] {strides = array<i32>} : memref<200x64xf32, #tpu.memory_space<vmem>>, vector<1x16xf32>,
      %get3A_473 = vector.shape_cast %get3A_472 : vector<1x16xf32> to vector<16xf32>
      %add3A_474 = arith.constant 0 : i32
      %add3A_475 = arith.addi %add3A_415, %add3A_474 : i32
      %get3A_476 = arith.index_cast %add3A_475 : i32 to index
      %get3A_477 = arith.constant 48 : index
      %get3A_478 = tpu.vector_load %arg7[%get3A_476, %get3A_477] {strides = array<i32>} : memref<200x64xf32, #tpu.memory_space<vmem>>, vector<1x16xf32>,
      %get3A_479 = vector.shape_cast %get3A_478 : vector<1x16xf32> to vector<16xf32>
      %add3A_480 = arith.addf %get3A_473, %get3A_479 : vector<16xf32>
      %swap3A_481 = arith.index_cast %add3A_469 : i32 to index
      %swap3A_482 = arith.constant 48 : index
      %swap3A_483 = tpu.vector_load %arg9[%swap3A_481, %swap3A_482] {strides = array<i32>} : memref<200x64xf32, #tpu.memory_space<vmem>>, vector<1x16xf32>,
      %swap3A_484 = vector.shape_cast %swap3A_483 : vector<1x16xf32> to vector<16xf32>
      %swap3A_485 = vector.shape_cast %add3A_480 : vector<16xf32> to vector<1x16xf32>
      tpu.vector_store %arg9[%swap3A_481, %swap3A_482], %swap3A_485 {strides = array<i32>} : memref<200x64xf32, #tpu.memory_space<vmem>>, vector<1x16xf32>,
      %add3A_486 = arith.constant 1 : i32
      %add3A_487 = arith.addi %add3A_415, %add3A_486 : i32
      %get3A_488 = arith.index_cast %add3A_487 : i32 to index
      %get3A_489 = arith.constant 0 : index
      %get3A_490 = tpu.vector_load %arg9[%get3A_488, %get3A_489] {strides = array<i32>} : memref<200x64xf32, #tpu.memory_space<vmem>>, vector<1x16xf32>,
      %get3A_491 = vector.shape_cast %get3A_490 : vector<1x16xf32> to vector<16xf32>
      %add3A_492 = arith.constant 1 : i32
      %add3A_493 = arith.addi %add3A_415, %add3A_492 : i32
      %get3A_494 = arith.index_cast %add3A_493 : i32 to index
      %get3A_495 = arith.constant 0 : index
      %get3A_496 = tpu.vector_load %arg7[%get3A_494, %get3A_495] {strides = array<i32>} : memref<200x64xf32, #tpu.memory_space<vmem>>, vector<1x16xf32>,
      %get3A_497 = vector.shape_cast %get3A_496 : vector<1x16xf32> to vector<16xf32>
      %add3A_498 = arith.addf %get3A_491, %get3A_497 : vector<16xf32>
      %swap3A_499 = arith.index_cast %add3A_487 : i32 to index
      %swap3A_500 = arith.constant 0 : index
      %swap3A_501 = tpu.vector_load %arg9[%swap3A_499, %swap3A_500] {strides = array<i32>} : memref<200x64xf32, #tpu.memory_space<vmem>>, vector<1x16xf32>,
      %swap3A_502 = vector.shape_cast %swap3A_501 : vector<1x16xf32> to vector<16xf32>
      %swap3A_503 = vector.shape_cast %add3A_498 : vector<16xf32> to vector<1x16xf32>
      tpu.vector_store %arg9[%swap3A_499, %swap3A_500], %swap3A_503 {strides = array<i32>} : memref<200x64xf32, #tpu.memory_space<vmem>>, vector<1x16xf32>,
      %add3A_504 = arith.constant 1 : i32
      %add3A_505 = arith.addi %add3A_415, %add3A_504 : i32
      %get3A_506 = arith.index_cast %add3A_505 : i32 to index
      %get3A_507 = arith.constant 16 : index
      %get3A_508 = tpu.vector_load %arg9[%get3A_506, %get3A_507] {strides = array<i32>} : memref<200x64xf32, #tpu.memory_space<vmem>>, vector<1x16xf32>,
      %get3A_509 = vector.shape_cast %get3A_508 : vector<1x16xf32> to vector<16xf32>
      %add3A_510 = arith.constant 1 : i32
      %add3A_511 = arith.addi %add3A_415, %add3A_510 : i32
      %get3A_512 = arith.index_cast %add3A_511 : i32 to index
      %get3A_513 = arith.constant 16 : index
      %get3A_514 = tpu.vector_load %arg7[%get3A_512, %get3A_513] {strides = array<i32>} : memref<200x64xf32, #tpu.memory_space<vmem>>, vector<1x16xf32>,
      %get3A_515 = vector.shape_cast %get3A_514 : vector<1x16xf32> to vector<16xf32>
      %add3A_516 = arith.addf %get3A_509, %get3A_515 : vector<16xf32>
      %swap3A_517 = arith.index_cast %add3A_505 : i32 to index
      %swap3A_518 = arith.constant 16 : index
      %swap3A_519 = tpu.vector_load %arg9[%swap3A_517, %swap3A_518] {strides = array<i32>} : memref<200x64xf32, #tpu.memory_space<vmem>>, vector<1x16xf32>,
      %swap3A_520 = vector.shape_cast %swap3A_519 : vector<1x16xf32> to vector<16xf32>
      %swap3A_521 = vector.shape_cast %add3A_516 : vector<16xf32> to vector<1x16xf32>
      tpu.vector_store %arg9[%swap3A_517, %swap3A_518], %swap3A_521 {strides = array<i32>} : memref<200x64xf32, #tpu.memory_space<vmem>>, vector<1x16xf32>,
      %add3A_522 = arith.constant 1 : i32
      %add3A_523 = arith.addi %add3A_415, %add3A_522 : i32
      %get3A_524 = arith.index_cast %add3A_523 : i32 to index
      %get3A_525 = arith.constant 32 : index
      %get3A_526 = tpu.vector_load %arg9[%get3A_524, %get3A_525] {strides = array<i32>} : memref<200x64xf32, #tpu.memory_space<vmem>>, vector<1x16xf32>,
      %get3A_527 = vector.shape_cast %get3A_526 : vector<1x16xf32> to vector<16xf32>
      %add3A_528 = arith.constant 1 : i32
      %add3A_529 = arith.addi %add3A_415, %add3A_528 : i32
      %get3A_530 = arith.index_cast %add3A_529 : i32 to index
      %get3A_531 = arith.constant 32 : index
      %get3A_532 = tpu.vector_load %arg7[%get3A_530, %get3A_531] {strides = array<i32>} : memref<200x64xf32, #tpu.memory_space<vmem>>, vector<1x16xf32>,
      %get3A_533 = vector.shape_cast %get3A_532 : vector<1x16xf32> to vector<16xf32>
      %add3A_534 = arith.addf %get3A_527, %get3A_533 : vector<16xf32>
      %swap3A_535 = arith.index_cast %add3A_523 : i32 to index
      %swap3A_536 = arith.constant 32 : index
      %swap3A_537 = tpu.vector_load %arg9[%swap3A_535, %swap3A_536] {strides = array<i32>} : memref<200x64xf32, #tpu.memory_space<vmem>>, vector<1x16xf32>,
      %swap3A_538 = vector.shape_cast %swap3A_537 : vector<1x16xf32> to vector<16xf32>
      %swap3A_539 = vector.shape_cast %add3A_534 : vector<16xf32> to vector<1x16xf32>
      tpu.vector_store %arg9[%swap3A_535, %swap3A_536], %swap3A_539 {strides = array<i32>} : memref<200x64xf32, #tpu.memory_space<vmem>>, vector<1x16xf32>,
      %add3A_540 = arith.constant 1 : i32
      %add3A_541 = arith.addi %add3A_415, %add3A_540 : i32
      %get3A_542 = arith.index_cast %add3A_541 : i32 to index
      %get3A_543 = arith.constant 48 : index
      %get3A_544 = tpu.vector_load %arg9[%get3A_542, %get3A_543] {strides = array<i32>} : memref<200x64xf32, #tpu.memory_space<vmem>>, vector<1x16xf32>,
      %get3A_545 = vector.shape_cast %get3A_544 : vector<1x16xf32> to vector<16xf32>
      %add3A_546 = arith.constant 1 : i32
      %add3A_547 = arith.addi %add3A_415, %add3A_546 : i32
      %get3A_548 = arith.index_cast %add3A_547 : i32 to index
      %get3A_549 = arith.constant 48 : index
      %get3A_550 = tpu.vector_load %arg7[%get3A_548, %get3A_549] {strides = array<i32>} : memref<200x64xf32, #tpu.memory_space<vmem>>, vector<1x16xf32>,
      %get3A_551 = vector.shape_cast %get3A_550 : vector<1x16xf32> to vector<16xf32>
      %add3A_552 = arith.addf %get3A_545, %get3A_551 : vector<16xf32>
      %swap3A_553 = arith.index_cast %add3A_541 : i32 to index
      %swap3A_554 = arith.constant 48 : index
      %swap3A_555 = tpu.vector_load %arg9[%swap3A_553, %swap3A_554] {strides = array<i32>} : memref<200x64xf32, #tpu.memory_space<vmem>>, vector<1x16xf32>,
      %swap3A_556 = vector.shape_cast %swap3A_555 : vector<1x16xf32> to vector<16xf32>
      %swap3A_557 = vector.shape_cast %add3A_552 : vector<16xf32> to vector<1x16xf32>
      tpu.vector_store %arg9[%swap3A_553, %swap3A_554], %swap3A_557 {strides = array<i32>} : memref<200x64xf32, #tpu.memory_space<vmem>>, vector<1x16xf32>,
      %add3A_558 = arith.constant 2 : i32
      %add3A_559 = arith.addi %add3A_415, %add3A_558 : i32
      %get3A_560 = arith.index_cast %add3A_559 : i32 to index
      %get3A_561 = arith.constant 0 : index
      %get3A_562 = tpu.vector_load %arg9[%get3A_560, %get3A_561] {strides = array<i32>} : memref<200x64xf32, #tpu.memory_space<vmem>>, vector<1x16xf32>,
      %get3A_563 = vector.shape_cast %get3A_562 : vector<1x16xf32> to vector<16xf32>
      %add3A_564 = arith.constant 2 : i32
      %add3A_565 = arith.addi %add3A_415, %add3A_564 : i32
      %get3A_566 = arith.index_cast %add3A_565 : i32 to index
      %get3A_567 = arith.constant 0 : index
      %get3A_568 = tpu.vector_load %arg7[%get3A_566, %get3A_567] {strides = array<i32>} : memref<200x64xf32, #tpu.memory_space<vmem>>, vector<1x16xf32>,
      %get3A_569 = vector.shape_cast %get3A_568 : vector<1x16xf32> to vector<16xf32>
      %add3A_570 = arith.addf %get3A_563, %get3A_569 : vector<16xf32>
      %swap3A_571 = arith.index_cast %add3A_559 : i32 to index
      %swap3A_572 = arith.constant 0 : index
      %swap3A_573 = tpu.vector_load %arg9[%swap3A_571, %swap3A_572] {strides = array<i32>} : memref<200x64xf32, #tpu.memory_space<vmem>>, vector<1x16xf32>,
      %swap3A_574 = vector.shape_cast %swap3A_573 : vector<1x16xf32> to vector<16xf32>
      %swap3A_575 = vector.shape_cast %add3A_570 : vector<16xf32> to vector<1x16xf32>
      tpu.vector_store %arg9[%swap3A_571, %swap3A_572], %swap3A_575 {strides = array<i32>} : memref<200x64xf32, #tpu.memory_space<vmem>>, vector<1x16xf32>,
      %add3A_576 = arith.constant 2 : i32
      %add3A_577 = arith.addi %add3A_415, %add3A_576 : i32
      %get3A_578 = arith.index_cast %add3A_577 : i32 to index
      %get3A_579 = arith.constant 16 : index
      %get3A_580 = tpu.vector_load %arg9[%get3A_578, %get3A_579] {strides = array<i32>} : memref<200x64xf32, #tpu.memory_space<vmem>>, vector<1x16xf32>,
      %get3A_581 = vector.shape_cast %get3A_580 : vector<1x16xf32> to vector<16xf32>
      %add3A_582 = arith.constant 2 : i32
      %add3A_583 = arith.addi %add3A_415, %add3A_582 : i32
      %get3A_584 = arith.index_cast %add3A_583 : i32 to index
      %get3A_585 = arith.constant 16 : index
      %get3A_586 = tpu.vector_load %arg7[%get3A_584, %get3A_585] {strides = array<i32>} : memref<200x64xf32, #tpu.memory_space<vmem>>, vector<1x16xf32>,
      %get3A_587 = vector.shape_cast %get3A_586 : vector<1x16xf32> to vector<16xf32>
      %add3A_588 = arith.addf %get3A_581, %get3A_587 : vector<16xf32>
      %swap3A_589 = arith.index_cast %add3A_577 : i32 to index
      %swap3A_590 = arith.constant 16 : index
      %swap3A_591 = tpu.vector_load %arg9[%swap3A_589, %swap3A_590] {strides = array<i32>} : memref<200x64xf32, #tpu.memory_space<vmem>>, vector<1x16xf32>,
      %swap3A_592 = vector.shape_cast %swap3A_591 : vector<1x16xf32> to vector<16xf32>
      %swap3A_593 = vector.shape_cast %add3A_588 : vector<16xf32> to vector<1x16xf32>
      tpu.vector_store %arg9[%swap3A_589, %swap3A_590], %swap3A_593 {strides = array<i32>} : memref<200x64xf32, #tpu.memory_space<vmem>>, vector<1x16xf32>,
      %add3A_594 = arith.constant 2 : i32
      %add3A_595 = arith.addi %add3A_415, %add3A_594 : i32
      %get3A_596 = arith.index_cast %add3A_595 : i32 to index
      %get3A_597 = arith.constant 32 : index
      %get3A_598 = tpu.vector_load %arg9[%get3A_596, %get3A_597] {strides = array<i32>} : memref<200x64xf32, #tpu.memory_space<vmem>>, vector<1x16xf32>,
      %get3A_599 = vector.shape_cast %get3A_598 : vector<1x16xf32> to vector<16xf32>
      %add3A_600 = arith.constant 2 : i32
      %add3A_601 = arith.addi %add3A_415, %add3A_600 : i32
      %get3A_602 = arith.index_cast %add3A_601 : i32 to index
      %get3A_603 = arith.constant 32 : index
      %get3A_604 = tpu.vector_load %arg7[%get3A_602, %get3A_603] {strides = array<i32>} : memref<200x64xf32, #tpu.memory_space<vmem>>, vector<1x16xf32>,
      %get3A_605 = vector.shape_cast %get3A_604 : vector<1x16xf32> to vector<16xf32>
      %add3A_606 = arith.addf %get3A_599, %get3A_605 : vector<16xf32>
      %swap3A_607 = arith.index_cast %add3A_595 : i32 to index
      %swap3A_608 = arith.constant 32 : index
      %swap3A_609 = tpu.vector_load %arg9[%swap3A_607, %swap3A_608] {strides = array<i32>} : memref<200x64xf32, #tpu.memory_space<vmem>>, vector<1x16xf32>,
      %swap3A_610 = vector.shape_cast %swap3A_609 : vector<1x16xf32> to vector<16xf32>
      %swap3A_611 = vector.shape_cast %add3A_606 : vector<16xf32> to vector<1x16xf32>
      tpu.vector_store %arg9[%swap3A_607, %swap3A_608], %swap3A_611 {strides = array<i32>} : memref<200x64xf32, #tpu.memory_space<vmem>>, vector<1x16xf32>,
      %add3A_612 = arith.constant 2 : i32
      %add3A_613 = arith.addi %add3A_415, %add3A_612 : i32
      %get3A_614 = arith.index_cast %add3A_613 : i32 to index
      %get3A_615 = arith.constant 48 : index
      %get3A_616 = tpu.vector_load %arg9[%get3A_614, %get3A_615] {strides = array<i32>} : memref<200x64xf32, #tpu.memory_space<vmem>>, vector<1x16xf32>,
      %get3A_617 = vector.shape_cast %get3A_616 : vector<1x16xf32> to vector<16xf32>
      %add3A_618 = arith.constant 2 : i32
      %add3A_619 = arith.addi %add3A_415, %add3A_618 : i32
      %get3A_620 = arith.index_cast %add3A_619 : i32 to index
      %get3A_621 = arith.constant 48 : index
      %get3A_622 = tpu.vector_load %arg7[%get3A_620, %get3A_621] {strides = array<i32>} : memref<200x64xf32, #tpu.memory_space<vmem>>, vector<1x16xf32>,
      %get3A_623 = vector.shape_cast %get3A_622 : vector<1x16xf32> to vector<16xf32>
      %add3A_624 = arith.addf %get3A_617, %get3A_623 : vector<16xf32>
      %swap3A_625 = arith.index_cast %add3A_613 : i32 to index
      %swap3A_626 = arith.constant 48 : index
      %swap3A_627 = tpu.vector_load %arg9[%swap3A_625, %swap3A_626] {strides = array<i32>} : memref<200x64xf32, #tpu.memory_space<vmem>>, vector<1x16xf32>,
      %swap3A_628 = vector.shape_cast %swap3A_627 : vector<1x16xf32> to vector<16xf32>
      %swap3A_629 = vector.shape_cast %add3A_624 : vector<16xf32> to vector<1x16xf32>
      tpu.vector_store %arg9[%swap3A_625, %swap3A_626], %swap3A_629 {strides = array<i32>} : memref<200x64xf32, #tpu.memory_space<vmem>>, vector<1x16xf32>,
      %add3A_630 = arith.constant 3 : i32
      %add3A_631 = arith.addi %add3A_415, %add3A_630 : i32
      %get3A_632 = arith.index_cast %add3A_631 : i32 to index
      %get3A_633 = arith.constant 0 : index
      %get3A_634 = tpu.vector_load %arg9[%get3A_632, %get3A_633] {strides = array<i32>} : memref<200x64xf32, #tpu.memory_space<vmem>>, vector<1x16xf32>,
      %get3A_635 = vector.shape_cast %get3A_634 : vector<1x16xf32> to vector<16xf32>
      %add3A_636 = arith.constant 3 : i32
      %add3A_637 = arith.addi %add3A_415, %add3A_636 : i32
      %get3A_638 = arith.index_cast %add3A_637 : i32 to index
      %get3A_639 = arith.constant 0 : index
      %get3A_640 = tpu.vector_load %arg7[%get3A_638, %get3A_639] {strides = array<i32>} : memref<200x64xf32, #tpu.memory_space<vmem>>, vector<1x16xf32>,
      %get3A_641 = vector.shape_cast %get3A_640 : vector<1x16xf32> to vector<16xf32>
      %add3A_642 = arith.addf %get3A_635, %get3A_641 : vector<16xf32>
      %swap3A_643 = arith.index_cast %add3A_631 : i32 to index
      %swap3A_644 = arith.constant 0 : index
      %swap3A_645 = tpu.vector_load %arg9[%swap3A_643, %swap3A_644] {strides = array<i32>} : memref<200x64xf32, #tpu.memory_space<vmem>>, vector<1x16xf32>,
      %swap3A_646 = vector.shape_cast %swap3A_645 : vector<1x16xf32> to vector<16xf32>
      %swap3A_647 = vector.shape_cast %add3A_642 : vector<16xf32> to vector<1x16xf32>
      tpu.vector_store %arg9[%swap3A_643, %swap3A_644], %swap3A_647 {strides = array<i32>} : memref<200x64xf32, #tpu.memory_space<vmem>>, vector<1x16xf32>,
      %add3A_648 = arith.constant 3 : i32
      %add3A_649 = arith.addi %add3A_415, %add3A_648 : i32
      %get3A_650 = arith.index_cast %add3A_649 : i32 to index
      %get3A_651 = arith.constant 16 : index
      %get3A_652 = tpu.vector_load %arg9[%get3A_650, %get3A_651] {strides = array<i32>} : memref<200x64xf32, #tpu.memory_space<vmem>>, vector<1x16xf32>,
      %get3A_653 = vector.shape_cast %get3A_652 : vector<1x16xf32> to vector<16xf32>
      %add3A_654 = arith.constant 3 : i32
      %add3A_655 = arith.addi %add3A_415, %add3A_654 : i32
      %get3A_656 = arith.index_cast %add3A_655 : i32 to index
      %get3A_657 = arith.constant 16 : index
      %get3A_658 = tpu.vector_load %arg7[%get3A_656, %get3A_657] {strides = array<i32>} : memref<200x64xf32, #tpu.memory_space<vmem>>, vector<1x16xf32>,
      %get3A_659 = vector.shape_cast %get3A_658 : vector<1x16xf32> to vector<16xf32>
      %add3A_660 = arith.addf %get3A_653, %get3A_659 : vector<16xf32>
      %swap3A_661 = arith.index_cast %add3A_649 : i32 to index
      %swap3A_662 = arith.constant 16 : index
      %swap3A_663 = tpu.vector_load %arg9[%swap3A_661, %swap3A_662] {strides = array<i32>} : memref<200x64xf32, #tpu.memory_space<vmem>>, vector<1x16xf32>,
      %swap3A_664 = vector.shape_cast %swap3A_663 : vector<1x16xf32> to vector<16xf32>
      %swap3A_665 = vector.shape_cast %add3A_660 : vector<16xf32> to vector<1x16xf32>
      tpu.vector_store %arg9[%swap3A_661, %swap3A_662], %swap3A_665 {strides = array<i32>} : memref<200x64xf32, #tpu.memory_space<vmem>>, vector<1x16xf32>,
      %add3A_666 = arith.constant 3 : i32
      %add3A_667 = arith.addi %add3A_415, %add3A_666 : i32
      %get3A_668 = arith.index_cast %add3A_667 : i32 to index
      %get3A_669 = arith.constant 32 : index
      %get3A_670 = tpu.vector_load %arg9[%get3A_668, %get3A_669] {strides = array<i32>} : memref<200x64xf32, #tpu.memory_space<vmem>>, vector<1x16xf32>,
      %get3A_671 = vector.shape_cast %get3A_670 : vector<1x16xf32> to vector<16xf32>
      %add3A_672 = arith.constant 3 : i32
      %add3A_673 = arith.addi %add3A_415, %add3A_672 : i32
      %get3A_674 = arith.index_cast %add3A_673 : i32 to index
      %get3A_675 = arith.constant 32 : index
      %get3A_676 = tpu.vector_load %arg7[%get3A_674, %get3A_675] {strides = array<i32>} : memref<200x64xf32, #tpu.memory_space<vmem>>, vector<1x16xf32>,
      %get3A_677 = vector.shape_cast %get3A_676 : vector<1x16xf32> to vector<16xf32>
      %add3A_678 = arith.addf %get3A_671, %get3A_677 : vector<16xf32>
      %swap3A_679 = arith.index_cast %add3A_667 : i32 to index
      %swap3A_680 = arith.constant 32 : index
      %swap3A_681 = tpu.vector_load %arg9[%swap3A_679, %swap3A_680] {strides = array<i32>} : memref<200x64xf32, #tpu.memory_space<vmem>>, vector<1x16xf32>,
      %swap3A_682 = vector.shape_cast %swap3A_681 : vector<1x16xf32> to vector<16xf32>
      %swap3A_683 = vector.shape_cast %add3A_678 : vector<16xf32> to vector<1x16xf32>
      tpu.vector_store %arg9[%swap3A_679, %swap3A_680], %swap3A_683 {strides = array<i32>} : memref<200x64xf32, #tpu.memory_space<vmem>>, vector<1x16xf32>,
      %add3A_684 = arith.constant 3 : i32
      %add3A_685 = arith.addi %add3A_415, %add3A_684 : i32
      %get3A_686 = arith.index_cast %add3A_685 : i32 to index
      %get3A_687 = arith.constant 48 : index
      %get3A_688 = tpu.vector_load %arg9[%get3A_686, %get3A_687] {strides = array<i32>} : memref<200x64xf32, #tpu.memory_space<vmem>>, vector<1x16xf32>,
      %get3A_689 = vector.shape_cast %get3A_688 : vector<1x16xf32> to vector<16xf32>
      %add3A_690 = arith.constant 3 : i32
      %add3A_691 = arith.addi %add3A_415, %add3A_690 : i32
      %get3A_692 = arith.index_cast %add3A_691 : i32 to index
      %get3A_693 = arith.constant 48 : index
      %get3A_694 = tpu.vector_load %arg7[%get3A_692, %get3A_693] {strides = array<i32>} : memref<200x64xf32, #tpu.memory_space<vmem>>, vector<1x16xf32>,
      %get3A_695 = vector.shape_cast %get3A_694 : vector<1x16xf32> to vector<16xf32>
      %add3A_696 = arith.addf %get3A_689, %get3A_695 : vector<16xf32>
      %swap3A_697 = arith.index_cast %add3A_685 : i32 to index
      %swap3A_698 = arith.constant 48 : index
      %swap3A_699 = tpu.vector_load %arg9[%swap3A_697, %swap3A_698] {strides = array<i32>} : memref<200x64xf32, #tpu.memory_space<vmem>>, vector<1x16xf32>,
      %swap3A_700 = vector.shape_cast %swap3A_699 : vector<1x16xf32> to vector<16xf32>
      %swap3A_701 = vector.shape_cast %add3A_696 : vector<16xf32> to vector<1x16xf32>
      tpu.vector_store %arg9[%swap3A_697, %swap3A_698], %swap3A_701 {strides = array<i32>} : memref<200x64xf32, #tpu.memory_space<vmem>>, vector<1x16xf32>,
    }
    %scan3A_328 = arith.constant 50 : i32
    %mul3A_329 = arith.constant 128 : i32
    %mul3A_330 = arith.muli %add3A, %mul3A_329 : i32
    %add3A_331 = arith.constant 125 : i32
    %add3A_332 = arith.addi %mul3A_330, %add3A_331 : i32
    %dma_start3A_333 = arith.constant 0 : i32
    %dma_start3A_334 = arith.constant 0 : i32
    %dma_start3A_335 = tpu.memref_slice %arg5[%add3A_332, %dma_start3A_333, %dma_start3A_334] : memref<4096x200x64xf32, #tpu.memory_space<hbm>> -> memref<1x200x64xf32, #tpu.memory_space<hbm>>
    %dma_start3A_336 = tpu.memref_squeeze %dma_start3A_335 : memref<1x200x64xf32, #tpu.memory_space<hbm>> -> memref<200x64xf32, #tpu.memory_space<hbm>>
    %dma_start3A_337 = arith.constant 0 : i32
    %dma_start3A_338 = arith.constant 0 : i32
    %dma_start3A_339 = tpu.memref_slice %arg5[%add3A_332, %dma_start3A_337, %dma_start3A_338] : memref<4096x200x64xf32, #tpu.memory_space<hbm>> -> memref<1x200x64xf32, #tpu.memory_space<hbm>>
    %dma_start3A_340 = tpu.memref_squeeze %dma_start3A_339 : memref<1x200x64xf32, #tpu.memory_space<hbm>> -> memref<200x64xf32, #tpu.memory_space<hbm>>
    tpu.enqueue_dma source(%arg9 : memref<200x64xf32, #tpu.memory_space<vmem>>) target(%dma_start3A_340 : memref<200x64xf32, #tpu.memory_space<hbm>>) target_semaphore(%arg17 : memref<!tpu.dma_semaphore, #tpu.memory_space<semaphore_mem>>)
    %dma_wait3A_341 = arith.constant 0 : i32
    %dma_wait3A_342 = arith.constant 0 : i32
    %dma_wait3A_343 = tpu.memref_slice %arg3[%dma_wait3A_341, %dma_wait3A_342] : memref<1000000x64xf32, #tpu.memory_space<hbm>> -> memref<200x64xf32, #tpu.memory_space<hbm>>
    %dma_wait3A_344 = arith.constant 0 : i32
    %dma_wait3A_345 = arith.constant 0 : i32
    %dma_wait3A_346 = tpu.memref_slice %arg3[%dma_wait3A_344, %dma_wait3A_345] : memref<1000000x64xf32, #tpu.memory_space<hbm>> -> memref<200x64xf32, #tpu.memory_space<hbm>>
    tpu.wait_dma2 semaphore(%arg14 : memref<!tpu.dma_semaphore, #tpu.memory_space<semaphore_mem>>) src(%dma_wait3A_346 : memref<200x64xf32, #tpu.memory_space<hbm>>) dst(%arg10 : memref<200x64xf32, #tpu.memory_space<vmem>>)
    %scan3A_347 = arith.constant 0 : i32
    %scan3A_348 = arith.constant 50 : i32
    %scan3A_349 = arith.addi %scan3A_347, %scan3A_348 : i32
    %scan3A_350 = arith.constant 1 : i32
    scf.for %scan3A_411 = %scan3A_347 to %scan3A_349 step %scan3A_350  : i32 {
      %mul3A_412 = arith.constant 4 : i32
      %mul3A_413 = arith.muli %scan3A_411, %mul3A_412 : i32
      %add3A_414 = arith.constant 0 : i32
      %add3A_415 = arith.addi %add3A_414, %mul3A_413 : i32
      %add3A_416 = arith.constant 0 : i32
      %add3A_417 = arith.addi %add3A_415, %add3A_416 : i32
      %get3A = arith.index_cast %add3A_417 : i32 to index
      %get3A_418 = arith.constant 0 : index
      %get3A_419 = tpu.vector_load %arg10[%get3A, %get3A_418] {strides = array<i32>} : memref<200x64xf32, #tpu.memory_space<vmem>>, vector<1x16xf32>,
      %get3A_420 = vector.shape_cast %get3A_419 : vector<1x16xf32> to vector<16xf32>
      %add3A_421 = arith.constant 0 : i32
      %add3A_422 = arith.addi %add3A_415, %add3A_421 : i32
      %get3A_423 = arith.index_cast %add3A_422 : i32 to index
      %get3A_424 = arith.constant 0 : index
      %get3A_425 = tpu.vector_load %arg7[%get3A_423, %get3A_424] {strides = array<i32>} : memref<200x64xf32, #tpu.memory_space<vmem>>, vector<1x16xf32>,
      %get3A_426 = vector.shape_cast %get3A_425 : vector<1x16xf32> to vector<16xf32>
      %add3A_427 = arith.addf %get3A_420, %get3A_426 : vector<16xf32>
      %swap3A = arith.index_cast %add3A_417 : i32 to index
      %swap3A_428 = arith.constant 0 : index
      %swap3A_429 = tpu.vector_load %arg10[%swap3A, %swap3A_428] {strides = array<i32>} : memref<200x64xf32, #tpu.memory_space<vmem>>, vector<1x16xf32>,
      %swap3A_430 = vector.shape_cast %swap3A_429 : vector<1x16xf32> to vector<16xf32>
      %swap3A_431 = vector.shape_cast %add3A_427 : vector<16xf32> to vector<1x16xf32>
      tpu.vector_store %arg10[%swap3A, %swap3A_428], %swap3A_431 {strides = array<i32>} : memref<200x64xf32, #tpu.memory_space<vmem>>, vector<1x16xf32>,
      %add3A_432 = arith.constant 0 : i32
      %add3A_433 = arith.addi %add3A_415, %add3A_432 : i32
      %get3A_434 = arith.index_cast %add3A_433 : i32 to index
      %get3A_435 = arith.constant 16 : index
      %get3A_436 = tpu.vector_load %arg10[%get3A_434, %get3A_435] {strides = array<i32>} : memref<200x64xf32, #tpu.memory_space<vmem>>, vector<1x16xf32>,
      %get3A_437 = vector.shape_cast %get3A_436 : vector<1x16xf32> to vector<16xf32>
      %add3A_438 = arith.constant 0 : i32
      %add3A_439 = arith.addi %add3A_415, %add3A_438 : i32
      %get3A_440 = arith.index_cast %add3A_439 : i32 to index
      %get3A_441 = arith.constant 16 : index
      %get3A_442 = tpu.vector_load %arg7[%get3A_440, %get3A_441] {strides = array<i32>} : memref<200x64xf32, #tpu.memory_space<vmem>>, vector<1x16xf32>,
      %get3A_443 = vector.shape_cast %get3A_442 : vector<1x16xf32> to vector<16xf32>
      %add3A_444 = arith.addf %get3A_437, %get3A_443 : vector<16xf32>
      %swap3A_445 = arith.index_cast %add3A_433 : i32 to index
      %swap3A_446 = arith.constant 16 : index
      %swap3A_447 = tpu.vector_load %arg10[%swap3A_445, %swap3A_446] {strides = array<i32>} : memref<200x64xf32, #tpu.memory_space<vmem>>, vector<1x16xf32>,
      %swap3A_448 = vector.shape_cast %swap3A_447 : vector<1x16xf32> to vector<16xf32>
      %swap3A_449 = vector.shape_cast %add3A_444 : vector<16xf32> to vector<1x16xf32>
      tpu.vector_store %arg10[%swap3A_445, %swap3A_446], %swap3A_449 {strides = array<i32>} : memref<200x64xf32, #tpu.memory_space<vmem>>, vector<1x16xf32>,
      %add3A_450 = arith.constant 0 : i32
      %add3A_451 = arith.addi %add3A_415, %add3A_450 : i32
      %get3A_452 = arith.index_cast %add3A_451 : i32 to index
      %get3A_453 = arith.constant 32 : index
      %get3A_454 = tpu.vector_load %arg10[%get3A_452, %get3A_453] {strides = array<i32>} : memref<200x64xf32, #tpu.memory_space<vmem>>, vector<1x16xf32>,
      %get3A_455 = vector.shape_cast %get3A_454 : vector<1x16xf32> to vector<16xf32>
      %add3A_456 = arith.constant 0 : i32
      %add3A_457 = arith.addi %add3A_415, %add3A_456 : i32
      %get3A_458 = arith.index_cast %add3A_457 : i32 to index
      %get3A_459 = arith.constant 32 : index
      %get3A_460 = tpu.vector_load %arg7[%get3A_458, %get3A_459] {strides = array<i32>} : memref<200x64xf32, #tpu.memory_space<vmem>>, vector<1x16xf32>,
      %get3A_461 = vector.shape_cast %get3A_460 : vector<1x16xf32> to vector<16xf32>
      %add3A_462 = arith.addf %get3A_455, %get3A_461 : vector<16xf32>
      %swap3A_463 = arith.index_cast %add3A_451 : i32 to index
      %swap3A_464 = arith.constant 32 : index
      %swap3A_465 = tpu.vector_load %arg10[%swap3A_463, %swap3A_464] {strides = array<i32>} : memref<200x64xf32, #tpu.memory_space<vmem>>, vector<1x16xf32>,
      %swap3A_466 = vector.shape_cast %swap3A_465 : vector<1x16xf32> to vector<16xf32>
      %swap3A_467 = vector.shape_cast %add3A_462 : vector<16xf32> to vector<1x16xf32>
      tpu.vector_store %arg10[%swap3A_463, %swap3A_464], %swap3A_467 {strides = array<i32>} : memref<200x64xf32, #tpu.memory_space<vmem>>, vector<1x16xf32>,
      %add3A_468 = arith.constant 0 : i32
      %add3A_469 = arith.addi %add3A_415, %add3A_468 : i32
      %get3A_470 = arith.index_cast %add3A_469 : i32 to index
      %get3A_471 = arith.constant 48 : index
      %get3A_472 = tpu.vector_load %arg10[%get3A_470, %get3A_471] {strides = array<i32>} : memref<200x64xf32, #tpu.memory_space<vmem>>, vector<1x16xf32>,
      %get3A_473 = vector.shape_cast %get3A_472 : vector<1x16xf32> to vector<16xf32>
      %add3A_474 = arith.constant 0 : i32
      %add3A_475 = arith.addi %add3A_415, %add3A_474 : i32
      %get3A_476 = arith.index_cast %add3A_475 : i32 to index
      %get3A_477 = arith.constant 48 : index
      %get3A_478 = tpu.vector_load %arg7[%get3A_476, %get3A_477] {strides = array<i32>} : memref<200x64xf32, #tpu.memory_space<vmem>>, vector<1x16xf32>,
      %get3A_479 = vector.shape_cast %get3A_478 : vector<1x16xf32> to vector<16xf32>
      %add3A_480 = arith.addf %get3A_473, %get3A_479 : vector<16xf32>
      %swap3A_481 = arith.index_cast %add3A_469 : i32 to index
      %swap3A_482 = arith.constant 48 : index
      %swap3A_483 = tpu.vector_load %arg10[%swap3A_481, %swap3A_482] {strides = array<i32>} : memref<200x64xf32, #tpu.memory_space<vmem>>, vector<1x16xf32>,
      %swap3A_484 = vector.shape_cast %swap3A_483 : vector<1x16xf32> to vector<16xf32>
      %swap3A_485 = vector.shape_cast %add3A_480 : vector<16xf32> to vector<1x16xf32>
      tpu.vector_store %arg10[%swap3A_481, %swap3A_482], %swap3A_485 {strides = array<i32>} : memref<200x64xf32, #tpu.memory_space<vmem>>, vector<1x16xf32>,
      %add3A_486 = arith.constant 1 : i32
      %add3A_487 = arith.addi %add3A_415, %add3A_486 : i32
      %get3A_488 = arith.index_cast %add3A_487 : i32 to index
      %get3A_489 = arith.constant 0 : index
      %get3A_490 = tpu.vector_load %arg10[%get3A_488, %get3A_489] {strides = array<i32>} : memref<200x64xf32, #tpu.memory_space<vmem>>, vector<1x16xf32>,
      %get3A_491 = vector.shape_cast %get3A_490 : vector<1x16xf32> to vector<16xf32>
      %add3A_492 = arith.constant 1 : i32
      %add3A_493 = arith.addi %add3A_415, %add3A_492 : i32
      %get3A_494 = arith.index_cast %add3A_493 : i32 to index
      %get3A_495 = arith.constant 0 : index
      %get3A_496 = tpu.vector_load %arg7[%get3A_494, %get3A_495] {strides = array<i32>} : memref<200x64xf32, #tpu.memory_space<vmem>>, vector<1x16xf32>,
      %get3A_497 = vector.shape_cast %get3A_496 : vector<1x16xf32> to vector<16xf32>
      %add3A_498 = arith.addf %get3A_491, %get3A_497 : vector<16xf32>
      %swap3A_499 = arith.index_cast %add3A_487 : i32 to index
      %swap3A_500 = arith.constant 0 : index
      %swap3A_501 = tpu.vector_load %arg10[%swap3A_499, %swap3A_500] {strides = array<i32>} : memref<200x64xf32, #tpu.memory_space<vmem>>, vector<1x16xf32>,
      %swap3A_502 = vector.shape_cast %swap3A_501 : vector<1x16xf32> to vector<16xf32>
      %swap3A_503 = vector.shape_cast %add3A_498 : vector<16xf32> to vector<1x16xf32>
      tpu.vector_store %arg10[%swap3A_499, %swap3A_500], %swap3A_503 {strides = array<i32>} : memref<200x64xf32, #tpu.memory_space<vmem>>, vector<1x16xf32>,
      %add3A_504 = arith.constant 1 : i32
      %add3A_505 = arith.addi %add3A_415, %add3A_504 : i32
      %get3A_506 = arith.index_cast %add3A_505 : i32 to index
      %get3A_507 = arith.constant 16 : index
      %get3A_508 = tpu.vector_load %arg10[%get3A_506, %get3A_507] {strides = array<i32>} : memref<200x64xf32, #tpu.memory_space<vmem>>, vector<1x16xf32>,
      %get3A_509 = vector.shape_cast %get3A_508 : vector<1x16xf32> to vector<16xf32>
      %add3A_510 = arith.constant 1 : i32
      %add3A_511 = arith.addi %add3A_415, %add3A_510 : i32
      %get3A_512 = arith.index_cast %add3A_511 : i32 to index
      %get3A_513 = arith.constant 16 : index
      %get3A_514 = tpu.vector_load %arg7[%get3A_512, %get3A_513] {strides = array<i32>} : memref<200x64xf32, #tpu.memory_space<vmem>>, vector<1x16xf32>,
      %get3A_515 = vector.shape_cast %get3A_514 : vector<1x16xf32> to vector<16xf32>
      %add3A_516 = arith.addf %get3A_509, %get3A_515 : vector<16xf32>
      %swap3A_517 = arith.index_cast %add3A_505 : i32 to index
      %swap3A_518 = arith.constant 16 : index
      %swap3A_519 = tpu.vector_load %arg10[%swap3A_517, %swap3A_518] {strides = array<i32>} : memref<200x64xf32, #tpu.memory_space<vmem>>, vector<1x16xf32>,
      %swap3A_520 = vector.shape_cast %swap3A_519 : vector<1x16xf32> to vector<16xf32>
      %swap3A_521 = vector.shape_cast %add3A_516 : vector<16xf32> to vector<1x16xf32>
      tpu.vector_store %arg10[%swap3A_517, %swap3A_518], %swap3A_521 {strides = array<i32>} : memref<200x64xf32, #tpu.memory_space<vmem>>, vector<1x16xf32>,
      %add3A_522 = arith.constant 1 : i32
      %add3A_523 = arith.addi %add3A_415, %add3A_522 : i32
      %get3A_524 = arith.index_cast %add3A_523 : i32 to index
      %get3A_525 = arith.constant 32 : index
      %get3A_526 = tpu.vector_load %arg10[%get3A_524, %get3A_525] {strides = array<i32>} : memref<200x64xf32, #tpu.memory_space<vmem>>, vector<1x16xf32>,
      %get3A_527 = vector.shape_cast %get3A_526 : vector<1x16xf32> to vector<16xf32>
      %add3A_528 = arith.constant 1 : i32
      %add3A_529 = arith.addi %add3A_415, %add3A_528 : i32
      %get3A_530 = arith.index_cast %add3A_529 : i32 to index
      %get3A_531 = arith.constant 32 : index
      %get3A_532 = tpu.vector_load %arg7[%get3A_530, %get3A_531] {strides = array<i32>} : memref<200x64xf32, #tpu.memory_space<vmem>>, vector<1x16xf32>,
      %get3A_533 = vector.shape_cast %get3A_532 : vector<1x16xf32> to vector<16xf32>
      %add3A_534 = arith.addf %get3A_527, %get3A_533 : vector<16xf32>
      %swap3A_535 = arith.index_cast %add3A_523 : i32 to index
      %swap3A_536 = arith.constant 32 : index
      %swap3A_537 = tpu.vector_load %arg10[%swap3A_535, %swap3A_536] {strides = array<i32>} : memref<200x64xf32, #tpu.memory_space<vmem>>, vector<1x16xf32>,
      %swap3A_538 = vector.shape_cast %swap3A_537 : vector<1x16xf32> to vector<16xf32>
      %swap3A_539 = vector.shape_cast %add3A_534 : vector<16xf32> to vector<1x16xf32>
      tpu.vector_store %arg10[%swap3A_535, %swap3A_536], %swap3A_539 {strides = array<i32>} : memref<200x64xf32, #tpu.memory_space<vmem>>, vector<1x16xf32>,
      %add3A_540 = arith.constant 1 : i32
      %add3A_541 = arith.addi %add3A_415, %add3A_540 : i32
      %get3A_542 = arith.index_cast %add3A_541 : i32 to index
      %get3A_543 = arith.constant 48 : index
      %get3A_544 = tpu.vector_load %arg10[%get3A_542, %get3A_543] {strides = array<i32>} : memref<200x64xf32, #tpu.memory_space<vmem>>, vector<1x16xf32>,
      %get3A_545 = vector.shape_cast %get3A_544 : vector<1x16xf32> to vector<16xf32>
      %add3A_546 = arith.constant 1 : i32
      %add3A_547 = arith.addi %add3A_415, %add3A_546 : i32
      %get3A_548 = arith.index_cast %add3A_547 : i32 to index
      %get3A_549 = arith.constant 48 : index
      %get3A_550 = tpu.vector_load %arg7[%get3A_548, %get3A_549] {strides = array<i32>} : memref<200x64xf32, #tpu.memory_space<vmem>>, vector<1x16xf32>,
      %get3A_551 = vector.shape_cast %get3A_550 : vector<1x16xf32> to vector<16xf32>
      %add3A_552 = arith.addf %get3A_545, %get3A_551 : vector<16xf32>
      %swap3A_553 = arith.index_cast %add3A_541 : i32 to index
      %swap3A_554 = arith.constant 48 : index
      %swap3A_555 = tpu.vector_load %arg10[%swap3A_553, %swap3A_554] {strides = array<i32>} : memref<200x64xf32, #tpu.memory_space<vmem>>, vector<1x16xf32>,
      %swap3A_556 = vector.shape_cast %swap3A_555 : vector<1x16xf32> to vector<16xf32>
      %swap3A_557 = vector.shape_cast %add3A_552 : vector<16xf32> to vector<1x16xf32>
      tpu.vector_store %arg10[%swap3A_553, %swap3A_554], %swap3A_557 {strides = array<i32>} : memref<200x64xf32, #tpu.memory_space<vmem>>, vector<1x16xf32>,
      %add3A_558 = arith.constant 2 : i32
      %add3A_559 = arith.addi %add3A_415, %add3A_558 : i32
      %get3A_560 = arith.index_cast %add3A_559 : i32 to index
      %get3A_561 = arith.constant 0 : index
      %get3A_562 = tpu.vector_load %arg10[%get3A_560, %get3A_561] {strides = array<i32>} : memref<200x64xf32, #tpu.memory_space<vmem>>, vector<1x16xf32>,
      %get3A_563 = vector.shape_cast %get3A_562 : vector<1x16xf32> to vector<16xf32>
      %add3A_564 = arith.constant 2 : i32
      %add3A_565 = arith.addi %add3A_415, %add3A_564 : i32
      %get3A_566 = arith.index_cast %add3A_565 : i32 to index
      %get3A_567 = arith.constant 0 : index
      %get3A_568 = tpu.vector_load %arg7[%get3A_566, %get3A_567] {strides = array<i32>} : memref<200x64xf32, #tpu.memory_space<vmem>>, vector<1x16xf32>,
      %get3A_569 = vector.shape_cast %get3A_568 : vector<1x16xf32> to vector<16xf32>
      %add3A_570 = arith.addf %get3A_563, %get3A_569 : vector<16xf32>
      %swap3A_571 = arith.index_cast %add3A_559 : i32 to index
      %swap3A_572 = arith.constant 0 : index
      %swap3A_573 = tpu.vector_load %arg10[%swap3A_571, %swap3A_572] {strides = array<i32>} : memref<200x64xf32, #tpu.memory_space<vmem>>, vector<1x16xf32>,
      %swap3A_574 = vector.shape_cast %swap3A_573 : vector<1x16xf32> to vector<16xf32>
      %swap3A_575 = vector.shape_cast %add3A_570 : vector<16xf32> to vector<1x16xf32>
      tpu.vector_store %arg10[%swap3A_571, %swap3A_572], %swap3A_575 {strides = array<i32>} : memref<200x64xf32, #tpu.memory_space<vmem>>, vector<1x16xf32>,
      %add3A_576 = arith.constant 2 : i32
      %add3A_577 = arith.addi %add3A_415, %add3A_576 : i32
      %get3A_578 = arith.index_cast %add3A_577 : i32 to index
      %get3A_579 = arith.constant 16 : index
      %get3A_580 = tpu.vector_load %arg10[%get3A_578, %get3A_579] {strides = array<i32>} : memref<200x64xf32, #tpu.memory_space<vmem>>, vector<1x16xf32>,
      %get3A_581 = vector.shape_cast %get3A_580 : vector<1x16xf32> to vector<16xf32>
      %add3A_582 = arith.constant 2 : i32
      %add3A_583 = arith.addi %add3A_415, %add3A_582 : i32
      %get3A_584 = arith.index_cast %add3A_583 : i32 to index
      %get3A_585 = arith.constant 16 : index
      %get3A_586 = tpu.vector_load %arg7[%get3A_584, %get3A_585] {strides = array<i32>} : memref<200x64xf32, #tpu.memory_space<vmem>>, vector<1x16xf32>,
      %get3A_587 = vector.shape_cast %get3A_586 : vector<1x16xf32> to vector<16xf32>
      %add3A_588 = arith.addf %get3A_581, %get3A_587 : vector<16xf32>
      %swap3A_589 = arith.index_cast %add3A_577 : i32 to index
      %swap3A_590 = arith.constant 16 : index
      %swap3A_591 = tpu.vector_load %arg10[%swap3A_589, %swap3A_590] {strides = array<i32>} : memref<200x64xf32, #tpu.memory_space<vmem>>, vector<1x16xf32>,
      %swap3A_592 = vector.shape_cast %swap3A_591 : vector<1x16xf32> to vector<16xf32>
      %swap3A_593 = vector.shape_cast %add3A_588 : vector<16xf32> to vector<1x16xf32>
      tpu.vector_store %arg10[%swap3A_589, %swap3A_590], %swap3A_593 {strides = array<i32>} : memref<200x64xf32, #tpu.memory_space<vmem>>, vector<1x16xf32>,
      %add3A_594 = arith.constant 2 : i32
      %add3A_595 = arith.addi %add3A_415, %add3A_594 : i32
      %get3A_596 = arith.index_cast %add3A_595 : i32 to index
      %get3A_597 = arith.constant 32 : index
      %get3A_598 = tpu.vector_load %arg10[%get3A_596, %get3A_597] {strides = array<i32>} : memref<200x64xf32, #tpu.memory_space<vmem>>, vector<1x16xf32>,
      %get3A_599 = vector.shape_cast %get3A_598 : vector<1x16xf32> to vector<16xf32>
      %add3A_600 = arith.constant 2 : i32
      %add3A_601 = arith.addi %add3A_415, %add3A_600 : i32
      %get3A_602 = arith.index_cast %add3A_601 : i32 to index
      %get3A_603 = arith.constant 32 : index
      %get3A_604 = tpu.vector_load %arg7[%get3A_602, %get3A_603] {strides = array<i32>} : memref<200x64xf32, #tpu.memory_space<vmem>>, vector<1x16xf32>,
      %get3A_605 = vector.shape_cast %get3A_604 : vector<1x16xf32> to vector<16xf32>
      %add3A_606 = arith.addf %get3A_599, %get3A_605 : vector<16xf32>
      %swap3A_607 = arith.index_cast %add3A_595 : i32 to index
      %swap3A_608 = arith.constant 32 : index
      %swap3A_609 = tpu.vector_load %arg10[%swap3A_607, %swap3A_608] {strides = array<i32>} : memref<200x64xf32, #tpu.memory_space<vmem>>, vector<1x16xf32>,
      %swap3A_610 = vector.shape_cast %swap3A_609 : vector<1x16xf32> to vector<16xf32>
      %swap3A_611 = vector.shape_cast %add3A_606 : vector<16xf32> to vector<1x16xf32>
      tpu.vector_store %arg10[%swap3A_607, %swap3A_608], %swap3A_611 {strides = array<i32>} : memref<200x64xf32, #tpu.memory_space<vmem>>, vector<1x16xf32>,
      %add3A_612 = arith.constant 2 : i32
      %add3A_613 = arith.addi %add3A_415, %add3A_612 : i32
      %get3A_614 = arith.index_cast %add3A_613 : i32 to index
      %get3A_615 = arith.constant 48 : index
      %get3A_616 = tpu.vector_load %arg10[%get3A_614, %get3A_615] {strides = array<i32>} : memref<200x64xf32, #tpu.memory_space<vmem>>, vector<1x16xf32>,
      %get3A_617 = vector.shape_cast %get3A_616 : vector<1x16xf32> to vector<16xf32>
      %add3A_618 = arith.constant 2 : i32
      %add3A_619 = arith.addi %add3A_415, %add3A_618 : i32
      %get3A_620 = arith.index_cast %add3A_619 : i32 to index
      %get3A_621 = arith.constant 48 : index
      %get3A_622 = tpu.vector_load %arg7[%get3A_620, %get3A_621] {strides = array<i32>} : memref<200x64xf32, #tpu.memory_space<vmem>>, vector<1x16xf32>,
      %get3A_623 = vector.shape_cast %get3A_622 : vector<1x16xf32> to vector<16xf32>
      %add3A_624 = arith.addf %get3A_617, %get3A_623 : vector<16xf32>
      %swap3A_625 = arith.index_cast %add3A_613 : i32 to index
      %swap3A_626 = arith.constant 48 : index
      %swap3A_627 = tpu.vector_load %arg10[%swap3A_625, %swap3A_626] {strides = array<i32>} : memref<200x64xf32, #tpu.memory_space<vmem>>, vector<1x16xf32>,
      %swap3A_628 = vector.shape_cast %swap3A_627 : vector<1x16xf32> to vector<16xf32>
      %swap3A_629 = vector.shape_cast %add3A_624 : vector<16xf32> to vector<1x16xf32>
      tpu.vector_store %arg10[%swap3A_625, %swap3A_626], %swap3A_629 {strides = array<i32>} : memref<200x64xf32, #tpu.memory_space<vmem>>, vector<1x16xf32>,
      %add3A_630 = arith.constant 3 : i32
      %add3A_631 = arith.addi %add3A_415, %add3A_630 : i32
      %get3A_632 = arith.index_cast %add3A_631 : i32 to index
      %get3A_633 = arith.constant 0 : index
      %get3A_634 = tpu.vector_load %arg10[%get3A_632, %get3A_633] {strides = array<i32>} : memref<200x64xf32, #tpu.memory_space<vmem>>, vector<1x16xf32>,
      %get3A_635 = vector.shape_cast %get3A_634 : vector<1x16xf32> to vector<16xf32>
      %add3A_636 = arith.constant 3 : i32
      %add3A_637 = arith.addi %add3A_415, %add3A_636 : i32
      %get3A_638 = arith.index_cast %add3A_637 : i32 to index
      %get3A_639 = arith.constant 0 : index
      %get3A_640 = tpu.vector_load %arg7[%get3A_638, %get3A_639] {strides = array<i32>} : memref<200x64xf32, #tpu.memory_space<vmem>>, vector<1x16xf32>,
      %get3A_641 = vector.shape_cast %get3A_640 : vector<1x16xf32> to vector<16xf32>
      %add3A_642 = arith.addf %get3A_635, %get3A_641 : vector<16xf32>
      %swap3A_643 = arith.index_cast %add3A_631 : i32 to index
      %swap3A_644 = arith.constant 0 : index
      %swap3A_645 = tpu.vector_load %arg10[%swap3A_643, %swap3A_644] {strides = array<i32>} : memref<200x64xf32, #tpu.memory_space<vmem>>, vector<1x16xf32>,
      %swap3A_646 = vector.shape_cast %swap3A_645 : vector<1x16xf32> to vector<16xf32>
      %swap3A_647 = vector.shape_cast %add3A_642 : vector<16xf32> to vector<1x16xf32>
      tpu.vector_store %arg10[%swap3A_643, %swap3A_644], %swap3A_647 {strides = array<i32>} : memref<200x64xf32, #tpu.memory_space<vmem>>, vector<1x16xf32>,
      %add3A_648 = arith.constant 3 : i32
      %add3A_649 = arith.addi %add3A_415, %add3A_648 : i32
      %get3A_650 = arith.index_cast %add3A_649 : i32 to index
      %get3A_651 = arith.constant 16 : index
      %get3A_652 = tpu.vector_load %arg10[%get3A_650, %get3A_651] {strides = array<i32>} : memref<200x64xf32, #tpu.memory_space<vmem>>, vector<1x16xf32>,
      %get3A_653 = vector.shape_cast %get3A_652 : vector<1x16xf32> to vector<16xf32>
      %add3A_654 = arith.constant 3 : i32
      %add3A_655 = arith.addi %add3A_415, %add3A_654 : i32
      %get3A_656 = arith.index_cast %add3A_655 : i32 to index
      %get3A_657 = arith.constant 16 : index
      %get3A_658 = tpu.vector_load %arg7[%get3A_656, %get3A_657] {strides = array<i32>} : memref<200x64xf32, #tpu.memory_space<vmem>>, vector<1x16xf32>,
      %get3A_659 = vector.shape_cast %get3A_658 : vector<1x16xf32> to vector<16xf32>
      %add3A_660 = arith.addf %get3A_653, %get3A_659 : vector<16xf32>
      %swap3A_661 = arith.index_cast %add3A_649 : i32 to index
      %swap3A_662 = arith.constant 16 : index
      %swap3A_663 = tpu.vector_load %arg10[%swap3A_661, %swap3A_662] {strides = array<i32>} : memref<200x64xf32, #tpu.memory_space<vmem>>, vector<1x16xf32>,
      %swap3A_664 = vector.shape_cast %swap3A_663 : vector<1x16xf32> to vector<16xf32>
      %swap3A_665 = vector.shape_cast %add3A_660 : vector<16xf32> to vector<1x16xf32>
      tpu.vector_store %arg10[%swap3A_661, %swap3A_662], %swap3A_665 {strides = array<i32>} : memref<200x64xf32, #tpu.memory_space<vmem>>, vector<1x16xf32>,
      %add3A_666 = arith.constant 3 : i32
      %add3A_667 = arith.addi %add3A_415, %add3A_666 : i32
      %get3A_668 = arith.index_cast %add3A_667 : i32 to index
      %get3A_669 = arith.constant 32 : index
      %get3A_670 = tpu.vector_load %arg10[%get3A_668, %get3A_669] {strides = array<i32>} : memref<200x64xf32, #tpu.memory_space<vmem>>, vector<1x16xf32>,
      %get3A_671 = vector.shape_cast %get3A_670 : vector<1x16xf32> to vector<16xf32>
      %add3A_672 = arith.constant 3 : i32
      %add3A_673 = arith.addi %add3A_415, %add3A_672 : i32
      %get3A_674 = arith.index_cast %add3A_673 : i32 to index
      %get3A_675 = arith.constant 32 : index
      %get3A_676 = tpu.vector_load %arg7[%get3A_674, %get3A_675] {strides = array<i32>} : memref<200x64xf32, #tpu.memory_space<vmem>>, vector<1x16xf32>,
      %get3A_677 = vector.shape_cast %get3A_676 : vector<1x16xf32> to vector<16xf32>
      %add3A_678 = arith.addf %get3A_671, %get3A_677 : vector<16xf32>
      %swap3A_679 = arith.index_cast %add3A_667 : i32 to index
      %swap3A_680 = arith.constant 32 : index
      %swap3A_681 = tpu.vector_load %arg10[%swap3A_679, %swap3A_680] {strides = array<i32>} : memref<200x64xf32, #tpu.memory_space<vmem>>, vector<1x16xf32>,
      %swap3A_682 = vector.shape_cast %swap3A_681 : vector<1x16xf32> to vector<16xf32>
      %swap3A_683 = vector.shape_cast %add3A_678 : vector<16xf32> to vector<1x16xf32>
      tpu.vector_store %arg10[%swap3A_679, %swap3A_680], %swap3A_683 {strides = array<i32>} : memref<200x64xf32, #tpu.memory_space<vmem>>, vector<1x16xf32>,
      %add3A_684 = arith.constant 3 : i32
      %add3A_685 = arith.addi %add3A_415, %add3A_684 : i32
      %get3A_686 = arith.index_cast %add3A_685 : i32 to index
      %get3A_687 = arith.constant 48 : index
      %get3A_688 = tpu.vector_load %arg10[%get3A_686, %get3A_687] {strides = array<i32>} : memref<200x64xf32, #tpu.memory_space<vmem>>, vector<1x16xf32>,
      %get3A_689 = vector.shape_cast %get3A_688 : vector<1x16xf32> to vector<16xf32>
      %add3A_690 = arith.constant 3 : i32
      %add3A_691 = arith.addi %add3A_415, %add3A_690 : i32
      %get3A_692 = arith.index_cast %add3A_691 : i32 to index
      %get3A_693 = arith.constant 48 : index
      %get3A_694 = tpu.vector_load %arg7[%get3A_692, %get3A_693] {strides = array<i32>} : memref<200x64xf32, #tpu.memory_space<vmem>>, vector<1x16xf32>,
      %get3A_695 = vector.shape_cast %get3A_694 : vector<1x16xf32> to vector<16xf32>
      %add3A_696 = arith.addf %get3A_689, %get3A_695 : vector<16xf32>
      %swap3A_697 = arith.index_cast %add3A_685 : i32 to index
      %swap3A_698 = arith.constant 48 : index
      %swap3A_699 = tpu.vector_load %arg10[%swap3A_697, %swap3A_698] {strides = array<i32>} : memref<200x64xf32, #tpu.memory_space<vmem>>, vector<1x16xf32>,
      %swap3A_700 = vector.shape_cast %swap3A_699 : vector<1x16xf32> to vector<16xf32>
      %swap3A_701 = vector.shape_cast %add3A_696 : vector<16xf32> to vector<1x16xf32>
      tpu.vector_store %arg10[%swap3A_697, %swap3A_698], %swap3A_701 {strides = array<i32>} : memref<200x64xf32, #tpu.memory_space<vmem>>, vector<1x16xf32>,
    }
    %scan3A_351 = arith.constant 50 : i32
    %mul3A_352 = arith.constant 128 : i32
    %mul3A_353 = arith.muli %add3A, %mul3A_352 : i32
    %add3A_354 = arith.constant 126 : i32
    %add3A_355 = arith.addi %mul3A_353, %add3A_354 : i32
    %dma_start3A_356 = arith.constant 0 : i32
    %dma_start3A_357 = arith.constant 0 : i32
    %dma_start3A_358 = tpu.memref_slice %arg5[%add3A_355, %dma_start3A_356, %dma_start3A_357] : memref<4096x200x64xf32, #tpu.memory_space<hbm>> -> memref<1x200x64xf32, #tpu.memory_space<hbm>>
    %dma_start3A_359 = tpu.memref_squeeze %dma_start3A_358 : memref<1x200x64xf32, #tpu.memory_space<hbm>> -> memref<200x64xf32, #tpu.memory_space<hbm>>
    %dma_start3A_360 = arith.constant 0 : i32
    %dma_start3A_361 = arith.constant 0 : i32
    %dma_start3A_362 = tpu.memref_slice %arg5[%add3A_355, %dma_start3A_360, %dma_start3A_361] : memref<4096x200x64xf32, #tpu.memory_space<hbm>> -> memref<1x200x64xf32, #tpu.memory_space<hbm>>
    %dma_start3A_363 = tpu.memref_squeeze %dma_start3A_362 : memref<1x200x64xf32, #tpu.memory_space<hbm>> -> memref<200x64xf32, #tpu.memory_space<hbm>>
    tpu.enqueue_dma source(%arg10 : memref<200x64xf32, #tpu.memory_space<vmem>>) target(%dma_start3A_363 : memref<200x64xf32, #tpu.memory_space<hbm>>) target_semaphore(%arg18 : memref<!tpu.dma_semaphore, #tpu.memory_space<semaphore_mem>>)
    %dma_wait3A_364 = arith.constant 0 : i32
    %dma_wait3A_365 = arith.constant 0 : i32
    %dma_wait3A_366 = tpu.memref_slice %arg3[%dma_wait3A_364, %dma_wait3A_365] : memref<1000000x64xf32, #tpu.memory_space<hbm>> -> memref<200x64xf32, #tpu.memory_space<hbm>>
    %dma_wait3A_367 = arith.constant 0 : i32
    %dma_wait3A_368 = arith.constant 0 : i32
    %dma_wait3A_369 = tpu.memref_slice %arg3[%dma_wait3A_367, %dma_wait3A_368] : memref<1000000x64xf32, #tpu.memory_space<hbm>> -> memref<200x64xf32, #tpu.memory_space<hbm>>
    tpu.wait_dma2 semaphore(%arg15 : memref<!tpu.dma_semaphore, #tpu.memory_space<semaphore_mem>>) src(%dma_wait3A_369 : memref<200x64xf32, #tpu.memory_space<hbm>>) dst(%arg11 : memref<200x64xf32, #tpu.memory_space<vmem>>)
    %scan3A_370 = arith.constant 0 : i32
    %scan3A_371 = arith.constant 50 : i32
    %scan3A_372 = arith.addi %scan3A_370, %scan3A_371 : i32
    %scan3A_373 = arith.constant 1 : i32
    scf.for %scan3A_411 = %scan3A_370 to %scan3A_372 step %scan3A_373  : i32 {
      %mul3A_412 = arith.constant 4 : i32
      %mul3A_413 = arith.muli %scan3A_411, %mul3A_412 : i32
      %add3A_414 = arith.constant 0 : i32
      %add3A_415 = arith.addi %add3A_414, %mul3A_413 : i32
      %add3A_416 = arith.constant 0 : i32
      %add3A_417 = arith.addi %add3A_415, %add3A_416 : i32
      %get3A = arith.index_cast %add3A_417 : i32 to index
      %get3A_418 = arith.constant 0 : index
      %get3A_419 = tpu.vector_load %arg11[%get3A, %get3A_418] {strides = array<i32>} : memref<200x64xf32, #tpu.memory_space<vmem>>, vector<1x16xf32>,
      %get3A_420 = vector.shape_cast %get3A_419 : vector<1x16xf32> to vector<16xf32>
      %add3A_421 = arith.constant 0 : i32
      %add3A_422 = arith.addi %add3A_415, %add3A_421 : i32
      %get3A_423 = arith.index_cast %add3A_422 : i32 to index
      %get3A_424 = arith.constant 0 : index
      %get3A_425 = tpu.vector_load %arg7[%get3A_423, %get3A_424] {strides = array<i32>} : memref<200x64xf32, #tpu.memory_space<vmem>>, vector<1x16xf32>,
      %get3A_426 = vector.shape_cast %get3A_425 : vector<1x16xf32> to vector<16xf32>
      %add3A_427 = arith.addf %get3A_420, %get3A_426 : vector<16xf32>
      %swap3A = arith.index_cast %add3A_417 : i32 to index
      %swap3A_428 = arith.constant 0 : index
      %swap3A_429 = tpu.vector_load %arg11[%swap3A, %swap3A_428] {strides = array<i32>} : memref<200x64xf32, #tpu.memory_space<vmem>>, vector<1x16xf32>,
      %swap3A_430 = vector.shape_cast %swap3A_429 : vector<1x16xf32> to vector<16xf32>
      %swap3A_431 = vector.shape_cast %add3A_427 : vector<16xf32> to vector<1x16xf32>
      tpu.vector_store %arg11[%swap3A, %swap3A_428], %swap3A_431 {strides = array<i32>} : memref<200x64xf32, #tpu.memory_space<vmem>>, vector<1x16xf32>,
      %add3A_432 = arith.constant 0 : i32
      %add3A_433 = arith.addi %add3A_415, %add3A_432 : i32
      %get3A_434 = arith.index_cast %add3A_433 : i32 to index
      %get3A_435 = arith.constant 16 : index
      %get3A_436 = tpu.vector_load %arg11[%get3A_434, %get3A_435] {strides = array<i32>} : memref<200x64xf32, #tpu.memory_space<vmem>>, vector<1x16xf32>,
      %get3A_437 = vector.shape_cast %get3A_436 : vector<1x16xf32> to vector<16xf32>
      %add3A_438 = arith.constant 0 : i32
      %add3A_439 = arith.addi %add3A_415, %add3A_438 : i32
      %get3A_440 = arith.index_cast %add3A_439 : i32 to index
      %get3A_441 = arith.constant 16 : index
      %get3A_442 = tpu.vector_load %arg7[%get3A_440, %get3A_441] {strides = array<i32>} : memref<200x64xf32, #tpu.memory_space<vmem>>, vector<1x16xf32>,
      %get3A_443 = vector.shape_cast %get3A_442 : vector<1x16xf32> to vector<16xf32>
      %add3A_444 = arith.addf %get3A_437, %get3A_443 : vector<16xf32>
      %swap3A_445 = arith.index_cast %add3A_433 : i32 to index
      %swap3A_446 = arith.constant 16 : index
      %swap3A_447 = tpu.vector_load %arg11[%swap3A_445, %swap3A_446] {strides = array<i32>} : memref<200x64xf32, #tpu.memory_space<vmem>>, vector<1x16xf32>,
      %swap3A_448 = vector.shape_cast %swap3A_447 : vector<1x16xf32> to vector<16xf32>
      %swap3A_449 = vector.shape_cast %add3A_444 : vector<16xf32> to vector<1x16xf32>
      tpu.vector_store %arg11[%swap3A_445, %swap3A_446], %swap3A_449 {strides = array<i32>} : memref<200x64xf32, #tpu.memory_space<vmem>>, vector<1x16xf32>,
      %add3A_450 = arith.constant 0 : i32
      %add3A_451 = arith.addi %add3A_415, %add3A_450 : i32
      %get3A_452 = arith.index_cast %add3A_451 : i32 to index
      %get3A_453 = arith.constant 32 : index
      %get3A_454 = tpu.vector_load %arg11[%get3A_452, %get3A_453] {strides = array<i32>} : memref<200x64xf32, #tpu.memory_space<vmem>>, vector<1x16xf32>,
      %get3A_455 = vector.shape_cast %get3A_454 : vector<1x16xf32> to vector<16xf32>
      %add3A_456 = arith.constant 0 : i32
      %add3A_457 = arith.addi %add3A_415, %add3A_456 : i32
      %get3A_458 = arith.index_cast %add3A_457 : i32 to index
      %get3A_459 = arith.constant 32 : index
      %get3A_460 = tpu.vector_load %arg7[%get3A_458, %get3A_459] {strides = array<i32>} : memref<200x64xf32, #tpu.memory_space<vmem>>, vector<1x16xf32>,
      %get3A_461 = vector.shape_cast %get3A_460 : vector<1x16xf32> to vector<16xf32>
      %add3A_462 = arith.addf %get3A_455, %get3A_461 : vector<16xf32>
      %swap3A_463 = arith.index_cast %add3A_451 : i32 to index
      %swap3A_464 = arith.constant 32 : index
      %swap3A_465 = tpu.vector_load %arg11[%swap3A_463, %swap3A_464] {strides = array<i32>} : memref<200x64xf32, #tpu.memory_space<vmem>>, vector<1x16xf32>,
      %swap3A_466 = vector.shape_cast %swap3A_465 : vector<1x16xf32> to vector<16xf32>
      %swap3A_467 = vector.shape_cast %add3A_462 : vector<16xf32> to vector<1x16xf32>
      tpu.vector_store %arg11[%swap3A_463, %swap3A_464], %swap3A_467 {strides = array<i32>} : memref<200x64xf32, #tpu.memory_space<vmem>>, vector<1x16xf32>,
      %add3A_468 = arith.constant 0 : i32
      %add3A_469 = arith.addi %add3A_415, %add3A_468 : i32
      %get3A_470 = arith.index_cast %add3A_469 : i32 to index
      %get3A_471 = arith.constant 48 : index
      %get3A_472 = tpu.vector_load %arg11[%get3A_470, %get3A_471] {strides = array<i32>} : memref<200x64xf32, #tpu.memory_space<vmem>>, vector<1x16xf32>,
      %get3A_473 = vector.shape_cast %get3A_472 : vector<1x16xf32> to vector<16xf32>
      %add3A_474 = arith.constant 0 : i32
      %add3A_475 = arith.addi %add3A_415, %add3A_474 : i32
      %get3A_476 = arith.index_cast %add3A_475 : i32 to index
      %get3A_477 = arith.constant 48 : index
      %get3A_478 = tpu.vector_load %arg7[%get3A_476, %get3A_477] {strides = array<i32>} : memref<200x64xf32, #tpu.memory_space<vmem>>, vector<1x16xf32>,
      %get3A_479 = vector.shape_cast %get3A_478 : vector<1x16xf32> to vector<16xf32>
      %add3A_480 = arith.addf %get3A_473, %get3A_479 : vector<16xf32>
      %swap3A_481 = arith.index_cast %add3A_469 : i32 to index
      %swap3A_482 = arith.constant 48 : index
      %swap3A_483 = tpu.vector_load %arg11[%swap3A_481, %swap3A_482] {strides = array<i32>} : memref<200x64xf32, #tpu.memory_space<vmem>>, vector<1x16xf32>,
      %swap3A_484 = vector.shape_cast %swap3A_483 : vector<1x16xf32> to vector<16xf32>
      %swap3A_485 = vector.shape_cast %add3A_480 : vector<16xf32> to vector<1x16xf32>
      tpu.vector_store %arg11[%swap3A_481, %swap3A_482], %swap3A_485 {strides = array<i32>} : memref<200x64xf32, #tpu.memory_space<vmem>>, vector<1x16xf32>,
      %add3A_486 = arith.constant 1 : i32
      %add3A_487 = arith.addi %add3A_415, %add3A_486 : i32
      %get3A_488 = arith.index_cast %add3A_487 : i32 to index
      %get3A_489 = arith.constant 0 : index
      %get3A_490 = tpu.vector_load %arg11[%get3A_488, %get3A_489] {strides = array<i32>} : memref<200x64xf32, #tpu.memory_space<vmem>>, vector<1x16xf32>,
      %get3A_491 = vector.shape_cast %get3A_490 : vector<1x16xf32> to vector<16xf32>
      %add3A_492 = arith.constant 1 : i32
      %add3A_493 = arith.addi %add3A_415, %add3A_492 : i32
      %get3A_494 = arith.index_cast %add3A_493 : i32 to index
      %get3A_495 = arith.constant 0 : index
      %get3A_496 = tpu.vector_load %arg7[%get3A_494, %get3A_495] {strides = array<i32>} : memref<200x64xf32, #tpu.memory_space<vmem>>, vector<1x16xf32>,
      %get3A_497 = vector.shape_cast %get3A_496 : vector<1x16xf32> to vector<16xf32>
      %add3A_498 = arith.addf %get3A_491, %get3A_497 : vector<16xf32>
      %swap3A_499 = arith.index_cast %add3A_487 : i32 to index
      %swap3A_500 = arith.constant 0 : index
      %swap3A_501 = tpu.vector_load %arg11[%swap3A_499, %swap3A_500] {strides = array<i32>} : memref<200x64xf32, #tpu.memory_space<vmem>>, vector<1x16xf32>,
      %swap3A_502 = vector.shape_cast %swap3A_501 : vector<1x16xf32> to vector<16xf32>
      %swap3A_503 = vector.shape_cast %add3A_498 : vector<16xf32> to vector<1x16xf32>
      tpu.vector_store %arg11[%swap3A_499, %swap3A_500], %swap3A_503 {strides = array<i32>} : memref<200x64xf32, #tpu.memory_space<vmem>>, vector<1x16xf32>,
      %add3A_504 = arith.constant 1 : i32
      %add3A_505 = arith.addi %add3A_415, %add3A_504 : i32
      %get3A_506 = arith.index_cast %add3A_505 : i32 to index
      %get3A_507 = arith.constant 16 : index
      %get3A_508 = tpu.vector_load %arg11[%get3A_506, %get3A_507] {strides = array<i32>} : memref<200x64xf32, #tpu.memory_space<vmem>>, vector<1x16xf32>,
      %get3A_509 = vector.shape_cast %get3A_508 : vector<1x16xf32> to vector<16xf32>
      %add3A_510 = arith.constant 1 : i32
      %add3A_511 = arith.addi %add3A_415, %add3A_510 : i32
      %get3A_512 = arith.index_cast %add3A_511 : i32 to index
      %get3A_513 = arith.constant 16 : index
      %get3A_514 = tpu.vector_load %arg7[%get3A_512, %get3A_513] {strides = array<i32>} : memref<200x64xf32, #tpu.memory_space<vmem>>, vector<1x16xf32>,
      %get3A_515 = vector.shape_cast %get3A_514 : vector<1x16xf32> to vector<16xf32>
      %add3A_516 = arith.addf %get3A_509, %get3A_515 : vector<16xf32>
      %swap3A_517 = arith.index_cast %add3A_505 : i32 to index
      %swap3A_518 = arith.constant 16 : index
      %swap3A_519 = tpu.vector_load %arg11[%swap3A_517, %swap3A_518] {strides = array<i32>} : memref<200x64xf32, #tpu.memory_space<vmem>>, vector<1x16xf32>,
      %swap3A_520 = vector.shape_cast %swap3A_519 : vector<1x16xf32> to vector<16xf32>
      %swap3A_521 = vector.shape_cast %add3A_516 : vector<16xf32> to vector<1x16xf32>
      tpu.vector_store %arg11[%swap3A_517, %swap3A_518], %swap3A_521 {strides = array<i32>} : memref<200x64xf32, #tpu.memory_space<vmem>>, vector<1x16xf32>,
      %add3A_522 = arith.constant 1 : i32
      %add3A_523 = arith.addi %add3A_415, %add3A_522 : i32
      %get3A_524 = arith.index_cast %add3A_523 : i32 to index
      %get3A_525 = arith.constant 32 : index
      %get3A_526 = tpu.vector_load %arg11[%get3A_524, %get3A_525] {strides = array<i32>} : memref<200x64xf32, #tpu.memory_space<vmem>>, vector<1x16xf32>,
      %get3A_527 = vector.shape_cast %get3A_526 : vector<1x16xf32> to vector<16xf32>
      %add3A_528 = arith.constant 1 : i32
      %add3A_529 = arith.addi %add3A_415, %add3A_528 : i32
      %get3A_530 = arith.index_cast %add3A_529 : i32 to index
      %get3A_531 = arith.constant 32 : index
      %get3A_532 = tpu.vector_load %arg7[%get3A_530, %get3A_531] {strides = array<i32>} : memref<200x64xf32, #tpu.memory_space<vmem>>, vector<1x16xf32>,
      %get3A_533 = vector.shape_cast %get3A_532 : vector<1x16xf32> to vector<16xf32>
      %add3A_534 = arith.addf %get3A_527, %get3A_533 : vector<16xf32>
      %swap3A_535 = arith.index_cast %add3A_523 : i32 to index
      %swap3A_536 = arith.constant 32 : index
      %swap3A_537 = tpu.vector_load %arg11[%swap3A_535, %swap3A_536] {strides = array<i32>} : memref<200x64xf32, #tpu.memory_space<vmem>>, vector<1x16xf32>,
      %swap3A_538 = vector.shape_cast %swap3A_537 : vector<1x16xf32> to vector<16xf32>
      %swap3A_539 = vector.shape_cast %add3A_534 : vector<16xf32> to vector<1x16xf32>
      tpu.vector_store %arg11[%swap3A_535, %swap3A_536], %swap3A_539 {strides = array<i32>} : memref<200x64xf32, #tpu.memory_space<vmem>>, vector<1x16xf32>,
      %add3A_540 = arith.constant 1 : i32
      %add3A_541 = arith.addi %add3A_415, %add3A_540 : i32
      %get3A_542 = arith.index_cast %add3A_541 : i32 to index
      %get3A_543 = arith.constant 48 : index
      %get3A_544 = tpu.vector_load %arg11[%get3A_542, %get3A_543] {strides = array<i32>} : memref<200x64xf32, #tpu.memory_space<vmem>>, vector<1x16xf32>,
      %get3A_545 = vector.shape_cast %get3A_544 : vector<1x16xf32> to vector<16xf32>
      %add3A_546 = arith.constant 1 : i32
      %add3A_547 = arith.addi %add3A_415, %add3A_546 : i32
      %get3A_548 = arith.index_cast %add3A_547 : i32 to index
      %get3A_549 = arith.constant 48 : index
      %get3A_550 = tpu.vector_load %arg7[%get3A_548, %get3A_549] {strides = array<i32>} : memref<200x64xf32, #tpu.memory_space<vmem>>, vector<1x16xf32>,
      %get3A_551 = vector.shape_cast %get3A_550 : vector<1x16xf32> to vector<16xf32>
      %add3A_552 = arith.addf %get3A_545, %get3A_551 : vector<16xf32>
      %swap3A_553 = arith.index_cast %add3A_541 : i32 to index
      %swap3A_554 = arith.constant 48 : index
      %swap3A_555 = tpu.vector_load %arg11[%swap3A_553, %swap3A_554] {strides = array<i32>} : memref<200x64xf32, #tpu.memory_space<vmem>>, vector<1x16xf32>,
      %swap3A_556 = vector.shape_cast %swap3A_555 : vector<1x16xf32> to vector<16xf32>
      %swap3A_557 = vector.shape_cast %add3A_552 : vector<16xf32> to vector<1x16xf32>
      tpu.vector_store %arg11[%swap3A_553, %swap3A_554], %swap3A_557 {strides = array<i32>} : memref<200x64xf32, #tpu.memory_space<vmem>>, vector<1x16xf32>,
      %add3A_558 = arith.constant 2 : i32
      %add3A_559 = arith.addi %add3A_415, %add3A_558 : i32
      %get3A_560 = arith.index_cast %add3A_559 : i32 to index
      %get3A_561 = arith.constant 0 : index
      %get3A_562 = tpu.vector_load %arg11[%get3A_560, %get3A_561] {strides = array<i32>} : memref<200x64xf32, #tpu.memory_space<vmem>>, vector<1x16xf32>,
      %get3A_563 = vector.shape_cast %get3A_562 : vector<1x16xf32> to vector<16xf32>
      %add3A_564 = arith.constant 2 : i32
      %add3A_565 = arith.addi %add3A_415, %add3A_564 : i32
      %get3A_566 = arith.index_cast %add3A_565 : i32 to index
      %get3A_567 = arith.constant 0 : index
      %get3A_568 = tpu.vector_load %arg7[%get3A_566, %get3A_567] {strides = array<i32>} : memref<200x64xf32, #tpu.memory_space<vmem>>, vector<1x16xf32>,
      %get3A_569 = vector.shape_cast %get3A_568 : vector<1x16xf32> to vector<16xf32>
      %add3A_570 = arith.addf %get3A_563, %get3A_569 : vector<16xf32>
      %swap3A_571 = arith.index_cast %add3A_559 : i32 to index
      %swap3A_572 = arith.constant 0 : index
      %swap3A_573 = tpu.vector_load %arg11[%swap3A_571, %swap3A_572] {strides = array<i32>} : memref<200x64xf32, #tpu.memory_space<vmem>>, vector<1x16xf32>,
      %swap3A_574 = vector.shape_cast %swap3A_573 : vector<1x16xf32> to vector<16xf32>
      %swap3A_575 = vector.shape_cast %add3A_570 : vector<16xf32> to vector<1x16xf32>
      tpu.vector_store %arg11[%swap3A_571, %swap3A_572], %swap3A_575 {strides = array<i32>} : memref<200x64xf32, #tpu.memory_space<vmem>>, vector<1x16xf32>,
      %add3A_576 = arith.constant 2 : i32
      %add3A_577 = arith.addi %add3A_415, %add3A_576 : i32
      %get3A_578 = arith.index_cast %add3A_577 : i32 to index
      %get3A_579 = arith.constant 16 : index
      %get3A_580 = tpu.vector_load %arg11[%get3A_578, %get3A_579] {strides = array<i32>} : memref<200x64xf32, #tpu.memory_space<vmem>>, vector<1x16xf32>,
      %get3A_581 = vector.shape_cast %get3A_580 : vector<1x16xf32> to vector<16xf32>
      %add3A_582 = arith.constant 2 : i32
      %add3A_583 = arith.addi %add3A_415, %add3A_582 : i32
      %get3A_584 = arith.index_cast %add3A_583 : i32 to index
      %get3A_585 = arith.constant 16 : index
      %get3A_586 = tpu.vector_load %arg7[%get3A_584, %get3A_585] {strides = array<i32>} : memref<200x64xf32, #tpu.memory_space<vmem>>, vector<1x16xf32>,
      %get3A_587 = vector.shape_cast %get3A_586 : vector<1x16xf32> to vector<16xf32>
      %add3A_588 = arith.addf %get3A_581, %get3A_587 : vector<16xf32>
      %swap3A_589 = arith.index_cast %add3A_577 : i32 to index
      %swap3A_590 = arith.constant 16 : index
      %swap3A_591 = tpu.vector_load %arg11[%swap3A_589, %swap3A_590] {strides = array<i32>} : memref<200x64xf32, #tpu.memory_space<vmem>>, vector<1x16xf32>,
      %swap3A_592 = vector.shape_cast %swap3A_591 : vector<1x16xf32> to vector<16xf32>
      %swap3A_593 = vector.shape_cast %add3A_588 : vector<16xf32> to vector<1x16xf32>
      tpu.vector_store %arg11[%swap3A_589, %swap3A_590], %swap3A_593 {strides = array<i32>} : memref<200x64xf32, #tpu.memory_space<vmem>>, vector<1x16xf32>,
      %add3A_594 = arith.constant 2 : i32
      %add3A_595 = arith.addi %add3A_415, %add3A_594 : i32
      %get3A_596 = arith.index_cast %add3A_595 : i32 to index
      %get3A_597 = arith.constant 32 : index
      %get3A_598 = tpu.vector_load %arg11[%get3A_596, %get3A_597] {strides = array<i32>} : memref<200x64xf32, #tpu.memory_space<vmem>>, vector<1x16xf32>,
      %get3A_599 = vector.shape_cast %get3A_598 : vector<1x16xf32> to vector<16xf32>
      %add3A_600 = arith.constant 2 : i32
      %add3A_601 = arith.addi %add3A_415, %add3A_600 : i32
      %get3A_602 = arith.index_cast %add3A_601 : i32 to index
      %get3A_603 = arith.constant 32 : index
      %get3A_604 = tpu.vector_load %arg7[%get3A_602, %get3A_603] {strides = array<i32>} : memref<200x64xf32, #tpu.memory_space<vmem>>, vector<1x16xf32>,
      %get3A_605 = vector.shape_cast %get3A_604 : vector<1x16xf32> to vector<16xf32>
      %add3A_606 = arith.addf %get3A_599, %get3A_605 : vector<16xf32>
      %swap3A_607 = arith.index_cast %add3A_595 : i32 to index
      %swap3A_608 = arith.constant 32 : index
      %swap3A_609 = tpu.vector_load %arg11[%swap3A_607, %swap3A_608] {strides = array<i32>} : memref<200x64xf32, #tpu.memory_space<vmem>>, vector<1x16xf32>,
      %swap3A_610 = vector.shape_cast %swap3A_609 : vector<1x16xf32> to vector<16xf32>
      %swap3A_611 = vector.shape_cast %add3A_606 : vector<16xf32> to vector<1x16xf32>
      tpu.vector_store %arg11[%swap3A_607, %swap3A_608], %swap3A_611 {strides = array<i32>} : memref<200x64xf32, #tpu.memory_space<vmem>>, vector<1x16xf32>,
      %add3A_612 = arith.constant 2 : i32
      %add3A_613 = arith.addi %add3A_415, %add3A_612 : i32
      %get3A_614 = arith.index_cast %add3A_613 : i32 to index
      %get3A_615 = arith.constant 48 : index
      %get3A_616 = tpu.vector_load %arg11[%get3A_614, %get3A_615] {strides = array<i32>} : memref<200x64xf32, #tpu.memory_space<vmem>>, vector<1x16xf32>,
      %get3A_617 = vector.shape_cast %get3A_616 : vector<1x16xf32> to vector<16xf32>
      %add3A_618 = arith.constant 2 : i32
      %add3A_619 = arith.addi %add3A_415, %add3A_618 : i32
      %get3A_620 = arith.index_cast %add3A_619 : i32 to index
      %get3A_621 = arith.constant 48 : index
      %get3A_622 = tpu.vector_load %arg7[%get3A_620, %get3A_621] {strides = array<i32>} : memref<200x64xf32, #tpu.memory_space<vmem>>, vector<1x16xf32>,
      %get3A_623 = vector.shape_cast %get3A_622 : vector<1x16xf32> to vector<16xf32>
      %add3A_624 = arith.addf %get3A_617, %get3A_623 : vector<16xf32>
      %swap3A_625 = arith.index_cast %add3A_613 : i32 to index
      %swap3A_626 = arith.constant 48 : index
      %swap3A_627 = tpu.vector_load %arg11[%swap3A_625, %swap3A_626] {strides = array<i32>} : memref<200x64xf32, #tpu.memory_space<vmem>>, vector<1x16xf32>,
      %swap3A_628 = vector.shape_cast %swap3A_627 : vector<1x16xf32> to vector<16xf32>
      %swap3A_629 = vector.shape_cast %add3A_624 : vector<16xf32> to vector<1x16xf32>
      tpu.vector_store %arg11[%swap3A_625, %swap3A_626], %swap3A_629 {strides = array<i32>} : memref<200x64xf32, #tpu.memory_space<vmem>>, vector<1x16xf32>,
      %add3A_630 = arith.constant 3 : i32
      %add3A_631 = arith.addi %add3A_415, %add3A_630 : i32
      %get3A_632 = arith.index_cast %add3A_631 : i32 to index
      %get3A_633 = arith.constant 0 : index
      %get3A_634 = tpu.vector_load %arg11[%get3A_632, %get3A_633] {strides = array<i32>} : memref<200x64xf32, #tpu.memory_space<vmem>>, vector<1x16xf32>,
      %get3A_635 = vector.shape_cast %get3A_634 : vector<1x16xf32> to vector<16xf32>
      %add3A_636 = arith.constant 3 : i32
      %add3A_637 = arith.addi %add3A_415, %add3A_636 : i32
      %get3A_638 = arith.index_cast %add3A_637 : i32 to index
      %get3A_639 = arith.constant 0 : index
      %get3A_640 = tpu.vector_load %arg7[%get3A_638, %get3A_639] {strides = array<i32>} : memref<200x64xf32, #tpu.memory_space<vmem>>, vector<1x16xf32>,
      %get3A_641 = vector.shape_cast %get3A_640 : vector<1x16xf32> to vector<16xf32>
      %add3A_642 = arith.addf %get3A_635, %get3A_641 : vector<16xf32>
      %swap3A_643 = arith.index_cast %add3A_631 : i32 to index
      %swap3A_644 = arith.constant 0 : index
      %swap3A_645 = tpu.vector_load %arg11[%swap3A_643, %swap3A_644] {strides = array<i32>} : memref<200x64xf32, #tpu.memory_space<vmem>>, vector<1x16xf32>,
      %swap3A_646 = vector.shape_cast %swap3A_645 : vector<1x16xf32> to vector<16xf32>
      %swap3A_647 = vector.shape_cast %add3A_642 : vector<16xf32> to vector<1x16xf32>
      tpu.vector_store %arg11[%swap3A_643, %swap3A_644], %swap3A_647 {strides = array<i32>} : memref<200x64xf32, #tpu.memory_space<vmem>>, vector<1x16xf32>,
      %add3A_648 = arith.constant 3 : i32
      %add3A_649 = arith.addi %add3A_415, %add3A_648 : i32
      %get3A_650 = arith.index_cast %add3A_649 : i32 to index
      %get3A_651 = arith.constant 16 : index
      %get3A_652 = tpu.vector_load %arg11[%get3A_650, %get3A_651] {strides = array<i32>} : memref<200x64xf32, #tpu.memory_space<vmem>>, vector<1x16xf32>,
      %get3A_653 = vector.shape_cast %get3A_652 : vector<1x16xf32> to vector<16xf32>
      %add3A_654 = arith.constant 3 : i32
      %add3A_655 = arith.addi %add3A_415, %add3A_654 : i32
      %get3A_656 = arith.index_cast %add3A_655 : i32 to index
      %get3A_657 = arith.constant 16 : index
      %get3A_658 = tpu.vector_load %arg7[%get3A_656, %get3A_657] {strides = array<i32>} : memref<200x64xf32, #tpu.memory_space<vmem>>, vector<1x16xf32>,
      %get3A_659 = vector.shape_cast %get3A_658 : vector<1x16xf32> to vector<16xf32>
      %add3A_660 = arith.addf %get3A_653, %get3A_659 : vector<16xf32>
      %swap3A_661 = arith.index_cast %add3A_649 : i32 to index
      %swap3A_662 = arith.constant 16 : index
      %swap3A_663 = tpu.vector_load %arg11[%swap3A_661, %swap3A_662] {strides = array<i32>} : memref<200x64xf32, #tpu.memory_space<vmem>>, vector<1x16xf32>,
      %swap3A_664 = vector.shape_cast %swap3A_663 : vector<1x16xf32> to vector<16xf32>
      %swap3A_665 = vector.shape_cast %add3A_660 : vector<16xf32> to vector<1x16xf32>
      tpu.vector_store %arg11[%swap3A_661, %swap3A_662], %swap3A_665 {strides = array<i32>} : memref<200x64xf32, #tpu.memory_space<vmem>>, vector<1x16xf32>,
      %add3A_666 = arith.constant 3 : i32
      %add3A_667 = arith.addi %add3A_415, %add3A_666 : i32
      %get3A_668 = arith.index_cast %add3A_667 : i32 to index
      %get3A_669 = arith.constant 32 : index
      %get3A_670 = tpu.vector_load %arg11[%get3A_668, %get3A_669] {strides = array<i32>} : memref<200x64xf32, #tpu.memory_space<vmem>>, vector<1x16xf32>,
      %get3A_671 = vector.shape_cast %get3A_670 : vector<1x16xf32> to vector<16xf32>
      %add3A_672 = arith.constant 3 : i32
      %add3A_673 = arith.addi %add3A_415, %add3A_672 : i32
      %get3A_674 = arith.index_cast %add3A_673 : i32 to index
      %get3A_675 = arith.constant 32 : index
      %get3A_676 = tpu.vector_load %arg7[%get3A_674, %get3A_675] {strides = array<i32>} : memref<200x64xf32, #tpu.memory_space<vmem>>, vector<1x16xf32>,
      %get3A_677 = vector.shape_cast %get3A_676 : vector<1x16xf32> to vector<16xf32>
      %add3A_678 = arith.addf %get3A_671, %get3A_677 : vector<16xf32>
      %swap3A_679 = arith.index_cast %add3A_667 : i32 to index
      %swap3A_680 = arith.constant 32 : index
      %swap3A_681 = tpu.vector_load %arg11[%swap3A_679, %swap3A_680] {strides = array<i32>} : memref<200x64xf32, #tpu.memory_space<vmem>>, vector<1x16xf32>,
      %swap3A_682 = vector.shape_cast %swap3A_681 : vector<1x16xf32> to vector<16xf32>
      %swap3A_683 = vector.shape_cast %add3A_678 : vector<16xf32> to vector<1x16xf32>
      tpu.vector_store %arg11[%swap3A_679, %swap3A_680], %swap3A_683 {strides = array<i32>} : memref<200x64xf32, #tpu.memory_space<vmem>>, vector<1x16xf32>,
      %add3A_684 = arith.constant 3 : i32
      %add3A_685 = arith.addi %add3A_415, %add3A_684 : i32
      %get3A_686 = arith.index_cast %add3A_685 : i32 to index
      %get3A_687 = arith.constant 48 : index
      %get3A_688 = tpu.vector_load %arg11[%get3A_686, %get3A_687] {strides = array<i32>} : memref<200x64xf32, #tpu.memory_space<vmem>>, vector<1x16xf32>,
      %get3A_689 = vector.shape_cast %get3A_688 : vector<1x16xf32> to vector<16xf32>
      %add3A_690 = arith.constant 3 : i32
      %add3A_691 = arith.addi %add3A_415, %add3A_690 : i32
      %get3A_692 = arith.index_cast %add3A_691 : i32 to index
      %get3A_693 = arith.constant 48 : index
      %get3A_694 = tpu.vector_load %arg7[%get3A_692, %get3A_693] {strides = array<i32>} : memref<200x64xf32, #tpu.memory_space<vmem>>, vector<1x16xf32>,
      %get3A_695 = vector.shape_cast %get3A_694 : vector<1x16xf32> to vector<16xf32>
      %add3A_696 = arith.addf %get3A_689, %get3A_695 : vector<16xf32>
      %swap3A_697 = arith.index_cast %add3A_685 : i32 to index
      %swap3A_698 = arith.constant 48 : index
      %swap3A_699 = tpu.vector_load %arg11[%swap3A_697, %swap3A_698] {strides = array<i32>} : memref<200x64xf32, #tpu.memory_space<vmem>>, vector<1x16xf32>,
      %swap3A_700 = vector.shape_cast %swap3A_699 : vector<1x16xf32> to vector<16xf32>
      %swap3A_701 = vector.shape_cast %add3A_696 : vector<16xf32> to vector<1x16xf32>
      tpu.vector_store %arg11[%swap3A_697, %swap3A_698], %swap3A_701 {strides = array<i32>} : memref<200x64xf32, #tpu.memory_space<vmem>>, vector<1x16xf32>,
    }
    %scan3A_374 = arith.constant 50 : i32
    %mul3A_375 = arith.constant 128 : i32
    %mul3A_376 = arith.muli %add3A, %mul3A_375 : i32
    %add3A_377 = arith.constant 127 : i32
    %add3A_378 = arith.addi %mul3A_376, %add3A_377 : i32
    %dma_start3A_379 = arith.constant 0 : i32
    %dma_start3A_380 = arith.constant 0 : i32
    %dma_start3A_381 = tpu.memref_slice %arg5[%add3A_378, %dma_start3A_379, %dma_start3A_380] : memref<4096x200x64xf32, #tpu.memory_space<hbm>> -> memref<1x200x64xf32, #tpu.memory_space<hbm>>
    %dma_start3A_382 = tpu.memref_squeeze %dma_start3A_381 : memref<1x200x64xf32, #tpu.memory_space<hbm>> -> memref<200x64xf32, #tpu.memory_space<hbm>>
    %dma_start3A_383 = arith.constant 0 : i32
    %dma_start3A_384 = arith.constant 0 : i32
    %dma_start3A_385 = tpu.memref_slice %arg5[%add3A_378, %dma_start3A_383, %dma_start3A_384] : memref<4096x200x64xf32, #tpu.memory_space<hbm>> -> memref<1x200x64xf32, #tpu.memory_space<hbm>>
    %dma_start3A_386 = tpu.memref_squeeze %dma_start3A_385 : memref<1x200x64xf32, #tpu.memory_space<hbm>> -> memref<200x64xf32, #tpu.memory_space<hbm>>
    tpu.enqueue_dma source(%arg11 : memref<200x64xf32, #tpu.memory_space<vmem>>) target(%dma_start3A_386 : memref<200x64xf32, #tpu.memory_space<hbm>>) target_semaphore(%arg19 : memref<!tpu.dma_semaphore, #tpu.memory_space<semaphore_mem>>)
    %dma_wait3A_387 = arith.constant 0 : i32
    %dma_wait3A_388 = arith.constant 0 : i32
    %dma_wait3A_389 = tpu.memref_slice %arg3[%dma_wait3A_387, %dma_wait3A_388] : memref<1000000x64xf32, #tpu.memory_space<hbm>> -> memref<200x64xf32, #tpu.memory_space<hbm>>
    %dma_wait3A_390 = arith.constant 0 : i32
    %dma_wait3A_391 = arith.constant 0 : i32
    %dma_wait3A_392 = tpu.memref_slice %arg3[%dma_wait3A_390, %dma_wait3A_391] : memref<1000000x64xf32, #tpu.memory_space<hbm>> -> memref<200x64xf32, #tpu.memory_space<hbm>>
    tpu.wait_dma2 semaphore(%arg16 : memref<!tpu.dma_semaphore, #tpu.memory_space<semaphore_mem>>) src(%dma_wait3A_392 : memref<200x64xf32, #tpu.memory_space<hbm>>) dst(%arg8 : memref<200x64xf32, #tpu.memory_space<vmem>>)
    %dma_wait3A_393 = arith.constant 0 : i32
    %dma_wait3A_394 = arith.constant 0 : i32
    %dma_wait3A_395 = tpu.memref_slice %arg3[%dma_wait3A_393, %dma_wait3A_394] : memref<1000000x64xf32, #tpu.memory_space<hbm>> -> memref<200x64xf32, #tpu.memory_space<hbm>>
    %dma_wait3A_396 = arith.constant 0 : i32
    %dma_wait3A_397 = arith.constant 0 : i32
    %dma_wait3A_398 = tpu.memref_slice %arg3[%dma_wait3A_396, %dma_wait3A_397] : memref<1000000x64xf32, #tpu.memory_space<hbm>> -> memref<200x64xf32, #tpu.memory_space<hbm>>
    tpu.wait_dma2 semaphore(%arg17 : memref<!tpu.dma_semaphore, #tpu.memory_space<semaphore_mem>>) src(%dma_wait3A_398 : memref<200x64xf32, #tpu.memory_space<hbm>>) dst(%arg9 : memref<200x64xf32, #tpu.memory_space<vmem>>)
    %dma_wait3A_399 = arith.constant 0 : i32
    %dma_wait3A_400 = arith.constant 0 : i32
    %dma_wait3A_401 = tpu.memref_slice %arg3[%dma_wait3A_399, %dma_wait3A_400] : memref<1000000x64xf32, #tpu.memory_space<hbm>> -> memref<200x64xf32, #tpu.memory_space<hbm>>
    %dma_wait3A_402 = arith.constant 0 : i32
    %dma_wait3A_403 = arith.constant 0 : i32
    %dma_wait3A_404 = tpu.memref_slice %arg3[%dma_wait3A_402, %dma_wait3A_403] : memref<1000000x64xf32, #tpu.memory_space<hbm>> -> memref<200x64xf32, #tpu.memory_space<hbm>>
    tpu.wait_dma2 semaphore(%arg18 : memref<!tpu.dma_semaphore, #tpu.memory_space<semaphore_mem>>) src(%dma_wait3A_404 : memref<200x64xf32, #tpu.memory_space<hbm>>) dst(%arg10 : memref<200x64xf32, #tpu.memory_space<vmem>>)
    %dma_wait3A_405 = arith.constant 0 : i32
    %dma_wait3A_406 = arith.constant 0 : i32
    %dma_wait3A_407 = tpu.memref_slice %arg3[%dma_wait3A_405, %dma_wait3A_406] : memref<1000000x64xf32, #tpu.memory_space<hbm>> -> memref<200x64xf32, #tpu.memory_space<hbm>>
    %dma_wait3A_408 = arith.constant 0 : i32
    %dma_wait3A_409 = arith.constant 0 : i32
    %dma_wait3A_410 = tpu.memref_slice %arg3[%dma_wait3A_408, %dma_wait3A_409] : memref<1000000x64xf32, #tpu.memory_space<hbm>> -> memref<200x64xf32, #tpu.memory_space<hbm>>
    tpu.wait_dma2 semaphore(%arg19 : memref<!tpu.dma_semaphore, #tpu.memory_space<semaphore_mem>>) src(%dma_wait3A_410 : memref<200x64xf32, #tpu.memory_space<hbm>>) dst(%arg11 : memref<200x64xf32, #tpu.memory_space<vmem>>)
    return
  }
}

</mosaic_0001>

<sc_bundles>
// kernel: _encoder_sc.3.cloned.1.call-start
scs
__scs_entry_jumppad:
0x0: {  	(pc) =	sbr.rel $0x88, $3  }
0x1: {  	(tag) =	ssettag $0x0;
	lr =	simm.s32 $0x1  }
0x2: {  	[smem:$0x3F9E] =	sst lr;
	_ =	strace $0xD0000000  }
0x3: {  	_ = 	snop  }
0x4: {  	_ = 	snop  }
0x5: {  	_ = 	snop  }
0x6: {  	_ = 	snop  }
0x7: {  	_ = 	snop  }
__scs_overlays_trampoline_lowered:
0x8: {  	[smem:$0x3FAD] =	sst s0  }
0x9: {  	[smem:$0x3FAE] =	sst s1  }
0xa: {  	[smem:$0x3FAF] =	sst s2  }
0xb: {  	[smem:$0x3FB0] =	sst s3  }
0xc: {  	[smem:$0x3FB1] =	sst s4  }
0xd: {  	[smem:$0x3FB2] =	sst s5  }
0xe: {  	[smem:$0x3FB3] =	sst s6  }
0xf: {  	[smem:$0x3FB4] =	sst s7  }
0x10: {  	[smem:$0x3FB5] =	sst s8  }
0x11: {  	[smem:$0x3FB6] =	sst s9;
	s0 =	simm.s32 @!p0 $0x0  }
0x12: {  	s1 =	sld [smem:$0x3F9C];
	s0 =	simm.s32 @p0 $0x1  }
0x13: {  	[smem:$0x3FB7] =	sst s0;
	s0 =	simm.s32 @!p1 $0x0  }
0x14: {  	s2 =	sld [smem:$0x3F9B];
	s0 =	simm.s32 @p1 $0x1  }
0x15: {  	[smem:$0x3FB8] =	sst s0;
	s0 =	simm.s32 @!p2 $0x0  }
0x16: {  	s3 =	sld [smem:$0x3FDB];
	s0 =	simm.s32 @p2 $0x1  }
0x17: {  	s4 =	simm.s32 $0x1BF5;
	[smem:$0x3FBA] =	sst s0  }
0x18: {  	s0 =	sld [smem:$0x3F9D];
	_ =	swait.ge [sflag:s4], $0x0  }
0x19: {  	s7 =	sld [smem:$0x3F9E]  }
0x1a: {  	s8 =	sadd.s32 $0xFFFFE003, lr  }
0x1b: {  	s9 =	sadd.s32 $0xFFFFFEF7, lr;
	s5 =	simm.s32 $0xFFFFFFFF;
	p2 =	slt.u32 s8, $0xFFFFF086  }
0x1c: {  	p1 =	slt.u32 s9, $0xF7A;
	s5 =	simm.s32 @!p2 $0x0  }
0x1d: {  	s5 =	simm.s32 @p1 $0x1;
	p0 =	seq.s32 s7, s2  }
0x1e: {  	s7 =	smul.u32 @!p0 $0xF7A, s2;
	p2 =	seq.s32 @!p0 s5, $0x0  }
0x1f: {  	s9 =	smul.u32 $0xF7A, s1;
	s8 =	simm.s32 @!p0 $0x1BF5;
	p2 =	por !p2, p0  }
0x20: {  	[sflag:s8] =	ssyncset.s32 @!p0 $0xFFFFF086;
	s6 =	sadd.s32 @!p0 s3, s7;
	s7 =	simm.s32 @!p0 $0x108  }
0x21: {  	s3 =	sadd.s32 s3, s9;
	s6 =	sadd.s32 @!p0 $0x88, s6;
	s7 =	simm.s32 @p2 $0x1082  }
0x22: {  	[simem:s7], [sflag:s8] =	dma.local @!p0 [hbm:s6], $0xF7A  }
0x23: {  	s9 =	sor.u32 $0xD0000000, s2;
	s6 =	simm.s32 $0x108;
	_ =	swait.ge @!p0 [sflag:s8], $0x0  }
0x24: {  	s3 =	sadd.s32 $0x88, s3;
	s6 =	simm.s32 @!p1 $0x1082;
	[sflag:s4] =	ssyncset.s32 $0xFFFFF086  }
0x25: {  	[simem:s6], [sflag:s4] =	dma.local [hbm:s3], $0xF7A  }
0x26: {  	[smem:$0x3F9E] =	sst s1;
	(tag) =	ssettag s2;
	_ =	strace s9  }
0x27: {  	s1 =	sld [smem:$0x3FAE]  }
0x28: {  	s2 =	sld [smem:$0x3FAF]  }
0x29: {  	s4 =	sld [smem:$0x3FB1]  }
0x2a: {  	p0 =	seq.s32 s5, $0x0;
	s5 =	sld [smem:$0x3FB2]  }
0x2b: {  	s6 =	sld [smem:$0x3FB3]  }
0x2c: {  	s7 =	sld [smem:$0x3FB4]  }
0x2d: {  	s3 =	simm.s32 $0x108;
	s8 =	sld [smem:$0x3FB5]  }
0x2e: {  	s3 =	simm.s32 @!p0 $0x1082;
	s9 =	sld [smem:$0x3FB6]  }
0x2f: {  	lr =	sadd.s32 s0, s3;
	s0 =	sld [smem:$0x3FAD]  }
0x30: {  	s3 =	sld [smem:$0x3FB0]  }
0x31: {  	[smem:$0x3FB9] =	sst s10  }
0x32: {  	s10 =	sld [smem:$0x3FB7];
	_ =	sdelay $0x3  }
0x33: {  	p0 =	seq.s32 s10, $0x1;
	s10 =	sld [smem:$0x3FB9];
	_ =	sdelay $0x3  }
0x34: {  	[smem:$0x3FB9] =	sst s10  }
0x35: {  	s10 =	sld [smem:$0x3FB8];
	_ =	sdelay $0x3  }
0x36: {  	p1 =	seq.s32 s10, $0x1;
	s10 =	sld [smem:$0x3FB9];
	_ =	sdelay $0x3  }
0x37: {  	[smem:$0x3FB9] =	sst s10  }
0x38: {  	s10 =	sld [smem:$0x3FBA]  }
0x39: {  	_ = 	snop;
	(pc) =	sbr.ind lr, $3  }
0x3a: {  	_ = 	snop  }
0x3b: {  	_ = 	snop  }
0x3c: {  	p2 =	seq.s32 s10, $0x1;
	s10 =	sld [smem:$0x3FB9]  }
0x3d: {  	_ =	shalt  }
0x3e: {  	_ =	shalt  }
0x3f: {  	_ =	shalt  }
0x40: {  	_ =	shalt  }
0x41: {  	_ =	shalt  }
0x42: {  	_ =	shalt  }
0x43: {  	_ =	shalt  }
0x44: {  	_ =	shalt  }
0x45: {  	_ =	shalt  }
0x46: {  	_ =	shalt  }
0x47: {  	_ =	shalt  }
0x48: {  	_ =	shalt  }
0x49: {  	_ =	shalt  }
0x4a: {  	_ =	shalt  }
0x4b: {  	_ =	shalt  }
0x4c: {  	_ =	shalt  }
0x4d: {  	_ =	shalt  }
0x4e: {  	_ =	shalt  }
0x4f: {  	_ =	shalt  }
0x50: {  	_ =	shalt  }
0x51: {  	_ =	shalt  }
0x52: {  	_ =	shalt  }
0x53: {  	_ =	shalt  }
0x54: {  	_ =	shalt  }
0x55: {  	_ =	shalt  }
0x56: {  	_ =	shalt  }
0x57: {  	_ =	shalt  }
0x58: {  	_ =	shalt  }
0x59: {  	_ =	shalt  }
0x5a: {  	_ =	shalt  }
0x5b: {  	_ =	shalt  }
0x5c: {  	_ =	shalt  }
0x5d: {  	_ =	shalt  }
0x5e: {  	_ =	shalt  }
0x5f: {  	_ =	shalt  }
0x60: {  	_ =	shalt  }
0x61: {  	_ =	shalt  }
0x62: {  	_ =	shalt  }
0x63: {  	_ =	shalt  }
0x64: {  	_ =	shalt  }
0x65: {  	_ =	shalt  }
0x66: {  	_ =	shalt  }
0x67: {  	_ =	shalt  }
0x68: {  	_ =	shalt  }
0x69: {  	_ =	shalt  }
0x6a: {  	_ =	shalt  }
0x6b: {  	_ =	shalt  }
0x6c: {  	_ =	shalt  }
0x6d: {  	_ =	shalt  }
0x6e: {  	_ =	shalt  }
0x6f: {  	_ =	shalt  }
0x70: {  	_ =	shalt  }
0x71: {  	_ =	shalt  }
0x72: {  	_ =	shalt  }
0x73: {  	_ =	shalt  }
0x74: {  	_ =	shalt  }
0x75: {  	_ =	shalt  }
0x76: {  	_ =	shalt  }
0x77: {  	_ =	shalt  }
0x78: {  	_ =	shalt  }
0x79: {  	_ =	shalt  }
0x7a: {  	_ =	shalt  }
0x7b: {  	_ =	shalt  }
0x7c: {  	_ =	shalt  }
0x7d: {  	_ =	shalt  }
0x7e: {  	_ =	shalt  }
0x7f: {  	_ =	shalt  }
0x80: {  	_ =	shalt  }
0x81: {  	_ =	shalt  }
0x82: {  	_ =	shalt  }
0x83: {  	_ =	shalt  }
0x84: {  	_ =	shalt  }
0x85: {  	_ =	shalt  }
0x86: {  	_ =	shalt  }
0x87: {  	_ =	shalt  }
.Lfunc_end0:
.L_simem_size_0:
called_computation.1_lowered:
.L_overlay_start_0:
0x88: {  	s2 =	sld [smem:$0x3FD9]  }
0x89: {  	s3 =	sld [smem:$0x3FFE];
	_ =	sdelay $0x1  }
0x8a: {  	s1 =	srdreg.scid  }
0x8b: {  	s0 =	sand.u32 $0x1, s1  }
0x8c: {  	s17 =	sshll.u32 s0, $0xA;
	s2 =	sadd.s32 s3, s2  }
0x8d: {  	s2 =	sadd.s32 s2, s17  }
0x8e: {  	[smem:$0x3FC5] =	sst s2  }
0x8f: {  	_ = 	snop  }
0x90: {  	s2 =	sld [smem:$0x3FD0];
	(tm) =	ssettm $0x1  }
0x91: {  	s18 =	sld [smem:$0x3FFB];
	_ =	sdelay $0x3  }
0x92: {  	_ =	strace s18  }
0x93: {  	s3 =	sld [smem:$0x3FFC];
	_ =	sdelay $0x3  }
0x94: {  	_ =	strace s3  }
0x95: {  	s3 =	sld [smem:$0x3FFD];
	_ =	sdelay $0x3  }
0x96: {  	_ =	strace s3  }
0x97: {  	_ =	strace $0x8FFFFFFF  }
0x98: {  	s19 =	sld [smem:$0x3FDB];
	_ =	sdelay $0x1  }
0x99: {  	s4 =	simm.s32 $_scs_section_size  }
0x9a: {  	s5 =	simm.s32 $_size__tile_overlayer_lowered;
	s6 =	simm.s32 $_tile_overlayer_lowered  }
0x9b: {  	s22 =	simm.s32 $0x1BFF;
	s21 =	sshll.u32 s6, $0x1;
	s3 =	sadd.s32 s4, s19  }
0x9c: {  	s7 =	simm.s32 $0x0;
	s20 =	sshll.u32 s5, $0x1;
	s5 =	sadd.s32 s21, s3  }
0x9d: {  	[timem:s7], [sflag:s22] =	dma.local [hbm:s5], s20  }
0x9e: {  	_ =	swait.ge [sflag:s22], s20  }
0x9f: {  	s4 =	ssub.s32 $0x0, s20;
	[sflag:s22] =	ssyncset.done $0x0  }
0xa0: {  	[sflag:s22] =	ssyncadd.s32 s4;
	_ =	sdelay $0x1  }
0xa1: {  	s23 =	simm.s32 $0x1B8B  }
0xa2: {  	_ =	swait.ge [sflag:s23], $0x1  }
0xa3: {  	[sflag:s23] =	ssyncset.done $0x0  }
0xa4: {  	s25 =	simm.s32 $0x1B8E;
	s24 =	sld [smem:$0x3FFE];
	[sflag:s23] =	ssyncadd.s32 $0xFFFFFFFF  }
0xa5: {  	s26 =	simm.s32 $execute0_lowered;
	[smem:$0x3FD2] =	sst s25  }
0xa6: {  	s5 =	sshll.u32 s26, $0x1;
	_ =	strace $0x80000046;
	[dreg:$0x1] =	wrdreg $0xFFFFFFFF  }
0xa7: {  	s28 =	simm.s32 $_size_execute0_lowered;
	s3 =	sadd.s32 s3, s5;
	[dreg:$0x0] =	wrdreg $0x0  }
0xa8: {  	s5 =	sshll.u32 s28, $0x1;
	[dreg:$0x2] =	wrdreg s3  }
0xa9: {  	[dreg:$0x3] =	wrdreg s5  }
0xaa: {  	[dreg:$0x4] =	wrdreg $0xC0  }
0xab: {  	_ =	task [dreg:s7], $0x5FFFF  }
0xac: {  	[dreg:$0x1] =	wrdreg $0xFFFFFFFF  }
0xad: {  	[dreg:$0x0] =	wrdreg $0x60  }
0xae: {  	[dreg:$0x2] =	wrdreg s24  }
0xaf: {  	[dreg:$0x3] =	wrdreg s2  }
0xb0: {  	[dreg:$0x4] =	wrdreg $0x9  }
0xb1: {  	_ =	task.clear_ibuf [dreg:s7], $0x5FFFF;
	_ =	strace $0x90000046  }
0xb2: {  	s29 =	simm.s32 $0x9;
	_ =	strace $0x80000048  }
0xb3: {  	_ =	swait.ge [sflag:s29], $0x1  }
0xb4: {  	[sflag:s29] =	ssyncadd.s32 $0xFFFFFFFF  }
0xb5: {  	_ =	strace $0x90000048  }
0xb6: {  	_ =	sfence  }
0xb7: {  	s30 =	sld [smem:$0x0];
	_ =	sdelay $0x2  }
0xb8: {  	s31 =	sshll.u32 s1, $0xD;
	s1 =	sshrl.u32 s1, $0x2  }
0xb9: {  	s3 =	sand.u32 $0x4000, s31;
	s1 =	sadd.s32 s1, s30  }
0xba: {  	s0 =	sor.u32 s3, s0;
	s1 =	sshll.u32 s1, $0x11  }
0xbb: {  	s0 =	sor.u32 s1, s0  }
0xbc: {  	s0 =	sadd.s32 $0x8F2B, s0  }
0xbd: {  	[sflag:s0] =	ssyncadd.remote.s32 $0x1  }
0xbe: {  	_ =	sfence.sel $0xFFFF  }
0xbf: {  	[dreg:$0x0] =	wrdreg $0xFFFFFFFF;
	(pc) =	sbr.abs _section_cstart, $3  }
0xc0: {  	[dreg:$0x1] =	wrdreg $0xFFFFFFFF  }
0xc1: {  	_ =	task.clear_ibuf [dreg:s7], $0x2FFFF;
	_ =	strace $0x9FFFFFFF  }
0xc2: {  	(tm) =	ssettm $0x7FFFFFFF  }
0xc3: {  	_ =	shalt  }
tec
execute0_lowered:
.L_overlay_start_1:
0x0: {  	(tag) =	ssettag $0x1  }
0x1: {  	s0 =	rddreg [dreg:$0x0]  }
0x2: {  	s1 =	srdreg.scid;
	s3 =	stileid.u32  }
0x3: {  	s2 =	rddreg [dreg:$0x1];
	s28 =	simm.s32 $0xE500;
	s30 =	simm.s32 $0xFE00  }
0x4: {  	s29 =	simm.s32 $0x2;
	s1 =	sand.u32 $0x1, s1;
	s4 =	sshll.u32 s3, $0x1  }
0x5: {  	s31 =	simm.s32 $0x5;
	s10 =	simm.s32 $0x0;
	s5 =	sor.u32 s1, s4  }
0x6: {  	s3 =	simm.s32 $0x0;
	s1 =	ssub.s32 $0x2, s1;
	s4 =	smul.u32 $0xD00, s5  }
0x7: {  	[smem:$0x7FF] =	sst s3;
	s8 =	smul.u32 $0x32000, s5;
	s7 =	sshrl.u32 s1, $0x1  }
0x8: {  	_ =	strace $0x80000047;
	s9 =	smul.u32 $0x190000, s5;
	s18 =	ssub.s32 s1, s7  }
0x9: {  	s7 =	sshll.u32 s5, $0x7;
	s6 =	sadd.s32 s4, s0;
	s4 =	sadd.s32 $0xF43000, s0  }
0xa: {  	s0 =	sadd.s32 $0x1AC00, s0;
	s20 =	sadd.s32 s2, s8;
	s21 =	sshrl.u32 s9, $0x3  }
0xb: {  	s12 =	sor.u32 $0x1, s7;
	s9 =	simm.s32 $0x8;
	[dreg:$0x3] =	wrdreg s0  }
0xc: {  	s19 =	sadd.s32 $0xC00, s6;
	s22 =	sadd.s32 $0x640, s20;
	[dreg:$0x5] =	wrdreg s20  }
0xd: {  	s23 =	sadd.s32 $0xC80, s20;
	s1 =	sadd.s32 s2, s21;
	[dreg:$0x4] =	wrdreg s19  }
0xe: {  	s5 =	sadd.s32 $0x12C0, s20;
	s0 =	smax.u32 s18, $0x1;
	[dreg:$0x6] =	wrdreg s22  }
0xf: {  	s20 =	simm.s32 $0x64;
	s21 =	simm.s32 $0x9A00;
	[dreg:$0x7] =	wrdreg s23  }
0x10: {  	s18 =	simm.s32 $0x3;
	s6 =	simm.s32 $0x7;
	[dreg:$0x8] =	wrdreg s5  }
0x11: {  	s24 =	sadd.s32 $0x30700, s1;
	s25 =	sadd.s32 $0x30D40, s1;
	[dreg:$0xd] =	wrdreg s0  }
0x12: {  	s26 =	sadd.s32 $0x31380, s1;
	s1 =	sadd.s32 $0x319C0, s1;
	[dreg:$0x9] =	wrdreg s24  }
0x13: {  	s19 =	simm.s32 $0x9;
	s23 =	simm.s32 $0xB300;
	[dreg:$0xa] =	wrdreg s25  }
0x14: {  	s0 =	simm.s32 $0x1;
	s22 =	simm.s32 $0x13000;
	[dreg:$0xb] =	wrdreg s26  }
0x15: {  	s5 =	simm.s32 $0x4;
	[dreg:$0xc] =	wrdreg s1;
	s25 =	simm.s32 $0xCC00  }
0x16: {  	s1 =	simm.s32 $0x11700;
	s26 =	simm.s32 $0x14900;
	s24 =	simm.s32 $0x6  }
.LBB2_1:
0x17: {  	s8 =	rddreg [dreg:$0x3];
	s11 =	simm.s32 $0x6800  }
0x18: {  	[tilespmem:s11], [sflag:$0x9] =	stream.linear.gather [hbm4b:s8+s3], $0x3200, $0x38;
	[tilespmem:$0x16200] =	vst v63  }
0x19: {  	_ =	swait.ge [sflag:s19], $0x3200  }
0x1a: {  	[sflag:s19] =	ssyncset.done $0x0  }
0x1b: {  	s11 =	rddreg [dreg:$0x4];
	[sflag:s19] =	ssyncadd.s32 $0xFFFFCE00  }
0x1c: {  	[tilespmem:s3], [sflag:$0x9] =	stream.linear.gather [hbm4b:s11+s3], $0x6800, $0x38;
	[tilespmem:$0x16200] =	vst v63  }
0x1d: {  	_ =	swait.ge [sflag:s19], $0x6800  }
0x1e: {  	[sflag:s19] =	ssyncset.done $0x0  }
0x1f: {  	[sflag:s19] =	ssyncadd.s32 $0xFFFF9800  }
0x20: {  	[tilespmem:s21], [sflag:$0x1] =	stream.indirect.gather [hbm4b:s4+s20], $0x40, s3, s20, $0xb8;
	[tilespmem:$0x16200] =	vst v63  }
0x21: {  	s13 =	simm.s32 $0x68  }
0x22: {  	[tilespmem:s23], [sflag:$0x1] =	stream.indirect.gather [hbm4b:s4+s20], $0x40, s13, s20, $0xb8;
	[tilespmem:$0x16200] =	vst v63  }
0x23: {  	s14 =	simm.s32 $0xD0  }
0x24: {  	[tilespmem:s25], [sflag:$0x2] =	stream.indirect.gather [hbm4b:s4+s20], $0x40, s14, s20, $0xb8;
	[tilespmem:$0x16200] =	vst v63  }
0x25: {  	s15 =	simm.s32 $0x138  }
0x26: {  	[tilespmem:s28], [sflag:$0x2] =	stream.indirect.gather [hbm4b:s4+s20], $0x40, s15, s20, $0xb8;
	[tilespmem:$0x16200] =	vst v63  }
0x27: {  	s16 =	simm.s32 $0x1A0  }
0x28: {  	[tilespmem:s30], [sflag:$0x3] =	stream.indirect.gather [hbm4b:s4+s20], $0x40, s16, s20, $0xb8;
	[tilespmem:$0x16200] =	vst v63  }
0x29: {  	s17 =	simm.s32 $0x208  }
0x2a: {  	[tilespmem:s1], [sflag:$0x3] =	stream.indirect.gather [hbm4b:s4+s20], $0x40, s17, s20, $0xb8;
	[tilespmem:$0x16200] =	vst v63  }
0x2b: {  	_ =	swait.ge [sflag:s0], $0x3200  }
0x2c: {  	[sflag:s0] =	ssyncset.done $0x0  }
0x2d: {  	s11 =	simm.s32 $0x0;
	[sflag:s0] =	ssyncadd.s32 $0xFFFFCE00  }
0x2e: {  	v6 =	vld [tilespmem:s11+$0x6800]  }
0x2f: {  	v7 =	vld [tilespmem:s11+$0x6810]  }
0x30: {  	v8 =	vld [tilespmem:s11+$0x6820]  }
0x31: {  	v9 =	vld [tilespmem:s11+$0x6830]  }
0x32: {  	v10 =	vld [tilespmem:s11+$0x6840]  }
0x33: {  	v11 =	vld [tilespmem:s11+$0x6850]  }
0x34: {  	v12 =	vld [tilespmem:s11+$0x6860]  }
0x35: {  	v13 =	vld [tilespmem:s11+$0x6870]  }
0x36: {  	v14 =	vld [tilespmem:s11+$0x6880]  }
0x37: {  	v15 =	vld [tilespmem:s11+$0x6890]  }
0x38: {  	v5 =	vld [tilespmem:s11+$0x68A0]  }
0x39: {  	v4 =	vld [tilespmem:s11+$0x68B0]  }
0x3a: {  	v3 =	vld [tilespmem:s11+$0x68C0]  }
0x3b: {  	v2 =	vld [tilespmem:s11+$0x68D0]  }
0x3c: {  	v1 =	vld [tilespmem:s11+$0x68E0]  }
0x3d: {  	v0 =	vld [tilespmem:s11+$0x68F0]  }
0x3e: {  	v16 =	vld [tilespmem:s11+$0x9A00]  }
0x3f: {  	v17 =	vld [tilespmem:s11+$0x9A10]  }
0x40: {  	v18 =	vld [tilespmem:s11+$0x9A20]  }
0x41: {  	v19 =	vld [tilespmem:s11+$0x9A30]  }
0x42: {  	v20 =	vld [tilespmem:s11+$0x9A40]  }
0x43: {  	v60 =	vld [tilespmem:s11+$0x9A50];
	v6 =	vadd.f32 v6, v16  }
0x44: {  	v21 =	vld [tilespmem:s11+$0x9A60];
	v7 =	vadd.f32 v7, v17  }
0x45: {  	v61 =	vld [tilespmem:s11+$0x9A70];
	[tilespmem:s11+$0x9A00] =	vst v6;
	v6 =	vadd.f32 v8, v18  }
0x46: {  	v62 =	vld [tilespmem:s11+$0x9A80];
	[tilespmem:s11+$0x9A10] =	vst v7;
	v7 =	vadd.f32 v9, v19  }
0x47: {  	v63 =	vld [tilespmem:s11+$0x9A90];
	[tilespmem:s11+$0x9A20] =	vst v6;
	v6 =	vadd.f32 v10, v20  }
0x48: {  	v8 =	vadd.f32 v11, v60;
	[tilespmem:s11+$0x9A30] =	vst v7;
	v7 =	vld [tilespmem:s11+$0x9AA0]  }
0x49: {  	v9 =	vadd.f32 v12, v21;
	[tilespmem:s11+$0x9A40] =	vst v6;
	v6 =	vld [tilespmem:s11+$0x9AB0]  }
0x4a: {  	[tilespmem:s11+$0x9A50] =	vst v8;
	v8 =	vld [tilespmem:s11+$0x9AC0];
	v10 =	vadd.f32 v13, v61  }
0x4b: {  	v12 =	vadd.f32 v14, v62;
	[tilespmem:s11+$0x9A60] =	vst v9;
	v9 =	vld [tilespmem:s11+$0x9AD0]  }
0x4c: {  	s13 =	simm.s32 $0x400;
	v11 =	vadd.f32 v15, v63;
	[tilespmem:s11+$0x9A70] =	vst v10;
	v10 =	vld [tilespmem:s11+$0x9AE0]  }
.LBB2_2:
0x4d: {  	s14 =	sshra.s32 s13, $0x2;
	p0 =	sne.s32 s13, $0xC400;
	[tilespmem:s11+$0x9A80] =	vst v12;
	v5 =	vadd.f32 v5, v7;
	v7 =	vld [tilespmem:s11+$0x9AF0]  }
0x4e: {  	v12 =	vld [tilespmem:s14+$0x6800];
	[tilespmem:s11+$0x9A90] =	vst v11;
	v4 =	vadd.f32 v4, v6  }
0x4f: {  	v6 =	vld [tilespmem:s14+$0x6810];
	[tilespmem:s11+$0x9AA0] =	vst v5;
	v3 =	vadd.f32 v3, v8  }
0x50: {  	v8 =	vld [tilespmem:s14+$0x6820];
	[tilespmem:s11+$0x9AB0] =	vst v4;
	v2 =	vadd.f32 v2, v9  }
0x51: {  	v9 =	vld [tilespmem:s14+$0x6830];
	[tilespmem:s11+$0x9AC0] =	vst v3;
	v1 =	vadd.f32 v1, v10  }
0x52: {  	v10 =	vld [tilespmem:s14+$0x6840];
	[tilespmem:s11+$0x9AD0] =	vst v2;
	v0 =	vadd.f32 v0, v7  }
0x53: {  	v7 =	vld [tilespmem:s14+$0x6850];
	[tilespmem:s11+$0x9AE0] =	vst v1  }
0x54: {  	v11 =	vld [tilespmem:s14+$0x6860];
	[tilespmem:s11+$0x9AF0] =	vst v0;
	s11 =	smov.u32 s14  }
0x55: {  	v13 =	vld [tilespmem:s11+$0x6870]  }
0x56: {  	v14 =	vld [tilespmem:s11+$0x6880]  }
0x57: {  	v15 =	vld [tilespmem:s11+$0x6890]  }
0x58: {  	v5 =	vld [tilespmem:s11+$0x68A0]  }
0x59: {  	v4 =	vld [tilespmem:s11+$0x68B0]  }
0x5a: {  	v3 =	vld [tilespmem:s11+$0x68C0]  }
0x5b: {  	v2 =	vld [tilespmem:s11+$0x68D0]  }
0x5c: {  	v1 =	vld [tilespmem:s11+$0x68E0]  }
0x5d: {  	v0 =	vld [tilespmem:s11+$0x68F0]  }
0x5e: {  	v16 =	vld [tilespmem:s11+$0x9A00]  }
0x5f: {  	v17 =	vld [tilespmem:s11+$0x9A10]  }
0x60: {  	v18 =	vld [tilespmem:s11+$0x9A20]  }
0x61: {  	v19 =	vld [tilespmem:s11+$0x9A30]  }
0x62: {  	v20 =	vld [tilespmem:s11+$0x9A40]  }
0x63: {  	v12 =	vadd.f32 v12, v16;
	v16 =	vld [tilespmem:s11+$0x9A50]  }
0x64: {  	v6 =	vadd.f32 v6, v17;
	v17 =	vld [tilespmem:s11+$0x9A60]  }
0x65: {  	[tilespmem:s11+$0x9A00] =	vst v12;
	v8 =	vadd.f32 v8, v18;
	v12 =	vld [tilespmem:s11+$0x9A70]  }
0x66: {  	[tilespmem:s11+$0x9A10] =	vst v6;
	v6 =	vadd.f32 v9, v19;
	v9 =	vld [tilespmem:s11+$0x9A80]  }
0x67: {  	[tilespmem:s11+$0x9A20] =	vst v8;
	v8 =	vadd.f32 v10, v20;
	v10 =	vld [tilespmem:s11+$0x9A90]  }
.Ltmp0:
0x68: {  	[tilespmem:s11+$0x9A30] =	vst v6;
	v16 =	vadd.f32 v7, v16;
	v7 =	vld [tilespmem:s11+$0x9AA0];
	(pc) =	sbr.rel @p0 .LBB2_2-.Ltmp0, $4  }
0x69: {  	[tilespmem:s11+$0x9A40] =	vst v8;
	v11 =	vadd.f32 v11, v17;
	v6 =	vld [tilespmem:s11+$0x9AB0]  }
0x6a: {  	[tilespmem:s11+$0x9A50] =	vst v16;
	v13 =	vadd.f32 v13, v12;
	v8 =	vld [tilespmem:s11+$0x9AC0]  }
0x6b: {  	[tilespmem:s11+$0x9A60] =	vst v11;
	v12 =	vadd.f32 v14, v9;
	v9 =	vld [tilespmem:s11+$0x9AD0]  }
0x6c: {  	s13 =	sadd.s32 $0x400, s13;
	[tilespmem:s11+$0x9A70] =	vst v13;
	v11 =	vadd.f32 v15, v10;
	v10 =	vld [tilespmem:s11+$0x9AE0]  }
0x6d: {  	[tilespmem:s11+$0x9A80] =	vst v12;
	v5 =	vadd.f32 v5, v7;
	v7 =	vld [tilespmem:s11+$0x9AF0]  }
0x6e: {  	[tilespmem:s11+$0x9A90] =	vst v11;
	v4 =	vadd.f32 v4, v6  }
0x6f: {  	[tilespmem:s11+$0x9AA0] =	vst v5;
	v3 =	vadd.f32 v3, v8  }
0x70: {  	[tilespmem:s11+$0x9AB0] =	vst v4;
	v2 =	vadd.f32 v2, v9  }
0x71: {  	[tilespmem:s11+$0x9AC0] =	vst v3;
	v1 =	vadd.f32 v1, v10  }
0x72: {  	[tilespmem:s11+$0x9AD0] =	vst v2;
	v0 =	vadd.f32 v0, v7  }
0x73: {  	[tilespmem:s11+$0x9AE0] =	vst v1  }
0x74: {  	s15 =	simm.s32 $0x0;
	s8 =	rddreg [dreg:$0x5];
	[tilespmem:s11+$0x9AF0] =	vst v0  }
0x75: {  	[hbm4b:s8+s15] =	stream.linear.scatter [tilespmem:s21], [sflag:$0x5], $0x3200, $0x38;
	[tilespmem:$0x16200] =	vst v63  }
0x76: {  	s16 =	simm.s32 $0x270  }
0x77: {  	[tilespmem:s22], [sflag:$0x4] =	stream.indirect.gather [hbm4b:s4+s20], $0x40, s16, s20, $0xb8;
	[tilespmem:$0x16200] =	vst v63  }
0x78: {  	s17 =	simm.s32 $0x2D8  }
0x79: {  	[tilespmem:s26], [sflag:$0x4] =	stream.indirect.gather [hbm4b:s4+s20], $0x40, s17, s20, $0xb8;
	[tilespmem:$0x16200] =	vst v63  }
0x7a: {  	_ =	swait.ge [sflag:s29], $0x3200  }
0x7b: {  	[sflag:s29] =	ssyncset.done $0x0  }
0x7c: {  	s11 =	simm.s32 $0x0;
	[sflag:s29] =	ssyncadd.s32 $0xFFFFCE00  }
0x7d: {  	v6 =	vld [tilespmem:s11+$0x6800]  }
0x7e: {  	v7 =	vld [tilespmem:s11+$0x6810]  }
0x7f: {  	v8 =	vld [tilespmem:s11+$0x6820]  }
0x80: {  	v9 =	vld [tilespmem:s11+$0x6830]  }
0x81: {  	v10 =	vld [tilespmem:s11+$0x6840]  }
0x82: {  	v11 =	vld [tilespmem:s11+$0x6850]  }
0x83: {  	v12 =	vld [tilespmem:s11+$0x6860]  }
0x84: {  	v13 =	vld [tilespmem:s11+$0x6870]  }
0x85: {  	v14 =	vld [tilespmem:s11+$0x6880]  }
0x86: {  	v15 =	vld [tilespmem:s11+$0x6890]  }
0x87: {  	v5 =	vld [tilespmem:s11+$0x68A0]  }
0x88: {  	v4 =	vld [tilespmem:s11+$0x68B0]  }
0x89: {  	v3 =	vld [tilespmem:s11+$0x68C0]  }
0x8a: {  	v2 =	vld [tilespmem:s11+$0x68D0]  }
0x8b: {  	v1 =	vld [tilespmem:s11+$0x68E0]  }
0x8c: {  	v0 =	vld [tilespmem:s11+$0x68F0]  }
0x8d: {  	v16 =	vld [tilespmem:s11+$0xCC00]  }
0x8e: {  	v17 =	vld [tilespmem:s11+$0xCC10]  }
0x8f: {  	v18 =	vld [tilespmem:s11+$0xCC20]  }
0x90: {  	v19 =	vld [tilespmem:s11+$0xCC30]  }
0x91: {  	v20 =	vld [tilespmem:s11+$0xCC40]  }
0x92: {  	v60 =	vld [tilespmem:s11+$0xCC50];
	v6 =	vadd.f32 v6, v16  }
0x93: {  	v21 =	vld [tilespmem:s11+$0xCC60];
	v7 =	vadd.f32 v7, v17  }
0x94: {  	v61 =	vld [tilespmem:s11+$0xCC70];
	[tilespmem:s11+$0xCC00] =	vst v6;
	v6 =	vadd.f32 v8, v18  }
0x95: {  	v62 =	vld [tilespmem:s11+$0xCC80];
	[tilespmem:s11+$0xCC10] =	vst v7;
	v7 =	vadd.f32 v9, v19  }
0x96: {  	v63 =	vld [tilespmem:s11+$0xCC90];
	[tilespmem:s11+$0xCC20] =	vst v6;
	v6 =	vadd.f32 v10, v20  }
0x97: {  	v8 =	vadd.f32 v11, v60;
	[tilespmem:s11+$0xCC30] =	vst v7;
	v7 =	vld [tilespmem:s11+$0xCCA0]  }
0x98: {  	v9 =	vadd.f32 v12, v21;
	[tilespmem:s11+$0xCC40] =	vst v6;
	v6 =	vld [tilespmem:s11+$0xCCB0]  }
0x99: {  	[tilespmem:s11+$0xCC50] =	vst v8;
	v8 =	vld [tilespmem:s11+$0xCCC0];
	v10 =	vadd.f32 v13, v61  }
0x9a: {  	v12 =	vadd.f32 v14, v62;
	[tilespmem:s11+$0xCC60] =	vst v9;
	v9 =	vld [tilespmem:s11+$0xCCD0]  }
0x9b: {  	s13 =	simm.s32 $0x400;
	v11 =	vadd.f32 v15, v63;
	[tilespmem:s11+$0xCC70] =	vst v10;
	v10 =	vld [tilespmem:s11+$0xCCE0]  }
.LBB2_4:
0x9c: {  	s14 =	sshra.s32 s13, $0x2;
	p0 =	sne.s32 s13, $0xC400;
	[tilespmem:s11+$0xCC80] =	vst v12;
	v5 =	vadd.f32 v5, v7;
	v7 =	vld [tilespmem:s11+$0xCCF0]  }
0x9d: {  	v12 =	vld [tilespmem:s14+$0x6800];
	[tilespmem:s11+$0xCC90] =	vst v11;
	v4 =	vadd.f32 v4, v6  }
0x9e: {  	v6 =	vld [tilespmem:s14+$0x6810];
	[tilespmem:s11+$0xCCA0] =	vst v5;
	v3 =	vadd.f32 v3, v8  }
0x9f: {  	v8 =	vld [tilespmem:s14+$0x6820];
	[tilespmem:s11+$0xCCB0] =	vst v4;
	v2 =	vadd.f32 v2, v9  }
0xa0: {  	v9 =	vld [tilespmem:s14+$0x6830];
	[tilespmem:s11+$0xCCC0] =	vst v3;
	v1 =	vadd.f32 v1, v10  }
0xa1: {  	v10 =	vld [tilespmem:s14+$0x6840];
	[tilespmem:s11+$0xCCD0] =	vst v2;
	v0 =	vadd.f32 v0, v7  }
0xa2: {  	v7 =	vld [tilespmem:s14+$0x6850];
	[tilespmem:s11+$0xCCE0] =	vst v1  }
0xa3: {  	v11 =	vld [tilespmem:s14+$0x6860];
	[tilespmem:s11+$0xCCF0] =	vst v0;
	s11 =	smov.u32 s14  }
0xa4: {  	v13 =	vld [tilespmem:s11+$0x6870]  }
0xa5: {  	v14 =	vld [tilespmem:s11+$0x6880]  }
0xa6: {  	v15 =	vld [tilespmem:s11+$0x6890]  }
0xa7: {  	v5 =	vld [tilespmem:s11+$0x68A0]  }
0xa8: {  	v4 =	vld [tilespmem:s11+$0x68B0]  }
0xa9: {  	v3 =	vld [tilespmem:s11+$0x68C0]  }
0xaa: {  	v2 =	vld [tilespmem:s11+$0x68D0]  }
0xab: {  	v1 =	vld [tilespmem:s11+$0x68E0]  }
0xac: {  	v0 =	vld [tilespmem:s11+$0x68F0]  }
0xad: {  	v16 =	vld [tilespmem:s11+$0xCC00]  }
0xae: {  	v17 =	vld [tilespmem:s11+$0xCC10]  }
0xaf: {  	v18 =	vld [tilespmem:s11+$0xCC20]  }
0xb0: {  	v19 =	vld [tilespmem:s11+$0xCC30]  }
0xb1: {  	v20 =	vld [tilespmem:s11+$0xCC40]  }
0xb2: {  	v12 =	vadd.f32 v12, v16;
	v16 =	vld [tilespmem:s11+$0xCC50]  }
0xb3: {  	v6 =	vadd.f32 v6, v17;
	v17 =	vld [tilespmem:s11+$0xCC60]  }
0xb4: {  	[tilespmem:s11+$0xCC00] =	vst v12;
	v8 =	vadd.f32 v8, v18;
	v12 =	vld [tilespmem:s11+$0xCC70]  }
0xb5: {  	[tilespmem:s11+$0xCC10] =	vst v6;
	v6 =	vadd.f32 v9, v19;
	v9 =	vld [tilespmem:s11+$0xCC80]  }
0xb6: {  	[tilespmem:s11+$0xCC20] =	vst v8;
	v8 =	vadd.f32 v10, v20;
	v10 =	vld [tilespmem:s11+$0xCC90]  }
.Ltmp1:
0xb7: {  	[tilespmem:s11+$0xCC30] =	vst v6;
	v16 =	vadd.f32 v7, v16;
	v7 =	vld [tilespmem:s11+$0xCCA0];
	(pc) =	sbr.rel @p0 .LBB2_4-.Ltmp1, $4  }
0xb8: {  	[tilespmem:s11+$0xCC40] =	vst v8;
	v11 =	vadd.f32 v11, v17;
	v6 =	vld [tilespmem:s11+$0xCCB0]  }
0xb9: {  	[tilespmem:s11+$0xCC50] =	vst v16;
	v13 =	vadd.f32 v13, v12;
	v8 =	vld [tilespmem:s11+$0xCCC0]  }
0xba: {  	[tilespmem:s11+$0xCC60] =	vst v11;
	v12 =	vadd.f32 v14, v9;
	v9 =	vld [tilespmem:s11+$0xCCD0]  }
0xbb: {  	s13 =	sadd.s32 $0x400, s13;
	[tilespmem:s11+$0xCC70] =	vst v13;
	v11 =	vadd.f32 v15, v10;
	v10 =	vld [tilespmem:s11+$0xCCE0]  }
0xbc: {  	[tilespmem:s11+$0xCC80] =	vst v12;
	v5 =	vadd.f32 v5, v7;
	v7 =	vld [tilespmem:s11+$0xCCF0]  }
0xbd: {  	[tilespmem:s11+$0xCC90] =	vst v11;
	v4 =	vadd.f32 v4, v6  }
0xbe: {  	[tilespmem:s11+$0xCCA0] =	vst v5;
	v3 =	vadd.f32 v3, v8  }
0xbf: {  	[tilespmem:s11+$0xCCB0] =	vst v4;
	v2 =	vadd.f32 v2, v9  }
0xc0: {  	[tilespmem:s11+$0xCCC0] =	vst v3;
	v1 =	vadd.f32 v1, v10  }
0xc1: {  	[tilespmem:s11+$0xCCD0] =	vst v2;
	v0 =	vadd.f32 v0, v7  }
0xc2: {  	[tilespmem:s11+$0xCCE0] =	vst v1  }
0xc3: {  	s15 =	simm.s32 $0x0;
	s8 =	rddreg [dreg:$0x6];
	[tilespmem:s11+$0xCCF0] =	vst v0  }
0xc4: {  	[hbm4b:s8+s15] =	stream.linear.scatter [tilespmem:s25], [sflag:$0x6], $0x3200, $0x38;
	[tilespmem:$0x16200] =	vst v63  }
0xc5: {  	_ =	swait.ge [sflag:s31], $0x3200  }
0xc6: {  	[sflag:s31] =	ssyncset.done $0x0  }
0xc7: {  	s16 =	simm.s32 $0x340;
	[sflag:s31] =	ssyncadd.s32 $0xFFFFCE00  }
0xc8: {  	[tilespmem:s21], [sflag:$0x1] =	stream.indirect.gather [hbm4b:s4+s20], $0x40, s16, s20, $0xb8;
	[tilespmem:$0x16200] =	vst v63  }
0xc9: {  	s17 =	simm.s32 $0x3A8  }
0xca: {  	[tilespmem:s23], [sflag:$0x1] =	stream.indirect.gather [hbm4b:s4+s20], $0x40, s17, s20, $0xb8;
	[tilespmem:$0x16200] =	vst v63  }
0xcb: {  	_ =	swait.ge [sflag:s18], $0x3200  }
0xcc: {  	[sflag:s18] =	ssyncset.done $0x0  }
0xcd: {  	s11 =	simm.s32 $0x0;
	[sflag:s18] =	ssyncadd.s32 $0xFFFFCE00  }
0xce: {  	v6 =	vld [tilespmem:s11+$0x6800]  }
0xcf: {  	v7 =	vld [tilespmem:s11+$0x6810]  }
0xd0: {  	v8 =	vld [tilespmem:s11+$0x6820]  }
0xd1: {  	v9 =	vld [tilespmem:s11+$0x6830]  }
0xd2: {  	v10 =	vld [tilespmem:s11+$0x6840]  }
0xd3: {  	v11 =	vld [tilespmem:s11+$0x6850]  }
0xd4: {  	v12 =	vld [tilespmem:s11+$0x6860]  }
0xd5: {  	v13 =	vld [tilespmem:s11+$0x6870]  }
0xd6: {  	v14 =	vld [tilespmem:s11+$0x6880]  }
0xd7: {  	v15 =	vld [tilespmem:s11+$0x6890]  }
0xd8: {  	v5 =	vld [tilespmem:s11+$0x68A0]  }
0xd9: {  	v4 =	vld [tilespmem:s11+$0x68B0]  }
0xda: {  	v3 =	vld [tilespmem:s11+$0x68C0]  }
0xdb: {  	v2 =	vld [tilespmem:s11+$0x68D0]  }
0xdc: {  	v1 =	vld [tilespmem:s11+$0x68E0]  }
0xdd: {  	v0 =	vld [tilespmem:s11+$0x68F0]  }
0xde: {  	v16 =	vld [tilespmem:s11+$0xFE00]  }
0xdf: {  	v17 =	vld [tilespmem:s11+$0xFE10]  }
0xe0: {  	v18 =	vld [tilespmem:s11+$0xFE20]  }
0xe1: {  	v19 =	vld [tilespmem:s11+$0xFE30]  }
0xe2: {  	v20 =	vld [tilespmem:s11+$0xFE40]  }
0xe3: {  	v60 =	vld [tilespmem:s11+$0xFE50];
	v6 =	vadd.f32 v6, v16  }
0xe4: {  	v21 =	vld [tilespmem:s11+$0xFE60];
	v7 =	vadd.f32 v7, v17  }
0xe5: {  	v61 =	vld [tilespmem:s11+$0xFE70];
	[tilespmem:s11+$0xFE00] =	vst v6;
	v6 =	vadd.f32 v8, v18  }
0xe6: {  	v62 =	vld [tilespmem:s11+$0xFE80];
	[tilespmem:s11+$0xFE10] =	vst v7;
	v7 =	vadd.f32 v9, v19  }
0xe7: {  	v63 =	vld [tilespmem:s11+$0xFE90];
	[tilespmem:s11+$0xFE20] =	vst v6;
	v6 =	vadd.f32 v10, v20  }
0xe8: {  	v8 =	vadd.f32 v11, v60;
	[tilespmem:s11+$0xFE30] =	vst v7;
	v7 =	vld [tilespmem:s11+$0xFEA0]  }
0xe9: {  	v9 =	vadd.f32 v12, v21;
	[tilespmem:s11+$0xFE40] =	vst v6;
	v6 =	vld [tilespmem:s11+$0xFEB0]  }
0xea: {  	[tilespmem:s11+$0xFE50] =	vst v8;
	v8 =	vld [tilespmem:s11+$0xFEC0];
	v10 =	vadd.f32 v13, v61  }
0xeb: {  	v12 =	vadd.f32 v14, v62;
	[tilespmem:s11+$0xFE60] =	vst v9;
	v9 =	vld [tilespmem:s11+$0xFED0]  }
0xec: {  	s13 =	simm.s32 $0x400;
	v11 =	vadd.f32 v15, v63;
	[tilespmem:s11+$0xFE70] =	vst v10;
	v10 =	vld [tilespmem:s11+$0xFEE0]  }
.LBB2_6:
0xed: {  	s14 =	sshra.s32 s13, $0x2;
	p0 =	sne.s32 s13, $0xC400;
	[tilespmem:s11+$0xFE80] =	vst v12;
	v5 =	vadd.f32 v5, v7;
	v7 =	vld [tilespmem:s11+$0xFEF0]  }
0xee: {  	v12 =	vld [tilespmem:s14+$0x6800];
	[tilespmem:s11+$0xFE90] =	vst v11;
	v4 =	vadd.f32 v4, v6  }
0xef: {  	v6 =	vld [tilespmem:s14+$0x6810];
	[tilespmem:s11+$0xFEA0] =	vst v5;
	v3 =	vadd.f32 v3, v8  }
0xf0: {  	v8 =	vld [tilespmem:s14+$0x6820];
	[tilespmem:s11+$0xFEB0] =	vst v4;
	v2 =	vadd.f32 v2, v9  }
0xf1: {  	v9 =	vld [tilespmem:s14+$0x6830];
	[tilespmem:s11+$0xFEC0] =	vst v3;
	v1 =	vadd.f32 v1, v10  }
0xf2: {  	v10 =	vld [tilespmem:s14+$0x6840];
	[tilespmem:s11+$0xFED0] =	vst v2;
	v0 =	vadd.f32 v0, v7  }
0xf3: {  	v7 =	vld [tilespmem:s14+$0x6850];
	[tilespmem:s11+$0xFEE0] =	vst v1  }
0xf4: {  	v11 =	vld [tilespmem:s14+$0x6860];
	[tilespmem:s11+$0xFEF0] =	vst v0;
	s11 =	smov.u32 s14  }
0xf5: {  	v13 =	vld [tilespmem:s11+$0x6870]  }
0xf6: {  	v14 =	vld [tilespmem:s11+$0x6880]  }
0xf7: {  	v15 =	vld [tilespmem:s11+$0x6890]  }
0xf8: {  	v5 =	vld [tilespmem:s11+$0x68A0]  }
0xf9: {  	v4 =	vld [tilespmem:s11+$0x68B0]  }
0xfa: {  	v3 =	vld [tilespmem:s11+$0x68C0]  }
0xfb: {  	v2 =	vld [tilespmem:s11+$0x68D0]  }
0xfc: {  	v1 =	vld [tilespmem:s11+$0x68E0]  }
0xfd: {  	v0 =	vld [tilespmem:s11+$0x68F0]  }
0xfe: {  	v16 =	vld [tilespmem:s11+$0xFE00]  }
0xff: {  	v17 =	vld [tilespmem:s11+$0xFE10]  }
0x100: {  	v18 =	vld [tilespmem:s11+$0xFE20]  }
0x101: {  	v19 =	vld [tilespmem:s11+$0xFE30]  }
0x102: {  	v20 =	vld [tilespmem:s11+$0xFE40]  }
0x103: {  	v12 =	vadd.f32 v12, v16;
	v16 =	vld [tilespmem:s11+$0xFE50]  }
0x104: {  	v6 =	vadd.f32 v6, v17;
	v17 =	vld [tilespmem:s11+$0xFE60]  }
0x105: {  	[tilespmem:s11+$0xFE00] =	vst v12;
	v8 =	vadd.f32 v8, v18;
	v12 =	vld [tilespmem:s11+$0xFE70]  }
0x106: {  	[tilespmem:s11+$0xFE10] =	vst v6;
	v6 =	vadd.f32 v9, v19;
	v9 =	vld [tilespmem:s11+$0xFE80]  }
0x107: {  	[tilespmem:s11+$0xFE20] =	vst v8;
	v8 =	vadd.f32 v10, v20;
	v10 =	vld [tilespmem:s11+$0xFE90]  }
.Ltmp2:
0x108: {  	[tilespmem:s11+$0xFE30] =	vst v6;
	v16 =	vadd.f32 v7, v16;
	v7 =	vld [tilespmem:s11+$0xFEA0];
	(pc) =	sbr.rel @p0 .LBB2_6-.Ltmp2, $4  }
0x109: {  	[tilespmem:s11+$0xFE40] =	vst v8;
	v11 =	vadd.f32 v11, v17;
	v6 =	vld [tilespmem:s11+$0xFEB0]  }
0x10a: {  	[tilespmem:s11+$0xFE50] =	vst v16;
	v13 =	vadd.f32 v13, v12;
	v8 =	vld [tilespmem:s11+$0xFEC0]  }
0x10b: {  	[tilespmem:s11+$0xFE60] =	vst v11;
	v12 =	vadd.f32 v14, v9;
	v9 =	vld [tilespmem:s11+$0xFED0]  }
0x10c: {  	s13 =	sadd.s32 $0x400, s13;
	[tilespmem:s11+$0xFE70] =	vst v13;
	v11 =	vadd.f32 v15, v10;
	v10 =	vld [tilespmem:s11+$0xFEE0]  }
0x10d: {  	[tilespmem:s11+$0xFE80] =	vst v12;
	v5 =	vadd.f32 v5, v7;
	v7 =	vld [tilespmem:s11+$0xFEF0]  }
0x10e: {  	[tilespmem:s11+$0xFE90] =	vst v11;
	v4 =	vadd.f32 v4, v6  }
0x10f: {  	[tilespmem:s11+$0xFEA0] =	vst v5;
	v3 =	vadd.f32 v3, v8  }
0x110: {  	[tilespmem:s11+$0xFEB0] =	vst v4;
	v2 =	vadd.f32 v2, v9  }
0x111: {  	[tilespmem:s11+$0xFEC0] =	vst v3;
	v1 =	vadd.f32 v1, v10  }
0x112: {  	[tilespmem:s11+$0xFED0] =	vst v2;
	v0 =	vadd.f32 v0, v7  }
0x113: {  	[tilespmem:s11+$0xFEE0] =	vst v1  }
0x114: {  	s15 =	simm.s32 $0x0;
	s8 =	rddreg [dreg:$0x7];
	[tilespmem:s11+$0xFEF0] =	vst v0  }
0x115: {  	[hbm4b:s8+s15] =	stream.linear.scatter [tilespmem:s30], [sflag:$0x7], $0x3200, $0x38;
	[tilespmem:$0x16200] =	vst v63  }
0x116: {  	_ =	swait.ge [sflag:s24], $0x3200  }
0x117: {  	[sflag:s24] =	ssyncset.done $0x0  }
0x118: {  	s16 =	simm.s32 $0x410;
	[sflag:s24] =	ssyncadd.s32 $0xFFFFCE00  }
0x119: {  	[tilespmem:s25], [sflag:$0x2] =	stream.indirect.gather [hbm4b:s4+s20], $0x40, s16, s20, $0xb8;
	[tilespmem:$0x16200] =	vst v63  }
0x11a: {  	s17 =	simm.s32 $0x478  }
0x11b: {  	[tilespmem:s28], [sflag:$0x2] =	stream.indirect.gather [hbm4b:s4+s20], $0x40, s17, s20, $0xb8;
	[tilespmem:$0x16200] =	vst v63  }
0x11c: {  	_ =	swait.ge [sflag:s5], $0x3200  }
0x11d: {  	[sflag:s5] =	ssyncset.done $0x0  }
0x11e: {  	s11 =	simm.s32 $0x0;
	[sflag:s5] =	ssyncadd.s32 $0xFFFFCE00  }
0x11f: {  	v6 =	vld [tilespmem:s11+$0x6800]  }
0x120: {  	v7 =	vld [tilespmem:s11+$0x6810]  }
0x121: {  	v8 =	vld [tilespmem:s11+$0x6820]  }
0x122: {  	v9 =	vld [tilespmem:s11+$0x6830]  }
0x123: {  	v10 =	vld [tilespmem:s11+$0x6840]  }
0x124: {  	v11 =	vld [tilespmem:s11+$0x6850]  }
0x125: {  	v12 =	vld [tilespmem:s11+$0x6860]  }
0x126: {  	v13 =	vld [tilespmem:s11+$0x6870]  }
0x127: {  	v14 =	vld [tilespmem:s11+$0x6880]  }
0x128: {  	v15 =	vld [tilespmem:s11+$0x6890]  }
0x129: {  	v5 =	vld [tilespmem:s11+$0x68A0]  }
0x12a: {  	v4 =	vld [tilespmem:s11+$0x68B0]  }
0x12b: {  	v3 =	vld [tilespmem:s11+$0x68C0]  }
0x12c: {  	v2 =	vld [tilespmem:s11+$0x68D0]  }
0x12d: {  	v1 =	vld [tilespmem:s11+$0x68E0]  }
0x12e: {  	v0 =	vld [tilespmem:s11+$0x68F0]  }
0x12f: {  	v16 =	vld [tilespmem:s11+$0x13000]  }
0x130: {  	v17 =	vld [tilespmem:s11+$0x13010]  }
0x131: {  	v18 =	vld [tilespmem:s11+$0x13020]  }
0x132: {  	v19 =	vld [tilespmem:s11+$0x13030]  }
0x133: {  	v20 =	vld [tilespmem:s11+$0x13040]  }
0x134: {  	v60 =	vld [tilespmem:s11+$0x13050];
	v6 =	vadd.f32 v6, v16  }
0x135: {  	v21 =	vld [tilespmem:s11+$0x13060];
	v7 =	vadd.f32 v7, v17  }
0x136: {  	v61 =	vld [tilespmem:s11+$0x13070];
	[tilespmem:s11+$0x13000] =	vst v6;
	v6 =	vadd.f32 v8, v18  }
0x137: {  	v62 =	vld [tilespmem:s11+$0x13080];
	[tilespmem:s11+$0x13010] =	vst v7;
	v7 =	vadd.f32 v9, v19  }
0x138: {  	v63 =	vld [tilespmem:s11+$0x13090];
	[tilespmem:s11+$0x13020] =	vst v6;
	v6 =	vadd.f32 v10, v20  }
0x139: {  	v8 =	vadd.f32 v11, v60;
	[tilespmem:s11+$0x13030] =	vst v7;
	v7 =	vld [tilespmem:s11+$0x130A0]  }
0x13a: {  	v9 =	vadd.f32 v12, v21;
	[tilespmem:s11+$0x13040] =	vst v6;
	v6 =	vld [tilespmem:s11+$0x130B0]  }
0x13b: {  	[tilespmem:s11+$0x13050] =	vst v8;
	v8 =	vld [tilespmem:s11+$0x130C0];
	v10 =	vadd.f32 v13, v61  }
0x13c: {  	v12 =	vadd.f32 v14, v62;
	[tilespmem:s11+$0x13060] =	vst v9;
	v9 =	vld [tilespmem:s11+$0x130D0]  }
0x13d: {  	s13 =	simm.s32 $0x400;
	v11 =	vadd.f32 v15, v63;
	[tilespmem:s11+$0x13070] =	vst v10;
	v10 =	vld [tilespmem:s11+$0x130E0]  }
.LBB2_8:
0x13e: {  	s14 =	sshra.s32 s13, $0x2;
	p0 =	sne.s32 s13, $0xC400;
	[tilespmem:s11+$0x13080] =	vst v12;
	v5 =	vadd.f32 v5, v7;
	v7 =	vld [tilespmem:s11+$0x130F0]  }
0x13f: {  	v12 =	vld [tilespmem:s14+$0x6800];
	[tilespmem:s11+$0x13090] =	vst v11;
	v4 =	vadd.f32 v4, v6  }
0x140: {  	v6 =	vld [tilespmem:s14+$0x6810];
	[tilespmem:s11+$0x130A0] =	vst v5;
	v3 =	vadd.f32 v3, v8  }
0x141: {  	v8 =	vld [tilespmem:s14+$0x6820];
	[tilespmem:s11+$0x130B0] =	vst v4;
	v2 =	vadd.f32 v2, v9  }
0x142: {  	v9 =	vld [tilespmem:s14+$0x6830];
	[tilespmem:s11+$0x130C0] =	vst v3;
	v1 =	vadd.f32 v1, v10  }
0x143: {  	v10 =	vld [tilespmem:s14+$0x6840];
	[tilespmem:s11+$0x130D0] =	vst v2;
	v0 =	vadd.f32 v0, v7  }
0x144: {  	v7 =	vld [tilespmem:s14+$0x6850];
	[tilespmem:s11+$0x130E0] =	vst v1  }
0x145: {  	v11 =	vld [tilespmem:s14+$0x6860];
	[tilespmem:s11+$0x130F0] =	vst v0;
	s11 =	smov.u32 s14  }
0x146: {  	v13 =	vld [tilespmem:s11+$0x6870]  }
0x147: {  	v14 =	vld [tilespmem:s11+$0x6880]  }
0x148: {  	v15 =	vld [tilespmem:s11+$0x6890]  }
0x149: {  	v5 =	vld [tilespmem:s11+$0x68A0]  }
0x14a: {  	v4 =	vld [tilespmem:s11+$0x68B0]  }
0x14b: {  	v3 =	vld [tilespmem:s11+$0x68C0]  }
0x14c: {  	v2 =	vld [tilespmem:s11+$0x68D0]  }
0x14d: {  	v1 =	vld [tilespmem:s11+$0x68E0]  }
0x14e: {  	v0 =	vld [tilespmem:s11+$0x68F0]  }
0x14f: {  	v16 =	vld [tilespmem:s11+$0x13000]  }
0x150: {  	v17 =	vld [tilespmem:s11+$0x13010]  }
0x151: {  	v18 =	vld [tilespmem:s11+$0x13020]  }
0x152: {  	v19 =	vld [tilespmem:s11+$0x13030]  }
0x153: {  	v20 =	vld [tilespmem:s11+$0x13040]  }
0x154: {  	v12 =	vadd.f32 v12, v16;
	v16 =	vld [tilespmem:s11+$0x13050]  }
0x155: {  	v6 =	vadd.f32 v6, v17;
	v17 =	vld [tilespmem:s11+$0x13060]  }
0x156: {  	[tilespmem:s11+$0x13000] =	vst v12;
	v8 =	vadd.f32 v8, v18;
	v12 =	vld [tilespmem:s11+$0x13070]  }
0x157: {  	[tilespmem:s11+$0x13010] =	vst v6;
	v6 =	vadd.f32 v9, v19;
	v9 =	vld [tilespmem:s11+$0x13080]  }
0x158: {  	[tilespmem:s11+$0x13020] =	vst v8;
	v8 =	vadd.f32 v10, v20;
	v10 =	vld [tilespmem:s11+$0x13090]  }
.Ltmp3:
0x159: {  	[tilespmem:s11+$0x13030] =	vst v6;
	v16 =	vadd.f32 v7, v16;
	v7 =	vld [tilespmem:s11+$0x130A0];
	(pc) =	sbr.rel @p0 .LBB2_8-.Ltmp3, $4  }
0x15a: {  	[tilespmem:s11+$0x13040] =	vst v8;
	v11 =	vadd.f32 v11, v17;
	v6 =	vld [tilespmem:s11+$0x130B0]  }
0x15b: {  	[tilespmem:s11+$0x13050] =	vst v16;
	v13 =	vadd.f32 v13, v12;
	v8 =	vld [tilespmem:s11+$0x130C0]  }
0x15c: {  	[tilespmem:s11+$0x13060] =	vst v11;
	v12 =	vadd.f32 v14, v9;
	v9 =	vld [tilespmem:s11+$0x130D0]  }
0x15d: {  	s13 =	sadd.s32 $0x400, s13;
	[tilespmem:s11+$0x13070] =	vst v13;
	v11 =	vadd.f32 v15, v10;
	v10 =	vld [tilespmem:s11+$0x130E0]  }
0x15e: {  	[tilespmem:s11+$0x13080] =	vst v12;
	v5 =	vadd.f32 v5, v7;
	v63 =	vld [tilespmem:s11+$0x130F0]  }
0x15f: {  	[tilespmem:s11+$0x13090] =	vst v11;
	v4 =	vadd.f32 v4, v6  }
0x160: {  	[tilespmem:s11+$0x130A0] =	vst v5;
	v3 =	vadd.f32 v3, v8  }
0x161: {  	[tilespmem:s11+$0x130B0] =	vst v4;
	v2 =	vadd.f32 v2, v9  }
0x162: {  	[tilespmem:s11+$0x130C0] =	vst v3;
	v1 =	vadd.f32 v1, v10  }
0x163: {  	[tilespmem:s11+$0x130D0] =	vst v2;
	v0 =	vadd.f32 v0, v63  }
0x164: {  	[tilespmem:s11+$0x130E0] =	vst v1  }
0x165: {  	s8 =	rddreg [dreg:$0x8];
	[tilespmem:s11+$0x130F0] =	vst v0;
	s11 =	simm.s32 $0x0  }
0x166: {  	[hbm4b:s8+s11] =	stream.linear.scatter [tilespmem:s22], [sflag:$0x8], $0x3200, $0x38;
	[tilespmem:$0x16200] =	vst v63  }
.LBB2_10:
0x167: {  	s11 =	sadd.s32 $0x1, s11  }
0x168: {  	s15 =	sshll.u32 s11, $0x2  }
0x169: {  	s13 =	sor.u32 $0x2, s15  }
0x16a: {  	_ =	swait.ge [sflag:s6], $0x3200;
	s14 =	smul.u32 $0x340, s13  }
0x16b: {  	[sflag:s6] =	ssyncset.done $0x0  }
0x16c: {  	[sflag:s6] =	ssyncadd.s32 $0xFFFFCE00;
	s14 =	sshra.s32 s14, $0x2  }
0x16d: {  	[tilespmem:s30], [sflag:$0x3] =	stream.indirect.gather [hbm4b:s4+s20], $0x40, s14, s20, $0xb8;
	[tilespmem:$0x16200] =	vst v63  }
0x16e: {  	s14 =	sadd.s32 $0x68, s14  }
0x16f: {  	[tilespmem:s1], [sflag:$0x3] =	stream.indirect.gather [hbm4b:s4+s20], $0x40, s14, s20, $0xb8;
	[tilespmem:$0x16200] =	vst v63  }
0x170: {  	_ =	swait.ge [sflag:s0], $0x3200  }
0x171: {  	[sflag:s0] =	ssyncset.done $0x0  }
0x172: {  	s14 =	simm.s32 $0x0;
	[sflag:s0] =	ssyncadd.s32 $0xFFFFCE00  }
0x173: {  	v6 =	vld [tilespmem:s14+$0x6800]  }
0x174: {  	v7 =	vld [tilespmem:s14+$0x6810]  }
0x175: {  	v8 =	vld [tilespmem:s14+$0x6820]  }
0x176: {  	v9 =	vld [tilespmem:s14+$0x6830]  }
0x177: {  	v10 =	vld [tilespmem:s14+$0x6840]  }
0x178: {  	v11 =	vld [tilespmem:s14+$0x6850]  }
0x179: {  	v12 =	vld [tilespmem:s14+$0x6860]  }
0x17a: {  	v13 =	vld [tilespmem:s14+$0x6870]  }
0x17b: {  	v14 =	vld [tilespmem:s14+$0x6880]  }
0x17c: {  	v15 =	vld [tilespmem:s14+$0x6890]  }
0x17d: {  	v5 =	vld [tilespmem:s14+$0x68A0]  }
0x17e: {  	v4 =	vld [tilespmem:s14+$0x68B0]  }
0x17f: {  	v3 =	vld [tilespmem:s14+$0x68C0]  }
0x180: {  	v2 =	vld [tilespmem:s14+$0x68D0]  }
0x181: {  	v1 =	vld [tilespmem:s14+$0x68E0]  }
0x182: {  	v0 =	vld [tilespmem:s14+$0x68F0]  }
0x183: {  	v16 =	vld [tilespmem:s14+$0x9A00]  }
0x184: {  	v17 =	vld [tilespmem:s14+$0x9A10]  }
0x185: {  	v18 =	vld [tilespmem:s14+$0x9A20]  }
0x186: {  	v19 =	vld [tilespmem:s14+$0x9A30]  }
0x187: {  	v20 =	vld [tilespmem:s14+$0x9A40]  }
0x188: {  	v60 =	vld [tilespmem:s14+$0x9A50];
	v6 =	vadd.f32 v6, v16  }
0x189: {  	v21 =	vld [tilespmem:s14+$0x9A60];
	v7 =	vadd.f32 v7, v17  }
0x18a: {  	v61 =	vld [tilespmem:s14+$0x9A70];
	[tilespmem:s14+$0x9A00] =	vst v6;
	v6 =	vadd.f32 v8, v18  }
0x18b: {  	v62 =	vld [tilespmem:s14+$0x9A80];
	[tilespmem:s14+$0x9A10] =	vst v7;
	v7 =	vadd.f32 v9, v19  }
0x18c: {  	v63 =	vld [tilespmem:s14+$0x9A90];
	[tilespmem:s14+$0x9A20] =	vst v6;
	v6 =	vadd.f32 v10, v20  }
0x18d: {  	v8 =	vadd.f32 v11, v60;
	[tilespmem:s14+$0x9A30] =	vst v7;
	v7 =	vld [tilespmem:s14+$0x9AA0]  }
0x18e: {  	v9 =	vadd.f32 v12, v21;
	[tilespmem:s14+$0x9A40] =	vst v6;
	v6 =	vld [tilespmem:s14+$0x9AB0]  }
0x18f: {  	[tilespmem:s14+$0x9A50] =	vst v8;
	v8 =	vld [tilespmem:s14+$0x9AC0];
	v10 =	vadd.f32 v13, v61  }
0x190: {  	v12 =	vadd.f32 v14, v62;
	[tilespmem:s14+$0x9A60] =	vst v9;
	v9 =	vld [tilespmem:s14+$0x9AD0]  }
0x191: {  	s16 =	simm.s32 $0x400;
	v11 =	vadd.f32 v15, v63;
	[tilespmem:s14+$0x9A70] =	vst v10;
	v10 =	vld [tilespmem:s14+$0x9AE0]  }
.LBB2_11:
0x192: {  	s17 =	sshra.s32 s16, $0x2;
	p0 =	sne.s32 s16, $0xC400;
	[tilespmem:s14+$0x9A80] =	vst v12;
	v5 =	vadd.f32 v5, v7;
	v7 =	vld [tilespmem:s14+$0x9AF0]  }
0x193: {  	v12 =	vld [tilespmem:s17+$0x6800];
	[tilespmem:s14+$0x9A90] =	vst v11;
	v4 =	vadd.f32 v4, v6  }
0x194: {  	v6 =	vld [tilespmem:s17+$0x6810];
	[tilespmem:s14+$0x9AA0] =	vst v5;
	v3 =	vadd.f32 v3, v8  }
0x195: {  	v8 =	vld [tilespmem:s17+$0x6820];
	[tilespmem:s14+$0x9AB0] =	vst v4;
	v2 =	vadd.f32 v2, v9  }
0x196: {  	v9 =	vld [tilespmem:s17+$0x6830];
	[tilespmem:s14+$0x9AC0] =	vst v3;
	v1 =	vadd.f32 v1, v10  }
0x197: {  	v10 =	vld [tilespmem:s17+$0x6840];
	[tilespmem:s14+$0x9AD0] =	vst v2;
	v0 =	vadd.f32 v0, v7  }
0x198: {  	v7 =	vld [tilespmem:s17+$0x6850];
	[tilespmem:s14+$0x9AE0] =	vst v1  }
0x199: {  	v11 =	vld [tilespmem:s17+$0x6860];
	[tilespmem:s14+$0x9AF0] =	vst v0;
	s14 =	smov.u32 s17  }
0x19a: {  	v13 =	vld [tilespmem:s14+$0x6870]  }
0x19b: {  	v14 =	vld [tilespmem:s14+$0x6880]  }
0x19c: {  	v15 =	vld [tilespmem:s14+$0x6890]  }
0x19d: {  	v5 =	vld [tilespmem:s14+$0x68A0]  }
0x19e: {  	v4 =	vld [tilespmem:s14+$0x68B0]  }
0x19f: {  	v3 =	vld [tilespmem:s14+$0x68C0]  }
0x1a0: {  	v2 =	vld [tilespmem:s14+$0x68D0]  }
0x1a1: {  	v1 =	vld [tilespmem:s14+$0x68E0]  }
0x1a2: {  	v0 =	vld [tilespmem:s14+$0x68F0]  }
0x1a3: {  	v16 =	vld [tilespmem:s14+$0x9A00]  }
0x1a4: {  	v17 =	vld [tilespmem:s14+$0x9A10]  }
0x1a5: {  	v18 =	vld [tilespmem:s14+$0x9A20]  }
0x1a6: {  	v19 =	vld [tilespmem:s14+$0x9A30]  }
0x1a7: {  	v20 =	vld [tilespmem:s14+$0x9A40]  }
0x1a8: {  	v12 =	vadd.f32 v12, v16;
	v16 =	vld [tilespmem:s14+$0x9A50]  }
0x1a9: {  	v6 =	vadd.f32 v6, v17;
	v17 =	vld [tilespmem:s14+$0x9A60]  }
0x1aa: {  	[tilespmem:s14+$0x9A00] =	vst v12;
	v8 =	vadd.f32 v8, v18;
	v12 =	vld [tilespmem:s14+$0x9A70]  }
0x1ab: {  	[tilespmem:s14+$0x9A10] =	vst v6;
	v6 =	vadd.f32 v9, v19;
	v9 =	vld [tilespmem:s14+$0x9A80]  }
0x1ac: {  	[tilespmem:s14+$0x9A20] =	vst v8;
	v8 =	vadd.f32 v10, v20;
	v10 =	vld [tilespmem:s14+$0x9A90]  }
.Ltmp4:
0x1ad: {  	[tilespmem:s14+$0x9A30] =	vst v6;
	v16 =	vadd.f32 v7, v16;
	v7 =	vld [tilespmem:s14+$0x9AA0];
	(pc) =	sbr.rel @p0 .LBB2_11-.Ltmp4, $4  }
0x1ae: {  	[tilespmem:s14+$0x9A40] =	vst v8;
	v11 =	vadd.f32 v11, v17;
	v6 =	vld [tilespmem:s14+$0x9AB0]  }
0x1af: {  	[tilespmem:s14+$0x9A50] =	vst v16;
	v13 =	vadd.f32 v13, v12;
	v8 =	vld [tilespmem:s14+$0x9AC0]  }
0x1b0: {  	[tilespmem:s14+$0x9A60] =	vst v11;
	v12 =	vadd.f32 v14, v9;
	v9 =	vld [tilespmem:s14+$0x9AD0]  }
0x1b1: {  	s16 =	sadd.s32 $0x400, s16;
	[tilespmem:s14+$0x9A70] =	vst v13;
	v11 =	vadd.f32 v15, v10;
	v10 =	vld [tilespmem:s14+$0x9AE0]  }
0x1b2: {  	[tilespmem:s14+$0x9A80] =	vst v12;
	v5 =	vadd.f32 v5, v7;
	v7 =	vld [tilespmem:s14+$0x9AF0]  }
0x1b3: {  	[tilespmem:s14+$0x9A90] =	vst v11;
	v4 =	vadd.f32 v4, v6  }
0x1b4: {  	[tilespmem:s14+$0x9AA0] =	vst v5;
	v3 =	vadd.f32 v3, v8  }
0x1b5: {  	[tilespmem:s14+$0x9AB0] =	vst v4;
	v2 =	vadd.f32 v2, v9  }
0x1b6: {  	s16 =	sadd.s32 s7, s15;
	[tilespmem:s14+$0x9AC0] =	vst v3;
	v1 =	vadd.f32 v1, v10  }
0x1b7: {  	s16 =	smul.u32 $0x640, s16;
	[tilespmem:s14+$0x9AD0] =	vst v2;
	v0 =	vadd.f32 v0, v7  }
0x1b8: {  	[tilespmem:s14+$0x9AE0] =	vst v1  }
0x1b9: {  	s8 =	simm.s32 $0x0;
	s17 =	sadd.s32 s2, s16;
	[tilespmem:s14+$0x9AF0] =	vst v0;
	s14 =	sor.u32 $0x3, s15  }
0x1ba: {  	[hbm4b:s17+s8] =	stream.linear.scatter [tilespmem:s21], [sflag:$0x5], $0x3200, $0x38;
	[tilespmem:$0x16200] =	vst v63  }
0x1bb: {  	s17 =	smul.u32 $0x340, s14;
	_ =	swait.ge [sflag:s9], $0x3200  }
0x1bc: {  	[sflag:s9] =	ssyncset.done $0x0  }
0x1bd: {  	s16 =	sshra.s32 s17, $0x2;
	[sflag:s9] =	ssyncadd.s32 $0xFFFFCE00  }
0x1be: {  	[tilespmem:s22], [sflag:$0x4] =	stream.indirect.gather [hbm4b:s4+s20], $0x40, s16, s20, $0xb8;
	[tilespmem:$0x16200] =	vst v63  }
0x1bf: {  	s16 =	sadd.s32 $0x68, s16  }
0x1c0: {  	[tilespmem:s26], [sflag:$0x4] =	stream.indirect.gather [hbm4b:s4+s20], $0x40, s16, s20, $0xb8;
	[tilespmem:$0x16200] =	vst v63  }
0x1c1: {  	_ =	swait.ge [sflag:s29], $0x3200  }
0x1c2: {  	[sflag:s29] =	ssyncset.done $0x0  }
0x1c3: {  	s16 =	simm.s32 $0x0;
	[sflag:s29] =	ssyncadd.s32 $0xFFFFCE00  }
0x1c4: {  	v6 =	vld [tilespmem:s16+$0x6800]  }
0x1c5: {  	v7 =	vld [tilespmem:s16+$0x6810]  }
0x1c6: {  	v8 =	vld [tilespmem:s16+$0x6820]  }
0x1c7: {  	v9 =	vld [tilespmem:s16+$0x6830]  }
0x1c8: {  	v10 =	vld [tilespmem:s16+$0x6840]  }
0x1c9: {  	v11 =	vld [tilespmem:s16+$0x6850]  }
0x1ca: {  	v12 =	vld [tilespmem:s16+$0x6860]  }
0x1cb: {  	v13 =	vld [tilespmem:s16+$0x6870]  }
0x1cc: {  	v14 =	vld [tilespmem:s16+$0x6880]  }
0x1cd: {  	v15 =	vld [tilespmem:s16+$0x6890]  }
0x1ce: {  	v5 =	vld [tilespmem:s16+$0x68A0]  }
0x1cf: {  	v4 =	vld [tilespmem:s16+$0x68B0]  }
0x1d0: {  	v3 =	vld [tilespmem:s16+$0x68C0]  }
0x1d1: {  	v2 =	vld [tilespmem:s16+$0x68D0]  }
0x1d2: {  	v1 =	vld [tilespmem:s16+$0x68E0]  }
0x1d3: {  	v0 =	vld [tilespmem:s16+$0x68F0]  }
0x1d4: {  	v16 =	vld [tilespmem:s16+$0xCC00]  }
0x1d5: {  	v17 =	vld [tilespmem:s16+$0xCC10]  }
0x1d6: {  	v18 =	vld [tilespmem:s16+$0xCC20]  }
0x1d7: {  	v19 =	vld [tilespmem:s16+$0xCC30]  }
0x1d8: {  	v20 =	vld [tilespmem:s16+$0xCC40]  }
0x1d9: {  	v60 =	vld [tilespmem:s16+$0xCC50];
	v6 =	vadd.f32 v6, v16  }
0x1da: {  	v21 =	vld [tilespmem:s16+$0xCC60];
	v7 =	vadd.f32 v7, v17  }
0x1db: {  	v61 =	vld [tilespmem:s16+$0xCC70];
	[tilespmem:s16+$0xCC00] =	vst v6;
	v6 =	vadd.f32 v8, v18  }
0x1dc: {  	v62 =	vld [tilespmem:s16+$0xCC80];
	[tilespmem:s16+$0xCC10] =	vst v7;
	v7 =	vadd.f32 v9, v19  }
0x1dd: {  	v63 =	vld [tilespmem:s16+$0xCC90];
	[tilespmem:s16+$0xCC20] =	vst v6;
	v6 =	vadd.f32 v10, v20  }
0x1de: {  	v8 =	vadd.f32 v11, v60;
	[tilespmem:s16+$0xCC30] =	vst v7;
	v7 =	vld [tilespmem:s16+$0xCCA0]  }
0x1df: {  	v9 =	vadd.f32 v12, v21;
	[tilespmem:s16+$0xCC40] =	vst v6;
	v6 =	vld [tilespmem:s16+$0xCCB0]  }
0x1e0: {  	[tilespmem:s16+$0xCC50] =	vst v8;
	v8 =	vld [tilespmem:s16+$0xCCC0];
	v10 =	vadd.f32 v13, v61  }
0x1e1: {  	v12 =	vadd.f32 v14, v62;
	[tilespmem:s16+$0xCC60] =	vst v9;
	v9 =	vld [tilespmem:s16+$0xCCD0]  }
0x1e2: {  	s17 =	simm.s32 $0x400;
	v11 =	vadd.f32 v15, v63;
	[tilespmem:s16+$0xCC70] =	vst v10;
	v10 =	vld [tilespmem:s16+$0xCCE0]  }
.LBB2_13:
0x1e3: {  	s8 =	sshra.s32 s17, $0x2;
	p0 =	sne.s32 s17, $0xC400;
	[tilespmem:s16+$0xCC80] =	vst v12;
	v5 =	vadd.f32 v5, v7;
	v7 =	vld [tilespmem:s16+$0xCCF0]  }
0x1e4: {  	v12 =	vld [tilespmem:s8+$0x6800];
	[tilespmem:s16+$0xCC90] =	vst v11;
	v4 =	vadd.f32 v4, v6  }
0x1e5: {  	v6 =	vld [tilespmem:s8+$0x6810];
	[tilespmem:s16+$0xCCA0] =	vst v5;
	v3 =	vadd.f32 v3, v8  }
0x1e6: {  	v8 =	vld [tilespmem:s8+$0x6820];
	[tilespmem:s16+$0xCCB0] =	vst v4;
	v2 =	vadd.f32 v2, v9  }
0x1e7: {  	v9 =	vld [tilespmem:s8+$0x6830];
	[tilespmem:s16+$0xCCC0] =	vst v3;
	v1 =	vadd.f32 v1, v10  }
0x1e8: {  	v10 =	vld [tilespmem:s8+$0x6840];
	[tilespmem:s16+$0xCCD0] =	vst v2;
	v0 =	vadd.f32 v0, v7  }
0x1e9: {  	v7 =	vld [tilespmem:s8+$0x6850];
	[tilespmem:s16+$0xCCE0] =	vst v1  }
0x1ea: {  	v11 =	vld [tilespmem:s8+$0x6860];
	[tilespmem:s16+$0xCCF0] =	vst v0;
	s16 =	smov.u32 s8  }
0x1eb: {  	v13 =	vld [tilespmem:s16+$0x6870]  }
0x1ec: {  	v14 =	vld [tilespmem:s16+$0x6880]  }
0x1ed: {  	v15 =	vld [tilespmem:s16+$0x6890]  }
0x1ee: {  	v5 =	vld [tilespmem:s16+$0x68A0]  }
0x1ef: {  	v4 =	vld [tilespmem:s16+$0x68B0]  }
0x1f0: {  	v3 =	vld [tilespmem:s16+$0x68C0]  }
0x1f1: {  	v2 =	vld [tilespmem:s16+$0x68D0]  }
0x1f2: {  	v1 =	vld [tilespmem:s16+$0x68E0]  }
0x1f3: {  	v0 =	vld [tilespmem:s16+$0x68F0]  }
0x1f4: {  	v16 =	vld [tilespmem:s16+$0xCC00]  }
0x1f5: {  	v17 =	vld [tilespmem:s16+$0xCC10]  }
0x1f6: {  	v18 =	vld [tilespmem:s16+$0xCC20]  }
0x1f7: {  	v19 =	vld [tilespmem:s16+$0xCC30]  }
0x1f8: {  	v20 =	vld [tilespmem:s16+$0xCC40]  }
0x1f9: {  	v12 =	vadd.f32 v12, v16;
	v16 =	vld [tilespmem:s16+$0xCC50]  }
0x1fa: {  	v6 =	vadd.f32 v6, v17;
	v17 =	vld [tilespmem:s16+$0xCC60]  }
0x1fb: {  	[tilespmem:s16+$0xCC00] =	vst v12;
	v8 =	vadd.f32 v8, v18;
	v12 =	vld [tilespmem:s16+$0xCC70]  }
0x1fc: {  	[tilespmem:s16+$0xCC10] =	vst v6;
	v6 =	vadd.f32 v9, v19;
	v9 =	vld [tilespmem:s16+$0xCC80]  }
0x1fd: {  	[tilespmem:s16+$0xCC20] =	vst v8;
	v8 =	vadd.f32 v10, v20;
	v10 =	vld [tilespmem:s16+$0xCC90]  }
.Ltmp5:
0x1fe: {  	[tilespmem:s16+$0xCC30] =	vst v6;
	v16 =	vadd.f32 v7, v16;
	v7 =	vld [tilespmem:s16+$0xCCA0];
	(pc) =	sbr.rel @p0 .LBB2_13-.Ltmp5, $4  }
0x1ff: {  	[tilespmem:s16+$0xCC40] =	vst v8;
	v11 =	vadd.f32 v11, v17;
	v6 =	vld [tilespmem:s16+$0xCCB0]  }
0x200: {  	[tilespmem:s16+$0xCC50] =	vst v16;
	v13 =	vadd.f32 v13, v12;
	v8 =	vld [tilespmem:s16+$0xCCC0]  }
0x201: {  	[tilespmem:s16+$0xCC60] =	vst v11;
	v12 =	vadd.f32 v14, v9;
	v9 =	vld [tilespmem:s16+$0xCCD0]  }
0x202: {  	s17 =	sadd.s32 $0x400, s17;
	[tilespmem:s16+$0xCC70] =	vst v13;
	v11 =	vadd.f32 v15, v10;
	v10 =	vld [tilespmem:s16+$0xCCE0]  }
0x203: {  	[tilespmem:s16+$0xCC80] =	vst v12;
	v5 =	vadd.f32 v5, v7;
	v7 =	vld [tilespmem:s16+$0xCCF0]  }
0x204: {  	[tilespmem:s16+$0xCC90] =	vst v11;
	v4 =	vadd.f32 v4, v6  }
0x205: {  	[tilespmem:s16+$0xCCA0] =	vst v5;
	v3 =	vadd.f32 v3, v8  }
0x206: {  	[tilespmem:s16+$0xCCB0] =	vst v4;
	v2 =	vadd.f32 v2, v9  }
0x207: {  	s8 =	sadd.s32 s15, s12;
	[tilespmem:s16+$0xCCC0] =	vst v3;
	v1 =	vadd.f32 v1, v10  }
0x208: {  	s8 =	smul.u32 $0x640, s8;
	[tilespmem:s16+$0xCCD0] =	vst v2;
	v0 =	vadd.f32 v0, v7  }
0x209: {  	[tilespmem:s16+$0xCCE0] =	vst v1  }
0x20a: {  	s17 =	simm.s32 $0x0;
	s8 =	sadd.s32 s2, s8;
	[tilespmem:s16+$0xCCF0] =	vst v0;
	s16 =	smul.u32 $0xD00, s11  }
0x20b: {  	[hbm4b:s8+s17] =	stream.linear.scatter [tilespmem:s25], [sflag:$0x6], $0x3200, $0x38;
	[tilespmem:$0x16200] =	vst v63  }
0x20c: {  	_ =	swait.ge [sflag:s31], $0x3200  }
0x20d: {  	s15 =	sshra.s32 s16, $0x2;
	[sflag:s31] =	ssyncset.done $0x0  }
0x20e: {  	s8 =	sadd.s32 $0x340, s15;
	[sflag:s31] =	ssyncadd.s32 $0xFFFFCE00  }
0x20f: {  	[tilespmem:s21], [sflag:$0x1] =	stream.indirect.gather [hbm4b:s4+s20], $0x40, s8, s20, $0xb8;
	[tilespmem:$0x16200] =	vst v63  }
0x210: {  	s17 =	sadd.s32 $0x3A8, s15  }
0x211: {  	[tilespmem:s23], [sflag:$0x1] =	stream.indirect.gather [hbm4b:s4+s20], $0x40, s17, s20, $0xb8;
	[tilespmem:$0x16200] =	vst v63  }
0x212: {  	_ =	swait.ge [sflag:s18], $0x3200  }
0x213: {  	[sflag:s18] =	ssyncset.done $0x0  }
0x214: {  	s16 =	simm.s32 $0x0;
	[sflag:s18] =	ssyncadd.s32 $0xFFFFCE00  }
0x215: {  	v6 =	vld [tilespmem:s16+$0x6800]  }
0x216: {  	v7 =	vld [tilespmem:s16+$0x6810]  }
0x217: {  	v8 =	vld [tilespmem:s16+$0x6820]  }
0x218: {  	v9 =	vld [tilespmem:s16+$0x6830]  }
0x219: {  	v10 =	vld [tilespmem:s16+$0x6840]  }
0x21a: {  	v11 =	vld [tilespmem:s16+$0x6850]  }
0x21b: {  	v12 =	vld [tilespmem:s16+$0x6860]  }
0x21c: {  	v13 =	vld [tilespmem:s16+$0x6870]  }
0x21d: {  	v14 =	vld [tilespmem:s16+$0x6880]  }
0x21e: {  	v15 =	vld [tilespmem:s16+$0x6890]  }
0x21f: {  	v5 =	vld [tilespmem:s16+$0x68A0]  }
0x220: {  	v4 =	vld [tilespmem:s16+$0x68B0]  }
0x221: {  	v3 =	vld [tilespmem:s16+$0x68C0]  }
0x222: {  	v2 =	vld [tilespmem:s16+$0x68D0]  }
0x223: {  	v1 =	vld [tilespmem:s16+$0x68E0]  }
0x224: {  	v0 =	vld [tilespmem:s16+$0x68F0]  }
0x225: {  	v16 =	vld [tilespmem:s16+$0xFE00]  }
0x226: {  	v17 =	vld [tilespmem:s16+$0xFE10]  }
0x227: {  	v18 =	vld [tilespmem:s16+$0xFE20]  }
0x228: {  	v19 =	vld [tilespmem:s16+$0xFE30]  }
0x229: {  	v20 =	vld [tilespmem:s16+$0xFE40]  }
0x22a: {  	v60 =	vld [tilespmem:s16+$0xFE50];
	v6 =	vadd.f32 v6, v16  }
0x22b: {  	v21 =	vld [tilespmem:s16+$0xFE60];
	v7 =	vadd.f32 v7, v17  }
0x22c: {  	v61 =	vld [tilespmem:s16+$0xFE70];
	[tilespmem:s16+$0xFE00] =	vst v6;
	v6 =	vadd.f32 v8, v18  }
0x22d: {  	v62 =	vld [tilespmem:s16+$0xFE80];
	[tilespmem:s16+$0xFE10] =	vst v7;
	v7 =	vadd.f32 v9, v19  }
0x22e: {  	v63 =	vld [tilespmem:s16+$0xFE90];
	[tilespmem:s16+$0xFE20] =	vst v6;
	v6 =	vadd.f32 v10, v20  }
0x22f: {  	v8 =	vadd.f32 v11, v60;
	[tilespmem:s16+$0xFE30] =	vst v7;
	v7 =	vld [tilespmem:s16+$0xFEA0]  }
0x230: {  	v9 =	vadd.f32 v12, v21;
	[tilespmem:s16+$0xFE40] =	vst v6;
	v6 =	vld [tilespmem:s16+$0xFEB0]  }
0x231: {  	[tilespmem:s16+$0xFE50] =	vst v8;
	v8 =	vld [tilespmem:s16+$0xFEC0];
	v10 =	vadd.f32 v13, v61  }
0x232: {  	v12 =	vadd.f32 v14, v62;
	[tilespmem:s16+$0xFE60] =	vst v9;
	v9 =	vld [tilespmem:s16+$0xFED0]  }
0x233: {  	s17 =	simm.s32 $0x400;
	v11 =	vadd.f32 v15, v63;
	[tilespmem:s16+$0xFE70] =	vst v10;
	v10 =	vld [tilespmem:s16+$0xFEE0]  }
.LBB2_15:
0x234: {  	s8 =	sshra.s32 s17, $0x2;
	p0 =	sne.s32 s17, $0xC400;
	[tilespmem:s16+$0xFE80] =	vst v12;
	v5 =	vadd.f32 v5, v7;
	v7 =	vld [tilespmem:s16+$0xFEF0]  }
0x235: {  	v12 =	vld [tilespmem:s8+$0x6800];
	[tilespmem:s16+$0xFE90] =	vst v11;
	v4 =	vadd.f32 v4, v6  }
0x236: {  	v6 =	vld [tilespmem:s8+$0x6810];
	[tilespmem:s16+$0xFEA0] =	vst v5;
	v3 =	vadd.f32 v3, v8  }
0x237: {  	v8 =	vld [tilespmem:s8+$0x6820];
	[tilespmem:s16+$0xFEB0] =	vst v4;
	v2 =	vadd.f32 v2, v9  }
0x238: {  	v9 =	vld [tilespmem:s8+$0x6830];
	[tilespmem:s16+$0xFEC0] =	vst v3;
	v1 =	vadd.f32 v1, v10  }
0x239: {  	v10 =	vld [tilespmem:s8+$0x6840];
	[tilespmem:s16+$0xFED0] =	vst v2;
	v0 =	vadd.f32 v0, v7  }
0x23a: {  	v7 =	vld [tilespmem:s8+$0x6850];
	[tilespmem:s16+$0xFEE0] =	vst v1  }
0x23b: {  	v11 =	vld [tilespmem:s8+$0x6860];
	[tilespmem:s16+$0xFEF0] =	vst v0;
	s16 =	smov.u32 s8  }
0x23c: {  	v13 =	vld [tilespmem:s16+$0x6870]  }
0x23d: {  	v14 =	vld [tilespmem:s16+$0x6880]  }
0x23e: {  	v15 =	vld [tilespmem:s16+$0x6890]  }
0x23f: {  	v5 =	vld [tilespmem:s16+$0x68A0]  }
0x240: {  	v4 =	vld [tilespmem:s16+$0x68B0]  }
0x241: {  	v3 =	vld [tilespmem:s16+$0x68C0]  }
0x242: {  	v2 =	vld [tilespmem:s16+$0x68D0]  }
0x243: {  	v1 =	vld [tilespmem:s16+$0x68E0]  }
0x244: {  	v0 =	vld [tilespmem:s16+$0x68F0]  }
0x245: {  	v16 =	vld [tilespmem:s16+$0xFE00]  }
0x246: {  	v17 =	vld [tilespmem:s16+$0xFE10]  }
0x247: {  	v18 =	vld [tilespmem:s16+$0xFE20]  }
0x248: {  	v19 =	vld [tilespmem:s16+$0xFE30]  }
0x249: {  	v20 =	vld [tilespmem:s16+$0xFE40]  }
0x24a: {  	v12 =	vadd.f32 v12, v16;
	v16 =	vld [tilespmem:s16+$0xFE50]  }
0x24b: {  	v6 =	vadd.f32 v6, v17;
	v17 =	vld [tilespmem:s16+$0xFE60]  }
0x24c: {  	[tilespmem:s16+$0xFE00] =	vst v12;
	v8 =	vadd.f32 v8, v18;
	v12 =	vld [tilespmem:s16+$0xFE70]  }
0x24d: {  	[tilespmem:s16+$0xFE10] =	vst v6;
	v6 =	vadd.f32 v9, v19;
	v9 =	vld [tilespmem:s16+$0xFE80]  }
0x24e: {  	[tilespmem:s16+$0xFE20] =	vst v8;
	v8 =	vadd.f32 v10, v20;
	v10 =	vld [tilespmem:s16+$0xFE90]  }
.Ltmp6:
0x24f: {  	[tilespmem:s16+$0xFE30] =	vst v6;
	v16 =	vadd.f32 v7, v16;
	v7 =	vld [tilespmem:s16+$0xFEA0];
	(pc) =	sbr.rel @p0 .LBB2_15-.Ltmp6, $4  }
0x250: {  	[tilespmem:s16+$0xFE40] =	vst v8;
	v11 =	vadd.f32 v11, v17;
	v6 =	vld [tilespmem:s16+$0xFEB0]  }
0x251: {  	[tilespmem:s16+$0xFE50] =	vst v16;
	v13 =	vadd.f32 v13, v12;
	v8 =	vld [tilespmem:s16+$0xFEC0]  }
0x252: {  	[tilespmem:s16+$0xFE60] =	vst v11;
	v12 =	vadd.f32 v14, v9;
	v9 =	vld [tilespmem:s16+$0xFED0]  }
0x253: {  	s17 =	sadd.s32 $0x400, s17;
	[tilespmem:s16+$0xFE70] =	vst v13;
	v11 =	vadd.f32 v15, v10;
	v10 =	vld [tilespmem:s16+$0xFEE0]  }
0x254: {  	[tilespmem:s16+$0xFE80] =	vst v12;
	v5 =	vadd.f32 v5, v7;
	v7 =	vld [tilespmem:s16+$0xFEF0]  }
0x255: {  	[tilespmem:s16+$0xFE90] =	vst v11;
	v4 =	vadd.f32 v4, v6  }
0x256: {  	[tilespmem:s16+$0xFEA0] =	vst v5;
	v3 =	vadd.f32 v3, v8  }
0x257: {  	[tilespmem:s16+$0xFEB0] =	vst v4;
	v2 =	vadd.f32 v2, v9  }
0x258: {  	s8 =	sadd.s32 s7, s13;
	[tilespmem:s16+$0xFEC0] =	vst v3;
	v1 =	vadd.f32 v1, v10  }
0x259: {  	s8 =	smul.u32 $0x640, s8;
	[tilespmem:s16+$0xFED0] =	vst v2;
	v0 =	vadd.f32 v0, v7  }
0x25a: {  	[tilespmem:s16+$0xFEE0] =	vst v1  }
0x25b: {  	s17 =	simm.s32 $0x0;
	s8 =	sadd.s32 s2, s8;
	[tilespmem:s16+$0xFEF0] =	vst v0  }
0x25c: {  	[hbm4b:s8+s17] =	stream.linear.scatter [tilespmem:s30], [sflag:$0x7], $0x3200, $0x38;
	[tilespmem:$0x16200] =	vst v63  }
0x25d: {  	_ =	swait.ge [sflag:s24], $0x3200  }
0x25e: {  	[sflag:s24] =	ssyncset.done $0x0  }
0x25f: {  	s16 =	sadd.s32 $0x410, s15;
	[sflag:s24] =	ssyncadd.s32 $0xFFFFCE00  }
0x260: {  	[tilespmem:s25], [sflag:$0x2] =	stream.indirect.gather [hbm4b:s4+s20], $0x40, s16, s20, $0xb8;
	[tilespmem:$0x16200] =	vst v63  }
0x261: {  	s17 =	sadd.s32 $0x478, s15  }
0x262: {  	[tilespmem:s28], [sflag:$0x2] =	stream.indirect.gather [hbm4b:s4+s20], $0x40, s17, s20, $0xb8;
	[tilespmem:$0x16200] =	vst v63  }
0x263: {  	_ =	swait.ge [sflag:s5], $0x3200  }
0x264: {  	[sflag:s5] =	ssyncset.done $0x0  }
0x265: {  	s13 =	simm.s32 $0x0;
	[sflag:s5] =	ssyncadd.s32 $0xFFFFCE00  }
0x266: {  	v6 =	vld [tilespmem:s13+$0x6800]  }
0x267: {  	v7 =	vld [tilespmem:s13+$0x6810]  }
0x268: {  	v8 =	vld [tilespmem:s13+$0x6820]  }
0x269: {  	v9 =	vld [tilespmem:s13+$0x6830]  }
0x26a: {  	v10 =	vld [tilespmem:s13+$0x6840]  }
0x26b: {  	v11 =	vld [tilespmem:s13+$0x6850]  }
0x26c: {  	v12 =	vld [tilespmem:s13+$0x6860]  }
0x26d: {  	v13 =	vld [tilespmem:s13+$0x6870]  }
0x26e: {  	v14 =	vld [tilespmem:s13+$0x6880]  }
0x26f: {  	v15 =	vld [tilespmem:s13+$0x6890]  }
0x270: {  	v5 =	vld [tilespmem:s13+$0x68A0]  }
0x271: {  	v4 =	vld [tilespmem:s13+$0x68B0]  }
0x272: {  	v3 =	vld [tilespmem:s13+$0x68C0]  }
0x273: {  	v2 =	vld [tilespmem:s13+$0x68D0]  }
0x274: {  	v1 =	vld [tilespmem:s13+$0x68E0]  }
0x275: {  	v0 =	vld [tilespmem:s13+$0x68F0]  }
0x276: {  	v16 =	vld [tilespmem:s13+$0x13000]  }
0x277: {  	v17 =	vld [tilespmem:s13+$0x13010]  }
0x278: {  	v18 =	vld [tilespmem:s13+$0x13020]  }
0x279: {  	v19 =	vld [tilespmem:s13+$0x13030]  }
0x27a: {  	v20 =	vld [tilespmem:s13+$0x13040]  }
0x27b: {  	v60 =	vld [tilespmem:s13+$0x13050];
	v6 =	vadd.f32 v6, v16  }
0x27c: {  	v21 =	vld [tilespmem:s13+$0x13060];
	v7 =	vadd.f32 v7, v17  }
0x27d: {  	v61 =	vld [tilespmem:s13+$0x13070];
	[tilespmem:s13+$0x13000] =	vst v6;
	v6 =	vadd.f32 v8, v18  }
0x27e: {  	v62 =	vld [tilespmem:s13+$0x13080];
	[tilespmem:s13+$0x13010] =	vst v7;
	v7 =	vadd.f32 v9, v19  }
0x27f: {  	v63 =	vld [tilespmem:s13+$0x13090];
	[tilespmem:s13+$0x13020] =	vst v6;
	v6 =	vadd.f32 v10, v20  }
0x280: {  	v8 =	vadd.f32 v11, v60;
	[tilespmem:s13+$0x13030] =	vst v7;
	v7 =	vld [tilespmem:s13+$0x130A0]  }
0x281: {  	v9 =	vadd.f32 v12, v21;
	[tilespmem:s13+$0x13040] =	vst v6;
	v6 =	vld [tilespmem:s13+$0x130B0]  }
0x282: {  	[tilespmem:s13+$0x13050] =	vst v8;
	v8 =	vld [tilespmem:s13+$0x130C0];
	v10 =	vadd.f32 v13, v61  }
0x283: {  	v12 =	vadd.f32 v14, v62;
	[tilespmem:s13+$0x13060] =	vst v9;
	v9 =	vld [tilespmem:s13+$0x130D0]  }
0x284: {  	s15 =	simm.s32 $0x400;
	v11 =	vadd.f32 v15, v63;
	[tilespmem:s13+$0x13070] =	vst v10;
	v10 =	vld [tilespmem:s13+$0x130E0]  }
.LBB2_17:
0x285: {  	s8 =	sshra.s32 s15, $0x2;
	p0 =	sne.s32 s15, $0xC400;
	[tilespmem:s13+$0x13080] =	vst v12;
	v5 =	vadd.f32 v5, v7;
	v7 =	vld [tilespmem:s13+$0x130F0]  }
0x286: {  	v12 =	vld [tilespmem:s8+$0x6800];
	[tilespmem:s13+$0x13090] =	vst v11;
	v4 =	vadd.f32 v4, v6  }
0x287: {  	v6 =	vld [tilespmem:s8+$0x6810];
	[tilespmem:s13+$0x130A0] =	vst v5;
	v3 =	vadd.f32 v3, v8  }
0x288: {  	v8 =	vld [tilespmem:s8+$0x6820];
	[tilespmem:s13+$0x130B0] =	vst v4;
	v2 =	vadd.f32 v2, v9  }
0x289: {  	v9 =	vld [tilespmem:s8+$0x6830];
	[tilespmem:s13+$0x130C0] =	vst v3;
	v1 =	vadd.f32 v1, v10  }
0x28a: {  	v10 =	vld [tilespmem:s8+$0x6840];
	[tilespmem:s13+$0x130D0] =	vst v2;
	v0 =	vadd.f32 v0, v7  }
0x28b: {  	v7 =	vld [tilespmem:s8+$0x6850];
	[tilespmem:s13+$0x130E0] =	vst v1  }
0x28c: {  	v11 =	vld [tilespmem:s8+$0x6860];
	[tilespmem:s13+$0x130F0] =	vst v0;
	s13 =	smov.u32 s8  }
0x28d: {  	v13 =	vld [tilespmem:s13+$0x6870]  }
0x28e: {  	v14 =	vld [tilespmem:s13+$0x6880]  }
0x28f: {  	v15 =	vld [tilespmem:s13+$0x6890]  }
0x290: {  	v5 =	vld [tilespmem:s13+$0x68A0]  }
0x291: {  	v4 =	vld [tilespmem:s13+$0x68B0]  }
0x292: {  	v3 =	vld [tilespmem:s13+$0x68C0]  }
0x293: {  	v2 =	vld [tilespmem:s13+$0x68D0]  }
0x294: {  	v1 =	vld [tilespmem:s13+$0x68E0]  }
0x295: {  	v0 =	vld [tilespmem:s13+$0x68F0]  }
0x296: {  	v16 =	vld [tilespmem:s13+$0x13000]  }
0x297: {  	v17 =	vld [tilespmem:s13+$0x13010]  }
0x298: {  	v18 =	vld [tilespmem:s13+$0x13020]  }
0x299: {  	v19 =	vld [tilespmem:s13+$0x13030]  }
0x29a: {  	v20 =	vld [tilespmem:s13+$0x13040]  }
0x29b: {  	v12 =	vadd.f32 v12, v16;
	v16 =	vld [tilespmem:s13+$0x13050]  }
0x29c: {  	v6 =	vadd.f32 v6, v17;
	v17 =	vld [tilespmem:s13+$0x13060]  }
0x29d: {  	[tilespmem:s13+$0x13000] =	vst v12;
	v8 =	vadd.f32 v8, v18;
	v12 =	vld [tilespmem:s13+$0x13070]  }
0x29e: {  	[tilespmem:s13+$0x13010] =	vst v6;
	v6 =	vadd.f32 v9, v19;
	v9 =	vld [tilespmem:s13+$0x13080]  }
0x29f: {  	[tilespmem:s13+$0x13020] =	vst v8;
	v8 =	vadd.f32 v10, v20;
	v10 =	vld [tilespmem:s13+$0x13090]  }
.Ltmp7:
0x2a0: {  	[tilespmem:s13+$0x13030] =	vst v6;
	v16 =	vadd.f32 v7, v16;
	v7 =	vld [tilespmem:s13+$0x130A0];
	(pc) =	sbr.rel @p0 .LBB2_17-.Ltmp7, $4  }
0x2a1: {  	[tilespmem:s13+$0x13040] =	vst v8;
	v11 =	vadd.f32 v11, v17;
	v6 =	vld [tilespmem:s13+$0x130B0]  }
0x2a2: {  	[tilespmem:s13+$0x13050] =	vst v16;
	v13 =	vadd.f32 v13, v12;
	v8 =	vld [tilespmem:s13+$0x130C0]  }
0x2a3: {  	[tilespmem:s13+$0x13060] =	vst v11;
	v12 =	vadd.f32 v14, v9;
	v9 =	vld [tilespmem:s13+$0x130D0]  }
0x2a4: {  	s15 =	sadd.s32 $0x400, s15;
	[tilespmem:s13+$0x13070] =	vst v13;
	v11 =	vadd.f32 v15, v10;
	v10 =	vld [tilespmem:s13+$0x130E0]  }
0x2a5: {  	[tilespmem:s13+$0x13080] =	vst v12;
	v5 =	vadd.f32 v5, v7;
	v63 =	vld [tilespmem:s13+$0x130F0]  }
0x2a6: {  	[tilespmem:s13+$0x13090] =	vst v11;
	v4 =	vadd.f32 v4, v6  }
0x2a7: {  	[tilespmem:s13+$0x130A0] =	vst v5;
	v3 =	vadd.f32 v3, v8  }
0x2a8: {  	p0 =	sne.s32 s11, $0x1E;
	[tilespmem:s13+$0x130B0] =	vst v4;
	v2 =	vadd.f32 v2, v9  }
.Ltmp8:
0x2a9: {  	s8 =	sadd.s32 s7, s14;
	[tilespmem:s13+$0x130C0] =	vst v3;
	v1 =	vadd.f32 v1, v10;
	(pc) =	sbr.rel @p0 .LBB2_10-.Ltmp8, $4  }
0x2aa: {  	s8 =	smul.u32 $0x640, s8;
	[tilespmem:s13+$0x130D0] =	vst v2;
	v0 =	vadd.f32 v0, v63  }
0x2ab: {  	[tilespmem:s13+$0x130E0] =	vst v1  }
0x2ac: {  	s8 =	sadd.s32 s2, s8;
	[tilespmem:s13+$0x130F0] =	vst v0  }
0x2ad: {  	[hbm4b:s8+s3] =	stream.linear.scatter [tilespmem:s22], [sflag:$0x8], $0x3200, $0x38;
	[tilespmem:$0x16200] =	vst v63  }
0x2ae: {  	_ =	swait.ge [sflag:s6], $0x3200  }
0x2af: {  	[sflag:s6] =	ssyncset.done $0x0  }
0x2b0: {  	s8 =	simm.s32 $0x6660;
	[sflag:s6] =	ssyncadd.s32 $0xFFFFCE00  }
0x2b1: {  	[tilespmem:s30], [sflag:$0x3] =	stream.indirect.gather [hbm4b:s4+s20], $0x40, s8, s20, $0xb8;
	[tilespmem:$0x16200] =	vst v63  }
0x2b2: {  	s17 =	simm.s32 $0x66C8  }
0x2b3: {  	[tilespmem:s1], [sflag:$0x3] =	stream.indirect.gather [hbm4b:s4+s20], $0x40, s17, s20, $0xb8;
	[tilespmem:$0x16200] =	vst v63  }
0x2b4: {  	_ =	swait.ge [sflag:s0], $0x3200  }
0x2b5: {  	[sflag:s0] =	ssyncset.done $0x0  }
0x2b6: {  	s11 =	simm.s32 $0x0;
	[sflag:s0] =	ssyncadd.s32 $0xFFFFCE00  }
0x2b7: {  	v6 =	vld [tilespmem:s11+$0x6800]  }
0x2b8: {  	v7 =	vld [tilespmem:s11+$0x6810]  }
0x2b9: {  	v8 =	vld [tilespmem:s11+$0x6820]  }
0x2ba: {  	v9 =	vld [tilespmem:s11+$0x6830]  }
0x2bb: {  	v10 =	vld [tilespmem:s11+$0x6840]  }
0x2bc: {  	v11 =	vld [tilespmem:s11+$0x6850]  }
0x2bd: {  	v12 =	vld [tilespmem:s11+$0x6860]  }
0x2be: {  	v13 =	vld [tilespmem:s11+$0x6870]  }
0x2bf: {  	v14 =	vld [tilespmem:s11+$0x6880]  }
0x2c0: {  	v15 =	vld [tilespmem:s11+$0x6890]  }
0x2c1: {  	v5 =	vld [tilespmem:s11+$0x68A0]  }
0x2c2: {  	v4 =	vld [tilespmem:s11+$0x68B0]  }
0x2c3: {  	v3 =	vld [tilespmem:s11+$0x68C0]  }
0x2c4: {  	v2 =	vld [tilespmem:s11+$0x68D0]  }
0x2c5: {  	v1 =	vld [tilespmem:s11+$0x68E0]  }
0x2c6: {  	v0 =	vld [tilespmem:s11+$0x68F0]  }
0x2c7: {  	v16 =	vld [tilespmem:s11+$0x9A00]  }
0x2c8: {  	v17 =	vld [tilespmem:s11+$0x9A10]  }
0x2c9: {  	v18 =	vld [tilespmem:s11+$0x9A20]  }
0x2ca: {  	v19 =	vld [tilespmem:s11+$0x9A30]  }
0x2cb: {  	v20 =	vld [tilespmem:s11+$0x9A40]  }
0x2cc: {  	v60 =	vld [tilespmem:s11+$0x9A50];
	v6 =	vadd.f32 v6, v16  }
0x2cd: {  	v21 =	vld [tilespmem:s11+$0x9A60];
	v7 =	vadd.f32 v7, v17  }
0x2ce: {  	v61 =	vld [tilespmem:s11+$0x9A70];
	[tilespmem:s11+$0x9A00] =	vst v6;
	v6 =	vadd.f32 v8, v18  }
0x2cf: {  	v62 =	vld [tilespmem:s11+$0x9A80];
	[tilespmem:s11+$0x9A10] =	vst v7;
	v7 =	vadd.f32 v9, v19  }
0x2d0: {  	v63 =	vld [tilespmem:s11+$0x9A90];
	[tilespmem:s11+$0x9A20] =	vst v6;
	v6 =	vadd.f32 v10, v20  }
0x2d1: {  	v8 =	vadd.f32 v11, v60;
	[tilespmem:s11+$0x9A30] =	vst v7;
	v7 =	vld [tilespmem:s11+$0x9AA0]  }
0x2d2: {  	v9 =	vadd.f32 v12, v21;
	[tilespmem:s11+$0x9A40] =	vst v6;
	v6 =	vld [tilespmem:s11+$0x9AB0]  }
0x2d3: {  	[tilespmem:s11+$0x9A50] =	vst v8;
	v8 =	vld [tilespmem:s11+$0x9AC0];
	v10 =	vadd.f32 v13, v61  }
0x2d4: {  	v12 =	vadd.f32 v14, v62;
	[tilespmem:s11+$0x9A60] =	vst v9;
	v9 =	vld [tilespmem:s11+$0x9AD0]  }
0x2d5: {  	s13 =	simm.s32 $0x400;
	v11 =	vadd.f32 v15, v63;
	[tilespmem:s11+$0x9A70] =	vst v10;
	v10 =	vld [tilespmem:s11+$0x9AE0]  }
.LBB2_20:
0x2d6: {  	s8 =	sshra.s32 s13, $0x2;
	p0 =	sne.s32 s13, $0xC400;
	[tilespmem:s11+$0x9A80] =	vst v12;
	v5 =	vadd.f32 v5, v7;
	v7 =	vld [tilespmem:s11+$0x9AF0]  }
0x2d7: {  	v12 =	vld [tilespmem:s8+$0x6800];
	[tilespmem:s11+$0x9A90] =	vst v11;
	v4 =	vadd.f32 v4, v6  }
0x2d8: {  	v6 =	vld [tilespmem:s8+$0x6810];
	[tilespmem:s11+$0x9AA0] =	vst v5;
	v3 =	vadd.f32 v3, v8  }
0x2d9: {  	v8 =	vld [tilespmem:s8+$0x6820];
	[tilespmem:s11+$0x9AB0] =	vst v4;
	v2 =	vadd.f32 v2, v9  }
0x2da: {  	v9 =	vld [tilespmem:s8+$0x6830];
	[tilespmem:s11+$0x9AC0] =	vst v3;
	v1 =	vadd.f32 v1, v10  }
0x2db: {  	v10 =	vld [tilespmem:s8+$0x6840];
	[tilespmem:s11+$0x9AD0] =	vst v2;
	v0 =	vadd.f32 v0, v7  }
0x2dc: {  	v7 =	vld [tilespmem:s8+$0x6850];
	[tilespmem:s11+$0x9AE0] =	vst v1  }
0x2dd: {  	v11 =	vld [tilespmem:s8+$0x6860];
	[tilespmem:s11+$0x9AF0] =	vst v0;
	s11 =	smov.u32 s8  }
0x2de: {  	v13 =	vld [tilespmem:s11+$0x6870]  }
0x2df: {  	v14 =	vld [tilespmem:s11+$0x6880]  }
0x2e0: {  	v15 =	vld [tilespmem:s11+$0x6890]  }
0x2e1: {  	v5 =	vld [tilespmem:s11+$0x68A0]  }
0x2e2: {  	v4 =	vld [tilespmem:s11+$0x68B0]  }
0x2e3: {  	v3 =	vld [tilespmem:s11+$0x68C0]  }
0x2e4: {  	v2 =	vld [tilespmem:s11+$0x68D0]  }
0x2e5: {  	v1 =	vld [tilespmem:s11+$0x68E0]  }
0x2e6: {  	v0 =	vld [tilespmem:s11+$0x68F0]  }
0x2e7: {  	v16 =	vld [tilespmem:s11+$0x9A00]  }
0x2e8: {  	v17 =	vld [tilespmem:s11+$0x9A10]  }
0x2e9: {  	v18 =	vld [tilespmem:s11+$0x9A20]  }
0x2ea: {  	v19 =	vld [tilespmem:s11+$0x9A30]  }
0x2eb: {  	v20 =	vld [tilespmem:s11+$0x9A40]  }
0x2ec: {  	v12 =	vadd.f32 v12, v16;
	v16 =	vld [tilespmem:s11+$0x9A50]  }
0x2ed: {  	v6 =	vadd.f32 v6, v17;
	v17 =	vld [tilespmem:s11+$0x9A60]  }
0x2ee: {  	[tilespmem:s11+$0x9A00] =	vst v12;
	v8 =	vadd.f32 v8, v18;
	v12 =	vld [tilespmem:s11+$0x9A70]  }
0x2ef: {  	[tilespmem:s11+$0x9A10] =	vst v6;
	v6 =	vadd.f32 v9, v19;
	v9 =	vld [tilespmem:s11+$0x9A80]  }
0x2f0: {  	[tilespmem:s11+$0x9A20] =	vst v8;
	v8 =	vadd.f32 v10, v20;
	v10 =	vld [tilespmem:s11+$0x9A90]  }
.Ltmp9:
0x2f1: {  	[tilespmem:s11+$0x9A30] =	vst v6;
	v16 =	vadd.f32 v7, v16;
	v7 =	vld [tilespmem:s11+$0x9AA0];
	(pc) =	sbr.rel @p0 .LBB2_20-.Ltmp9, $4  }
0x2f2: {  	[tilespmem:s11+$0x9A40] =	vst v8;
	v11 =	vadd.f32 v11, v17;
	v6 =	vld [tilespmem:s11+$0x9AB0]  }
0x2f3: {  	[tilespmem:s11+$0x9A50] =	vst v16;
	v13 =	vadd.f32 v13, v12;
	v8 =	vld [tilespmem:s11+$0x9AC0]  }
0x2f4: {  	[tilespmem:s11+$0x9A60] =	vst v11;
	v12 =	vadd.f32 v14, v9;
	v9 =	vld [tilespmem:s11+$0x9AD0]  }
0x2f5: {  	s13 =	sadd.s32 $0x400, s13;
	[tilespmem:s11+$0x9A70] =	vst v13;
	v11 =	vadd.f32 v15, v10;
	v10 =	vld [tilespmem:s11+$0x9AE0]  }
0x2f6: {  	[tilespmem:s11+$0x9A80] =	vst v12;
	v5 =	vadd.f32 v5, v7;
	v7 =	vld [tilespmem:s11+$0x9AF0]  }
0x2f7: {  	[tilespmem:s11+$0x9A90] =	vst v11;
	v4 =	vadd.f32 v4, v6  }
0x2f8: {  	[tilespmem:s11+$0x9AA0] =	vst v5;
	v3 =	vadd.f32 v3, v8  }
0x2f9: {  	[tilespmem:s11+$0x9AB0] =	vst v4;
	v2 =	vadd.f32 v2, v9  }
0x2fa: {  	[tilespmem:s11+$0x9AC0] =	vst v3;
	v1 =	vadd.f32 v1, v10  }
0x2fb: {  	[tilespmem:s11+$0x9AD0] =	vst v2;
	v0 =	vadd.f32 v0, v7  }
0x2fc: {  	[tilespmem:s11+$0x9AE0] =	vst v1  }
0x2fd: {  	s8 =	simm.s32 $0x0;
	s15 =	rddreg [dreg:$0x9];
	[tilespmem:s11+$0x9AF0] =	vst v0  }
0x2fe: {  	[hbm4b:s15+s8] =	stream.linear.scatter [tilespmem:s21], [sflag:$0x5], $0x3200, $0x38;
	[tilespmem:$0x16200] =	vst v63  }
0x2ff: {  	_ =	swait.ge [sflag:s9], $0x3200  }
0x300: {  	[sflag:s9] =	ssyncset.done $0x0  }
0x301: {  	s16 =	simm.s32 $0x6730;
	[sflag:s9] =	ssyncadd.s32 $0xFFFFCE00  }
0x302: {  	[tilespmem:s22], [sflag:$0x4] =	stream.indirect.gather [hbm4b:s4+s20], $0x40, s16, s20, $0xb8;
	[tilespmem:$0x16200] =	vst v63  }
0x303: {  	s17 =	simm.s32 $0x6798  }
0x304: {  	[tilespmem:s26], [sflag:$0x4] =	stream.indirect.gather [hbm4b:s4+s20], $0x40, s17, s20, $0xb8;
	[tilespmem:$0x16200] =	vst v63  }
0x305: {  	_ =	swait.ge [sflag:s29], $0x3200  }
0x306: {  	[sflag:s29] =	ssyncset.done $0x0  }
0x307: {  	s11 =	simm.s32 $0x0;
	[sflag:s29] =	ssyncadd.s32 $0xFFFFCE00  }
0x308: {  	v6 =	vld [tilespmem:s11+$0x6800]  }
0x309: {  	v7 =	vld [tilespmem:s11+$0x6810]  }
0x30a: {  	v8 =	vld [tilespmem:s11+$0x6820]  }
0x30b: {  	v9 =	vld [tilespmem:s11+$0x6830]  }
0x30c: {  	v10 =	vld [tilespmem:s11+$0x6840]  }
0x30d: {  	v11 =	vld [tilespmem:s11+$0x6850]  }
0x30e: {  	v12 =	vld [tilespmem:s11+$0x6860]  }
0x30f: {  	v13 =	vld [tilespmem:s11+$0x6870]  }
0x310: {  	v14 =	vld [tilespmem:s11+$0x6880]  }
0x311: {  	v15 =	vld [tilespmem:s11+$0x6890]  }
0x312: {  	v5 =	vld [tilespmem:s11+$0x68A0]  }
0x313: {  	v4 =	vld [tilespmem:s11+$0x68B0]  }
0x314: {  	v3 =	vld [tilespmem:s11+$0x68C0]  }
0x315: {  	v2 =	vld [tilespmem:s11+$0x68D0]  }
0x316: {  	v1 =	vld [tilespmem:s11+$0x68E0]  }
0x317: {  	v0 =	vld [tilespmem:s11+$0x68F0]  }
0x318: {  	v16 =	vld [tilespmem:s11+$0xCC00]  }
0x319: {  	v17 =	vld [tilespmem:s11+$0xCC10]  }
0x31a: {  	v18 =	vld [tilespmem:s11+$0xCC20]  }
0x31b: {  	v19 =	vld [tilespmem:s11+$0xCC30]  }
0x31c: {  	v20 =	vld [tilespmem:s11+$0xCC40]  }
0x31d: {  	v60 =	vld [tilespmem:s11+$0xCC50];
	v6 =	vadd.f32 v6, v16  }
0x31e: {  	v21 =	vld [tilespmem:s11+$0xCC60];
	v7 =	vadd.f32 v7, v17  }
0x31f: {  	v61 =	vld [tilespmem:s11+$0xCC70];
	[tilespmem:s11+$0xCC00] =	vst v6;
	v6 =	vadd.f32 v8, v18  }
0x320: {  	v62 =	vld [tilespmem:s11+$0xCC80];
	[tilespmem:s11+$0xCC10] =	vst v7;
	v7 =	vadd.f32 v9, v19  }
0x321: {  	v63 =	vld [tilespmem:s11+$0xCC90];
	[tilespmem:s11+$0xCC20] =	vst v6;
	v6 =	vadd.f32 v10, v20  }
0x322: {  	v8 =	vadd.f32 v11, v60;
	[tilespmem:s11+$0xCC30] =	vst v7;
	v7 =	vld [tilespmem:s11+$0xCCA0]  }
0x323: {  	v9 =	vadd.f32 v12, v21;
	[tilespmem:s11+$0xCC40] =	vst v6;
	v6 =	vld [tilespmem:s11+$0xCCB0]  }
0x324: {  	[tilespmem:s11+$0xCC50] =	vst v8;
	v8 =	vld [tilespmem:s11+$0xCCC0];
	v10 =	vadd.f32 v13, v61  }
0x325: {  	v12 =	vadd.f32 v14, v62;
	[tilespmem:s11+$0xCC60] =	vst v9;
	v9 =	vld [tilespmem:s11+$0xCCD0]  }
0x326: {  	s13 =	simm.s32 $0x400;
	v11 =	vadd.f32 v15, v63;
	[tilespmem:s11+$0xCC70] =	vst v10;
	v10 =	vld [tilespmem:s11+$0xCCE0]  }
.LBB2_22:
0x327: {  	s8 =	sshra.s32 s13, $0x2;
	p0 =	sne.s32 s13, $0xC400;
	[tilespmem:s11+$0xCC80] =	vst v12;
	v5 =	vadd.f32 v5, v7;
	v7 =	vld [tilespmem:s11+$0xCCF0]  }
0x328: {  	v12 =	vld [tilespmem:s8+$0x6800];
	[tilespmem:s11+$0xCC90] =	vst v11;
	v4 =	vadd.f32 v4, v6  }
0x329: {  	v6 =	vld [tilespmem:s8+$0x6810];
	[tilespmem:s11+$0xCCA0] =	vst v5;
	v3 =	vadd.f32 v3, v8  }
0x32a: {  	v8 =	vld [tilespmem:s8+$0x6820];
	[tilespmem:s11+$0xCCB0] =	vst v4;
	v2 =	vadd.f32 v2, v9  }
0x32b: {  	v9 =	vld [tilespmem:s8+$0x6830];
	[tilespmem:s11+$0xCCC0] =	vst v3;
	v1 =	vadd.f32 v1, v10  }
0x32c: {  	v10 =	vld [tilespmem:s8+$0x6840];
	[tilespmem:s11+$0xCCD0] =	vst v2;
	v0 =	vadd.f32 v0, v7  }
0x32d: {  	v7 =	vld [tilespmem:s8+$0x6850];
	[tilespmem:s11+$0xCCE0] =	vst v1  }
0x32e: {  	v11 =	vld [tilespmem:s8+$0x6860];
	[tilespmem:s11+$0xCCF0] =	vst v0;
	s11 =	smov.u32 s8  }
0x32f: {  	v13 =	vld [tilespmem:s11+$0x6870]  }
0x330: {  	v14 =	vld [tilespmem:s11+$0x6880]  }
0x331: {  	v15 =	vld [tilespmem:s11+$0x6890]  }
0x332: {  	v5 =	vld [tilespmem:s11+$0x68A0]  }
0x333: {  	v4 =	vld [tilespmem:s11+$0x68B0]  }
0x334: {  	v3 =	vld [tilespmem:s11+$0x68C0]  }
0x335: {  	v2 =	vld [tilespmem:s11+$0x68D0]  }
0x336: {  	v1 =	vld [tilespmem:s11+$0x68E0]  }
0x337: {  	v0 =	vld [tilespmem:s11+$0x68F0]  }
0x338: {  	v16 =	vld [tilespmem:s11+$0xCC00]  }
0x339: {  	v17 =	vld [tilespmem:s11+$0xCC10]  }
0x33a: {  	v18 =	vld [tilespmem:s11+$0xCC20]  }
0x33b: {  	v19 =	vld [tilespmem:s11+$0xCC30]  }
0x33c: {  	v20 =	vld [tilespmem:s11+$0xCC40]  }
0x33d: {  	v12 =	vadd.f32 v12, v16;
	v16 =	vld [tilespmem:s11+$0xCC50]  }
0x33e: {  	v6 =	vadd.f32 v6, v17;
	v17 =	vld [tilespmem:s11+$0xCC60]  }
0x33f: {  	[tilespmem:s11+$0xCC00] =	vst v12;
	v8 =	vadd.f32 v8, v18;
	v12 =	vld [tilespmem:s11+$0xCC70]  }
0x340: {  	[tilespmem:s11+$0xCC10] =	vst v6;
	v6 =	vadd.f32 v9, v19;
	v9 =	vld [tilespmem:s11+$0xCC80]  }
0x341: {  	[tilespmem:s11+$0xCC20] =	vst v8;
	v8 =	vadd.f32 v10, v20;
	v10 =	vld [tilespmem:s11+$0xCC90]  }
.Ltmp10:
0x342: {  	[tilespmem:s11+$0xCC30] =	vst v6;
	v16 =	vadd.f32 v7, v16;
	v7 =	vld [tilespmem:s11+$0xCCA0];
	(pc) =	sbr.rel @p0 .LBB2_22-.Ltmp10, $4  }
0x343: {  	[tilespmem:s11+$0xCC40] =	vst v8;
	v11 =	vadd.f32 v11, v17;
	v6 =	vld [tilespmem:s11+$0xCCB0]  }
0x344: {  	[tilespmem:s11+$0xCC50] =	vst v16;
	v13 =	vadd.f32 v13, v12;
	v8 =	vld [tilespmem:s11+$0xCCC0]  }
0x345: {  	[tilespmem:s11+$0xCC60] =	vst v11;
	v12 =	vadd.f32 v14, v9;
	v9 =	vld [tilespmem:s11+$0xCCD0]  }
0x346: {  	s13 =	sadd.s32 $0x400, s13;
	[tilespmem:s11+$0xCC70] =	vst v13;
	v11 =	vadd.f32 v15, v10;
	v10 =	vld [tilespmem:s11+$0xCCE0]  }
0x347: {  	[tilespmem:s11+$0xCC80] =	vst v12;
	v5 =	vadd.f32 v5, v7;
	v7 =	vld [tilespmem:s11+$0xCCF0]  }
0x348: {  	[tilespmem:s11+$0xCC90] =	vst v11;
	v4 =	vadd.f32 v4, v6  }
0x349: {  	[tilespmem:s11+$0xCCA0] =	vst v5;
	v3 =	vadd.f32 v3, v8  }
0x34a: {  	[tilespmem:s11+$0xCCB0] =	vst v4;
	v2 =	vadd.f32 v2, v9  }
0x34b: {  	[tilespmem:s11+$0xCCC0] =	vst v3;
	v1 =	vadd.f32 v1, v10  }
0x34c: {  	[tilespmem:s11+$0xCCD0] =	vst v2;
	v0 =	vadd.f32 v0, v7  }
0x34d: {  	[tilespmem:s11+$0xCCE0] =	vst v1  }
0x34e: {  	s8 =	simm.s32 $0x0;
	s17 =	rddreg [dreg:$0xa];
	[tilespmem:s11+$0xCCF0] =	vst v0  }
0x34f: {  	[hbm4b:s17+s8] =	stream.linear.scatter [tilespmem:s25], [sflag:$0x6], $0x3200, $0x38;
	[tilespmem:$0x16200] =	vst v63  }
0x350: {  	_ =	swait.ge [sflag:s18], $0x3200  }
0x351: {  	[sflag:s18] =	ssyncset.done $0x0  }
0x352: {  	s11 =	simm.s32 $0x0;
	[sflag:s18] =	ssyncadd.s32 $0xFFFFCE00  }
0x353: {  	v6 =	vld [tilespmem:s11+$0x6800]  }
0x354: {  	v7 =	vld [tilespmem:s11+$0x6810]  }
0x355: {  	v8 =	vld [tilespmem:s11+$0x6820]  }
0x356: {  	v9 =	vld [tilespmem:s11+$0x6830]  }
0x357: {  	v10 =	vld [tilespmem:s11+$0x6840]  }
0x358: {  	v11 =	vld [tilespmem:s11+$0x6850]  }
0x359: {  	v12 =	vld [tilespmem:s11+$0x6860]  }
0x35a: {  	v13 =	vld [tilespmem:s11+$0x6870]  }
0x35b: {  	v14 =	vld [tilespmem:s11+$0x6880]  }
0x35c: {  	v15 =	vld [tilespmem:s11+$0x6890]  }
0x35d: {  	v5 =	vld [tilespmem:s11+$0x68A0]  }
0x35e: {  	v4 =	vld [tilespmem:s11+$0x68B0]  }
0x35f: {  	v3 =	vld [tilespmem:s11+$0x68C0]  }
0x360: {  	v2 =	vld [tilespmem:s11+$0x68D0]  }
0x361: {  	v1 =	vld [tilespmem:s11+$0x68E0]  }
0x362: {  	v0 =	vld [tilespmem:s11+$0x68F0]  }
0x363: {  	v16 =	vld [tilespmem:s11+$0xFE00]  }
0x364: {  	v17 =	vld [tilespmem:s11+$0xFE10]  }
0x365: {  	v18 =	vld [tilespmem:s11+$0xFE20]  }
0x366: {  	v19 =	vld [tilespmem:s11+$0xFE30]  }
0x367: {  	v20 =	vld [tilespmem:s11+$0xFE40]  }
0x368: {  	v60 =	vld [tilespmem:s11+$0xFE50];
	v6 =	vadd.f32 v6, v16  }
0x369: {  	v21 =	vld [tilespmem:s11+$0xFE60];
	v7 =	vadd.f32 v7, v17  }
0x36a: {  	v61 =	vld [tilespmem:s11+$0xFE70];
	[tilespmem:s11+$0xFE00] =	vst v6;
	v6 =	vadd.f32 v8, v18  }
0x36b: {  	v62 =	vld [tilespmem:s11+$0xFE80];
	[tilespmem:s11+$0xFE10] =	vst v7;
	v7 =	vadd.f32 v9, v19  }
0x36c: {  	v63 =	vld [tilespmem:s11+$0xFE90];
	[tilespmem:s11+$0xFE20] =	vst v6;
	v6 =	vadd.f32 v10, v20  }
0x36d: {  	v8 =	vadd.f32 v11, v60;
	[tilespmem:s11+$0xFE30] =	vst v7;
	v7 =	vld [tilespmem:s11+$0xFEA0]  }
0x36e: {  	v9 =	vadd.f32 v12, v21;
	[tilespmem:s11+$0xFE40] =	vst v6;
	v6 =	vld [tilespmem:s11+$0xFEB0]  }
0x36f: {  	[tilespmem:s11+$0xFE50] =	vst v8;
	v8 =	vld [tilespmem:s11+$0xFEC0];
	v10 =	vadd.f32 v13, v61  }
0x370: {  	v12 =	vadd.f32 v14, v62;
	[tilespmem:s11+$0xFE60] =	vst v9;
	v9 =	vld [tilespmem:s11+$0xFED0]  }
0x371: {  	s13 =	simm.s32 $0x400;
	v11 =	vadd.f32 v15, v63;
	[tilespmem:s11+$0xFE70] =	vst v10;
	v10 =	vld [tilespmem:s11+$0xFEE0]  }
.LBB2_24:
0x372: {  	s8 =	sshra.s32 s13, $0x2;
	p0 =	sne.s32 s13, $0xC400;
	[tilespmem:s11+$0xFE80] =	vst v12;
	v5 =	vadd.f32 v5, v7;
	v7 =	vld [tilespmem:s11+$0xFEF0]  }
0x373: {  	v12 =	vld [tilespmem:s8+$0x6800];
	[tilespmem:s11+$0xFE90] =	vst v11;
	v4 =	vadd.f32 v4, v6  }
0x374: {  	v6 =	vld [tilespmem:s8+$0x6810];
	[tilespmem:s11+$0xFEA0] =	vst v5;
	v3 =	vadd.f32 v3, v8  }
0x375: {  	v8 =	vld [tilespmem:s8+$0x6820];
	[tilespmem:s11+$0xFEB0] =	vst v4;
	v2 =	vadd.f32 v2, v9  }
0x376: {  	v9 =	vld [tilespmem:s8+$0x6830];
	[tilespmem:s11+$0xFEC0] =	vst v3;
	v1 =	vadd.f32 v1, v10  }
0x377: {  	v10 =	vld [tilespmem:s8+$0x6840];
	[tilespmem:s11+$0xFED0] =	vst v2;
	v0 =	vadd.f32 v0, v7  }
0x378: {  	v7 =	vld [tilespmem:s8+$0x6850];
	[tilespmem:s11+$0xFEE0] =	vst v1  }
0x379: {  	v11 =	vld [tilespmem:s8+$0x6860];
	[tilespmem:s11+$0xFEF0] =	vst v0;
	s11 =	smov.u32 s8  }
0x37a: {  	v13 =	vld [tilespmem:s11+$0x6870]  }
0x37b: {  	v14 =	vld [tilespmem:s11+$0x6880]  }
0x37c: {  	v15 =	vld [tilespmem:s11+$0x6890]  }
0x37d: {  	v5 =	vld [tilespmem:s11+$0x68A0]  }
0x37e: {  	v4 =	vld [tilespmem:s11+$0x68B0]  }
0x37f: {  	v3 =	vld [tilespmem:s11+$0x68C0]  }
0x380: {  	v2 =	vld [tilespmem:s11+$0x68D0]  }
0x381: {  	v1 =	vld [tilespmem:s11+$0x68E0]  }
0x382: {  	v0 =	vld [tilespmem:s11+$0x68F0]  }
0x383: {  	v16 =	vld [tilespmem:s11+$0xFE00]  }
0x384: {  	v17 =	vld [tilespmem:s11+$0xFE10]  }
0x385: {  	v18 =	vld [tilespmem:s11+$0xFE20]  }
0x386: {  	v19 =	vld [tilespmem:s11+$0xFE30]  }
0x387: {  	v20 =	vld [tilespmem:s11+$0xFE40]  }
0x388: {  	v12 =	vadd.f32 v12, v16;
	v16 =	vld [tilespmem:s11+$0xFE50]  }
0x389: {  	v6 =	vadd.f32 v6, v17;
	v17 =	vld [tilespmem:s11+$0xFE60]  }
0x38a: {  	[tilespmem:s11+$0xFE00] =	vst v12;
	v8 =	vadd.f32 v8, v18;
	v12 =	vld [tilespmem:s11+$0xFE70]  }
0x38b: {  	[tilespmem:s11+$0xFE10] =	vst v6;
	v6 =	vadd.f32 v9, v19;
	v9 =	vld [tilespmem:s11+$0xFE80]  }
0x38c: {  	[tilespmem:s11+$0xFE20] =	vst v8;
	v8 =	vadd.f32 v10, v20;
	v10 =	vld [tilespmem:s11+$0xFE90]  }
.Ltmp11:
0x38d: {  	[tilespmem:s11+$0xFE30] =	vst v6;
	v16 =	vadd.f32 v7, v16;
	v7 =	vld [tilespmem:s11+$0xFEA0];
	(pc) =	sbr.rel @p0 .LBB2_24-.Ltmp11, $4  }
0x38e: {  	[tilespmem:s11+$0xFE40] =	vst v8;
	v11 =	vadd.f32 v11, v17;
	v6 =	vld [tilespmem:s11+$0xFEB0]  }
0x38f: {  	[tilespmem:s11+$0xFE50] =	vst v16;
	v13 =	vadd.f32 v13, v12;
	v8 =	vld [tilespmem:s11+$0xFEC0]  }
0x390: {  	[tilespmem:s11+$0xFE60] =	vst v11;
	v12 =	vadd.f32 v14, v9;
	v9 =	vld [tilespmem:s11+$0xFED0]  }
0x391: {  	s13 =	sadd.s32 $0x400, s13;
	[tilespmem:s11+$0xFE70] =	vst v13;
	v11 =	vadd.f32 v15, v10;
	v10 =	vld [tilespmem:s11+$0xFEE0]  }
0x392: {  	[tilespmem:s11+$0xFE80] =	vst v12;
	v5 =	vadd.f32 v5, v7;
	v7 =	vld [tilespmem:s11+$0xFEF0]  }
0x393: {  	[tilespmem:s11+$0xFE90] =	vst v11;
	v4 =	vadd.f32 v4, v6  }
0x394: {  	[tilespmem:s11+$0xFEA0] =	vst v5;
	v3 =	vadd.f32 v3, v8  }
0x395: {  	[tilespmem:s11+$0xFEB0] =	vst v4;
	v2 =	vadd.f32 v2, v9  }
0x396: {  	[tilespmem:s11+$0xFEC0] =	vst v3;
	v1 =	vadd.f32 v1, v10  }
0x397: {  	[tilespmem:s11+$0xFED0] =	vst v2;
	v0 =	vadd.f32 v0, v7  }
0x398: {  	[tilespmem:s11+$0xFEE0] =	vst v1  }
0x399: {  	s8 =	simm.s32 $0x0;
	s17 =	rddreg [dreg:$0xb];
	[tilespmem:s11+$0xFEF0] =	vst v0  }
0x39a: {  	[hbm4b:s17+s8] =	stream.linear.scatter [tilespmem:s30], [sflag:$0x7], $0x3200, $0x38;
	[tilespmem:$0x16200] =	vst v63  }
0x39b: {  	_ =	swait.ge [sflag:s5], $0x3200  }
0x39c: {  	[sflag:s5] =	ssyncset.done $0x0  }
0x39d: {  	s11 =	simm.s32 $0x0;
	[sflag:s5] =	ssyncadd.s32 $0xFFFFCE00  }
0x39e: {  	v6 =	vld [tilespmem:s11+$0x6800]  }
0x39f: {  	v7 =	vld [tilespmem:s11+$0x6810]  }
0x3a0: {  	v8 =	vld [tilespmem:s11+$0x6820]  }
0x3a1: {  	v9 =	vld [tilespmem:s11+$0x6830]  }
0x3a2: {  	v10 =	vld [tilespmem:s11+$0x6840]  }
0x3a3: {  	v11 =	vld [tilespmem:s11+$0x6850]  }
0x3a4: {  	v12 =	vld [tilespmem:s11+$0x6860]  }
0x3a5: {  	v13 =	vld [tilespmem:s11+$0x6870]  }
0x3a6: {  	v14 =	vld [tilespmem:s11+$0x6880]  }
0x3a7: {  	v15 =	vld [tilespmem:s11+$0x6890]  }
0x3a8: {  	v5 =	vld [tilespmem:s11+$0x68A0]  }
0x3a9: {  	v4 =	vld [tilespmem:s11+$0x68B0]  }
0x3aa: {  	v3 =	vld [tilespmem:s11+$0x68C0]  }
0x3ab: {  	v2 =	vld [tilespmem:s11+$0x68D0]  }
0x3ac: {  	v1 =	vld [tilespmem:s11+$0x68E0]  }
0x3ad: {  	v0 =	vld [tilespmem:s11+$0x68F0]  }
0x3ae: {  	v16 =	vld [tilespmem:s11+$0x13000]  }
0x3af: {  	v17 =	vld [tilespmem:s11+$0x13010]  }
0x3b0: {  	v18 =	vld [tilespmem:s11+$0x13020]  }
0x3b1: {  	v19 =	vld [tilespmem:s11+$0x13030]  }
0x3b2: {  	v20 =	vld [tilespmem:s11+$0x13040]  }
0x3b3: {  	v60 =	vld [tilespmem:s11+$0x13050];
	v6 =	vadd.f32 v6, v16  }
0x3b4: {  	v21 =	vld [tilespmem:s11+$0x13060];
	v7 =	vadd.f32 v7, v17  }
0x3b5: {  	v61 =	vld [tilespmem:s11+$0x13070];
	[tilespmem:s11+$0x13000] =	vst v6;
	v6 =	vadd.f32 v8, v18  }
0x3b6: {  	v62 =	vld [tilespmem:s11+$0x13080];
	[tilespmem:s11+$0x13010] =	vst v7;
	v7 =	vadd.f32 v9, v19  }
0x3b7: {  	v63 =	vld [tilespmem:s11+$0x13090];
	[tilespmem:s11+$0x13020] =	vst v6;
	v6 =	vadd.f32 v10, v20  }
0x3b8: {  	v8 =	vadd.f32 v11, v60;
	[tilespmem:s11+$0x13030] =	vst v7;
	v7 =	vld [tilespmem:s11+$0x130A0]  }
0x3b9: {  	v9 =	vadd.f32 v12, v21;
	[tilespmem:s11+$0x13040] =	vst v6;
	v6 =	vld [tilespmem:s11+$0x130B0]  }
0x3ba: {  	[tilespmem:s11+$0x13050] =	vst v8;
	v8 =	vld [tilespmem:s11+$0x130C0];
	v10 =	vadd.f32 v13, v61  }
0x3bb: {  	v12 =	vadd.f32 v14, v62;
	[tilespmem:s11+$0x13060] =	vst v9;
	v9 =	vld [tilespmem:s11+$0x130D0]  }
0x3bc: {  	s13 =	simm.s32 $0x400;
	v11 =	vadd.f32 v15, v63;
	[tilespmem:s11+$0x13070] =	vst v10;
	v10 =	vld [tilespmem:s11+$0x130E0]  }
.LBB2_26:
0x3bd: {  	s8 =	sshra.s32 s13, $0x2;
	p0 =	sne.s32 s13, $0xC400;
	[tilespmem:s11+$0x13080] =	vst v12;
	v5 =	vadd.f32 v5, v7;
	v7 =	vld [tilespmem:s11+$0x130F0]  }
0x3be: {  	v12 =	vld [tilespmem:s8+$0x6800];
	[tilespmem:s11+$0x13090] =	vst v11;
	v4 =	vadd.f32 v4, v6  }
0x3bf: {  	v6 =	vld [tilespmem:s8+$0x6810];
	[tilespmem:s11+$0x130A0] =	vst v5;
	v3 =	vadd.f32 v3, v8  }
0x3c0: {  	v8 =	vld [tilespmem:s8+$0x6820];
	[tilespmem:s11+$0x130B0] =	vst v4;
	v2 =	vadd.f32 v2, v9  }
0x3c1: {  	v9 =	vld [tilespmem:s8+$0x6830];
	[tilespmem:s11+$0x130C0] =	vst v3;
	v1 =	vadd.f32 v1, v10  }
0x3c2: {  	v10 =	vld [tilespmem:s8+$0x6840];
	[tilespmem:s11+$0x130D0] =	vst v2;
	v0 =	vadd.f32 v0, v7  }
0x3c3: {  	v7 =	vld [tilespmem:s8+$0x6850];
	[tilespmem:s11+$0x130E0] =	vst v1  }
0x3c4: {  	v11 =	vld [tilespmem:s8+$0x6860];
	[tilespmem:s11+$0x130F0] =	vst v0;
	s11 =	smov.u32 s8  }
0x3c5: {  	v13 =	vld [tilespmem:s11+$0x6870]  }
0x3c6: {  	v14 =	vld [tilespmem:s11+$0x6880]  }
0x3c7: {  	v15 =	vld [tilespmem:s11+$0x6890]  }
0x3c8: {  	v5 =	vld [tilespmem:s11+$0x68A0]  }
0x3c9: {  	v4 =	vld [tilespmem:s11+$0x68B0]  }
0x3ca: {  	v3 =	vld [tilespmem:s11+$0x68C0]  }
0x3cb: {  	v2 =	vld [tilespmem:s11+$0x68D0]  }
0x3cc: {  	v1 =	vld [tilespmem:s11+$0x68E0]  }
0x3cd: {  	v0 =	vld [tilespmem:s11+$0x68F0]  }
0x3ce: {  	v16 =	vld [tilespmem:s11+$0x13000]  }
0x3cf: {  	v17 =	vld [tilespmem:s11+$0x13010]  }
0x3d0: {  	v18 =	vld [tilespmem:s11+$0x13020]  }
0x3d1: {  	v19 =	vld [tilespmem:s11+$0x13030]  }
0x3d2: {  	v20 =	vld [tilespmem:s11+$0x13040]  }
0x3d3: {  	v12 =	vadd.f32 v12, v16;
	v16 =	vld [tilespmem:s11+$0x13050]  }
0x3d4: {  	v6 =	vadd.f32 v6, v17;
	v17 =	vld [tilespmem:s11+$0x13060]  }
0x3d5: {  	[tilespmem:s11+$0x13000] =	vst v12;
	v8 =	vadd.f32 v8, v18;
	v12 =	vld [tilespmem:s11+$0x13070]  }
0x3d6: {  	[tilespmem:s11+$0x13010] =	vst v6;
	v6 =	vadd.f32 v9, v19;
	v9 =	vld [tilespmem:s11+$0x13080]  }
0x3d7: {  	[tilespmem:s11+$0x13020] =	vst v8;
	v8 =	vadd.f32 v10, v20;
	v10 =	vld [tilespmem:s11+$0x13090]  }
.Ltmp12:
0x3d8: {  	[tilespmem:s11+$0x13030] =	vst v6;
	v16 =	vadd.f32 v7, v16;
	v7 =	vld [tilespmem:s11+$0x130A0];
	(pc) =	sbr.rel @p0 .LBB2_26-.Ltmp12, $4  }
0x3d9: {  	[tilespmem:s11+$0x13040] =	vst v8;
	v11 =	vadd.f32 v11, v17;
	v6 =	vld [tilespmem:s11+$0x130B0]  }
0x3da: {  	[tilespmem:s11+$0x13050] =	vst v16;
	v13 =	vadd.f32 v13, v12;
	v8 =	vld [tilespmem:s11+$0x130C0]  }
0x3db: {  	[tilespmem:s11+$0x13060] =	vst v11;
	v12 =	vadd.f32 v14, v9;
	v9 =	vld [tilespmem:s11+$0x130D0]  }
0x3dc: {  	s13 =	sadd.s32 $0x400, s13;
	[tilespmem:s11+$0x13070] =	vst v13;
	v11 =	vadd.f32 v15, v10;
	v10 =	vld [tilespmem:s11+$0x130E0]  }
0x3dd: {  	[tilespmem:s11+$0x13080] =	vst v12;
	v5 =	vadd.f32 v5, v7;
	v63 =	vld [tilespmem:s11+$0x130F0]  }
0x3de: {  	[tilespmem:s11+$0x13090] =	vst v11;
	v4 =	vadd.f32 v4, v6  }
0x3df: {  	[tilespmem:s11+$0x130A0] =	vst v5;
	v3 =	vadd.f32 v3, v8  }
0x3e0: {  	[tilespmem:s11+$0x130B0] =	vst v4;
	v2 =	vadd.f32 v2, v9  }
0x3e1: {  	[tilespmem:s11+$0x130C0] =	vst v3;
	v1 =	vadd.f32 v1, v10  }
0x3e2: {  	[tilespmem:s11+$0x130D0] =	vst v2;
	v0 =	vadd.f32 v0, v63  }
0x3e3: {  	[tilespmem:s11+$0x130E0] =	vst v1  }
0x3e4: {  	s8 =	rddreg [dreg:$0xc];
	[tilespmem:s11+$0x130F0] =	vst v0  }
0x3e5: {  	[hbm4b:s8+s3] =	stream.linear.scatter [tilespmem:s22], [sflag:$0x8], $0x3200, $0x38;
	[tilespmem:$0x16200] =	vst v63  }
0x3e6: {  	_ =	swait.ge [sflag:s31], $0x3200  }
0x3e7: {  	[sflag:s31] =	ssyncset.done $0x0  }
0x3e8: {  	[sflag:s31] =	ssyncadd.s32 $0xFFFFCE00  }
0x3e9: {  	_ =	swait.ge [sflag:s24], $0x3200  }
0x3ea: {  	[sflag:s24] =	ssyncset.done $0x0  }
0x3eb: {  	[sflag:s24] =	ssyncadd.s32 $0xFFFFCE00  }
0x3ec: {  	_ =	swait.ge [sflag:s6], $0x3200  }
0x3ed: {  	[sflag:s6] =	ssyncset.done $0x0  }
0x3ee: {  	[sflag:s6] =	ssyncadd.s32 $0xFFFFCE00  }
0x3ef: {  	_ =	swait.ge [sflag:s9], $0x3200  }
0x3f0: {  	s10 =	sadd.s32 $0x1, s10;
	s17 =	rddreg [dreg:$0xd]  }
0x3f1: {  	p0 =	sne.s32 s10, s17  }
.Ltmp13:
0x3f2: {  	_ = 	snop;
	(pc) =	sbr.rel @p0 .LBB2_1-.Ltmp13, $3  }
0x3f3: {  	_ =	sdelay $0x1  }
0x3f4: {  	[sflag:s9] =	ssyncset.done $0x0  }
0x3f5: {  	[sflag:s9] =	ssyncadd.s32 $0xFFFFCE00  }
0x3f6: {  	_ =	sfence.sel $0x180000  }
0x3f7: {  	[bflag:$0x0] =	sbarrier.arrive $0xFFFF  }
0x3f8: {  	_ =	strace $0x90000047  }
0x3f9: {  	s0 =	stileid.u32;
	[bflag:$0x2] =	sbarrier.arrive $0xFFFF  }
0x3fa: {  	p0 =	sne.s32 s0, $0x0;
	s0 =	rddreg [dreg:$0x2]  }
0x3fb: {  	s0 =	sadd.s32 @!p0 $0x100000, s0  }
0x3fc: {  	[sflag:s0] =	ssyncadd.tile.s32 @!p0 $0x1;
	_ =	shalt  }
.Lfunc_end2:
_tile_overlayer_lowered:
.L_overlay_start_2:
0x3fd: {  	(tag) =	ssettag $0x2  }
0x3fe: {  	s0 =	rddreg [dreg:$0x0];
	s2 =	stileid.u32  }
0x3ff: {  	s1 =	rddreg [dreg:$0x1];
	p0 =	sne.s32 s2, $0x0  }
0x400: {  	s3 =	rddreg [dreg:$0x2];
	[bflag:$0x3] =	sbarrier.arrive $0xFFFF;
	s2 =	simm.s32 @!p0 $0x1C09  }
0x401: {  	[timem:s3], [sflag:s2] =	dma.local @!p0 [hbm:s0], s1  }
0x402: {  	s0 =	simm.s32 @!p0 $0x9  }
0x403: {  	_ =	swait.ge @!p0 [sflag:s0], s1  }
0x404: {  	s1 =	ssub.s32 @!p0 $0x0, s1;
	[sflag:s0] =	ssyncset.done @!p0 $0x0  }
0x405: {  	[sflag:s0] =	ssyncadd.s32 @!p0 s1  }
0x406: {  	[bflag:$0x3] =	sbarrier.arrive $0xFFFF  }
0x407: {  	_ =	shalt  }

// kernel: sparse-core-data-format-call.cloned.1.call-start
scs
called_computation_lowered:
.L_overlay_start_0:
0x0: {  	s2 =	sld [smem:$0x3FD9]  }
0x1: {  	s3 =	sld [smem:$0x3FFE];
	_ =	sdelay $0x1  }
0x2: {  	s1 =	srdreg.scid  }
0x3: {  	s0 =	sand.u32 $0x1, s1  }
0x4: {  	s18 =	sshll.u32 s0, $0xA;
	s2 =	sadd.s32 s3, s2  }
0x5: {  	s2 =	sadd.s32 s2, s18  }
0x6: {  	[smem:$0x3FC5] =	sst s2  }
0x7: {  	_ = 	snop  }
0x8: {  	s2 =	sld [smem:$0x3FD0];
	(tm) =	ssettm $0x1  }
0x9: {  	s19 =	sld [smem:$0x3FFB];
	_ =	sdelay $0x3  }
0xa: {  	_ =	strace s19  }
0xb: {  	s3 =	sld [smem:$0x3FFC];
	_ =	sdelay $0x3  }
0xc: {  	_ =	strace s3  }
0xd: {  	s3 =	sld [smem:$0x3FFD];
	_ =	sdelay $0x3  }
0xe: {  	_ =	strace s3  }
0xf: {  	_ =	strace $0x8FFFFFFF  }
0x10: {  	s20 =	sld [smem:$0x3FDB];
	_ =	sdelay $0x1  }
0x11: {  	s4 =	simm.s32 $_scs_section_size  }
0x12: {  	s5 =	simm.s32 $_size__tile_overlayer_lowered;
	s6 =	simm.s32 $_tile_overlayer_lowered  }
0x13: {  	s23 =	simm.s32 $0x1BFF;
	s22 =	sshll.u32 s6, $0x1;
	s3 =	sadd.s32 s4, s20  }
0x14: {  	s7 =	simm.s32 $0x0;
	s21 =	sshll.u32 s5, $0x1;
	s5 =	sadd.s32 s22, s3  }
0x15: {  	[timem:s7], [sflag:s23] =	dma.local [hbm:s5], s21  }
0x16: {  	_ =	swait.ge [sflag:s23], s21  }
0x17: {  	s4 =	ssub.s32 $0x0, s21;
	[sflag:s23] =	ssyncset.done $0x0  }
0x18: {  	[sflag:s23] =	ssyncadd.s32 s4;
	_ =	sdelay $0x1  }
0x19: {  	s24 =	simm.s32 $0x1B8B  }
0x1a: {  	_ =	swait.ge [sflag:s24], $0x1  }
0x1b: {  	[sflag:s24] =	ssyncset.done $0x0  }
0x1c: {  	s26 =	simm.s32 $0x1B8E;
	s25 =	sld [smem:$0x3FFE];
	[sflag:s24] =	ssyncadd.s32 $0xFFFFFFFF  }
0x1d: {  	s27 =	simm.s32 $execute0_lowered;
	[smem:$0x3FD2] =	sst s26  }
0x1e: {  	s5 =	sshll.u32 s27, $0x1;
	_ =	strace $0x80000049;
	[dreg:$0x1] =	wrdreg $0xFFFFFFFF  }
0x1f: {  	s28 =	simm.s32 $_size_execute0_lowered;
	s3 =	sadd.s32 s3, s5;
	[dreg:$0x0] =	wrdreg $0x0  }
0x20: {  	s5 =	sshll.u32 s28, $0x1;
	[dreg:$0x2] =	wrdreg s3  }
0x21: {  	[dreg:$0x3] =	wrdreg s5  }
0x22: {  	[dreg:$0x4] =	wrdreg $0xC0  }
0x23: {  	_ =	task [dreg:s7], $0x5FFFF  }
0x24: {  	[dreg:$0x1] =	wrdreg $0xFFFFFFFF  }
0x25: {  	[dreg:$0x0] =	wrdreg $0x60  }
0x26: {  	[dreg:$0x2] =	wrdreg s25  }
0x27: {  	[dreg:$0x3] =	wrdreg s2  }
0x28: {  	[dreg:$0x4] =	wrdreg $0x9  }
0x29: {  	_ =	task.clear_ibuf [dreg:s7], $0x5FFFF;
	_ =	strace $0x90000049  }
0x2a: {  	s29 =	simm.s32 $0x9;
	_ =	strace $0x8000004B  }
0x2b: {  	_ =	swait.ge [sflag:s29], $0x1  }
0x2c: {  	[sflag:s29] =	ssyncadd.s32 $0xFFFFFFFF  }
0x2d: {  	_ =	strace $0x9000004B  }
0x2e: {  	_ =	sfence  }
0x2f: {  	s30 =	sld [smem:$0x0];
	_ =	sdelay $0x2  }
0x30: {  	s31 =	sshll.u32 s1, $0xD;
	s1 =	sshrl.u32 s1, $0x2  }
0x31: {  	s3 =	sand.u32 $0x4000, s31;
	s1 =	sadd.s32 s1, s30  }
0x32: {  	s0 =	sor.u32 s3, s0;
	s1 =	sshll.u32 s1, $0x11  }
0x33: {  	s0 =	sor.u32 s1, s0  }
0x34: {  	s0 =	sadd.s32 $0x8F2B, s0  }
0x35: {  	[sflag:s0] =	ssyncadd.remote.s32 $0x1  }
0x36: {  	_ =	sfence.sel $0xFFFF  }
0x37: {  	[dreg:$0x0] =	wrdreg $0xFFFFFFFF;
	(pc) =	sbr.abs _section_cstart, $3  }
0x38: {  	[dreg:$0x1] =	wrdreg $0xFFFFFFFF  }
0x39: {  	_ =	task.clear_ibuf [dreg:s7], $0x2FFFF;
	_ =	strace $0x9FFFFFFF  }
0x3a: {  	(tm) =	ssettm $0x7FFFFFFF  }
0x3b: {  	_ =	shalt  }
tec
execute0_lowered:
.L_overlay_start_1:
0x0: {  	(tag) =	ssettag $0x1  }
0x1: {  	s0 =	srdreg.scid  }
0x2: {  	s1 =	sshll.u32 s0, $0x4  }
0x3: {  	s0 =	stileid.u32;
	s1 =	sand.u32 $0x10, s1  }
0x4: {  	s1 =	sor.u32 s0, s1  }
0x5: {  	s6 =	rddreg [dreg:$0x0];
	s4 =	simm.s32 $0x1;
	s2 =	sshll.u32 s1, $0x7  }
0x6: {  	s7 =	simm.s32 $0x2;
	s12 =	simm.s32 $0x0;
	s1 =	ssub.s32 $0x1000, s2  }
0x7: {  	s8 =	simm.s32 $0x8000;
	s13 =	simm.s32 $0x0;
	s3 =	sand.u32 $0xF80, s1  }
0x8: {  	s9 =	simm.s32 $0x0;
	s5 =	sshrl.u32 s1, $0xC;
	p0 =	sne.s32 s3, $0x0  }
.Ltmp0:
0x9: {  	s1 =	rddreg [dreg:$0x2];
	s4 =	simm.s32 @!p0 $0x0;
	(pc) =	sbr.rel .LBB1_1-.Ltmp0, $4  }
0xa: {  	s11 =	simm.s32 $0x0;
	s3 =	rddreg [dreg:$0x1];
	s5 =	sadd.s32 s4, s5  }
0xb: {  	_ =	strace $0x8000004A;
	s4 =	simm.s32 $0x1;
	s5 =	smul.u32 $0xC8, s5  }
0xc: {  	s6 =	sadd.s32 $0xC00, s6;
	s10 =	smov.u32 s2;
	[sflag:s4] =	ssyncpa.u1 $0x0  }
0xd: {  	p0 =	por $0x0, $0x0;
	[sflag:s7] =	ssyncpa.u1 $0x0;
	s7 =	sor.u32 $0x1, s5  }
.LBB1_4:
0xe: {  	s16 =	sshll.u32 s13, $0x3;
	s17 =	sand.u32 $0x78, s13  }
0xf: {  	s30 =	sand.u32 $0x7E00, s13;
	s12 =	sshll.u32 s12, $0xF;
	s16 =	sand.u32 $0xC00, s16  }
0x10: {  	[tilespmem:s15+$0x810 ss:$0x81] =	vst.msk $0xffff, v2;
	s31 =	sand.u32 $0x7, s13;
	s16 =	sor.u32 s17, s16;
	s17 =	sadd.s32 s3, s30  }
0x11: {  	[tilespmem:s15+$0x1020 ss:$0x81] =	vst.msk $0xffff, v0;
	s13 =	sshll.u32 s31, $0x12;
	s12 =	sadd.s32 s12, s17;
	s16 =	sshrl.u32 s16, $0x3  }
0x12: {  	[tilespmem:s15+$0x0 ss:$0x81] =	vst.msk $0xffff, v1;
	s13 =	sor.u32 $0x400, s13;
	s12 =	sadd.s32 s16, s12  }
0x13: {  	[hbm4b:s12+s13] =	stream.strided.scatter [tilespmem:s14], [sflag:$0x2], $0x2000, s8, s13, $0x20;
	[tilespmem:$0x8080] =	vst v63  }
.LBB1_5:
0x14: {  	s14 =	sadd.s32 $0x1, s9  }
0x15: {  	s12 =	sadd.s32 $0x1000, s10;
	s16 =	smov.u32 s10;
	p2 =	sgt.s32 s14, $0xC7  }
0x16: {  	s16 =	smov.u32 @p2 s12  }
0x17: {  	s14 =	simm.s32 @p2 $0x0;
	p2 =	sgt.s32 s16, $0xFFF  }
0x18: {  	s16 =	smov.u32 @p2 s2;
	p2 =	sne.s32 s11, s7  }
.Ltmp1:
0x19: {  	p1 =	slt.u32 s11, $0x2;
	(pc) =	sbr.rel @!p2 .LBB1_6-.Ltmp1, $4  }
0x1a: {  	s15 =	simm.s32 @!p1 $0x2  }
0x1b: {  	s13 =	smov.u32 s10;
	p0 =	por !p0, !p0;
	_ =	swait.ge @!p1 [sflag:s15], $0x2000  }
0x1c: {  	s12 =	smov.u32 s9;
	[sflag:s15] =	ssyncset.done @!p1 $0x0;
	s9 =	smov.u32 s14  }
0x1d: {  	s11 =	sadd.s32 $0x1, s11;
	[sflag:s15] =	ssyncadd.s32 @!p1 $0xFFFFE000;
	s10 =	smov.u32 s16  }
.LBB1_1:
0x1e: {  	p1 =	sge.u32 s11, s5  }
0x1f: {  	s14 =	sand.u32 @!p1 $0x1FFFFFF, s9  }
0x20: {  	s15 =	smulhi.u32 @!p1 $0x147AE15, s14;
	_ =	sdelay $0x1  }
0x21: {  	s15 =	smul.u32 @!p1 $0xC8, s15  }
0x22: {  	s16 =	sxor.u32 @!p1 $0xFFFFFFFF, s11;
	s17 =	smul.u32 @!p1 $0xC80, s10  }
0x23: {  	s31 =	sadd.s32 $0xFFFFFFFF, s11;
	s16 =	sshll.u32 @!p1 s16, $0xD;
	s14 =	ssub.s32 @!p1 s14, s15  }
0x24: {  	s15 =	sand.u32 @!p1 $0x2000, s16;
	s16 =	sadd.s32 @!p1 s6, s17;
	s14 =	sshll.u32 @!p1 s14, $0x4  }
0x25: {  	s17 =	simm.s32 @!p1 $0x6400;
	s14 =	sadd.s32 @!p1 s14, s16;
	s16 =	simm.s32 @!p1 $0x40  }
0x26: {  	[tilespmem:s15], [sflag:$0x1] =	stream.strided.gather @!p1 [hbm4b:s14+s16], $0x2000, s17, s16, $0x38;
	[tilespmem:$0x8080] =	vst v63  }
0x27: {  	p1 =	sge.u32 s31, s5  }
.Ltmp2:
0x28: {  	_ = 	snop;
	(pc) =	sbr.rel @p1 .LBB1_5-.Ltmp2, $1  }
0x29: {  	_ =	sdelay $0x3  }
0x2a: {  	s14 =	simm.s32 $0x1  }
0x2b: {  	_ =	swait.ge [sflag:s4], $0x2000;
	s14 =	simm.s32 @!p0 $0x0  }
0x2c: {  	[sflag:s4] =	ssyncset.done $0x0;
	s15 =	sshll.u32 s14, $0xD  }
0x2d: {  	[sflag:s4] =	ssyncadd.s32 $0xFFFFE000;
	s18 =	sor.u32 $0x20, s15  }
0x2e: {  	s14 =	smul.u32 $0x8100, s14;
	v3 =	vld [tilespmem:s18+$0x10]  }
0x2f: {  	s30 =	sand.u32 $0x1, s11;
	v2 =	vld [tilespmem:s18+$0xFFFFFFF0]  }
0x30: {  	s15 =	smul.u32 $0x8100, s30;
	s14 =	sshrl.u32 s14, $0x2;
	v0 =	vld [tilespmem:s18+$0x0]  }
0x31: {  	v1 =	vld [tilespmem:s18+$0xFFFFFFE0];
	s16 =	sor.u32 $0x4000, s14  }
0x32: {  	s31 =	sshrl.u32 s15, $0x2;
	s15 =	sadd.s32 $0x0, s16  }
0x33: {  	s17 =	simm.s32 $0x4;
	s18 =	sadd.s32 $0x40, s18;
	s14 =	sor.u32 $0x4000, s31;
	[tilespmem:s15+$0x1830 ss:$0x81] =	vst.msk $0xffff, v3  }
.LBB1_3:
0x34: {  	v3 =	vld [tilespmem:s18+$0x10];
	p1 =	sne.s32 s17, $0x1FC;
	[tilespmem:s15+$0x810 ss:$0x81] =	vst.msk $0xffff, v2;
	s19 =	smov.u32 s17;
	s17 =	sadd.s32 $0x4, s17  }
.Ltmp3:
0x35: {  	v2 =	vld [tilespmem:s18+$0xFFFFFFF0];
	[tilespmem:s15+$0x1020 ss:$0x81] =	vst.msk $0xffff, v0;
	(pc) =	sbr.rel @p1 .LBB1_3-.Ltmp3, $4  }
0x36: {  	v0 =	vld [tilespmem:s18+$0x0];
	[tilespmem:s15+$0x0 ss:$0x81] =	vst.msk $0xffff, v1  }
0x37: {  	s15 =	sshra.s32 s19, $0x2;
	v1 =	vld [tilespmem:s18+$0xFFFFFFE0]  }
0x38: {  	s15 =	sadd.s32 s15, s16  }
0x39: {  	s18 =	sadd.s32 $0x40, s18;
	[tilespmem:s15+$0x1830 ss:$0x81] =	vst.msk $0xffff, v3  }
.Ltmp4:
0x3a: {  	_ = 	snop;
	(pc) =	sbr.rel .LBB1_4-.Ltmp4, $1  }
0x3b: {  	_ =	sdelay $0x3  }
.LBB1_6:
0x3c: {  	_ =	sfence.sel $0x180000  }
0x3d: {  	s2 =	simm.s32 $0x1;
	[bflag:$0x0] =	sbarrier.arrive $0xFFFF  }
0x3e: {  	s31 =	simm.s32 $0x2;
	[sflag:s2] =	ssyncpa.u1 $0x1  }
0x3f: {  	[sflag:s31] =	ssyncpa.u1 $0x1  }
0x40: {  	p0 =	sne.s32 s0, $0x0;
	_ =	strace $0x9000004A  }
0x41: {  	s0 =	sadd.s32 @!p0 $0x100000, s1;
	[bflag:$0x2] =	sbarrier.arrive $0xFFFF  }
0x42: {  	[sflag:s0] =	ssyncadd.tile.s32 @!p0 $0x1;
	_ =	shalt  }
.Lfunc_end1:
_tile_overlayer_lowered:
.L_overlay_start_2:
0x43: {  	(tag) =	ssettag $0x2  }
0x44: {  	s0 =	rddreg [dreg:$0x0];
	s2 =	stileid.u32  }
0x45: {  	s1 =	rddreg [dreg:$0x1];
	p0 =	sne.s32 s2, $0x0  }
0x46: {  	s3 =	rddreg [dreg:$0x2];
	[bflag:$0x3] =	sbarrier.arrive $0xFFFF;
	s2 =	simm.s32 @!p0 $0x1C01  }
0x47: {  	[timem:s3], [sflag:s2] =	dma.local @!p0 [hbm:s0], s1  }
0x48: {  	s0 =	simm.s32 @!p0 $0x1  }
0x49: {  	_ =	swait.ge @!p0 [sflag:s0], s1  }
0x4a: {  	s1 =	ssub.s32 @!p0 $0x0, s1;
	[sflag:s0] =	ssyncset.done @!p0 $0x0  }
0x4b: {  	[sflag:s0] =	ssyncadd.s32 @!p0 s1  }
0x4c: {  	[bflag:$0x3] =	sbarrier.arrive $0xFFFF  }
0x4d: {  	_ =	shalt  }

</sc_bundles>
